<compile_context>
chip_gen: v7x
topology: tpu7x:2x2x1
jax: 0.10.2.dev20260603
libtpu: 0.0.44.dev20260713+nightly
codegen_flags: <defaults>
</compile_context>

<pallas_src>
import functools
import jax
import jax.numpy as jnp
from jax import lax
from jax.experimental import pallas as pl
from jax.experimental.pallas import tpu as pltpu
from jax.experimental.pallas import tpu_sc as plsc

_GDN = lax.GatherDimensionNumbers(
    offset_dims=(), collapsed_slice_dims=(0,), start_index_map=(0,))


def _vgather(vec, idx):
    return lax.gather(
        vec, idx[:, None], _GDN, (1,),
        mode=lax.GatherScatterMode.PROMISE_IN_BOUNDS)


def _sqrt16(x):
    m = jnp.maximum(x, 1e-12)
    i = lax.bitcast_convert_type(m, jnp.int32)
    i = jnp.int32(0x5F3759DF) - lax.shift_right_logical(i, 1)
    y = lax.bitcast_convert_type(i, jnp.float32)
    y = y * (1.5 - 0.5 * m * y * y)
    y = y * (1.5 - 0.5 * m * y * y)
    return x * y


def kernel(diffs, zetas, center_idx):
    B, E, C, F = diffs.shape
    S = zetas.shape[0]
    CF = C * F
    rows = B * E
    d2 = diffs.reshape(rows, CF)
    NC, NS = 2, 16
    NW = NC * NS
    bat_w = B // NW
    CB = 2
    n_chunks = bat_w // CB
    R = CB * E
    mesh = plsc.VectorSubcoreMesh(core_axis_name="c", subcore_axis_name="s")

    @functools.partial(
        pl.kernel, mesh=mesh,
        out_type=jax.ShapeDtypeStruct((B, E, S), jnp.float32),
        compiler_params=pltpu.CompilerParams(use_tc_tiling_on_sc=False),
        scratch_types=[
            pltpu.VMEM((2, R, CF), jnp.float32),
            pltpu.VMEM((2, CB, E, S), jnp.float32),
            pltpu.VMEM((S,), jnp.float32),
            pltpu.VMEM((S,), jnp.int32),
            pltpu.SemaphoreType.DMA,
            pltpu.SemaphoreType.DMA,
            pltpu.SemaphoreType.DMA,
            pltpu.SemaphoreType.DMA,
        ],
    )
    def k(d_hbm, z_hbm, ci_hbm, out_hbm, dbuf, obuf, zv, civ,
          s_in0, s_in1, s_out0, s_out1):
        wid = lax.axis_index("s") * NC + lax.axis_index("c")
        rbase = wid * (bat_w * E)
        bbase = wid * bat_w
        s_in = (s_in0, s_in1)
        s_out = (s_out0, s_out1)

        pltpu.sync_copy(z_hbm, zv)
        pltpu.sync_copy(ci_hbm, civ)

        zneg = [-jnp.abs(zv[pl.ds(16 * v, 16)]) for v in range(3)]
        cvec = [civ[pl.ds(16 * v, 16)] for v in range(3)]
        iota = lax.iota(jnp.int32, 16)
        quart = lax.shift_right_logical(iota, 2)
        lane = 4 * iota + 3 - 16 * quart
        qmask = [quart == q for q in range(1, 4)]

        def in_copy(gi, b):
            return pltpu.make_async_copy(
                d_hbm.at[pl.ds(rbase + gi * R, R)], dbuf.at[b], s_in[b])

        def out_copy(gi, b):
            return pltpu.make_async_copy(
                obuf.at[b], out_hbm.at[pl.ds(bbase + gi * CB, CB)], s_out[b])

        in_copy(0, 0).start()
        in_copy(1, 1).start()

        def chunk_pair(g, _):
            for b in range(2):
                gi = 2 * g + b
                in_copy(gi, b).wait()

                @pl.when(gi >= 2)
                def _():
                    out_copy(gi - 2, b).wait()

                for cb in range(CB):
                    def row_step(e, _):
                        r = cb * E + e
                        qs = [dbuf[b, r, pl.ds(16 * q, 16)] for q in range(4)]
                        r2 = _vgather(qs[0], lane)
                        for q in range(1, 4):
                            r2 = jnp.where(qmask[q - 1], _vgather(qs[q], lane), r2)
                        rt = _sqrt16(r2)
                        for v in range(3):
                            w = jnp.exp(zneg[v] * _vgather(rt, cvec[v]))
                            obuf[b, cb, e, pl.ds(16 * v, 16)] = w
                        return 0

                    lax.fori_loop(0, E, row_step, 0, unroll=8)

                out_copy(gi, b).start()

                @pl.when(gi + 2 < n_chunks)
                def _():
                    in_copy(gi + 2, b).start()
            return 0

        lax.fori_loop(0, n_chunks // 2, chunk_pair, 0)

        out_copy(n_chunks - 2, 0).wait()
        out_copy(n_chunks - 1, 1).wait()

    return k(d2, zetas, center_idx.astype(jnp.int32))

# --- scband reference (transcript-rebuilt; emitter-appended) ---
"""Pipeline reference for scband-exponential-envelopes-17746804868025 (READ-ONLY COPY).

The authoritative reference and input builder live on the scoring server;
editing this copy changes nothing except your own understanding.
"""

import jax, jax.numpy as jnp
import numpy as np

N_CENTERS = 16
ZETAS_PER_CENTER = [6.0, 3.0, 2.0]


def _make_shells():
    center_idx = []
    zetas = []
    for i in range(N_CENTERS):
        for z in ZETAS_PER_CENTER:
            center_idx.append(i)
            zetas.append(z)
    return jnp.array(center_idx, dtype=jnp.int64 if jax.config.jax_enable_x64 else jnp.int32), jnp.array(zetas, dtype=jnp.float32)


def setup_inputs(seed: int = 0) -> dict:
    key = jax.random.key(seed)
    k1, _ = jax.random.split(key)
    diffs = jax.random.uniform(k1, (4096, 128, 16, 4), dtype=jnp.float32)
    center_idx, zetas = _make_shells()
    return {"diffs": diffs, "zetas": zetas, "center_idx": center_idx}


def reference(diffs, zetas, center_idx):
    # diffs: [B, n_elec, n_centers, 4]; gather squared distances at shell centers
    r2 = diffs[..., center_idx, -1]  # [B, n_elec, n_shells]
    return jnp.exp(-jnp.abs(zetas) * jnp.sqrt(r2))

if __name__ == "__main__":
    import jax
    _d = setup_inputs()
    print(jax.jit(kernel)(*tuple(_d.values())))

</pallas_src>

<mosaic_0001>
#map = affine_map<(d0, d1) -> (0, 0)>
#map1 = affine_map<(d0, d1) -> (0)>
#map2 = affine_map<(d0, d1) -> (0, 0, 0)>
module attributes {stable_mosaic.version = 14 : i64} {
  func.func @k(%arg0: i32, %arg1: i32, %arg2: memref<524288x64xf32, #tpu.memory_space<hbm>>, %arg3: memref<48xf32, #tpu.memory_space<hbm>>, %arg4: memref<48xi32, #tpu.memory_space<hbm>>, %arg5: memref<4096x128x48xf32, #tpu.memory_space<hbm>>, %arg6: memref<2x256x64xf32, #tpu.memory_space<vmem>>, %arg7: memref<2x2x128x48xf32, #tpu.memory_space<vmem>>, %arg8: memref<48xf32, #tpu.memory_space<vmem>>, %arg9: memref<48xi32, #tpu.memory_space<vmem>>, %arg10: memref<!tpu.dma_semaphore, #tpu.memory_space<semaphore_mem>>, %arg11: memref<!tpu.dma_semaphore, #tpu.memory_space<semaphore_mem>>, %arg12: memref<!tpu.dma_semaphore, #tpu.memory_space<semaphore_mem>>, %arg13: memref<!tpu.dma_semaphore, #tpu.memory_space<semaphore_mem>>) attributes {dimension_semantics = [#tpu.dimension_semantics<core_parallel>, #tpu.dimension_semantics<subcore_parallel>], iteration_bounds = array<i64: 2, 16>, scalar_prefetch = 0 : i64, scratch_operands = 8 : i64, tpu.core_type = #tpu.core_type<sc_vector_subcore>, window_params = [{transform_indices = #map}, {transform_indices = #map1}, {transform_indices = #map1}, {transform_indices = #map2}]} {
    %mul3A = arith.constant 2 : i32
    %mul3A_0 = arith.muli %arg1, %mul3A : i32
    %add3A = arith.addi %mul3A_0, %arg0 : i32
    %mul3A_1 = arith.constant 16384 : i32
    %mul3A_2 = arith.muli %add3A, %mul3A_1 : i32
    %mul3A_3 = arith.constant 128 : i32
    %mul3A_4 = arith.muli %add3A, %mul3A_3 : i32
    "tpu.region"() ({
      %run_scoped3A = tpu.sem_alloc : memref<!tpu.dma_semaphore, #tpu.memory_space<semaphore_mem>>
      tpu.enqueue_dma source(%arg3 : memref<48xf32, #tpu.memory_space<hbm>>) target(%arg8 : memref<48xf32, #tpu.memory_space<vmem>>) target_semaphore(%run_scoped3A : memref<!tpu.dma_semaphore, #tpu.memory_space<semaphore_mem>>)
      tpu.wait_dma2 semaphore(%run_scoped3A : memref<!tpu.dma_semaphore, #tpu.memory_space<semaphore_mem>>) src(%arg3 : memref<48xf32, #tpu.memory_space<hbm>>) dst(%arg8 : memref<48xf32, #tpu.memory_space<vmem>>)
      tpu.yield
    }) : () -> ()
    "tpu.region"() ({
      %run_scoped3A = tpu.sem_alloc : memref<!tpu.dma_semaphore, #tpu.memory_space<semaphore_mem>>
      tpu.enqueue_dma source(%arg4 : memref<48xi32, #tpu.memory_space<hbm>>) target(%arg9 : memref<48xi32, #tpu.memory_space<vmem>>) target_semaphore(%run_scoped3A : memref<!tpu.dma_semaphore, #tpu.memory_space<semaphore_mem>>)
      tpu.wait_dma2 semaphore(%run_scoped3A : memref<!tpu.dma_semaphore, #tpu.memory_space<semaphore_mem>>) src(%arg4 : memref<48xi32, #tpu.memory_space<hbm>>) dst(%arg9 : memref<48xi32, #tpu.memory_space<vmem>>)
      tpu.yield
    }) : () -> ()
    %get3A = arith.constant 0 : index
    %get3A_5 = tpu.vector_load %arg8[%get3A] {strides = array<i32>} : memref<48xf32, #tpu.memory_space<vmem>>, vector<16xf32>,
    %get3A_6 = vector.shape_cast %get3A_5 : vector<16xf32> to vector<16xf32>
    %abs3A = math.absf %get3A_6 : vector<16xf32>
    %neg3A = arith.constant 0.000000e+00 : f32
    %neg3A_7 = vector.broadcast %neg3A : f32 to vector<16xf32>
    %neg3A_8 = arith.subf %neg3A_7, %abs3A : vector<16xf32>
    %get3A_9 = arith.constant 16 : index
    %get3A_10 = tpu.vector_load %arg8[%get3A_9] {strides = array<i32>} : memref<48xf32, #tpu.memory_space<vmem>>, vector<16xf32>,
    %get3A_11 = vector.shape_cast %get3A_10 : vector<16xf32> to vector<16xf32>
    %abs3A_12 = math.absf %get3A_11 : vector<16xf32>
    %neg3A_13 = arith.constant 0.000000e+00 : f32
    %neg3A_14 = vector.broadcast %neg3A_13 : f32 to vector<16xf32>
    %neg3A_15 = arith.subf %neg3A_14, %abs3A_12 : vector<16xf32>
    %get3A_16 = arith.constant 32 : index
    %get3A_17 = tpu.vector_load %arg8[%get3A_16] {strides = array<i32>} : memref<48xf32, #tpu.memory_space<vmem>>, vector<16xf32>,
    %get3A_18 = vector.shape_cast %get3A_17 : vector<16xf32> to vector<16xf32>
    %abs3A_19 = math.absf %get3A_18 : vector<16xf32>
    %neg3A_20 = arith.constant 0.000000e+00 : f32
    %neg3A_21 = vector.broadcast %neg3A_20 : f32 to vector<16xf32>
    %neg3A_22 = arith.subf %neg3A_21, %abs3A_19 : vector<16xf32>
    %get3A_23 = arith.constant 0 : index
    %get3A_24 = tpu.vector_load %arg9[%get3A_23] {strides = array<i32>} : memref<48xi32, #tpu.memory_space<vmem>>, vector<16xi32>,
    %get3A_25 = vector.shape_cast %get3A_24 : vector<16xi32> to vector<16xi32>
    %get3A_26 = arith.constant 16 : index
    %get3A_27 = tpu.vector_load %arg9[%get3A_26] {strides = array<i32>} : memref<48xi32, #tpu.memory_space<vmem>>, vector<16xi32>,
    %get3A_28 = vector.shape_cast %get3A_27 : vector<16xi32> to vector<16xi32>
    %get3A_29 = arith.constant 32 : index
    %get3A_30 = tpu.vector_load %arg9[%get3A_29] {strides = array<i32>} : memref<48xi32, #tpu.memory_space<vmem>>, vector<16xi32>,
    %get3A_31 = vector.shape_cast %get3A_30 : vector<16xi32> to vector<16xi32>
    %iota3A = tpu.iota {dimensions = array<i32: 0>} : vector<16xi32>
    %shift_right_logical3A = arith.constant 2 : i32
    %shift_right_logical3A_32 = vector.broadcast %shift_right_logical3A : i32 to vector<16xi32>
    %shift_right_logical3A_33 = arith.shrui %iota3A, %shift_right_logical3A_32 : vector<16xi32>
    %mul3A_34 = arith.constant 4 : i32
    %mul3A_35 = vector.broadcast %mul3A_34 : i32 to vector<16xi32>
    %mul3A_36 = arith.muli %mul3A_35, %iota3A : vector<16xi32>
    %add3A_37 = arith.constant 3 : i32
    %add3A_38 = vector.broadcast %add3A_37 : i32 to vector<16xi32>
    %add3A_39 = arith.addi %mul3A_36, %add3A_38 : vector<16xi32>
    %mul3A_40 = arith.constant 16 : i32
    %mul3A_41 = vector.broadcast %mul3A_40 : i32 to vector<16xi32>
    %mul3A_42 = arith.muli %mul3A_41, %shift_right_logical3A_33 : vector<16xi32>
    %sub3A = arith.subi %add3A_39, %mul3A_42 : vector<16xi32>
    %eq3A = arith.constant 1 : i32
    %eq3A_43 = vector.broadcast %eq3A : i32 to vector<16xi32>
    %eq3A_44 = arith.cmpi eq, %shift_right_logical3A_33, %eq3A_43 : vector<16xi32>
    %eq3A_45 = arith.constant 2 : i32
    %eq3A_46 = vector.broadcast %eq3A_45 : i32 to vector<16xi32>
    %eq3A_47 = arith.cmpi eq, %shift_right_logical3A_33, %eq3A_46 : vector<16xi32>
    %eq3A_48 = arith.constant 3 : i32
    %eq3A_49 = vector.broadcast %eq3A_48 : i32 to vector<16xi32>
    %eq3A_50 = arith.cmpi eq, %shift_right_logical3A_33, %eq3A_49 : vector<16xi32>
    %add3A_51 = arith.constant 0 : i32
    %add3A_52 = arith.addi %mul3A_2, %add3A_51 : i32
    %dma_start3A = arith.constant 0 : i32
    %dma_start3A_53 = arith.constant 0 : i32
    %dma_start3A_54 = arith.constant 0 : i32
    %dma_start3A_55 = tpu.memref_slice %arg6[%dma_start3A, %dma_start3A_53, %dma_start3A_54] : memref<2x256x64xf32, #tpu.memory_space<vmem>> -> memref<1x256x64xf32, #tpu.memory_space<vmem>>
    %dma_start3A_56 = tpu.memref_squeeze %dma_start3A_55 : memref<1x256x64xf32, #tpu.memory_space<vmem>> -> memref<256x64xf32, #tpu.memory_space<vmem>>
    %dma_start3A_57 = arith.constant 0 : i32
    %dma_start3A_58 = tpu.memref_slice %arg2[%add3A_52, %dma_start3A_57] : memref<524288x64xf32, #tpu.memory_space<hbm>> -> memref<256x64xf32, #tpu.memory_space<hbm>>
    %dma_start3A_59 = arith.constant 0 : i32
    %dma_start3A_60 = arith.constant 0 : i32
    %dma_start3A_61 = tpu.memref_slice %arg6[%dma_start3A, %dma_start3A_59, %dma_start3A_60] : memref<2x256x64xf32, #tpu.memory_space<vmem>> -> memref<1x256x64xf32, #tpu.memory_space<vmem>>
    %dma_start3A_62 = tpu.memref_squeeze %dma_start3A_61 : memref<1x256x64xf32, #tpu.memory_space<vmem>> -> memref<256x64xf32, #tpu.memory_space<vmem>>
    %dma_start3A_63 = arith.constant 0 : i32
    %dma_start3A_64 = tpu.memref_slice %arg2[%add3A_52, %dma_start3A_63] : memref<524288x64xf32, #tpu.memory_space<hbm>> -> memref<256x64xf32, #tpu.memory_space<hbm>>
    tpu.enqueue_dma source(%dma_start3A_64 : memref<256x64xf32, #tpu.memory_space<hbm>>) target(%dma_start3A_62 : memref<256x64xf32, #tpu.memory_space<vmem>>) target_semaphore(%arg10 : memref<!tpu.dma_semaphore, #tpu.memory_space<semaphore_mem>>)
    %add3A_65 = arith.constant 256 : i32
    %add3A_66 = arith.addi %mul3A_2, %add3A_65 : i32
    %dma_start3A_67 = arith.constant 1 : i32
    %dma_start3A_68 = arith.constant 0 : i32
    %dma_start3A_69 = arith.constant 0 : i32
    %dma_start3A_70 = tpu.memref_slice %arg6[%dma_start3A_67, %dma_start3A_68, %dma_start3A_69] : memref<2x256x64xf32, #tpu.memory_space<vmem>> -> memref<1x256x64xf32, #tpu.memory_space<vmem>>
    %dma_start3A_71 = tpu.memref_squeeze %dma_start3A_70 : memref<1x256x64xf32, #tpu.memory_space<vmem>> -> memref<256x64xf32, #tpu.memory_space<vmem>>
    %dma_start3A_72 = arith.constant 0 : i32
    %dma_start3A_73 = tpu.memref_slice %arg2[%add3A_66, %dma_start3A_72] : memref<524288x64xf32, #tpu.memory_space<hbm>> -> memref<256x64xf32, #tpu.memory_space<hbm>>
    %dma_start3A_74 = arith.constant 0 : i32
    %dma_start3A_75 = arith.constant 0 : i32
    %dma_start3A_76 = tpu.memref_slice %arg6[%dma_start3A_67, %dma_start3A_74, %dma_start3A_75] : memref<2x256x64xf32, #tpu.memory_space<vmem>> -> memref<1x256x64xf32, #tpu.memory_space<vmem>>
    %dma_start3A_77 = tpu.memref_squeeze %dma_start3A_76 : memref<1x256x64xf32, #tpu.memory_space<vmem>> -> memref<256x64xf32, #tpu.memory_space<vmem>>
    %dma_start3A_78 = arith.constant 0 : i32
    %dma_start3A_79 = tpu.memref_slice %arg2[%add3A_66, %dma_start3A_78] : memref<524288x64xf32, #tpu.memory_space<hbm>> -> memref<256x64xf32, #tpu.memory_space<hbm>>
    tpu.enqueue_dma source(%dma_start3A_79 : memref<256x64xf32, #tpu.memory_space<hbm>>) target(%dma_start3A_77 : memref<256x64xf32, #tpu.memory_space<vmem>>) target_semaphore(%arg11 : memref<!tpu.dma_semaphore, #tpu.memory_space<semaphore_mem>>)
    %scan3A = arith.constant 0 : i32
    %scan3A_80 = arith.constant 0 : i32
    %scan3A_81 = arith.constant 32 : i32
    %scan3A_82 = arith.addi %scan3A_80, %scan3A_81 : i32
    %scan3A_83 = arith.constant 1 : i32
    %scan3A_84 = scf.for %scan3A_123 = %scan3A_80 to %scan3A_82 step %scan3A_83 iter_args(%scan3A_124 = %scan3A) -> (i32)  : i32 {
      %mul3A_125 = arith.constant 2 : i32
      %mul3A_126 = arith.muli %mul3A_125, %scan3A_123 : i32
      %add3A_127 = arith.constant 0 : i32
      %add3A_128 = arith.addi %mul3A_126, %add3A_127 : i32
      %mul3A_129 = arith.constant 256 : i32
      %mul3A_130 = arith.muli %add3A_128, %mul3A_129 : i32
      %add3A_131 = arith.addi %mul3A_2, %mul3A_130 : i32
      %dma_wait3A_132 = arith.constant 0 : i32
      %dma_wait3A_133 = arith.constant 0 : i32
      %dma_wait3A_134 = arith.constant 0 : i32
      %dma_wait3A_135 = tpu.memref_slice %arg6[%dma_wait3A_132, %dma_wait3A_133, %dma_wait3A_134] : memref<2x256x64xf32, #tpu.memory_space<vmem>> -> memref<1x256x64xf32, #tpu.memory_space<vmem>>
      %dma_wait3A_136 = tpu.memref_squeeze %dma_wait3A_135 : memref<1x256x64xf32, #tpu.memory_space<vmem>> -> memref<256x64xf32, #tpu.memory_space<vmem>>
      %dma_wait3A_137 = arith.constant 0 : i32
      %dma_wait3A_138 = tpu.memref_slice %arg2[%add3A_131, %dma_wait3A_137] : memref<524288x64xf32, #tpu.memory_space<hbm>> -> memref<256x64xf32, #tpu.memory_space<hbm>>
      %dma_wait3A_139 = arith.constant 0 : i32
      %dma_wait3A_140 = arith.constant 0 : i32
      %dma_wait3A_141 = tpu.memref_slice %arg6[%dma_wait3A_132, %dma_wait3A_139, %dma_wait3A_140] : memref<2x256x64xf32, #tpu.memory_space<vmem>> -> memref<1x256x64xf32, #tpu.memory_space<vmem>>
      %dma_wait3A_142 = tpu.memref_squeeze %dma_wait3A_141 : memref<1x256x64xf32, #tpu.memory_space<vmem>> -> memref<256x64xf32, #tpu.memory_space<vmem>>
      %dma_wait3A_143 = arith.constant 0 : i32
      %dma_wait3A_144 = tpu.memref_slice %arg2[%add3A_131, %dma_wait3A_143] : memref<524288x64xf32, #tpu.memory_space<hbm>> -> memref<256x64xf32, #tpu.memory_space<hbm>>
      tpu.wait_dma2 semaphore(%arg10 : memref<!tpu.dma_semaphore, #tpu.memory_space<semaphore_mem>>) src(%dma_wait3A_144 : memref<256x64xf32, #tpu.memory_space<hbm>>) dst(%dma_wait3A_142 : memref<256x64xf32, #tpu.memory_space<vmem>>)
      %ge3A = arith.constant 2 : i32
      %ge3A_145 = arith.cmpi sge, %add3A_128, %ge3A : i32
      %convert_element_type3A = arith.extui %ge3A_145 : i1 to i32
      %cond3A = arith.constant 0 : i32
      %cond3A_146 = arith.cmpi ne, %convert_element_type3A, %cond3A : i32
      scf.if %cond3A_146 {
        %sub3A_254 = arith.constant 2 : i32
        %sub3A_255 = arith.subi %add3A_128, %sub3A_254 : i32
        %mul3A_256 = arith.constant 2 : i32
        %mul3A_257 = arith.muli %sub3A_255, %mul3A_256 : i32
        %add3A_258 = arith.addi %mul3A_4, %mul3A_257 : i32
        %dma_wait3A_259 = arith.constant 0 : i32
        %dma_wait3A_260 = arith.constant 0 : i32
        %dma_wait3A_261 = arith.constant 0 : i32
        %dma_wait3A_262 = arith.constant 0 : i32
        %dma_wait3A_263 = tpu.memref_slice %arg7[%dma_wait3A_259, %dma_wait3A_260, %dma_wait3A_261, %dma_wait3A_262] : memref<2x2x128x48xf32, #tpu.memory_space<vmem>> -> memref<1x2x128x48xf32, #tpu.memory_space<vmem>>
        %dma_wait3A_264 = tpu.memref_squeeze %dma_wait3A_263 : memref<1x2x128x48xf32, #tpu.memory_space<vmem>> -> memref<2x128x48xf32, #tpu.memory_space<vmem>>
        %dma_wait3A_265 = arith.constant 0 : i32
        %dma_wait3A_266 = arith.constant 0 : i32
        %dma_wait3A_267 = tpu.memref_slice %arg5[%add3A_258, %dma_wait3A_265, %dma_wait3A_266] : memref<4096x128x48xf32, #tpu.memory_space<hbm>> -> memref<2x128x48xf32, #tpu.memory_space<hbm>>
        %dma_wait3A_268 = arith.constant 0 : i32
        %dma_wait3A_269 = arith.constant 0 : i32
        %dma_wait3A_270 = tpu.memref_slice %arg5[%add3A_258, %dma_wait3A_268, %dma_wait3A_269] : memref<4096x128x48xf32, #tpu.memory_space<hbm>> -> memref<2x128x48xf32, #tpu.memory_space<hbm>>
        %dma_wait3A_271 = arith.constant 0 : i32
        %dma_wait3A_272 = arith.constant 0 : i32
        %dma_wait3A_273 = arith.constant 0 : i32
        %dma_wait3A_274 = tpu.memref_slice %arg7[%dma_wait3A_259, %dma_wait3A_271, %dma_wait3A_272, %dma_wait3A_273] : memref<2x2x128x48xf32, #tpu.memory_space<vmem>> -> memref<1x2x128x48xf32, #tpu.memory_space<vmem>>
        %dma_wait3A_275 = tpu.memref_squeeze %dma_wait3A_274 : memref<1x2x128x48xf32, #tpu.memory_space<vmem>> -> memref<2x128x48xf32, #tpu.memory_space<vmem>>
        tpu.wait_dma2 semaphore(%arg12 : memref<!tpu.dma_semaphore, #tpu.memory_space<semaphore_mem>>) src(%dma_wait3A_275 : memref<2x128x48xf32, #tpu.memory_space<vmem>>) dst(%dma_wait3A_270 : memref<2x128x48xf32, #tpu.memory_space<hbm>>)
      } else {
      }
      %scan3A_147 = arith.constant 0 : i32
      %scan3A_148 = arith.constant 0 : i32
      %scan3A_149 = arith.constant 128 : i32
      %scan3A_150 = arith.addi %scan3A_148, %scan3A_149 : i32
      %scan3A_151 = arith.constant 8 : i32
      %scan3A_152 = scf.for %scan3A_254 = %scan3A_148 to %scan3A_150 step %scan3A_151 iter_args(%scan3A_255 = %scan3A_147) -> (i32)  : i32 {
        %add3A_256 = arith.constant 0 : i32
        %add3A_257 = arith.addi %add3A_256, %scan3A_254 : i32
        %get3A_258 = arith.constant 0 : i32
        %get3A_259 = arith.index_cast %get3A_258 : i32 to index
        %get3A_260 = arith.index_cast %add3A_257 : i32 to index
        %get3A_261 = arith.constant 0 : index
        %get3A_262 = tpu.vector_load %arg6[%get3A_259, %get3A_260, %get3A_261] {strides = array<i32>} : memref<2x256x64xf32, #tpu.memory_space<vmem>>, vector<1x1x16xf32>,
        %get3A_263 = vector.shape_cast %get3A_262 : vector<1x1x16xf32> to vector<16xf32>
        %get3A_264 = arith.constant 0 : i32
        %get3A_265 = arith.index_cast %get3A_264 : i32 to index
        %get3A_266 = arith.index_cast %add3A_257 : i32 to index
        %get3A_267 = arith.constant 16 : index
        %get3A_268 = tpu.vector_load %arg6[%get3A_265, %get3A_266, %get3A_267] {strides = array<i32>} : memref<2x256x64xf32, #tpu.memory_space<vmem>>, vector<1x1x16xf32>,
        %get3A_269 = vector.shape_cast %get3A_268 : vector<1x1x16xf32> to vector<16xf32>
        %get3A_270 = arith.constant 0 : i32
        %get3A_271 = arith.index_cast %get3A_270 : i32 to index
        %get3A_272 = arith.index_cast %add3A_257 : i32 to index
        %get3A_273 = arith.constant 32 : index
        %get3A_274 = tpu.vector_load %arg6[%get3A_271, %get3A_272, %get3A_273] {strides = array<i32>} : memref<2x256x64xf32, #tpu.memory_space<vmem>>, vector<1x1x16xf32>,
        %get3A_275 = vector.shape_cast %get3A_274 : vector<1x1x16xf32> to vector<16xf32>
        %get3A_276 = arith.constant 0 : i32
        %get3A_277 = arith.index_cast %get3A_276 : i32 to index
        %get3A_278 = arith.index_cast %add3A_257 : i32 to index
        %get3A_279 = arith.constant 48 : index
        %get3A_280 = tpu.vector_load %arg6[%get3A_277, %get3A_278, %get3A_279] {strides = array<i32>} : memref<2x256x64xf32, #tpu.memory_space<vmem>>, vector<1x1x16xf32>,
        %get3A_281 = vector.shape_cast %get3A_280 : vector<1x1x16xf32> to vector<16xf32>
        %broadcast_in_dim3A = vector.shape_cast %sub3A : vector<16xi32> to vector<16x1xi32>
        %gather3A = vector.shape_cast %broadcast_in_dim3A : vector<16x1xi32> to vector<16xi32>
        %gather3A_282 = tpu.dynamic_gather %get3A_263[%gather3A] in [0] : vector<16xf32>, vector<16xi32> -> vector<16xf32>
        %broadcast_in_dim3A_283 = vector.shape_cast %sub3A : vector<16xi32> to vector<16x1xi32>
        %gather3A_284 = vector.shape_cast %broadcast_in_dim3A_283 : vector<16x1xi32> to vector<16xi32>
        %gather3A_285 = tpu.dynamic_gather %get3A_269[%gather3A_284] in [0] : vector<16xf32>, vector<16xi32> -> vector<16xf32>
        %select_n3A = arith.select %eq3A_44, %gather3A_285, %gather3A_282 : vector<16xi1>, vector<16xf32>
        %broadcast_in_dim3A_286 = vector.shape_cast %sub3A : vector<16xi32> to vector<16x1xi32>
        %gather3A_287 = vector.shape_cast %broadcast_in_dim3A_286 : vector<16x1xi32> to vector<16xi32>
        %gather3A_288 = tpu.dynamic_gather %get3A_275[%gather3A_287] in [0] : vector<16xf32>, vector<16xi32> -> vector<16xf32>
        %select_n3A_289 = arith.select %eq3A_47, %gather3A_288, %select_n3A : vector<16xi1>, vector<16xf32>
        %broadcast_in_dim3A_290 = vector.shape_cast %sub3A : vector<16xi32> to vector<16x1xi32>
        %gather3A_291 = vector.shape_cast %broadcast_in_dim3A_290 : vector<16x1xi32> to vector<16xi32>
        %gather3A_292 = tpu.dynamic_gather %get3A_281[%gather3A_291] in [0] : vector<16xf32>, vector<16xi32> -> vector<16xf32>
        %select_n3A_293 = arith.select %eq3A_50, %gather3A_292, %select_n3A_289 : vector<16xi1>, vector<16xf32>
        %max3A = arith.constant 9.99999996E-13 : f32
        %max3A_294 = vector.broadcast %max3A : f32 to vector<16xf32>
        %max3A_295 = arith.maximumf %select_n3A_293, %max3A_294 : vector<16xf32>
        %bitcast_convert_type3A = tpu.bitcast %max3A_295 : vector<16xf32> -> vector<16xi32>
        %shift_right_logical3A_296 = arith.constant 1 : i32
        %shift_right_logical3A_297 = vector.broadcast %shift_right_logical3A_296 : i32 to vector<16xi32>
        %shift_right_logical3A_298 = arith.shrui %bitcast_convert_type3A, %shift_right_logical3A_297 : vector<16xi32>
        %sub3A_299 = arith.constant 1597463007 : i32
        %sub3A_300 = vector.broadcast %sub3A_299 : i32 to vector<16xi32>
        %sub3A_301 = arith.subi %sub3A_300, %shift_right_logical3A_298 : vector<16xi32>
        %bitcast_convert_type3A_302 = tpu.bitcast %sub3A_301 : vector<16xi32> -> vector<16xf32>
        %mul3A_303 = arith.constant 5.000000e-01 : f32
        %mul3A_304 = vector.broadcast %mul3A_303 : f32 to vector<16xf32>
        %mul3A_305 = arith.mulf %mul3A_304, %max3A_295 : vector<16xf32>
        %mul3A_306 = arith.mulf %mul3A_305, %bitcast_convert_type3A_302 : vector<16xf32>
        %mul3A_307 = arith.mulf %mul3A_306, %bitcast_convert_type3A_302 : vector<16xf32>
        %sub3A_308 = arith.constant 1.500000e+00 : f32
        %sub3A_309 = vector.broadcast %sub3A_308 : f32 to vector<16xf32>
        %sub3A_310 = arith.subf %sub3A_309, %mul3A_307 : vector<16xf32>
        %mul3A_311 = arith.mulf %bitcast_convert_type3A_302, %sub3A_310 : vector<16xf32>
        %mul3A_312 = arith.constant 5.000000e-01 : f32
        %mul3A_313 = vector.broadcast %mul3A_312 : f32 to vector<16xf32>
        %mul3A_314 = arith.mulf %mul3A_313, %max3A_295 : vector<16xf32>
        %mul3A_315 = arith.mulf %mul3A_314, %mul3A_311 : vector<16xf32>
        %mul3A_316 = arith.mulf %mul3A_315, %mul3A_311 : vector<16xf32>
        %sub3A_317 = arith.constant 1.500000e+00 : f32
        %sub3A_318 = vector.broadcast %sub3A_317 : f32 to vector<16xf32>
        %sub3A_319 = arith.subf %sub3A_318, %mul3A_316 : vector<16xf32>
        %mul3A_320 = arith.mulf %mul3A_311, %sub3A_319 : vector<16xf32>
        %mul3A_321 = arith.mulf %select_n3A_293, %mul3A_320 : vector<16xf32>
        %broadcast_in_dim3A_322 = vector.shape_cast %get3A_25 : vector<16xi32> to vector<16x1xi32>
        %gather3A_323 = vector.shape_cast %broadcast_in_dim3A_322 : vector<16x1xi32> to vector<16xi32>
        %gather3A_324 = tpu.dynamic_gather %mul3A_321[%gather3A_323] in [0] : vector<16xf32>, vector<16xi32> -> vector<16xf32>
        %mul3A_325 = arith.mulf %neg3A_8, %gather3A_324 : vector<16xf32>
        %exp3A = math.exp %mul3A_325 : vector<16xf32>
        %swap3A = arith.constant 0 : i32
        %swap3A_326 = arith.constant 0 : i32
        %swap3A_327 = arith.index_cast %swap3A : i32 to index
        %swap3A_328 = arith.index_cast %swap3A_326 : i32 to index
        %swap3A_329 = arith.index_cast %scan3A_254 : i32 to index
        %swap3A_330 = arith.constant 0 : index
        %swap3A_331 = tpu.vector_load %arg7[%swap3A_327, %swap3A_328, %swap3A_329, %swap3A_330] {strides = array<i32>} : memref<2x2x128x48xf32, #tpu.memory_space<vmem>>, vector<1x1x1x16xf32>,
        %swap3A_332 = vector.shape_cast %swap3A_331 : vector<1x1x1x16xf32> to vector<16xf32>
        %swap3A_333 = vector.shape_cast %exp3A : vector<16xf32> to vector<1x1x1x16xf32>
        tpu.vector_store %arg7[%swap3A_327, %swap3A_328, %swap3A_329, %swap3A_330], %swap3A_333 {strides = array<i32>} : memref<2x2x128x48xf32, #tpu.memory_space<vmem>>, vector<1x1x1x16xf32>,
        %broadcast_in_dim3A_334 = vector.shape_cast %get3A_28 : vector<16xi32> to vector<16x1xi32>
        %gather3A_335 = vector.shape_cast %broadcast_in_dim3A_334 : vector<16x1xi32> to vector<16xi32>
        %gather3A_336 = tpu.dynamic_gather %mul3A_321[%gather3A_335] in [0] : vector<16xf32>, vector<16xi32> -> vector<16xf32>
        %mul3A_337 = arith.mulf %neg3A_15, %gather3A_336 : vector<16xf32>
        %exp3A_338 = math.exp %mul3A_337 : vector<16xf32>
        %swap3A_339 = arith.constant 0 : i32
        %swap3A_340 = arith.constant 0 : i32
        %swap3A_341 = arith.index_cast %swap3A_339 : i32 to index
        %swap3A_342 = arith.index_cast %swap3A_340 : i32 to index
        %swap3A_343 = arith.index_cast %scan3A_254 : i32 to index
        %swap3A_344 = arith.constant 16 : index
        %swap3A_345 = tpu.vector_load %arg7[%swap3A_341, %swap3A_342, %swap3A_343, %swap3A_344] {strides = array<i32>} : memref<2x2x128x48xf32, #tpu.memory_space<vmem>>, vector<1x1x1x16xf32>,
        %swap3A_346 = vector.shape_cast %swap3A_345 : vector<1x1x1x16xf32> to vector<16xf32>
        %swap3A_347 = vector.shape_cast %exp3A_338 : vector<16xf32> to vector<1x1x1x16xf32>
        tpu.vector_store %arg7[%swap3A_341, %swap3A_342, %swap3A_343, %swap3A_344], %swap3A_347 {strides = array<i32>} : memref<2x2x128x48xf32, #tpu.memory_space<vmem>>, vector<1x1x1x16xf32>,
        %broadcast_in_dim3A_348 = vector.shape_cast %get3A_31 : vector<16xi32> to vector<16x1xi32>
        %gather3A_349 = vector.shape_cast %broadcast_in_dim3A_348 : vector<16x1xi32> to vector<16xi32>
        %gather3A_350 = tpu.dynamic_gather %mul3A_321[%gather3A_349] in [0] : vector<16xf32>, vector<16xi32> -> vector<16xf32>
        %mul3A_351 = arith.mulf %neg3A_22, %gather3A_350 : vector<16xf32>
        %exp3A_352 = math.exp %mul3A_351 : vector<16xf32>
        %swap3A_353 = arith.constant 0 : i32
        %swap3A_354 = arith.constant 0 : i32
        %swap3A_355 = arith.index_cast %swap3A_353 : i32 to index
        %swap3A_356 = arith.index_cast %swap3A_354 : i32 to index
        %swap3A_357 = arith.index_cast %scan3A_254 : i32 to index
        %swap3A_358 = arith.constant 32 : index
        %swap3A_359 = tpu.vector_load %arg7[%swap3A_355, %swap3A_356, %swap3A_357, %swap3A_358] {strides = array<i32>} : memref<2x2x128x48xf32, #tpu.memory_space<vmem>>, vector<1x1x1x16xf32>,
        %swap3A_360 = vector.shape_cast %swap3A_359 : vector<1x1x1x16xf32> to vector<16xf32>
        %swap3A_361 = vector.shape_cast %exp3A_352 : vector<16xf32> to vector<1x1x1x16xf32>
        tpu.vector_store %arg7[%swap3A_355, %swap3A_356, %swap3A_357, %swap3A_358], %swap3A_361 {strides = array<i32>} : memref<2x2x128x48xf32, #tpu.memory_space<vmem>>, vector<1x1x1x16xf32>,
        %scan3A_362 = arith.constant 0 : i32
        %scan3A_363 = arith.constant 1 : i32
        %scan3A_364 = arith.addi %scan3A_254, %scan3A_363 : i32
        %add3A_365 = arith.constant 0 : i32
        %add3A_366 = arith.addi %add3A_365, %scan3A_364 : i32
        %get3A_367 = arith.constant 0 : i32
        %get3A_368 = arith.index_cast %get3A_367 : i32 to index
        %get3A_369 = arith.index_cast %add3A_366 : i32 to index
        %get3A_370 = arith.constant 0 : index
        %get3A_371 = tpu.vector_load %arg6[%get3A_368, %get3A_369, %get3A_370] {strides = array<i32>} : memref<2x256x64xf32, #tpu.memory_space<vmem>>, vector<1x1x16xf32>,
        %get3A_372 = vector.shape_cast %get3A_371 : vector<1x1x16xf32> to vector<16xf32>
        %get3A_373 = arith.constant 0 : i32
        %get3A_374 = arith.index_cast %get3A_373 : i32 to index
        %get3A_375 = arith.index_cast %add3A_366 : i32 to index
        %get3A_376 = arith.constant 16 : index
        %get3A_377 = tpu.vector_load %arg6[%get3A_374, %get3A_375, %get3A_376] {strides = array<i32>} : memref<2x256x64xf32, #tpu.memory_space<vmem>>, vector<1x1x16xf32>,
        %get3A_378 = vector.shape_cast %get3A_377 : vector<1x1x16xf32> to vector<16xf32>
        %get3A_379 = arith.constant 0 : i32
        %get3A_380 = arith.index_cast %get3A_379 : i32 to index
        %get3A_381 = arith.index_cast %add3A_366 : i32 to index
        %get3A_382 = arith.constant 32 : index
        %get3A_383 = tpu.vector_load %arg6[%get3A_380, %get3A_381, %get3A_382] {strides = array<i32>} : memref<2x256x64xf32, #tpu.memory_space<vmem>>, vector<1x1x16xf32>,
        %get3A_384 = vector.shape_cast %get3A_383 : vector<1x1x16xf32> to vector<16xf32>
        %get3A_385 = arith.constant 0 : i32
        %get3A_386 = arith.index_cast %get3A_385 : i32 to index
        %get3A_387 = arith.index_cast %add3A_366 : i32 to index
        %get3A_388 = arith.constant 48 : index
        %get3A_389 = tpu.vector_load %arg6[%get3A_386, %get3A_387, %get3A_388] {strides = array<i32>} : memref<2x256x64xf32, #tpu.memory_space<vmem>>, vector<1x1x16xf32>,
        %get3A_390 = vector.shape_cast %get3A_389 : vector<1x1x16xf32> to vector<16xf32>
        %broadcast_in_dim3A_391 = vector.shape_cast %sub3A : vector<16xi32> to vector<16x1xi32>
        %gather3A_392 = vector.shape_cast %broadcast_in_dim3A_391 : vector<16x1xi32> to vector<16xi32>
        %gather3A_393 = tpu.dynamic_gather %get3A_372[%gather3A_392] in [0] : vector<16xf32>, vector<16xi32> -> vector<16xf32>
        %broadcast_in_dim3A_394 = vector.shape_cast %sub3A : vector<16xi32> to vector<16x1xi32>
        %gather3A_395 = vector.shape_cast %broadcast_in_dim3A_394 : vector<16x1xi32> to vector<16xi32>
        %gather3A_396 = tpu.dynamic_gather %get3A_378[%gather3A_395] in [0] : vector<16xf32>, vector<16xi32> -> vector<16xf32>
        %select_n3A_397 = arith.select %eq3A_44, %gather3A_396, %gather3A_393 : vector<16xi1>, vector<16xf32>
        %broadcast_in_dim3A_398 = vector.shape_cast %sub3A : vector<16xi32> to vector<16x1xi32>
        %gather3A_399 = vector.shape_cast %broadcast_in_dim3A_398 : vector<16x1xi32> to vector<16xi32>
        %gather3A_400 = tpu.dynamic_gather %get3A_384[%gather3A_399] in [0] : vector<16xf32>, vector<16xi32> -> vector<16xf32>
        %select_n3A_401 = arith.select %eq3A_47, %gather3A_400, %select_n3A_397 : vector<16xi1>, vector<16xf32>
        %broadcast_in_dim3A_402 = vector.shape_cast %sub3A : vector<16xi32> to vector<16x1xi32>
        %gather3A_403 = vector.shape_cast %broadcast_in_dim3A_402 : vector<16x1xi32> to vector<16xi32>
        %gather3A_404 = tpu.dynamic_gather %get3A_390[%gather3A_403] in [0] : vector<16xf32>, vector<16xi32> -> vector<16xf32>
        %select_n3A_405 = arith.select %eq3A_50, %gather3A_404, %select_n3A_401 : vector<16xi1>, vector<16xf32>
        %max3A_406 = arith.constant 9.99999996E-13 : f32
        %max3A_407 = vector.broadcast %max3A_406 : f32 to vector<16xf32>
        %max3A_408 = arith.maximumf %select_n3A_405, %max3A_407 : vector<16xf32>
        %bitcast_convert_type3A_409 = tpu.bitcast %max3A_408 : vector<16xf32> -> vector<16xi32>
        %shift_right_logical3A_410 = arith.constant 1 : i32
        %shift_right_logical3A_411 = vector.broadcast %shift_right_logical3A_410 : i32 to vector<16xi32>
        %shift_right_logical3A_412 = arith.shrui %bitcast_convert_type3A_409, %shift_right_logical3A_411 : vector<16xi32>
        %sub3A_413 = arith.constant 1597463007 : i32
        %sub3A_414 = vector.broadcast %sub3A_413 : i32 to vector<16xi32>
        %sub3A_415 = arith.subi %sub3A_414, %shift_right_logical3A_412 : vector<16xi32>
        %bitcast_convert_type3A_416 = tpu.bitcast %sub3A_415 : vector<16xi32> -> vector<16xf32>
        %mul3A_417 = arith.constant 5.000000e-01 : f32
        %mul3A_418 = vector.broadcast %mul3A_417 : f32 to vector<16xf32>
        %mul3A_419 = arith.mulf %mul3A_418, %max3A_408 : vector<16xf32>
        %mul3A_420 = arith.mulf %mul3A_419, %bitcast_convert_type3A_416 : vector<16xf32>
        %mul3A_421 = arith.mulf %mul3A_420, %bitcast_convert_type3A_416 : vector<16xf32>
        %sub3A_422 = arith.constant 1.500000e+00 : f32
        %sub3A_423 = vector.broadcast %sub3A_422 : f32 to vector<16xf32>
        %sub3A_424 = arith.subf %sub3A_423, %mul3A_421 : vector<16xf32>
        %mul3A_425 = arith.mulf %bitcast_convert_type3A_416, %sub3A_424 : vector<16xf32>
        %mul3A_426 = arith.constant 5.000000e-01 : f32
        %mul3A_427 = vector.broadcast %mul3A_426 : f32 to vector<16xf32>
        %mul3A_428 = arith.mulf %mul3A_427, %max3A_408 : vector<16xf32>
        %mul3A_429 = arith.mulf %mul3A_428, %mul3A_425 : vector<16xf32>
        %mul3A_430 = arith.mulf %mul3A_429, %mul3A_425 : vector<16xf32>
        %sub3A_431 = arith.constant 1.500000e+00 : f32
        %sub3A_432 = vector.broadcast %sub3A_431 : f32 to vector<16xf32>
        %sub3A_433 = arith.subf %sub3A_432, %mul3A_430 : vector<16xf32>
        %mul3A_434 = arith.mulf %mul3A_425, %sub3A_433 : vector<16xf32>
        %mul3A_435 = arith.mulf %select_n3A_405, %mul3A_434 : vector<16xf32>
        %broadcast_in_dim3A_436 = vector.shape_cast %get3A_25 : vector<16xi32> to vector<16x1xi32>
        %gather3A_437 = vector.shape_cast %broadcast_in_dim3A_436 : vector<16x1xi32> to vector<16xi32>
        %gather3A_438 = tpu.dynamic_gather %mul3A_435[%gather3A_437] in [0] : vector<16xf32>, vector<16xi32> -> vector<16xf32>
        %mul3A_439 = arith.mulf %neg3A_8, %gather3A_438 : vector<16xf32>
        %exp3A_440 = math.exp %mul3A_439 : vector<16xf32>
        %swap3A_441 = arith.constant 0 : i32
        %swap3A_442 = arith.constant 0 : i32
        %swap3A_443 = arith.index_cast %swap3A_441 : i32 to index
        %swap3A_444 = arith.index_cast %swap3A_442 : i32 to index
        %swap3A_445 = arith.index_cast %scan3A_364 : i32 to index
        %swap3A_446 = arith.constant 0 : index
        %swap3A_447 = tpu.vector_load %arg7[%swap3A_443, %swap3A_444, %swap3A_445, %swap3A_446] {strides = array<i32>} : memref<2x2x128x48xf32, #tpu.memory_space<vmem>>, vector<1x1x1x16xf32>,
        %swap3A_448 = vector.shape_cast %swap3A_447 : vector<1x1x1x16xf32> to vector<16xf32>
        %swap3A_449 = vector.shape_cast %exp3A_440 : vector<16xf32> to vector<1x1x1x16xf32>
        tpu.vector_store %arg7[%swap3A_443, %swap3A_444, %swap3A_445, %swap3A_446], %swap3A_449 {strides = array<i32>} : memref<2x2x128x48xf32, #tpu.memory_space<vmem>>, vector<1x1x1x16xf32>,
        %broadcast_in_dim3A_450 = vector.shape_cast %get3A_28 : vector<16xi32> to vector<16x1xi32>
        %gather3A_451 = vector.shape_cast %broadcast_in_dim3A_450 : vector<16x1xi32> to vector<16xi32>
        %gather3A_452 = tpu.dynamic_gather %mul3A_435[%gather3A_451] in [0] : vector<16xf32>, vector<16xi32> -> vector<16xf32>
        %mul3A_453 = arith.mulf %neg3A_15, %gather3A_452 : vector<16xf32>
        %exp3A_454 = math.exp %mul3A_453 : vector<16xf32>
        %swap3A_455 = arith.constant 0 : i32
        %swap3A_456 = arith.constant 0 : i32
        %swap3A_457 = arith.index_cast %swap3A_455 : i32 to index
        %swap3A_458 = arith.index_cast %swap3A_456 : i32 to index
        %swap3A_459 = arith.index_cast %scan3A_364 : i32 to index
        %swap3A_460 = arith.constant 16 : index
        %swap3A_461 = tpu.vector_load %arg7[%swap3A_457, %swap3A_458, %swap3A_459, %swap3A_460] {strides = array<i32>} : memref<2x2x128x48xf32, #tpu.memory_space<vmem>>, vector<1x1x1x16xf32>,
        %swap3A_462 = vector.shape_cast %swap3A_461 : vector<1x1x1x16xf32> to vector<16xf32>
        %swap3A_463 = vector.shape_cast %exp3A_454 : vector<16xf32> to vector<1x1x1x16xf32>
        tpu.vector_store %arg7[%swap3A_457, %swap3A_458, %swap3A_459, %swap3A_460], %swap3A_463 {strides = array<i32>} : memref<2x2x128x48xf32, #tpu.memory_space<vmem>>, vector<1x1x1x16xf32>,
        %broadcast_in_dim3A_464 = vector.shape_cast %get3A_31 : vector<16xi32> to vector<16x1xi32>
        %gather3A_465 = vector.shape_cast %broadcast_in_dim3A_464 : vector<16x1xi32> to vector<16xi32>
        %gather3A_466 = tpu.dynamic_gather %mul3A_435[%gather3A_465] in [0] : vector<16xf32>, vector<16xi32> -> vector<16xf32>
        %mul3A_467 = arith.mulf %neg3A_22, %gather3A_466 : vector<16xf32>
        %exp3A_468 = math.exp %mul3A_467 : vector<16xf32>
        %swap3A_469 = arith.constant 0 : i32
        %swap3A_470 = arith.constant 0 : i32
        %swap3A_471 = arith.index_cast %swap3A_469 : i32 to index
        %swap3A_472 = arith.index_cast %swap3A_470 : i32 to index
        %swap3A_473 = arith.index_cast %scan3A_364 : i32 to index
        %swap3A_474 = arith.constant 32 : index
        %swap3A_475 = tpu.vector_load %arg7[%swap3A_471, %swap3A_472, %swap3A_473, %swap3A_474] {strides = array<i32>} : memref<2x2x128x48xf32, #tpu.memory_space<vmem>>, vector<1x1x1x16xf32>,
        %swap3A_476 = vector.shape_cast %swap3A_475 : vector<1x1x1x16xf32> to vector<16xf32>
        %swap3A_477 = vector.shape_cast %exp3A_468 : vector<16xf32> to vector<1x1x1x16xf32>
        tpu.vector_store %arg7[%swap3A_471, %swap3A_472, %swap3A_473, %swap3A_474], %swap3A_477 {strides = array<i32>} : memref<2x2x128x48xf32, #tpu.memory_space<vmem>>, vector<1x1x1x16xf32>,
        %scan3A_478 = arith.constant 0 : i32
        %scan3A_479 = arith.constant 2 : i32
        %scan3A_480 = arith.addi %scan3A_254, %scan3A_479 : i32
        %add3A_481 = arith.constant 0 : i32
        %add3A_482 = arith.addi %add3A_481, %scan3A_480 : i32
        %get3A_483 = arith.constant 0 : i32
        %get3A_484 = arith.index_cast %get3A_483 : i32 to index
        %get3A_485 = arith.index_cast %add3A_482 : i32 to index
        %get3A_486 = arith.constant 0 : index
        %get3A_487 = tpu.vector_load %arg6[%get3A_484, %get3A_485, %get3A_486] {strides = array<i32>} : memref<2x256x64xf32, #tpu.memory_space<vmem>>, vector<1x1x16xf32>,
        %get3A_488 = vector.shape_cast %get3A_487 : vector<1x1x16xf32> to vector<16xf32>
        %get3A_489 = arith.constant 0 : i32
        %get3A_490 = arith.index_cast %get3A_489 : i32 to index
        %get3A_491 = arith.index_cast %add3A_482 : i32 to index
        %get3A_492 = arith.constant 16 : index
        %get3A_493 = tpu.vector_load %arg6[%get3A_490, %get3A_491, %get3A_492] {strides = array<i32>} : memref<2x256x64xf32, #tpu.memory_space<vmem>>, vector<1x1x16xf32>,
        %get3A_494 = vector.shape_cast %get3A_493 : vector<1x1x16xf32> to vector<16xf32>
        %get3A_495 = arith.constant 0 : i32
        %get3A_496 = arith.index_cast %get3A_495 : i32 to index
        %get3A_497 = arith.index_cast %add3A_482 : i32 to index
        %get3A_498 = arith.constant 32 : index
        %get3A_499 = tpu.vector_load %arg6[%get3A_496, %get3A_497, %get3A_498] {strides = array<i32>} : memref<2x256x64xf32, #tpu.memory_space<vmem>>, vector<1x1x16xf32>,
        %get3A_500 = vector.shape_cast %get3A_499 : vector<1x1x16xf32> to vector<16xf32>
        %get3A_501 = arith.constant 0 : i32
        %get3A_502 = arith.index_cast %get3A_501 : i32 to index
        %get3A_503 = arith.index_cast %add3A_482 : i32 to index
        %get3A_504 = arith.constant 48 : index
        %get3A_505 = tpu.vector_load %arg6[%get3A_502, %get3A_503, %get3A_504] {strides = array<i32>} : memref<2x256x64xf32, #tpu.memory_space<vmem>>, vector<1x1x16xf32>,
        %get3A_506 = vector.shape_cast %get3A_505 : vector<1x1x16xf32> to vector<16xf32>
        %broadcast_in_dim3A_507 = vector.shape_cast %sub3A : vector<16xi32> to vector<16x1xi32>
        %gather3A_508 = vector.shape_cast %broadcast_in_dim3A_507 : vector<16x1xi32> to vector<16xi32>
        %gather3A_509 = tpu.dynamic_gather %get3A_488[%gather3A_508] in [0] : vector<16xf32>, vector<16xi32> -> vector<16xf32>
        %broadcast_in_dim3A_510 = vector.shape_cast %sub3A : vector<16xi32> to vector<16x1xi32>
        %gather3A_511 = vector.shape_cast %broadcast_in_dim3A_510 : vector<16x1xi32> to vector<16xi32>
        %gather3A_512 = tpu.dynamic_gather %get3A_494[%gather3A_511] in [0] : vector<16xf32>, vector<16xi32> -> vector<16xf32>
        %select_n3A_513 = arith.select %eq3A_44, %gather3A_512, %gather3A_509 : vector<16xi1>, vector<16xf32>
        %broadcast_in_dim3A_514 = vector.shape_cast %sub3A : vector<16xi32> to vector<16x1xi32>
        %gather3A_515 = vector.shape_cast %broadcast_in_dim3A_514 : vector<16x1xi32> to vector<16xi32>
        %gather3A_516 = tpu.dynamic_gather %get3A_500[%gather3A_515] in [0] : vector<16xf32>, vector<16xi32> -> vector<16xf32>
        %select_n3A_517 = arith.select %eq3A_47, %gather3A_516, %select_n3A_513 : vector<16xi1>, vector<16xf32>
        %broadcast_in_dim3A_518 = vector.shape_cast %sub3A : vector<16xi32> to vector<16x1xi32>
        %gather3A_519 = vector.shape_cast %broadcast_in_dim3A_518 : vector<16x1xi32> to vector<16xi32>
        %gather3A_520 = tpu.dynamic_gather %get3A_506[%gather3A_519] in [0] : vector<16xf32>, vector<16xi32> -> vector<16xf32>
        %select_n3A_521 = arith.select %eq3A_50, %gather3A_520, %select_n3A_517 : vector<16xi1>, vector<16xf32>
        %max3A_522 = arith.constant 9.99999996E-13 : f32
        %max3A_523 = vector.broadcast %max3A_522 : f32 to vector<16xf32>
        %max3A_524 = arith.maximumf %select_n3A_521, %max3A_523 : vector<16xf32>
        %bitcast_convert_type3A_525 = tpu.bitcast %max3A_524 : vector<16xf32> -> vector<16xi32>
        %shift_right_logical3A_526 = arith.constant 1 : i32
        %shift_right_logical3A_527 = vector.broadcast %shift_right_logical3A_526 : i32 to vector<16xi32>
        %shift_right_logical3A_528 = arith.shrui %bitcast_convert_type3A_525, %shift_right_logical3A_527 : vector<16xi32>
        %sub3A_529 = arith.constant 1597463007 : i32
        %sub3A_530 = vector.broadcast %sub3A_529 : i32 to vector<16xi32>
        %sub3A_531 = arith.subi %sub3A_530, %shift_right_logical3A_528 : vector<16xi32>
        %bitcast_convert_type3A_532 = tpu.bitcast %sub3A_531 : vector<16xi32> -> vector<16xf32>
        %mul3A_533 = arith.constant 5.000000e-01 : f32
        %mul3A_534 = vector.broadcast %mul3A_533 : f32 to vector<16xf32>
        %mul3A_535 = arith.mulf %mul3A_534, %max3A_524 : vector<16xf32>
        %mul3A_536 = arith.mulf %mul3A_535, %bitcast_convert_type3A_532 : vector<16xf32>
        %mul3A_537 = arith.mulf %mul3A_536, %bitcast_convert_type3A_532 : vector<16xf32>
        %sub3A_538 = arith.constant 1.500000e+00 : f32
        %sub3A_539 = vector.broadcast %sub3A_538 : f32 to vector<16xf32>
        %sub3A_540 = arith.subf %sub3A_539, %mul3A_537 : vector<16xf32>
        %mul3A_541 = arith.mulf %bitcast_convert_type3A_532, %sub3A_540 : vector<16xf32>
        %mul3A_542 = arith.constant 5.000000e-01 : f32
        %mul3A_543 = vector.broadcast %mul3A_542 : f32 to vector<16xf32>
        %mul3A_544 = arith.mulf %mul3A_543, %max3A_524 : vector<16xf32>
        %mul3A_545 = arith.mulf %mul3A_544, %mul3A_541 : vector<16xf32>
        %mul3A_546 = arith.mulf %mul3A_545, %mul3A_541 : vector<16xf32>
        %sub3A_547 = arith.constant 1.500000e+00 : f32
        %sub3A_548 = vector.broadcast %sub3A_547 : f32 to vector<16xf32>
        %sub3A_549 = arith.subf %sub3A_548, %mul3A_546 : vector<16xf32>
        %mul3A_550 = arith.mulf %mul3A_541, %sub3A_549 : vector<16xf32>
        %mul3A_551 = arith.mulf %select_n3A_521, %mul3A_550 : vector<16xf32>
        %broadcast_in_dim3A_552 = vector.shape_cast %get3A_25 : vector<16xi32> to vector<16x1xi32>
        %gather3A_553 = vector.shape_cast %broadcast_in_dim3A_552 : vector<16x1xi32> to vector<16xi32>
        %gather3A_554 = tpu.dynamic_gather %mul3A_551[%gather3A_553] in [0] : vector<16xf32>, vector<16xi32> -> vector<16xf32>
        %mul3A_555 = arith.mulf %neg3A_8, %gather3A_554 : vector<16xf32>
        %exp3A_556 = math.exp %mul3A_555 : vector<16xf32>
        %swap3A_557 = arith.constant 0 : i32
        %swap3A_558 = arith.constant 0 : i32
        %swap3A_559 = arith.index_cast %swap3A_557 : i32 to index
        %swap3A_560 = arith.index_cast %swap3A_558 : i32 to index
        %swap3A_561 = arith.index_cast %scan3A_480 : i32 to index
        %swap3A_562 = arith.constant 0 : index
        %swap3A_563 = tpu.vector_load %arg7[%swap3A_559, %swap3A_560, %swap3A_561, %swap3A_562] {strides = array<i32>} : memref<2x2x128x48xf32, #tpu.memory_space<vmem>>, vector<1x1x1x16xf32>,
        %swap3A_564 = vector.shape_cast %swap3A_563 : vector<1x1x1x16xf32> to vector<16xf32>
        %swap3A_565 = vector.shape_cast %exp3A_556 : vector<16xf32> to vector<1x1x1x16xf32>
        tpu.vector_store %arg7[%swap3A_559, %swap3A_560, %swap3A_561, %swap3A_562], %swap3A_565 {strides = array<i32>} : memref<2x2x128x48xf32, #tpu.memory_space<vmem>>, vector<1x1x1x16xf32>,
        %broadcast_in_dim3A_566 = vector.shape_cast %get3A_28 : vector<16xi32> to vector<16x1xi32>
        %gather3A_567 = vector.shape_cast %broadcast_in_dim3A_566 : vector<16x1xi32> to vector<16xi32>
        %gather3A_568 = tpu.dynamic_gather %mul3A_551[%gather3A_567] in [0] : vector<16xf32>, vector<16xi32> -> vector<16xf32>
        %mul3A_569 = arith.mulf %neg3A_15, %gather3A_568 : vector<16xf32>
        %exp3A_570 = math.exp %mul3A_569 : vector<16xf32>
        %swap3A_571 = arith.constant 0 : i32
        %swap3A_572 = arith.constant 0 : i32
        %swap3A_573 = arith.index_cast %swap3A_571 : i32 to index
        %swap3A_574 = arith.index_cast %swap3A_572 : i32 to index
        %swap3A_575 = arith.index_cast %scan3A_480 : i32 to index
        %swap3A_576 = arith.constant 16 : index
        %swap3A_577 = tpu.vector_load %arg7[%swap3A_573, %swap3A_574, %swap3A_575, %swap3A_576] {strides = array<i32>} : memref<2x2x128x48xf32, #tpu.memory_space<vmem>>, vector<1x1x1x16xf32>,
        %swap3A_578 = vector.shape_cast %swap3A_577 : vector<1x1x1x16xf32> to vector<16xf32>
        %swap3A_579 = vector.shape_cast %exp3A_570 : vector<16xf32> to vector<1x1x1x16xf32>
        tpu.vector_store %arg7[%swap3A_573, %swap3A_574, %swap3A_575, %swap3A_576], %swap3A_579 {strides = array<i32>} : memref<2x2x128x48xf32, #tpu.memory_space<vmem>>, vector<1x1x1x16xf32>,
        %broadcast_in_dim3A_580 = vector.shape_cast %get3A_31 : vector<16xi32> to vector<16x1xi32>
        %gather3A_581 = vector.shape_cast %broadcast_in_dim3A_580 : vector<16x1xi32> to vector<16xi32>
        %gather3A_582 = tpu.dynamic_gather %mul3A_551[%gather3A_581] in [0] : vector<16xf32>, vector<16xi32> -> vector<16xf32>
        %mul3A_583 = arith.mulf %neg3A_22, %gather3A_582 : vector<16xf32>
        %exp3A_584 = math.exp %mul3A_583 : vector<16xf32>
        %swap3A_585 = arith.constant 0 : i32
        %swap3A_586 = arith.constant 0 : i32
        %swap3A_587 = arith.index_cast %swap3A_585 : i32 to index
        %swap3A_588 = arith.index_cast %swap3A_586 : i32 to index
        %swap3A_589 = arith.index_cast %scan3A_480 : i32 to index
        %swap3A_590 = arith.constant 32 : index
        %swap3A_591 = tpu.vector_load %arg7[%swap3A_587, %swap3A_588, %swap3A_589, %swap3A_590] {strides = array<i32>} : memref<2x2x128x48xf32, #tpu.memory_space<vmem>>, vector<1x1x1x16xf32>,
        %swap3A_592 = vector.shape_cast %swap3A_591 : vector<1x1x1x16xf32> to vector<16xf32>
        %swap3A_593 = vector.shape_cast %exp3A_584 : vector<16xf32> to vector<1x1x1x16xf32>
        tpu.vector_store %arg7[%swap3A_587, %swap3A_588, %swap3A_589, %swap3A_590], %swap3A_593 {strides = array<i32>} : memref<2x2x128x48xf32, #tpu.memory_space<vmem>>, vector<1x1x1x16xf32>,
        %scan3A_594 = arith.constant 0 : i32
        %scan3A_595 = arith.constant 3 : i32
        %scan3A_596 = arith.addi %scan3A_254, %scan3A_595 : i32
        %add3A_597 = arith.constant 0 : i32
        %add3A_598 = arith.addi %add3A_597, %scan3A_596 : i32
        %get3A_599 = arith.constant 0 : i32
        %get3A_600 = arith.index_cast %get3A_599 : i32 to index
        %get3A_601 = arith.index_cast %add3A_598 : i32 to index
        %get3A_602 = arith.constant 0 : index
        %get3A_603 = tpu.vector_load %arg6[%get3A_600, %get3A_601, %get3A_602] {strides = array<i32>} : memref<2x256x64xf32, #tpu.memory_space<vmem>>, vector<1x1x16xf32>,
        %get3A_604 = vector.shape_cast %get3A_603 : vector<1x1x16xf32> to vector<16xf32>
        %get3A_605 = arith.constant 0 : i32
        %get3A_606 = arith.index_cast %get3A_605 : i32 to index
        %get3A_607 = arith.index_cast %add3A_598 : i32 to index
        %get3A_608 = arith.constant 16 : index
        %get3A_609 = tpu.vector_load %arg6[%get3A_606, %get3A_607, %get3A_608] {strides = array<i32>} : memref<2x256x64xf32, #tpu.memory_space<vmem>>, vector<1x1x16xf32>,
        %get3A_610 = vector.shape_cast %get3A_609 : vector<1x1x16xf32> to vector<16xf32>
        %get3A_611 = arith.constant 0 : i32
        %get3A_612 = arith.index_cast %get3A_611 : i32 to index
        %get3A_613 = arith.index_cast %add3A_598 : i32 to index
        %get3A_614 = arith.constant 32 : index
        %get3A_615 = tpu.vector_load %arg6[%get3A_612, %get3A_613, %get3A_614] {strides = array<i32>} : memref<2x256x64xf32, #tpu.memory_space<vmem>>, vector<1x1x16xf32>,
        %get3A_616 = vector.shape_cast %get3A_615 : vector<1x1x16xf32> to vector<16xf32>
        %get3A_617 = arith.constant 0 : i32
        %get3A_618 = arith.index_cast %get3A_617 : i32 to index
        %get3A_619 = arith.index_cast %add3A_598 : i32 to index
        %get3A_620 = arith.constant 48 : index
        %get3A_621 = tpu.vector_load %arg6[%get3A_618, %get3A_619, %get3A_620] {strides = array<i32>} : memref<2x256x64xf32, #tpu.memory_space<vmem>>, vector<1x1x16xf32>,
        %get3A_622 = vector.shape_cast %get3A_621 : vector<1x1x16xf32> to vector<16xf32>
        %broadcast_in_dim3A_623 = vector.shape_cast %sub3A : vector<16xi32> to vector<16x1xi32>
        %gather3A_624 = vector.shape_cast %broadcast_in_dim3A_623 : vector<16x1xi32> to vector<16xi32>
        %gather3A_625 = tpu.dynamic_gather %get3A_604[%gather3A_624] in [0] : vector<16xf32>, vector<16xi32> -> vector<16xf32>
        %broadcast_in_dim3A_626 = vector.shape_cast %sub3A : vector<16xi32> to vector<16x1xi32>
        %gather3A_627 = vector.shape_cast %broadcast_in_dim3A_626 : vector<16x1xi32> to vector<16xi32>
        %gather3A_628 = tpu.dynamic_gather %get3A_610[%gather3A_627] in [0] : vector<16xf32>, vector<16xi32> -> vector<16xf32>
        %select_n3A_629 = arith.select %eq3A_44, %gather3A_628, %gather3A_625 : vector<16xi1>, vector<16xf32>
        %broadcast_in_dim3A_630 = vector.shape_cast %sub3A : vector<16xi32> to vector<16x1xi32>
        %gather3A_631 = vector.shape_cast %broadcast_in_dim3A_630 : vector<16x1xi32> to vector<16xi32>
        %gather3A_632 = tpu.dynamic_gather %get3A_616[%gather3A_631] in [0] : vector<16xf32>, vector<16xi32> -> vector<16xf32>
        %select_n3A_633 = arith.select %eq3A_47, %gather3A_632, %select_n3A_629 : vector<16xi1>, vector<16xf32>
        %broadcast_in_dim3A_634 = vector.shape_cast %sub3A : vector<16xi32> to vector<16x1xi32>
        %gather3A_635 = vector.shape_cast %broadcast_in_dim3A_634 : vector<16x1xi32> to vector<16xi32>
        %gather3A_636 = tpu.dynamic_gather %get3A_622[%gather3A_635] in [0] : vector<16xf32>, vector<16xi32> -> vector<16xf32>
        %select_n3A_637 = arith.select %eq3A_50, %gather3A_636, %select_n3A_633 : vector<16xi1>, vector<16xf32>
        %max3A_638 = arith.constant 9.99999996E-13 : f32
        %max3A_639 = vector.broadcast %max3A_638 : f32 to vector<16xf32>
        %max3A_640 = arith.maximumf %select_n3A_637, %max3A_639 : vector<16xf32>
        %bitcast_convert_type3A_641 = tpu.bitcast %max3A_640 : vector<16xf32> -> vector<16xi32>
        %shift_right_logical3A_642 = arith.constant 1 : i32
        %shift_right_logical3A_643 = vector.broadcast %shift_right_logical3A_642 : i32 to vector<16xi32>
        %shift_right_logical3A_644 = arith.shrui %bitcast_convert_type3A_641, %shift_right_logical3A_643 : vector<16xi32>
        %sub3A_645 = arith.constant 1597463007 : i32
        %sub3A_646 = vector.broadcast %sub3A_645 : i32 to vector<16xi32>
        %sub3A_647 = arith.subi %sub3A_646, %shift_right_logical3A_644 : vector<16xi32>
        %bitcast_convert_type3A_648 = tpu.bitcast %sub3A_647 : vector<16xi32> -> vector<16xf32>
        %mul3A_649 = arith.constant 5.000000e-01 : f32
        %mul3A_650 = vector.broadcast %mul3A_649 : f32 to vector<16xf32>
        %mul3A_651 = arith.mulf %mul3A_650, %max3A_640 : vector<16xf32>
        %mul3A_652 = arith.mulf %mul3A_651, %bitcast_convert_type3A_648 : vector<16xf32>
        %mul3A_653 = arith.mulf %mul3A_652, %bitcast_convert_type3A_648 : vector<16xf32>
        %sub3A_654 = arith.constant 1.500000e+00 : f32
        %sub3A_655 = vector.broadcast %sub3A_654 : f32 to vector<16xf32>
        %sub3A_656 = arith.subf %sub3A_655, %mul3A_653 : vector<16xf32>
        %mul3A_657 = arith.mulf %bitcast_convert_type3A_648, %sub3A_656 : vector<16xf32>
        %mul3A_658 = arith.constant 5.000000e-01 : f32
        %mul3A_659 = vector.broadcast %mul3A_658 : f32 to vector<16xf32>
        %mul3A_660 = arith.mulf %mul3A_659, %max3A_640 : vector<16xf32>
        %mul3A_661 = arith.mulf %mul3A_660, %mul3A_657 : vector<16xf32>
        %mul3A_662 = arith.mulf %mul3A_661, %mul3A_657 : vector<16xf32>
        %sub3A_663 = arith.constant 1.500000e+00 : f32
        %sub3A_664 = vector.broadcast %sub3A_663 : f32 to vector<16xf32>
        %sub3A_665 = arith.subf %sub3A_664, %mul3A_662 : vector<16xf32>
        %mul3A_666 = arith.mulf %mul3A_657, %sub3A_665 : vector<16xf32>
        %mul3A_667 = arith.mulf %select_n3A_637, %mul3A_666 : vector<16xf32>
        %broadcast_in_dim3A_668 = vector.shape_cast %get3A_25 : vector<16xi32> to vector<16x1xi32>
        %gather3A_669 = vector.shape_cast %broadcast_in_dim3A_668 : vector<16x1xi32> to vector<16xi32>
        %gather3A_670 = tpu.dynamic_gather %mul3A_667[%gather3A_669] in [0] : vector<16xf32>, vector<16xi32> -> vector<16xf32>
        %mul3A_671 = arith.mulf %neg3A_8, %gather3A_670 : vector<16xf32>
        %exp3A_672 = math.exp %mul3A_671 : vector<16xf32>
        %swap3A_673 = arith.constant 0 : i32
        %swap3A_674 = arith.constant 0 : i32
        %swap3A_675 = arith.index_cast %swap3A_673 : i32 to index
        %swap3A_676 = arith.index_cast %swap3A_674 : i32 to index
        %swap3A_677 = arith.index_cast %scan3A_596 : i32 to index
        %swap3A_678 = arith.constant 0 : index
        %swap3A_679 = tpu.vector_load %arg7[%swap3A_675, %swap3A_676, %swap3A_677, %swap3A_678] {strides = array<i32>} : memref<2x2x128x48xf32, #tpu.memory_space<vmem>>, vector<1x1x1x16xf32>,
        %swap3A_680 = vector.shape_cast %swap3A_679 : vector<1x1x1x16xf32> to vector<16xf32>
        %swap3A_681 = vector.shape_cast %exp3A_672 : vector<16xf32> to vector<1x1x1x16xf32>
        tpu.vector_store %arg7[%swap3A_675, %swap3A_676, %swap3A_677, %swap3A_678], %swap3A_681 {strides = array<i32>} : memref<2x2x128x48xf32, #tpu.memory_space<vmem>>, vector<1x1x1x16xf32>,
        %broadcast_in_dim3A_682 = vector.shape_cast %get3A_28 : vector<16xi32> to vector<16x1xi32>
        %gather3A_683 = vector.shape_cast %broadcast_in_dim3A_682 : vector<16x1xi32> to vector<16xi32>
        %gather3A_684 = tpu.dynamic_gather %mul3A_667[%gather3A_683] in [0] : vector<16xf32>, vector<16xi32> -> vector<16xf32>
        %mul3A_685 = arith.mulf %neg3A_15, %gather3A_684 : vector<16xf32>
        %exp3A_686 = math.exp %mul3A_685 : vector<16xf32>
        %swap3A_687 = arith.constant 0 : i32
        %swap3A_688 = arith.constant 0 : i32
        %swap3A_689 = arith.index_cast %swap3A_687 : i32 to index
        %swap3A_690 = arith.index_cast %swap3A_688 : i32 to index
        %swap3A_691 = arith.index_cast %scan3A_596 : i32 to index
        %swap3A_692 = arith.constant 16 : index
        %swap3A_693 = tpu.vector_load %arg7[%swap3A_689, %swap3A_690, %swap3A_691, %swap3A_692] {strides = array<i32>} : memref<2x2x128x48xf32, #tpu.memory_space<vmem>>, vector<1x1x1x16xf32>,
        %swap3A_694 = vector.shape_cast %swap3A_693 : vector<1x1x1x16xf32> to vector<16xf32>
        %swap3A_695 = vector.shape_cast %exp3A_686 : vector<16xf32> to vector<1x1x1x16xf32>
        tpu.vector_store %arg7[%swap3A_689, %swap3A_690, %swap3A_691, %swap3A_692], %swap3A_695 {strides = array<i32>} : memref<2x2x128x48xf32, #tpu.memory_space<vmem>>, vector<1x1x1x16xf32>,
        %broadcast_in_dim3A_696 = vector.shape_cast %get3A_31 : vector<16xi32> to vector<16x1xi32>
        %gather3A_697 = vector.shape_cast %broadcast_in_dim3A_696 : vector<16x1xi32> to vector<16xi32>
        %gather3A_698 = tpu.dynamic_gather %mul3A_667[%gather3A_697] in [0] : vector<16xf32>, vector<16xi32> -> vector<16xf32>
        %mul3A_699 = arith.mulf %neg3A_22, %gather3A_698 : vector<16xf32>
        %exp3A_700 = math.exp %mul3A_699 : vector<16xf32>
        %swap3A_701 = arith.constant 0 : i32
        %swap3A_702 = arith.constant 0 : i32
        %swap3A_703 = arith.index_cast %swap3A_701 : i32 to index
        %swap3A_704 = arith.index_cast %swap3A_702 : i32 to index
        %swap3A_705 = arith.index_cast %scan3A_596 : i32 to index
        %swap3A_706 = arith.constant 32 : index
        %swap3A_707 = tpu.vector_load %arg7[%swap3A_703, %swap3A_704, %swap3A_705, %swap3A_706] {strides = array<i32>} : memref<2x2x128x48xf32, #tpu.memory_space<vmem>>, vector<1x1x1x16xf32>,
        %swap3A_708 = vector.shape_cast %swap3A_707 : vector<1x1x1x16xf32> to vector<16xf32>
        %swap3A_709 = vector.shape_cast %exp3A_700 : vector<16xf32> to vector<1x1x1x16xf32>
        tpu.vector_store %arg7[%swap3A_703, %swap3A_704, %swap3A_705, %swap3A_706], %swap3A_709 {strides = array<i32>} : memref<2x2x128x48xf32, #tpu.memory_space<vmem>>, vector<1x1x1x16xf32>,
        %scan3A_710 = arith.constant 0 : i32
        %scan3A_711 = arith.constant 4 : i32
        %scan3A_712 = arith.addi %scan3A_254, %scan3A_711 : i32
        %add3A_713 = arith.constant 0 : i32
        %add3A_714 = arith.addi %add3A_713, %scan3A_712 : i32
        %get3A_715 = arith.constant 0 : i32
        %get3A_716 = arith.index_cast %get3A_715 : i32 to index
        %get3A_717 = arith.index_cast %add3A_714 : i32 to index
        %get3A_718 = arith.constant 0 : index
        %get3A_719 = tpu.vector_load %arg6[%get3A_716, %get3A_717, %get3A_718] {strides = array<i32>} : memref<2x256x64xf32, #tpu.memory_space<vmem>>, vector<1x1x16xf32>,
        %get3A_720 = vector.shape_cast %get3A_719 : vector<1x1x16xf32> to vector<16xf32>
        %get3A_721 = arith.constant 0 : i32
        %get3A_722 = arith.index_cast %get3A_721 : i32 to index
        %get3A_723 = arith.index_cast %add3A_714 : i32 to index
        %get3A_724 = arith.constant 16 : index
        %get3A_725 = tpu.vector_load %arg6[%get3A_722, %get3A_723, %get3A_724] {strides = array<i32>} : memref<2x256x64xf32, #tpu.memory_space<vmem>>, vector<1x1x16xf32>,
        %get3A_726 = vector.shape_cast %get3A_725 : vector<1x1x16xf32> to vector<16xf32>
        %get3A_727 = arith.constant 0 : i32
        %get3A_728 = arith.index_cast %get3A_727 : i32 to index
        %get3A_729 = arith.index_cast %add3A_714 : i32 to index
        %get3A_730 = arith.constant 32 : index
        %get3A_731 = tpu.vector_load %arg6[%get3A_728, %get3A_729, %get3A_730] {strides = array<i32>} : memref<2x256x64xf32, #tpu.memory_space<vmem>>, vector<1x1x16xf32>,
        %get3A_732 = vector.shape_cast %get3A_731 : vector<1x1x16xf32> to vector<16xf32>
        %get3A_733 = arith.constant 0 : i32
        %get3A_734 = arith.index_cast %get3A_733 : i32 to index
        %get3A_735 = arith.index_cast %add3A_714 : i32 to index
        %get3A_736 = arith.constant 48 : index
        %get3A_737 = tpu.vector_load %arg6[%get3A_734, %get3A_735, %get3A_736] {strides = array<i32>} : memref<2x256x64xf32, #tpu.memory_space<vmem>>, vector<1x1x16xf32>,
        %get3A_738 = vector.shape_cast %get3A_737 : vector<1x1x16xf32> to vector<16xf32>
        %broadcast_in_dim3A_739 = vector.shape_cast %sub3A : vector<16xi32> to vector<16x1xi32>
        %gather3A_740 = vector.shape_cast %broadcast_in_dim3A_739 : vector<16x1xi32> to vector<16xi32>
        %gather3A_741 = tpu.dynamic_gather %get3A_720[%gather3A_740] in [0] : vector<16xf32>, vector<16xi32> -> vector<16xf32>
        %broadcast_in_dim3A_742 = vector.shape_cast %sub3A : vector<16xi32> to vector<16x1xi32>
        %gather3A_743 = vector.shape_cast %broadcast_in_dim3A_742 : vector<16x1xi32> to vector<16xi32>
        %gather3A_744 = tpu.dynamic_gather %get3A_726[%gather3A_743] in [0] : vector<16xf32>, vector<16xi32> -> vector<16xf32>
        %select_n3A_745 = arith.select %eq3A_44, %gather3A_744, %gather3A_741 : vector<16xi1>, vector<16xf32>
        %broadcast_in_dim3A_746 = vector.shape_cast %sub3A : vector<16xi32> to vector<16x1xi32>
        %gather3A_747 = vector.shape_cast %broadcast_in_dim3A_746 : vector<16x1xi32> to vector<16xi32>
        %gather3A_748 = tpu.dynamic_gather %get3A_732[%gather3A_747] in [0] : vector<16xf32>, vector<16xi32> -> vector<16xf32>
        %select_n3A_749 = arith.select %eq3A_47, %gather3A_748, %select_n3A_745 : vector<16xi1>, vector<16xf32>
        %broadcast_in_dim3A_750 = vector.shape_cast %sub3A : vector<16xi32> to vector<16x1xi32>
        %gather3A_751 = vector.shape_cast %broadcast_in_dim3A_750 : vector<16x1xi32> to vector<16xi32>
        %gather3A_752 = tpu.dynamic_gather %get3A_738[%gather3A_751] in [0] : vector<16xf32>, vector<16xi32> -> vector<16xf32>
        %select_n3A_753 = arith.select %eq3A_50, %gather3A_752, %select_n3A_749 : vector<16xi1>, vector<16xf32>
        %max3A_754 = arith.constant 9.99999996E-13 : f32
        %max3A_755 = vector.broadcast %max3A_754 : f32 to vector<16xf32>
        %max3A_756 = arith.maximumf %select_n3A_753, %max3A_755 : vector<16xf32>
        %bitcast_convert_type3A_757 = tpu.bitcast %max3A_756 : vector<16xf32> -> vector<16xi32>
        %shift_right_logical3A_758 = arith.constant 1 : i32
        %shift_right_logical3A_759 = vector.broadcast %shift_right_logical3A_758 : i32 to vector<16xi32>
        %shift_right_logical3A_760 = arith.shrui %bitcast_convert_type3A_757, %shift_right_logical3A_759 : vector<16xi32>
        %sub3A_761 = arith.constant 1597463007 : i32
        %sub3A_762 = vector.broadcast %sub3A_761 : i32 to vector<16xi32>
        %sub3A_763 = arith.subi %sub3A_762, %shift_right_logical3A_760 : vector<16xi32>
        %bitcast_convert_type3A_764 = tpu.bitcast %sub3A_763 : vector<16xi32> -> vector<16xf32>
        %mul3A_765 = arith.constant 5.000000e-01 : f32
        %mul3A_766 = vector.broadcast %mul3A_765 : f32 to vector<16xf32>
        %mul3A_767 = arith.mulf %mul3A_766, %max3A_756 : vector<16xf32>
        %mul3A_768 = arith.mulf %mul3A_767, %bitcast_convert_type3A_764 : vector<16xf32>
        %mul3A_769 = arith.mulf %mul3A_768, %bitcast_convert_type3A_764 : vector<16xf32>
        %sub3A_770 = arith.constant 1.500000e+00 : f32
        %sub3A_771 = vector.broadcast %sub3A_770 : f32 to vector<16xf32>
        %sub3A_772 = arith.subf %sub3A_771, %mul3A_769 : vector<16xf32>
        %mul3A_773 = arith.mulf %bitcast_convert_type3A_764, %sub3A_772 : vector<16xf32>
        %mul3A_774 = arith.constant 5.000000e-01 : f32
        %mul3A_775 = vector.broadcast %mul3A_774 : f32 to vector<16xf32>
        %mul3A_776 = arith.mulf %mul3A_775, %max3A_756 : vector<16xf32>
        %mul3A_777 = arith.mulf %mul3A_776, %mul3A_773 : vector<16xf32>
        %mul3A_778 = arith.mulf %mul3A_777, %mul3A_773 : vector<16xf32>
        %sub3A_779 = arith.constant 1.500000e+00 : f32
        %sub3A_780 = vector.broadcast %sub3A_779 : f32 to vector<16xf32>
        %sub3A_781 = arith.subf %sub3A_780, %mul3A_778 : vector<16xf32>
        %mul3A_782 = arith.mulf %mul3A_773, %sub3A_781 : vector<16xf32>
        %mul3A_783 = arith.mulf %select_n3A_753, %mul3A_782 : vector<16xf32>
        %broadcast_in_dim3A_784 = vector.shape_cast %get3A_25 : vector<16xi32> to vector<16x1xi32>
        %gather3A_785 = vector.shape_cast %broadcast_in_dim3A_784 : vector<16x1xi32> to vector<16xi32>
        %gather3A_786 = tpu.dynamic_gather %mul3A_783[%gather3A_785] in [0] : vector<16xf32>, vector<16xi32> -> vector<16xf32>
        %mul3A_787 = arith.mulf %neg3A_8, %gather3A_786 : vector<16xf32>
        %exp3A_788 = math.exp %mul3A_787 : vector<16xf32>
        %swap3A_789 = arith.constant 0 : i32
        %swap3A_790 = arith.constant 0 : i32
        %swap3A_791 = arith.index_cast %swap3A_789 : i32 to index
        %swap3A_792 = arith.index_cast %swap3A_790 : i32 to index
        %swap3A_793 = arith.index_cast %scan3A_712 : i32 to index
        %swap3A_794 = arith.constant 0 : index
        %swap3A_795 = tpu.vector_load %arg7[%swap3A_791, %swap3A_792, %swap3A_793, %swap3A_794] {strides = array<i32>} : memref<2x2x128x48xf32, #tpu.memory_space<vmem>>, vector<1x1x1x16xf32>,
        %swap3A_796 = vector.shape_cast %swap3A_795 : vector<1x1x1x16xf32> to vector<16xf32>
        %swap3A_797 = vector.shape_cast %exp3A_788 : vector<16xf32> to vector<1x1x1x16xf32>
        tpu.vector_store %arg7[%swap3A_791, %swap3A_792, %swap3A_793, %swap3A_794], %swap3A_797 {strides = array<i32>} : memref<2x2x128x48xf32, #tpu.memory_space<vmem>>, vector<1x1x1x16xf32>,
        %broadcast_in_dim3A_798 = vector.shape_cast %get3A_28 : vector<16xi32> to vector<16x1xi32>
        %gather3A_799 = vector.shape_cast %broadcast_in_dim3A_798 : vector<16x1xi32> to vector<16xi32>
        %gather3A_800 = tpu.dynamic_gather %mul3A_783[%gather3A_799] in [0] : vector<16xf32>, vector<16xi32> -> vector<16xf32>
        %mul3A_801 = arith.mulf %neg3A_15, %gather3A_800 : vector<16xf32>
        %exp3A_802 = math.exp %mul3A_801 : vector<16xf32>
        %swap3A_803 = arith.constant 0 : i32
        %swap3A_804 = arith.constant 0 : i32
        %swap3A_805 = arith.index_cast %swap3A_803 : i32 to index
        %swap3A_806 = arith.index_cast %swap3A_804 : i32 to index
        %swap3A_807 = arith.index_cast %scan3A_712 : i32 to index
        %swap3A_808 = arith.constant 16 : index
        %swap3A_809 = tpu.vector_load %arg7[%swap3A_805, %swap3A_806, %swap3A_807, %swap3A_808] {strides = array<i32>} : memref<2x2x128x48xf32, #tpu.memory_space<vmem>>, vector<1x1x1x16xf32>,
        %swap3A_810 = vector.shape_cast %swap3A_809 : vector<1x1x1x16xf32> to vector<16xf32>
        %swap3A_811 = vector.shape_cast %exp3A_802 : vector<16xf32> to vector<1x1x1x16xf32>
        tpu.vector_store %arg7[%swap3A_805, %swap3A_806, %swap3A_807, %swap3A_808], %swap3A_811 {strides = array<i32>} : memref<2x2x128x48xf32, #tpu.memory_space<vmem>>, vector<1x1x1x16xf32>,
        %broadcast_in_dim3A_812 = vector.shape_cast %get3A_31 : vector<16xi32> to vector<16x1xi32>
        %gather3A_813 = vector.shape_cast %broadcast_in_dim3A_812 : vector<16x1xi32> to vector<16xi32>
        %gather3A_814 = tpu.dynamic_gather %mul3A_783[%gather3A_813] in [0] : vector<16xf32>, vector<16xi32> -> vector<16xf32>
        %mul3A_815 = arith.mulf %neg3A_22, %gather3A_814 : vector<16xf32>
        %exp3A_816 = math.exp %mul3A_815 : vector<16xf32>
        %swap3A_817 = arith.constant 0 : i32
        %swap3A_818 = arith.constant 0 : i32
        %swap3A_819 = arith.index_cast %swap3A_817 : i32 to index
        %swap3A_820 = arith.index_cast %swap3A_818 : i32 to index
        %swap3A_821 = arith.index_cast %scan3A_712 : i32 to index
        %swap3A_822 = arith.constant 32 : index
        %swap3A_823 = tpu.vector_load %arg7[%swap3A_819, %swap3A_820, %swap3A_821, %swap3A_822] {strides = array<i32>} : memref<2x2x128x48xf32, #tpu.memory_space<vmem>>, vector<1x1x1x16xf32>,
        %swap3A_824 = vector.shape_cast %swap3A_823 : vector<1x1x1x16xf32> to vector<16xf32>
        %swap3A_825 = vector.shape_cast %exp3A_816 : vector<16xf32> to vector<1x1x1x16xf32>
        tpu.vector_store %arg7[%swap3A_819, %swap3A_820, %swap3A_821, %swap3A_822], %swap3A_825 {strides = array<i32>} : memref<2x2x128x48xf32, #tpu.memory_space<vmem>>, vector<1x1x1x16xf32>,
        %scan3A_826 = arith.constant 0 : i32
        %scan3A_827 = arith.constant 5 : i32
        %scan3A_828 = arith.addi %scan3A_254, %scan3A_827 : i32
        %add3A_829 = arith.constant 0 : i32
        %add3A_830 = arith.addi %add3A_829, %scan3A_828 : i32
        %get3A_831 = arith.constant 0 : i32
        %get3A_832 = arith.index_cast %get3A_831 : i32 to index
        %get3A_833 = arith.index_cast %add3A_830 : i32 to index
        %get3A_834 = arith.constant 0 : index
        %get3A_835 = tpu.vector_load %arg6[%get3A_832, %get3A_833, %get3A_834] {strides = array<i32>} : memref<2x256x64xf32, #tpu.memory_space<vmem>>, vector<1x1x16xf32>,
        %get3A_836 = vector.shape_cast %get3A_835 : vector<1x1x16xf32> to vector<16xf32>
        %get3A_837 = arith.constant 0 : i32
        %get3A_838 = arith.index_cast %get3A_837 : i32 to index
        %get3A_839 = arith.index_cast %add3A_830 : i32 to index
        %get3A_840 = arith.constant 16 : index
        %get3A_841 = tpu.vector_load %arg6[%get3A_838, %get3A_839, %get3A_840] {strides = array<i32>} : memref<2x256x64xf32, #tpu.memory_space<vmem>>, vector<1x1x16xf32>,
        %get3A_842 = vector.shape_cast %get3A_841 : vector<1x1x16xf32> to vector<16xf32>
        %get3A_843 = arith.constant 0 : i32
        %get3A_844 = arith.index_cast %get3A_843 : i32 to index
        %get3A_845 = arith.index_cast %add3A_830 : i32 to index
        %get3A_846 = arith.constant 32 : index
        %get3A_847 = tpu.vector_load %arg6[%get3A_844, %get3A_845, %get3A_846] {strides = array<i32>} : memref<2x256x64xf32, #tpu.memory_space<vmem>>, vector<1x1x16xf32>,
        %get3A_848 = vector.shape_cast %get3A_847 : vector<1x1x16xf32> to vector<16xf32>
        %get3A_849 = arith.constant 0 : i32
        %get3A_850 = arith.index_cast %get3A_849 : i32 to index
        %get3A_851 = arith.index_cast %add3A_830 : i32 to index
        %get3A_852 = arith.constant 48 : index
        %get3A_853 = tpu.vector_load %arg6[%get3A_850, %get3A_851, %get3A_852] {strides = array<i32>} : memref<2x256x64xf32, #tpu.memory_space<vmem>>, vector<1x1x16xf32>,
        %get3A_854 = vector.shape_cast %get3A_853 : vector<1x1x16xf32> to vector<16xf32>
        %broadcast_in_dim3A_855 = vector.shape_cast %sub3A : vector<16xi32> to vector<16x1xi32>
        %gather3A_856 = vector.shape_cast %broadcast_in_dim3A_855 : vector<16x1xi32> to vector<16xi32>
        %gather3A_857 = tpu.dynamic_gather %get3A_836[%gather3A_856] in [0] : vector<16xf32>, vector<16xi32> -> vector<16xf32>
        %broadcast_in_dim3A_858 = vector.shape_cast %sub3A : vector<16xi32> to vector<16x1xi32>
        %gather3A_859 = vector.shape_cast %broadcast_in_dim3A_858 : vector<16x1xi32> to vector<16xi32>
        %gather3A_860 = tpu.dynamic_gather %get3A_842[%gather3A_859] in [0] : vector<16xf32>, vector<16xi32> -> vector<16xf32>
        %select_n3A_861 = arith.select %eq3A_44, %gather3A_860, %gather3A_857 : vector<16xi1>, vector<16xf32>
        %broadcast_in_dim3A_862 = vector.shape_cast %sub3A : vector<16xi32> to vector<16x1xi32>
        %gather3A_863 = vector.shape_cast %broadcast_in_dim3A_862 : vector<16x1xi32> to vector<16xi32>
        %gather3A_864 = tpu.dynamic_gather %get3A_848[%gather3A_863] in [0] : vector<16xf32>, vector<16xi32> -> vector<16xf32>
        %select_n3A_865 = arith.select %eq3A_47, %gather3A_864, %select_n3A_861 : vector<16xi1>, vector<16xf32>
        %broadcast_in_dim3A_866 = vector.shape_cast %sub3A : vector<16xi32> to vector<16x1xi32>
        %gather3A_867 = vector.shape_cast %broadcast_in_dim3A_866 : vector<16x1xi32> to vector<16xi32>
        %gather3A_868 = tpu.dynamic_gather %get3A_854[%gather3A_867] in [0] : vector<16xf32>, vector<16xi32> -> vector<16xf32>
        %select_n3A_869 = arith.select %eq3A_50, %gather3A_868, %select_n3A_865 : vector<16xi1>, vector<16xf32>
        %max3A_870 = arith.constant 9.99999996E-13 : f32
        %max3A_871 = vector.broadcast %max3A_870 : f32 to vector<16xf32>
        %max3A_872 = arith.maximumf %select_n3A_869, %max3A_871 : vector<16xf32>
        %bitcast_convert_type3A_873 = tpu.bitcast %max3A_872 : vector<16xf32> -> vector<16xi32>
        %shift_right_logical3A_874 = arith.constant 1 : i32
        %shift_right_logical3A_875 = vector.broadcast %shift_right_logical3A_874 : i32 to vector<16xi32>
        %shift_right_logical3A_876 = arith.shrui %bitcast_convert_type3A_873, %shift_right_logical3A_875 : vector<16xi32>
        %sub3A_877 = arith.constant 1597463007 : i32
        %sub3A_878 = vector.broadcast %sub3A_877 : i32 to vector<16xi32>
        %sub3A_879 = arith.subi %sub3A_878, %shift_right_logical3A_876 : vector<16xi32>
        %bitcast_convert_type3A_880 = tpu.bitcast %sub3A_879 : vector<16xi32> -> vector<16xf32>
        %mul3A_881 = arith.constant 5.000000e-01 : f32
        %mul3A_882 = vector.broadcast %mul3A_881 : f32 to vector<16xf32>
        %mul3A_883 = arith.mulf %mul3A_882, %max3A_872 : vector<16xf32>
        %mul3A_884 = arith.mulf %mul3A_883, %bitcast_convert_type3A_880 : vector<16xf32>
        %mul3A_885 = arith.mulf %mul3A_884, %bitcast_convert_type3A_880 : vector<16xf32>
        %sub3A_886 = arith.constant 1.500000e+00 : f32
        %sub3A_887 = vector.broadcast %sub3A_886 : f32 to vector<16xf32>
        %sub3A_888 = arith.subf %sub3A_887, %mul3A_885 : vector<16xf32>
        %mul3A_889 = arith.mulf %bitcast_convert_type3A_880, %sub3A_888 : vector<16xf32>
        %mul3A_890 = arith.constant 5.000000e-01 : f32
        %mul3A_891 = vector.broadcast %mul3A_890 : f32 to vector<16xf32>
        %mul3A_892 = arith.mulf %mul3A_891, %max3A_872 : vector<16xf32>
        %mul3A_893 = arith.mulf %mul3A_892, %mul3A_889 : vector<16xf32>
        %mul3A_894 = arith.mulf %mul3A_893, %mul3A_889 : vector<16xf32>
        %sub3A_895 = arith.constant 1.500000e+00 : f32
        %sub3A_896 = vector.broadcast %sub3A_895 : f32 to vector<16xf32>
        %sub3A_897 = arith.subf %sub3A_896, %mul3A_894 : vector<16xf32>
        %mul3A_898 = arith.mulf %mul3A_889, %sub3A_897 : vector<16xf32>
        %mul3A_899 = arith.mulf %select_n3A_869, %mul3A_898 : vector<16xf32>
        %broadcast_in_dim3A_900 = vector.shape_cast %get3A_25 : vector<16xi32> to vector<16x1xi32>
        %gather3A_901 = vector.shape_cast %broadcast_in_dim3A_900 : vector<16x1xi32> to vector<16xi32>
        %gather3A_902 = tpu.dynamic_gather %mul3A_899[%gather3A_901] in [0] : vector<16xf32>, vector<16xi32> -> vector<16xf32>
        %mul3A_903 = arith.mulf %neg3A_8, %gather3A_902 : vector<16xf32>
        %exp3A_904 = math.exp %mul3A_903 : vector<16xf32>
        %swap3A_905 = arith.constant 0 : i32
        %swap3A_906 = arith.constant 0 : i32
        %swap3A_907 = arith.index_cast %swap3A_905 : i32 to index
        %swap3A_908 = arith.index_cast %swap3A_906 : i32 to index
        %swap3A_909 = arith.index_cast %scan3A_828 : i32 to index
        %swap3A_910 = arith.constant 0 : index
        %swap3A_911 = tpu.vector_load %arg7[%swap3A_907, %swap3A_908, %swap3A_909, %swap3A_910] {strides = array<i32>} : memref<2x2x128x48xf32, #tpu.memory_space<vmem>>, vector<1x1x1x16xf32>,
        %swap3A_912 = vector.shape_cast %swap3A_911 : vector<1x1x1x16xf32> to vector<16xf32>
        %swap3A_913 = vector.shape_cast %exp3A_904 : vector<16xf32> to vector<1x1x1x16xf32>
        tpu.vector_store %arg7[%swap3A_907, %swap3A_908, %swap3A_909, %swap3A_910], %swap3A_913 {strides = array<i32>} : memref<2x2x128x48xf32, #tpu.memory_space<vmem>>, vector<1x1x1x16xf32>,
        %broadcast_in_dim3A_914 = vector.shape_cast %get3A_28 : vector<16xi32> to vector<16x1xi32>
        %gather3A_915 = vector.shape_cast %broadcast_in_dim3A_914 : vector<16x1xi32> to vector<16xi32>
        %gather3A_916 = tpu.dynamic_gather %mul3A_899[%gather3A_915] in [0] : vector<16xf32>, vector<16xi32> -> vector<16xf32>
        %mul3A_917 = arith.mulf %neg3A_15, %gather3A_916 : vector<16xf32>
        %exp3A_918 = math.exp %mul3A_917 : vector<16xf32>
        %swap3A_919 = arith.constant 0 : i32
        %swap3A_920 = arith.constant 0 : i32
        %swap3A_921 = arith.index_cast %swap3A_919 : i32 to index
        %swap3A_922 = arith.index_cast %swap3A_920 : i32 to index
        %swap3A_923 = arith.index_cast %scan3A_828 : i32 to index
        %swap3A_924 = arith.constant 16 : index
        %swap3A_925 = tpu.vector_load %arg7[%swap3A_921, %swap3A_922, %swap3A_923, %swap3A_924] {strides = array<i32>} : memref<2x2x128x48xf32, #tpu.memory_space<vmem>>, vector<1x1x1x16xf32>,
        %swap3A_926 = vector.shape_cast %swap3A_925 : vector<1x1x1x16xf32> to vector<16xf32>
        %swap3A_927 = vector.shape_cast %exp3A_918 : vector<16xf32> to vector<1x1x1x16xf32>
        tpu.vector_store %arg7[%swap3A_921, %swap3A_922, %swap3A_923, %swap3A_924], %swap3A_927 {strides = array<i32>} : memref<2x2x128x48xf32, #tpu.memory_space<vmem>>, vector<1x1x1x16xf32>,
        %broadcast_in_dim3A_928 = vector.shape_cast %get3A_31 : vector<16xi32> to vector<16x1xi32>
        %gather3A_929 = vector.shape_cast %broadcast_in_dim3A_928 : vector<16x1xi32> to vector<16xi32>
        %gather3A_930 = tpu.dynamic_gather %mul3A_899[%gather3A_929] in [0] : vector<16xf32>, vector<16xi32> -> vector<16xf32>
        %mul3A_931 = arith.mulf %neg3A_22, %gather3A_930 : vector<16xf32>
        %exp3A_932 = math.exp %mul3A_931 : vector<16xf32>
        %swap3A_933 = arith.constant 0 : i32
        %swap3A_934 = arith.constant 0 : i32
        %swap3A_935 = arith.index_cast %swap3A_933 : i32 to index
        %swap3A_936 = arith.index_cast %swap3A_934 : i32 to index
        %swap3A_937 = arith.index_cast %scan3A_828 : i32 to index
        %swap3A_938 = arith.constant 32 : index
        %swap3A_939 = tpu.vector_load %arg7[%swap3A_935, %swap3A_936, %swap3A_937, %swap3A_938] {strides = array<i32>} : memref<2x2x128x48xf32, #tpu.memory_space<vmem>>, vector<1x1x1x16xf32>,
        %swap3A_940 = vector.shape_cast %swap3A_939 : vector<1x1x1x16xf32> to vector<16xf32>
        %swap3A_941 = vector.shape_cast %exp3A_932 : vector<16xf32> to vector<1x1x1x16xf32>
        tpu.vector_store %arg7[%swap3A_935, %swap3A_936, %swap3A_937, %swap3A_938], %swap3A_941 {strides = array<i32>} : memref<2x2x128x48xf32, #tpu.memory_space<vmem>>, vector<1x1x1x16xf32>,
        %scan3A_942 = arith.constant 0 : i32
        %scan3A_943 = arith.constant 6 : i32
        %scan3A_944 = arith.addi %scan3A_254, %scan3A_943 : i32
        %add3A_945 = arith.constant 0 : i32
        %add3A_946 = arith.addi %add3A_945, %scan3A_944 : i32
        %get3A_947 = arith.constant 0 : i32
        %get3A_948 = arith.index_cast %get3A_947 : i32 to index
        %get3A_949 = arith.index_cast %add3A_946 : i32 to index
        %get3A_950 = arith.constant 0 : index
        %get3A_951 = tpu.vector_load %arg6[%get3A_948, %get3A_949, %get3A_950] {strides = array<i32>} : memref<2x256x64xf32, #tpu.memory_space<vmem>>, vector<1x1x16xf32>,
        %get3A_952 = vector.shape_cast %get3A_951 : vector<1x1x16xf32> to vector<16xf32>
        %get3A_953 = arith.constant 0 : i32
        %get3A_954 = arith.index_cast %get3A_953 : i32 to index
        %get3A_955 = arith.index_cast %add3A_946 : i32 to index
        %get3A_956 = arith.constant 16 : index
        %get3A_957 = tpu.vector_load %arg6[%get3A_954, %get3A_955, %get3A_956] {strides = array<i32>} : memref<2x256x64xf32, #tpu.memory_space<vmem>>, vector<1x1x16xf32>,
        %get3A_958 = vector.shape_cast %get3A_957 : vector<1x1x16xf32> to vector<16xf32>
        %get3A_959 = arith.constant 0 : i32
        %get3A_960 = arith.index_cast %get3A_959 : i32 to index
        %get3A_961 = arith.index_cast %add3A_946 : i32 to index
        %get3A_962 = arith.constant 32 : index
        %get3A_963 = tpu.vector_load %arg6[%get3A_960, %get3A_961, %get3A_962] {strides = array<i32>} : memref<2x256x64xf32, #tpu.memory_space<vmem>>, vector<1x1x16xf32>,
        %get3A_964 = vector.shape_cast %get3A_963 : vector<1x1x16xf32> to vector<16xf32>
        %get3A_965 = arith.constant 0 : i32
        %get3A_966 = arith.index_cast %get3A_965 : i32 to index
        %get3A_967 = arith.index_cast %add3A_946 : i32 to index
        %get3A_968 = arith.constant 48 : index
        %get3A_969 = tpu.vector_load %arg6[%get3A_966, %get3A_967, %get3A_968] {strides = array<i32>} : memref<2x256x64xf32, #tpu.memory_space<vmem>>, vector<1x1x16xf32>,
        %get3A_970 = vector.shape_cast %get3A_969 : vector<1x1x16xf32> to vector<16xf32>
        %broadcast_in_dim3A_971 = vector.shape_cast %sub3A : vector<16xi32> to vector<16x1xi32>
        %gather3A_972 = vector.shape_cast %broadcast_in_dim3A_971 : vector<16x1xi32> to vector<16xi32>
        %gather3A_973 = tpu.dynamic_gather %get3A_952[%gather3A_972] in [0] : vector<16xf32>, vector<16xi32> -> vector<16xf32>
        %broadcast_in_dim3A_974 = vector.shape_cast %sub3A : vector<16xi32> to vector<16x1xi32>
        %gather3A_975 = vector.shape_cast %broadcast_in_dim3A_974 : vector<16x1xi32> to vector<16xi32>
        %gather3A_976 = tpu.dynamic_gather %get3A_958[%gather3A_975] in [0] : vector<16xf32>, vector<16xi32> -> vector<16xf32>
        %select_n3A_977 = arith.select %eq3A_44, %gather3A_976, %gather3A_973 : vector<16xi1>, vector<16xf32>
        %broadcast_in_dim3A_978 = vector.shape_cast %sub3A : vector<16xi32> to vector<16x1xi32>
        %gather3A_979 = vector.shape_cast %broadcast_in_dim3A_978 : vector<16x1xi32> to vector<16xi32>
        %gather3A_980 = tpu.dynamic_gather %get3A_964[%gather3A_979] in [0] : vector<16xf32>, vector<16xi32> -> vector<16xf32>
        %select_n3A_981 = arith.select %eq3A_47, %gather3A_980, %select_n3A_977 : vector<16xi1>, vector<16xf32>
        %broadcast_in_dim3A_982 = vector.shape_cast %sub3A : vector<16xi32> to vector<16x1xi32>
        %gather3A_983 = vector.shape_cast %broadcast_in_dim3A_982 : vector<16x1xi32> to vector<16xi32>
        %gather3A_984 = tpu.dynamic_gather %get3A_970[%gather3A_983] in [0] : vector<16xf32>, vector<16xi32> -> vector<16xf32>
        %select_n3A_985 = arith.select %eq3A_50, %gather3A_984, %select_n3A_981 : vector<16xi1>, vector<16xf32>
        %max3A_986 = arith.constant 9.99999996E-13 : f32
        %max3A_987 = vector.broadcast %max3A_986 : f32 to vector<16xf32>
        %max3A_988 = arith.maximumf %select_n3A_985, %max3A_987 : vector<16xf32>
        %bitcast_convert_type3A_989 = tpu.bitcast %max3A_988 : vector<16xf32> -> vector<16xi32>
        %shift_right_logical3A_990 = arith.constant 1 : i32
        %shift_right_logical3A_991 = vector.broadcast %shift_right_logical3A_990 : i32 to vector<16xi32>
        %shift_right_logical3A_992 = arith.shrui %bitcast_convert_type3A_989, %shift_right_logical3A_991 : vector<16xi32>
        %sub3A_993 = arith.constant 1597463007 : i32
        %sub3A_994 = vector.broadcast %sub3A_993 : i32 to vector<16xi32>
        %sub3A_995 = arith.subi %sub3A_994, %shift_right_logical3A_992 : vector<16xi32>
        %bitcast_convert_type3A_996 = tpu.bitcast %sub3A_995 : vector<16xi32> -> vector<16xf32>
        %mul3A_997 = arith.constant 5.000000e-01 : f32
        %mul3A_998 = vector.broadcast %mul3A_997 : f32 to vector<16xf32>
        %mul3A_999 = arith.mulf %mul3A_998, %max3A_988 : vector<16xf32>
        %mul3A_1000 = arith.mulf %mul3A_999, %bitcast_convert_type3A_996 : vector<16xf32>
        %mul3A_1001 = arith.mulf %mul3A_1000, %bitcast_convert_type3A_996 : vector<16xf32>
        %sub3A_1002 = arith.constant 1.500000e+00 : f32
        %sub3A_1003 = vector.broadcast %sub3A_1002 : f32 to vector<16xf32>
        %sub3A_1004 = arith.subf %sub3A_1003, %mul3A_1001 : vector<16xf32>
        %mul3A_1005 = arith.mulf %bitcast_convert_type3A_996, %sub3A_1004 : vector<16xf32>
        %mul3A_1006 = arith.constant 5.000000e-01 : f32
        %mul3A_1007 = vector.broadcast %mul3A_1006 : f32 to vector<16xf32>
        %mul3A_1008 = arith.mulf %mul3A_1007, %max3A_988 : vector<16xf32>
        %mul3A_1009 = arith.mulf %mul3A_1008, %mul3A_1005 : vector<16xf32>
        %mul3A_1010 = arith.mulf %mul3A_1009, %mul3A_1005 : vector<16xf32>
        %sub3A_1011 = arith.constant 1.500000e+00 : f32
        %sub3A_1012 = vector.broadcast %sub3A_1011 : f32 to vector<16xf32>
        %sub3A_1013 = arith.subf %sub3A_1012, %mul3A_1010 : vector<16xf32>
        %mul3A_1014 = arith.mulf %mul3A_1005, %sub3A_1013 : vector<16xf32>
        %mul3A_1015 = arith.mulf %select_n3A_985, %mul3A_1014 : vector<16xf32>
        %broadcast_in_dim3A_1016 = vector.shape_cast %get3A_25 : vector<16xi32> to vector<16x1xi32>
        %gather3A_1017 = vector.shape_cast %broadcast_in_dim3A_1016 : vector<16x1xi32> to vector<16xi32>
        %gather3A_1018 = tpu.dynamic_gather %mul3A_1015[%gather3A_1017] in [0] : vector<16xf32>, vector<16xi32> -> vector<16xf32>
        %mul3A_1019 = arith.mulf %neg3A_8, %gather3A_1018 : vector<16xf32>
        %exp3A_1020 = math.exp %mul3A_1019 : vector<16xf32>
        %swap3A_1021 = arith.constant 0 : i32
        %swap3A_1022 = arith.constant 0 : i32
        %swap3A_1023 = arith.index_cast %swap3A_1021 : i32 to index
        %swap3A_1024 = arith.index_cast %swap3A_1022 : i32 to index
        %swap3A_1025 = arith.index_cast %scan3A_944 : i32 to index
        %swap3A_1026 = arith.constant 0 : index
        %swap3A_1027 = tpu.vector_load %arg7[%swap3A_1023, %swap3A_1024, %swap3A_1025, %swap3A_1026] {strides = array<i32>} : memref<2x2x128x48xf32, #tpu.memory_space<vmem>>, vector<1x1x1x16xf32>,
        %swap3A_1028 = vector.shape_cast %swap3A_1027 : vector<1x1x1x16xf32> to vector<16xf32>
        %swap3A_1029 = vector.shape_cast %exp3A_1020 : vector<16xf32> to vector<1x1x1x16xf32>
        tpu.vector_store %arg7[%swap3A_1023, %swap3A_1024, %swap3A_1025, %swap3A_1026], %swap3A_1029 {strides = array<i32>} : memref<2x2x128x48xf32, #tpu.memory_space<vmem>>, vector<1x1x1x16xf32>,
        %broadcast_in_dim3A_1030 = vector.shape_cast %get3A_28 : vector<16xi32> to vector<16x1xi32>
        %gather3A_1031 = vector.shape_cast %broadcast_in_dim3A_1030 : vector<16x1xi32> to vector<16xi32>
        %gather3A_1032 = tpu.dynamic_gather %mul3A_1015[%gather3A_1031] in [0] : vector<16xf32>, vector<16xi32> -> vector<16xf32>
        %mul3A_1033 = arith.mulf %neg3A_15, %gather3A_1032 : vector<16xf32>
        %exp3A_1034 = math.exp %mul3A_1033 : vector<16xf32>
        %swap3A_1035 = arith.constant 0 : i32
        %swap3A_1036 = arith.constant 0 : i32
        %swap3A_1037 = arith.index_cast %swap3A_1035 : i32 to index
        %swap3A_1038 = arith.index_cast %swap3A_1036 : i32 to index
        %swap3A_1039 = arith.index_cast %scan3A_944 : i32 to index
        %swap3A_1040 = arith.constant 16 : index
        %swap3A_1041 = tpu.vector_load %arg7[%swap3A_1037, %swap3A_1038, %swap3A_1039, %swap3A_1040] {strides = array<i32>} : memref<2x2x128x48xf32, #tpu.memory_space<vmem>>, vector<1x1x1x16xf32>,
        %swap3A_1042 = vector.shape_cast %swap3A_1041 : vector<1x1x1x16xf32> to vector<16xf32>
        %swap3A_1043 = vector.shape_cast %exp3A_1034 : vector<16xf32> to vector<1x1x1x16xf32>
        tpu.vector_store %arg7[%swap3A_1037, %swap3A_1038, %swap3A_1039, %swap3A_1040], %swap3A_1043 {strides = array<i32>} : memref<2x2x128x48xf32, #tpu.memory_space<vmem>>, vector<1x1x1x16xf32>,
        %broadcast_in_dim3A_1044 = vector.shape_cast %get3A_31 : vector<16xi32> to vector<16x1xi32>
        %gather3A_1045 = vector.shape_cast %broadcast_in_dim3A_1044 : vector<16x1xi32> to vector<16xi32>
        %gather3A_1046 = tpu.dynamic_gather %mul3A_1015[%gather3A_1045] in [0] : vector<16xf32>, vector<16xi32> -> vector<16xf32>
        %mul3A_1047 = arith.mulf %neg3A_22, %gather3A_1046 : vector<16xf32>
        %exp3A_1048 = math.exp %mul3A_1047 : vector<16xf32>
        %swap3A_1049 = arith.constant 0 : i32
        %swap3A_1050 = arith.constant 0 : i32
        %swap3A_1051 = arith.index_cast %swap3A_1049 : i32 to index
        %swap3A_1052 = arith.index_cast %swap3A_1050 : i32 to index
        %swap3A_1053 = arith.index_cast %scan3A_944 : i32 to index
        %swap3A_1054 = arith.constant 32 : index
        %swap3A_1055 = tpu.vector_load %arg7[%swap3A_1051, %swap3A_1052, %swap3A_1053, %swap3A_1054] {strides = array<i32>} : memref<2x2x128x48xf32, #tpu.memory_space<vmem>>, vector<1x1x1x16xf32>,
        %swap3A_1056 = vector.shape_cast %swap3A_1055 : vector<1x1x1x16xf32> to vector<16xf32>
        %swap3A_1057 = vector.shape_cast %exp3A_1048 : vector<16xf32> to vector<1x1x1x16xf32>
        tpu.vector_store %arg7[%swap3A_1051, %swap3A_1052, %swap3A_1053, %swap3A_1054], %swap3A_1057 {strides = array<i32>} : memref<2x2x128x48xf32, #tpu.memory_space<vmem>>, vector<1x1x1x16xf32>,
        %scan3A_1058 = arith.constant 0 : i32
        %scan3A_1059 = arith.constant 7 : i32
        %scan3A_1060 = arith.addi %scan3A_254, %scan3A_1059 : i32
        %add3A_1061 = arith.constant 0 : i32
        %add3A_1062 = arith.addi %add3A_1061, %scan3A_1060 : i32
        %get3A_1063 = arith.constant 0 : i32
        %get3A_1064 = arith.index_cast %get3A_1063 : i32 to index
        %get3A_1065 = arith.index_cast %add3A_1062 : i32 to index
        %get3A_1066 = arith.constant 0 : index
        %get3A_1067 = tpu.vector_load %arg6[%get3A_1064, %get3A_1065, %get3A_1066] {strides = array<i32>} : memref<2x256x64xf32, #tpu.memory_space<vmem>>, vector<1x1x16xf32>,
        %get3A_1068 = vector.shape_cast %get3A_1067 : vector<1x1x16xf32> to vector<16xf32>
        %get3A_1069 = arith.constant 0 : i32
        %get3A_1070 = arith.index_cast %get3A_1069 : i32 to index
        %get3A_1071 = arith.index_cast %add3A_1062 : i32 to index
        %get3A_1072 = arith.constant 16 : index
        %get3A_1073 = tpu.vector_load %arg6[%get3A_1070, %get3A_1071, %get3A_1072] {strides = array<i32>} : memref<2x256x64xf32, #tpu.memory_space<vmem>>, vector<1x1x16xf32>,
        %get3A_1074 = vector.shape_cast %get3A_1073 : vector<1x1x16xf32> to vector<16xf32>
        %get3A_1075 = arith.constant 0 : i32
        %get3A_1076 = arith.index_cast %get3A_1075 : i32 to index
        %get3A_1077 = arith.index_cast %add3A_1062 : i32 to index
        %get3A_1078 = arith.constant 32 : index
        %get3A_1079 = tpu.vector_load %arg6[%get3A_1076, %get3A_1077, %get3A_1078] {strides = array<i32>} : memref<2x256x64xf32, #tpu.memory_space<vmem>>, vector<1x1x16xf32>,
        %get3A_1080 = vector.shape_cast %get3A_1079 : vector<1x1x16xf32> to vector<16xf32>
        %get3A_1081 = arith.constant 0 : i32
        %get3A_1082 = arith.index_cast %get3A_1081 : i32 to index
        %get3A_1083 = arith.index_cast %add3A_1062 : i32 to index
        %get3A_1084 = arith.constant 48 : index
        %get3A_1085 = tpu.vector_load %arg6[%get3A_1082, %get3A_1083, %get3A_1084] {strides = array<i32>} : memref<2x256x64xf32, #tpu.memory_space<vmem>>, vector<1x1x16xf32>,
        %get3A_1086 = vector.shape_cast %get3A_1085 : vector<1x1x16xf32> to vector<16xf32>
        %broadcast_in_dim3A_1087 = vector.shape_cast %sub3A : vector<16xi32> to vector<16x1xi32>
        %gather3A_1088 = vector.shape_cast %broadcast_in_dim3A_1087 : vector<16x1xi32> to vector<16xi32>
        %gather3A_1089 = tpu.dynamic_gather %get3A_1068[%gather3A_1088] in [0] : vector<16xf32>, vector<16xi32> -> vector<16xf32>
        %broadcast_in_dim3A_1090 = vector.shape_cast %sub3A : vector<16xi32> to vector<16x1xi32>
        %gather3A_1091 = vector.shape_cast %broadcast_in_dim3A_1090 : vector<16x1xi32> to vector<16xi32>
        %gather3A_1092 = tpu.dynamic_gather %get3A_1074[%gather3A_1091] in [0] : vector<16xf32>, vector<16xi32> -> vector<16xf32>
        %select_n3A_1093 = arith.select %eq3A_44, %gather3A_1092, %gather3A_1089 : vector<16xi1>, vector<16xf32>
        %broadcast_in_dim3A_1094 = vector.shape_cast %sub3A : vector<16xi32> to vector<16x1xi32>
        %gather3A_1095 = vector.shape_cast %broadcast_in_dim3A_1094 : vector<16x1xi32> to vector<16xi32>
        %gather3A_1096 = tpu.dynamic_gather %get3A_1080[%gather3A_1095] in [0] : vector<16xf32>, vector<16xi32> -> vector<16xf32>
        %select_n3A_1097 = arith.select %eq3A_47, %gather3A_1096, %select_n3A_1093 : vector<16xi1>, vector<16xf32>
        %broadcast_in_dim3A_1098 = vector.shape_cast %sub3A : vector<16xi32> to vector<16x1xi32>
        %gather3A_1099 = vector.shape_cast %broadcast_in_dim3A_1098 : vector<16x1xi32> to vector<16xi32>
        %gather3A_1100 = tpu.dynamic_gather %get3A_1086[%gather3A_1099] in [0] : vector<16xf32>, vector<16xi32> -> vector<16xf32>
        %select_n3A_1101 = arith.select %eq3A_50, %gather3A_1100, %select_n3A_1097 : vector<16xi1>, vector<16xf32>
        %max3A_1102 = arith.constant 9.99999996E-13 : f32
        %max3A_1103 = vector.broadcast %max3A_1102 : f32 to vector<16xf32>
        %max3A_1104 = arith.maximumf %select_n3A_1101, %max3A_1103 : vector<16xf32>
        %bitcast_convert_type3A_1105 = tpu.bitcast %max3A_1104 : vector<16xf32> -> vector<16xi32>
        %shift_right_logical3A_1106 = arith.constant 1 : i32
        %shift_right_logical3A_1107 = vector.broadcast %shift_right_logical3A_1106 : i32 to vector<16xi32>
        %shift_right_logical3A_1108 = arith.shrui %bitcast_convert_type3A_1105, %shift_right_logical3A_1107 : vector<16xi32>
        %sub3A_1109 = arith.constant 1597463007 : i32
        %sub3A_1110 = vector.broadcast %sub3A_1109 : i32 to vector<16xi32>
        %sub3A_1111 = arith.subi %sub3A_1110, %shift_right_logical3A_1108 : vector<16xi32>
        %bitcast_convert_type3A_1112 = tpu.bitcast %sub3A_1111 : vector<16xi32> -> vector<16xf32>
        %mul3A_1113 = arith.constant 5.000000e-01 : f32
        %mul3A_1114 = vector.broadcast %mul3A_1113 : f32 to vector<16xf32>
        %mul3A_1115 = arith.mulf %mul3A_1114, %max3A_1104 : vector<16xf32>
        %mul3A_1116 = arith.mulf %mul3A_1115, %bitcast_convert_type3A_1112 : vector<16xf32>
        %mul3A_1117 = arith.mulf %mul3A_1116, %bitcast_convert_type3A_1112 : vector<16xf32>
        %sub3A_1118 = arith.constant 1.500000e+00 : f32
        %sub3A_1119 = vector.broadcast %sub3A_1118 : f32 to vector<16xf32>
        %sub3A_1120 = arith.subf %sub3A_1119, %mul3A_1117 : vector<16xf32>
        %mul3A_1121 = arith.mulf %bitcast_convert_type3A_1112, %sub3A_1120 : vector<16xf32>
        %mul3A_1122 = arith.constant 5.000000e-01 : f32
        %mul3A_1123 = vector.broadcast %mul3A_1122 : f32 to vector<16xf32>
        %mul3A_1124 = arith.mulf %mul3A_1123, %max3A_1104 : vector<16xf32>
        %mul3A_1125 = arith.mulf %mul3A_1124, %mul3A_1121 : vector<16xf32>
        %mul3A_1126 = arith.mulf %mul3A_1125, %mul3A_1121 : vector<16xf32>
        %sub3A_1127 = arith.constant 1.500000e+00 : f32
        %sub3A_1128 = vector.broadcast %sub3A_1127 : f32 to vector<16xf32>
        %sub3A_1129 = arith.subf %sub3A_1128, %mul3A_1126 : vector<16xf32>
        %mul3A_1130 = arith.mulf %mul3A_1121, %sub3A_1129 : vector<16xf32>
        %mul3A_1131 = arith.mulf %select_n3A_1101, %mul3A_1130 : vector<16xf32>
        %broadcast_in_dim3A_1132 = vector.shape_cast %get3A_25 : vector<16xi32> to vector<16x1xi32>
        %gather3A_1133 = vector.shape_cast %broadcast_in_dim3A_1132 : vector<16x1xi32> to vector<16xi32>
        %gather3A_1134 = tpu.dynamic_gather %mul3A_1131[%gather3A_1133] in [0] : vector<16xf32>, vector<16xi32> -> vector<16xf32>
        %mul3A_1135 = arith.mulf %neg3A_8, %gather3A_1134 : vector<16xf32>
        %exp3A_1136 = math.exp %mul3A_1135 : vector<16xf32>
        %swap3A_1137 = arith.constant 0 : i32
        %swap3A_1138 = arith.constant 0 : i32
        %swap3A_1139 = arith.index_cast %swap3A_1137 : i32 to index
        %swap3A_1140 = arith.index_cast %swap3A_1138 : i32 to index
        %swap3A_1141 = arith.index_cast %scan3A_1060 : i32 to index
        %swap3A_1142 = arith.constant 0 : index
        %swap3A_1143 = tpu.vector_load %arg7[%swap3A_1139, %swap3A_1140, %swap3A_1141, %swap3A_1142] {strides = array<i32>} : memref<2x2x128x48xf32, #tpu.memory_space<vmem>>, vector<1x1x1x16xf32>,
        %swap3A_1144 = vector.shape_cast %swap3A_1143 : vector<1x1x1x16xf32> to vector<16xf32>
        %swap3A_1145 = vector.shape_cast %exp3A_1136 : vector<16xf32> to vector<1x1x1x16xf32>
        tpu.vector_store %arg7[%swap3A_1139, %swap3A_1140, %swap3A_1141, %swap3A_1142], %swap3A_1145 {strides = array<i32>} : memref<2x2x128x48xf32, #tpu.memory_space<vmem>>, vector<1x1x1x16xf32>,
        %broadcast_in_dim3A_1146 = vector.shape_cast %get3A_28 : vector<16xi32> to vector<16x1xi32>
        %gather3A_1147 = vector.shape_cast %broadcast_in_dim3A_1146 : vector<16x1xi32> to vector<16xi32>
        %gather3A_1148 = tpu.dynamic_gather %mul3A_1131[%gather3A_1147] in [0] : vector<16xf32>, vector<16xi32> -> vector<16xf32>
        %mul3A_1149 = arith.mulf %neg3A_15, %gather3A_1148 : vector<16xf32>
        %exp3A_1150 = math.exp %mul3A_1149 : vector<16xf32>
        %swap3A_1151 = arith.constant 0 : i32
        %swap3A_1152 = arith.constant 0 : i32
        %swap3A_1153 = arith.index_cast %swap3A_1151 : i32 to index
        %swap3A_1154 = arith.index_cast %swap3A_1152 : i32 to index
        %swap3A_1155 = arith.index_cast %scan3A_1060 : i32 to index
        %swap3A_1156 = arith.constant 16 : index
        %swap3A_1157 = tpu.vector_load %arg7[%swap3A_1153, %swap3A_1154, %swap3A_1155, %swap3A_1156] {strides = array<i32>} : memref<2x2x128x48xf32, #tpu.memory_space<vmem>>, vector<1x1x1x16xf32>,
        %swap3A_1158 = vector.shape_cast %swap3A_1157 : vector<1x1x1x16xf32> to vector<16xf32>
        %swap3A_1159 = vector.shape_cast %exp3A_1150 : vector<16xf32> to vector<1x1x1x16xf32>
        tpu.vector_store %arg7[%swap3A_1153, %swap3A_1154, %swap3A_1155, %swap3A_1156], %swap3A_1159 {strides = array<i32>} : memref<2x2x128x48xf32, #tpu.memory_space<vmem>>, vector<1x1x1x16xf32>,
        %broadcast_in_dim3A_1160 = vector.shape_cast %get3A_31 : vector<16xi32> to vector<16x1xi32>
        %gather3A_1161 = vector.shape_cast %broadcast_in_dim3A_1160 : vector<16x1xi32> to vector<16xi32>
        %gather3A_1162 = tpu.dynamic_gather %mul3A_1131[%gather3A_1161] in [0] : vector<16xf32>, vector<16xi32> -> vector<16xf32>
        %mul3A_1163 = arith.mulf %neg3A_22, %gather3A_1162 : vector<16xf32>
        %exp3A_1164 = math.exp %mul3A_1163 : vector<16xf32>
        %swap3A_1165 = arith.constant 0 : i32
        %swap3A_1166 = arith.constant 0 : i32
        %swap3A_1167 = arith.index_cast %swap3A_1165 : i32 to index
        %swap3A_1168 = arith.index_cast %swap3A_1166 : i32 to index
        %swap3A_1169 = arith.index_cast %scan3A_1060 : i32 to index
        %swap3A_1170 = arith.constant 32 : index
        %swap3A_1171 = tpu.vector_load %arg7[%swap3A_1167, %swap3A_1168, %swap3A_1169, %swap3A_1170] {strides = array<i32>} : memref<2x2x128x48xf32, #tpu.memory_space<vmem>>, vector<1x1x1x16xf32>,
        %swap3A_1172 = vector.shape_cast %swap3A_1171 : vector<1x1x1x16xf32> to vector<16xf32>
        %swap3A_1173 = vector.shape_cast %exp3A_1164 : vector<16xf32> to vector<1x1x1x16xf32>
        tpu.vector_store %arg7[%swap3A_1167, %swap3A_1168, %swap3A_1169, %swap3A_1170], %swap3A_1173 {strides = array<i32>} : memref<2x2x128x48xf32, #tpu.memory_space<vmem>>, vector<1x1x1x16xf32>,
        %scan3A_1174 = arith.constant 0 : i32
        scf.yield %scan3A_1174 : i32
      }
      %scan3A_153 = arith.constant 128 : i32
      %scan3A_154 = arith.constant 0 : i32
      %scan3A_155 = arith.constant 0 : i32
      %scan3A_156 = arith.constant 128 : i32
      %scan3A_157 = arith.addi %scan3A_155, %scan3A_156 : i32
      %scan3A_158 = arith.constant 8 : i32
      %scan3A_159 = scf.for %scan3A_254 = %scan3A_155 to %scan3A_157 step %scan3A_158 iter_args(%scan3A_255 = %scan3A_154) -> (i32)  : i32 {
        %add3A_256 = arith.constant 128 : i32
        %add3A_257 = arith.addi %add3A_256, %scan3A_254 : i32
        %get3A_258 = arith.constant 0 : i32
        %get3A_259 = arith.index_cast %get3A_258 : i32 to index
        %get3A_260 = arith.index_cast %add3A_257 : i32 to index
        %get3A_261 = arith.constant 0 : index
        %get3A_262 = tpu.vector_load %arg6[%get3A_259, %get3A_260, %get3A_261] {strides = array<i32>} : memref<2x256x64xf32, #tpu.memory_space<vmem>>, vector<1x1x16xf32>,
        %get3A_263 = vector.shape_cast %get3A_262 : vector<1x1x16xf32> to vector<16xf32>
        %get3A_264 = arith.constant 0 : i32
        %get3A_265 = arith.index_cast %get3A_264 : i32 to index
        %get3A_266 = arith.index_cast %add3A_257 : i32 to index
        %get3A_267 = arith.constant 16 : index
        %get3A_268 = tpu.vector_load %arg6[%get3A_265, %get3A_266, %get3A_267] {strides = array<i32>} : memref<2x256x64xf32, #tpu.memory_space<vmem>>, vector<1x1x16xf32>,
        %get3A_269 = vector.shape_cast %get3A_268 : vector<1x1x16xf32> to vector<16xf32>
        %get3A_270 = arith.constant 0 : i32
        %get3A_271 = arith.index_cast %get3A_270 : i32 to index
        %get3A_272 = arith.index_cast %add3A_257 : i32 to index
        %get3A_273 = arith.constant 32 : index
        %get3A_274 = tpu.vector_load %arg6[%get3A_271, %get3A_272, %get3A_273] {strides = array<i32>} : memref<2x256x64xf32, #tpu.memory_space<vmem>>, vector<1x1x16xf32>,
        %get3A_275 = vector.shape_cast %get3A_274 : vector<1x1x16xf32> to vector<16xf32>
        %get3A_276 = arith.constant 0 : i32
        %get3A_277 = arith.index_cast %get3A_276 : i32 to index
        %get3A_278 = arith.index_cast %add3A_257 : i32 to index
        %get3A_279 = arith.constant 48 : index
        %get3A_280 = tpu.vector_load %arg6[%get3A_277, %get3A_278, %get3A_279] {strides = array<i32>} : memref<2x256x64xf32, #tpu.memory_space<vmem>>, vector<1x1x16xf32>,
        %get3A_281 = vector.shape_cast %get3A_280 : vector<1x1x16xf32> to vector<16xf32>
        %broadcast_in_dim3A = vector.shape_cast %sub3A : vector<16xi32> to vector<16x1xi32>
        %gather3A = vector.shape_cast %broadcast_in_dim3A : vector<16x1xi32> to vector<16xi32>
        %gather3A_282 = tpu.dynamic_gather %get3A_263[%gather3A] in [0] : vector<16xf32>, vector<16xi32> -> vector<16xf32>
        %broadcast_in_dim3A_283 = vector.shape_cast %sub3A : vector<16xi32> to vector<16x1xi32>
        %gather3A_284 = vector.shape_cast %broadcast_in_dim3A_283 : vector<16x1xi32> to vector<16xi32>
        %gather3A_285 = tpu.dynamic_gather %get3A_269[%gather3A_284] in [0] : vector<16xf32>, vector<16xi32> -> vector<16xf32>
        %select_n3A = arith.select %eq3A_44, %gather3A_285, %gather3A_282 : vector<16xi1>, vector<16xf32>
        %broadcast_in_dim3A_286 = vector.shape_cast %sub3A : vector<16xi32> to vector<16x1xi32>
        %gather3A_287 = vector.shape_cast %broadcast_in_dim3A_286 : vector<16x1xi32> to vector<16xi32>
        %gather3A_288 = tpu.dynamic_gather %get3A_275[%gather3A_287] in [0] : vector<16xf32>, vector<16xi32> -> vector<16xf32>
        %select_n3A_289 = arith.select %eq3A_47, %gather3A_288, %select_n3A : vector<16xi1>, vector<16xf32>
        %broadcast_in_dim3A_290 = vector.shape_cast %sub3A : vector<16xi32> to vector<16x1xi32>
        %gather3A_291 = vector.shape_cast %broadcast_in_dim3A_290 : vector<16x1xi32> to vector<16xi32>
        %gather3A_292 = tpu.dynamic_gather %get3A_281[%gather3A_291] in [0] : vector<16xf32>, vector<16xi32> -> vector<16xf32>
        %select_n3A_293 = arith.select %eq3A_50, %gather3A_292, %select_n3A_289 : vector<16xi1>, vector<16xf32>
        %max3A = arith.constant 9.99999996E-13 : f32
        %max3A_294 = vector.broadcast %max3A : f32 to vector<16xf32>
        %max3A_295 = arith.maximumf %select_n3A_293, %max3A_294 : vector<16xf32>
        %bitcast_convert_type3A = tpu.bitcast %max3A_295 : vector<16xf32> -> vector<16xi32>
        %shift_right_logical3A_296 = arith.constant 1 : i32
        %shift_right_logical3A_297 = vector.broadcast %shift_right_logical3A_296 : i32 to vector<16xi32>
        %shift_right_logical3A_298 = arith.shrui %bitcast_convert_type3A, %shift_right_logical3A_297 : vector<16xi32>
        %sub3A_299 = arith.constant 1597463007 : i32
        %sub3A_300 = vector.broadcast %sub3A_299 : i32 to vector<16xi32>
        %sub3A_301 = arith.subi %sub3A_300, %shift_right_logical3A_298 : vector<16xi32>
        %bitcast_convert_type3A_302 = tpu.bitcast %sub3A_301 : vector<16xi32> -> vector<16xf32>
        %mul3A_303 = arith.constant 5.000000e-01 : f32
        %mul3A_304 = vector.broadcast %mul3A_303 : f32 to vector<16xf32>
        %mul3A_305 = arith.mulf %mul3A_304, %max3A_295 : vector<16xf32>
        %mul3A_306 = arith.mulf %mul3A_305, %bitcast_convert_type3A_302 : vector<16xf32>
        %mul3A_307 = arith.mulf %mul3A_306, %bitcast_convert_type3A_302 : vector<16xf32>
        %sub3A_308 = arith.constant 1.500000e+00 : f32
        %sub3A_309 = vector.broadcast %sub3A_308 : f32 to vector<16xf32>
        %sub3A_310 = arith.subf %sub3A_309, %mul3A_307 : vector<16xf32>
        %mul3A_311 = arith.mulf %bitcast_convert_type3A_302, %sub3A_310 : vector<16xf32>
        %mul3A_312 = arith.constant 5.000000e-01 : f32
        %mul3A_313 = vector.broadcast %mul3A_312 : f32 to vector<16xf32>
        %mul3A_314 = arith.mulf %mul3A_313, %max3A_295 : vector<16xf32>
        %mul3A_315 = arith.mulf %mul3A_314, %mul3A_311 : vector<16xf32>
        %mul3A_316 = arith.mulf %mul3A_315, %mul3A_311 : vector<16xf32>
        %sub3A_317 = arith.constant 1.500000e+00 : f32
        %sub3A_318 = vector.broadcast %sub3A_317 : f32 to vector<16xf32>
        %sub3A_319 = arith.subf %sub3A_318, %mul3A_316 : vector<16xf32>
        %mul3A_320 = arith.mulf %mul3A_311, %sub3A_319 : vector<16xf32>
        %mul3A_321 = arith.mulf %select_n3A_293, %mul3A_320 : vector<16xf32>
        %broadcast_in_dim3A_322 = vector.shape_cast %get3A_25 : vector<16xi32> to vector<16x1xi32>
        %gather3A_323 = vector.shape_cast %broadcast_in_dim3A_322 : vector<16x1xi32> to vector<16xi32>
        %gather3A_324 = tpu.dynamic_gather %mul3A_321[%gather3A_323] in [0] : vector<16xf32>, vector<16xi32> -> vector<16xf32>
        %mul3A_325 = arith.mulf %neg3A_8, %gather3A_324 : vector<16xf32>
        %exp3A = math.exp %mul3A_325 : vector<16xf32>
        %swap3A = arith.constant 0 : i32
        %swap3A_326 = arith.constant 1 : i32
        %swap3A_327 = arith.index_cast %swap3A : i32 to index
        %swap3A_328 = arith.index_cast %swap3A_326 : i32 to index
        %swap3A_329 = arith.index_cast %scan3A_254 : i32 to index
        %swap3A_330 = arith.constant 0 : index
        %swap3A_331 = tpu.vector_load %arg7[%swap3A_327, %swap3A_328, %swap3A_329, %swap3A_330] {strides = array<i32>} : memref<2x2x128x48xf32, #tpu.memory_space<vmem>>, vector<1x1x1x16xf32>,
        %swap3A_332 = vector.shape_cast %swap3A_331 : vector<1x1x1x16xf32> to vector<16xf32>
        %swap3A_333 = vector.shape_cast %exp3A : vector<16xf32> to vector<1x1x1x16xf32>
        tpu.vector_store %arg7[%swap3A_327, %swap3A_328, %swap3A_329, %swap3A_330], %swap3A_333 {strides = array<i32>} : memref<2x2x128x48xf32, #tpu.memory_space<vmem>>, vector<1x1x1x16xf32>,
        %broadcast_in_dim3A_334 = vector.shape_cast %get3A_28 : vector<16xi32> to vector<16x1xi32>
        %gather3A_335 = vector.shape_cast %broadcast_in_dim3A_334 : vector<16x1xi32> to vector<16xi32>
        %gather3A_336 = tpu.dynamic_gather %mul3A_321[%gather3A_335] in [0] : vector<16xf32>, vector<16xi32> -> vector<16xf32>
        %mul3A_337 = arith.mulf %neg3A_15, %gather3A_336 : vector<16xf32>
        %exp3A_338 = math.exp %mul3A_337 : vector<16xf32>
        %swap3A_339 = arith.constant 0 : i32
        %swap3A_340 = arith.constant 1 : i32
        %swap3A_341 = arith.index_cast %swap3A_339 : i32 to index
        %swap3A_342 = arith.index_cast %swap3A_340 : i32 to index
        %swap3A_343 = arith.index_cast %scan3A_254 : i32 to index
        %swap3A_344 = arith.constant 16 : index
        %swap3A_345 = tpu.vector_load %arg7[%swap3A_341, %swap3A_342, %swap3A_343, %swap3A_344] {strides = array<i32>} : memref<2x2x128x48xf32, #tpu.memory_space<vmem>>, vector<1x1x1x16xf32>,
        %swap3A_346 = vector.shape_cast %swap3A_345 : vector<1x1x1x16xf32> to vector<16xf32>
        %swap3A_347 = vector.shape_cast %exp3A_338 : vector<16xf32> to vector<1x1x1x16xf32>
        tpu.vector_store %arg7[%swap3A_341, %swap3A_342, %swap3A_343, %swap3A_344], %swap3A_347 {strides = array<i32>} : memref<2x2x128x48xf32, #tpu.memory_space<vmem>>, vector<1x1x1x16xf32>,
        %broadcast_in_dim3A_348 = vector.shape_cast %get3A_31 : vector<16xi32> to vector<16x1xi32>
        %gather3A_349 = vector.shape_cast %broadcast_in_dim3A_348 : vector<16x1xi32> to vector<16xi32>
        %gather3A_350 = tpu.dynamic_gather %mul3A_321[%gather3A_349] in [0] : vector<16xf32>, vector<16xi32> -> vector<16xf32>
        %mul3A_351 = arith.mulf %neg3A_22, %gather3A_350 : vector<16xf32>
        %exp3A_352 = math.exp %mul3A_351 : vector<16xf32>
        %swap3A_353 = arith.constant 0 : i32
        %swap3A_354 = arith.constant 1 : i32
        %swap3A_355 = arith.index_cast %swap3A_353 : i32 to index
        %swap3A_356 = arith.index_cast %swap3A_354 : i32 to index
        %swap3A_357 = arith.index_cast %scan3A_254 : i32 to index
        %swap3A_358 = arith.constant 32 : index
        %swap3A_359 = tpu.vector_load %arg7[%swap3A_355, %swap3A_356, %swap3A_357, %swap3A_358] {strides = array<i32>} : memref<2x2x128x48xf32, #tpu.memory_space<vmem>>, vector<1x1x1x16xf32>,
        %swap3A_360 = vector.shape_cast %swap3A_359 : vector<1x1x1x16xf32> to vector<16xf32>
        %swap3A_361 = vector.shape_cast %exp3A_352 : vector<16xf32> to vector<1x1x1x16xf32>
        tpu.vector_store %arg7[%swap3A_355, %swap3A_356, %swap3A_357, %swap3A_358], %swap3A_361 {strides = array<i32>} : memref<2x2x128x48xf32, #tpu.memory_space<vmem>>, vector<1x1x1x16xf32>,
        %scan3A_362 = arith.constant 0 : i32
        %scan3A_363 = arith.constant 1 : i32
        %scan3A_364 = arith.addi %scan3A_254, %scan3A_363 : i32
        %add3A_365 = arith.constant 128 : i32
        %add3A_366 = arith.addi %add3A_365, %scan3A_364 : i32
        %get3A_367 = arith.constant 0 : i32
        %get3A_368 = arith.index_cast %get3A_367 : i32 to index
        %get3A_369 = arith.index_cast %add3A_366 : i32 to index
        %get3A_370 = arith.constant 0 : index
        %get3A_371 = tpu.vector_load %arg6[%get3A_368, %get3A_369, %get3A_370] {strides = array<i32>} : memref<2x256x64xf32, #tpu.memory_space<vmem>>, vector<1x1x16xf32>,
        %get3A_372 = vector.shape_cast %get3A_371 : vector<1x1x16xf32> to vector<16xf32>
        %get3A_373 = arith.constant 0 : i32
        %get3A_374 = arith.index_cast %get3A_373 : i32 to index
        %get3A_375 = arith.index_cast %add3A_366 : i32 to index
        %get3A_376 = arith.constant 16 : index
        %get3A_377 = tpu.vector_load %arg6[%get3A_374, %get3A_375, %get3A_376] {strides = array<i32>} : memref<2x256x64xf32, #tpu.memory_space<vmem>>, vector<1x1x16xf32>,
        %get3A_378 = vector.shape_cast %get3A_377 : vector<1x1x16xf32> to vector<16xf32>
        %get3A_379 = arith.constant 0 : i32
        %get3A_380 = arith.index_cast %get3A_379 : i32 to index
        %get3A_381 = arith.index_cast %add3A_366 : i32 to index
        %get3A_382 = arith.constant 32 : index
        %get3A_383 = tpu.vector_load %arg6[%get3A_380, %get3A_381, %get3A_382] {strides = array<i32>} : memref<2x256x64xf32, #tpu.memory_space<vmem>>, vector<1x1x16xf32>,
        %get3A_384 = vector.shape_cast %get3A_383 : vector<1x1x16xf32> to vector<16xf32>
        %get3A_385 = arith.constant 0 : i32
        %get3A_386 = arith.index_cast %get3A_385 : i32 to index
        %get3A_387 = arith.index_cast %add3A_366 : i32 to index
        %get3A_388 = arith.constant 48 : index
        %get3A_389 = tpu.vector_load %arg6[%get3A_386, %get3A_387, %get3A_388] {strides = array<i32>} : memref<2x256x64xf32, #tpu.memory_space<vmem>>, vector<1x1x16xf32>,
        %get3A_390 = vector.shape_cast %get3A_389 : vector<1x1x16xf32> to vector<16xf32>
        %broadcast_in_dim3A_391 = vector.shape_cast %sub3A : vector<16xi32> to vector<16x1xi32>
        %gather3A_392 = vector.shape_cast %broadcast_in_dim3A_391 : vector<16x1xi32> to vector<16xi32>
        %gather3A_393 = tpu.dynamic_gather %get3A_372[%gather3A_392] in [0] : vector<16xf32>, vector<16xi32> -> vector<16xf32>
        %broadcast_in_dim3A_394 = vector.shape_cast %sub3A : vector<16xi32> to vector<16x1xi32>
        %gather3A_395 = vector.shape_cast %broadcast_in_dim3A_394 : vector<16x1xi32> to vector<16xi32>
        %gather3A_396 = tpu.dynamic_gather %get3A_378[%gather3A_395] in [0] : vector<16xf32>, vector<16xi32> -> vector<16xf32>
        %select_n3A_397 = arith.select %eq3A_44, %gather3A_396, %gather3A_393 : vector<16xi1>, vector<16xf32>
        %broadcast_in_dim3A_398 = vector.shape_cast %sub3A : vector<16xi32> to vector<16x1xi32>
        %gather3A_399 = vector.shape_cast %broadcast_in_dim3A_398 : vector<16x1xi32> to vector<16xi32>
        %gather3A_400 = tpu.dynamic_gather %get3A_384[%gather3A_399] in [0] : vector<16xf32>, vector<16xi32> -> vector<16xf32>
        %select_n3A_401 = arith.select %eq3A_47, %gather3A_400, %select_n3A_397 : vector<16xi1>, vector<16xf32>
        %broadcast_in_dim3A_402 = vector.shape_cast %sub3A : vector<16xi32> to vector<16x1xi32>
        %gather3A_403 = vector.shape_cast %broadcast_in_dim3A_402 : vector<16x1xi32> to vector<16xi32>
        %gather3A_404 = tpu.dynamic_gather %get3A_390[%gather3A_403] in [0] : vector<16xf32>, vector<16xi32> -> vector<16xf32>
        %select_n3A_405 = arith.select %eq3A_50, %gather3A_404, %select_n3A_401 : vector<16xi1>, vector<16xf32>
        %max3A_406 = arith.constant 9.99999996E-13 : f32
        %max3A_407 = vector.broadcast %max3A_406 : f32 to vector<16xf32>
        %max3A_408 = arith.maximumf %select_n3A_405, %max3A_407 : vector<16xf32>
        %bitcast_convert_type3A_409 = tpu.bitcast %max3A_408 : vector<16xf32> -> vector<16xi32>
        %shift_right_logical3A_410 = arith.constant 1 : i32
        %shift_right_logical3A_411 = vector.broadcast %shift_right_logical3A_410 : i32 to vector<16xi32>
        %shift_right_logical3A_412 = arith.shrui %bitcast_convert_type3A_409, %shift_right_logical3A_411 : vector<16xi32>
        %sub3A_413 = arith.constant 1597463007 : i32
        %sub3A_414 = vector.broadcast %sub3A_413 : i32 to vector<16xi32>
        %sub3A_415 = arith.subi %sub3A_414, %shift_right_logical3A_412 : vector<16xi32>
        %bitcast_convert_type3A_416 = tpu.bitcast %sub3A_415 : vector<16xi32> -> vector<16xf32>
        %mul3A_417 = arith.constant 5.000000e-01 : f32
        %mul3A_418 = vector.broadcast %mul3A_417 : f32 to vector<16xf32>
        %mul3A_419 = arith.mulf %mul3A_418, %max3A_408 : vector<16xf32>
        %mul3A_420 = arith.mulf %mul3A_419, %bitcast_convert_type3A_416 : vector<16xf32>
        %mul3A_421 = arith.mulf %mul3A_420, %bitcast_convert_type3A_416 : vector<16xf32>
        %sub3A_422 = arith.constant 1.500000e+00 : f32
        %sub3A_423 = vector.broadcast %sub3A_422 : f32 to vector<16xf32>
        %sub3A_424 = arith.subf %sub3A_423, %mul3A_421 : vector<16xf32>
        %mul3A_425 = arith.mulf %bitcast_convert_type3A_416, %sub3A_424 : vector<16xf32>
        %mul3A_426 = arith.constant 5.000000e-01 : f32
        %mul3A_427 = vector.broadcast %mul3A_426 : f32 to vector<16xf32>
        %mul3A_428 = arith.mulf %mul3A_427, %max3A_408 : vector<16xf32>
        %mul3A_429 = arith.mulf %mul3A_428, %mul3A_425 : vector<16xf32>
        %mul3A_430 = arith.mulf %mul3A_429, %mul3A_425 : vector<16xf32>
        %sub3A_431 = arith.constant 1.500000e+00 : f32
        %sub3A_432 = vector.broadcast %sub3A_431 : f32 to vector<16xf32>
        %sub3A_433 = arith.subf %sub3A_432, %mul3A_430 : vector<16xf32>
        %mul3A_434 = arith.mulf %mul3A_425, %sub3A_433 : vector<16xf32>
        %mul3A_435 = arith.mulf %select_n3A_405, %mul3A_434 : vector<16xf32>
        %broadcast_in_dim3A_436 = vector.shape_cast %get3A_25 : vector<16xi32> to vector<16x1xi32>
        %gather3A_437 = vector.shape_cast %broadcast_in_dim3A_436 : vector<16x1xi32> to vector<16xi32>
        %gather3A_438 = tpu.dynamic_gather %mul3A_435[%gather3A_437] in [0] : vector<16xf32>, vector<16xi32> -> vector<16xf32>
        %mul3A_439 = arith.mulf %neg3A_8, %gather3A_438 : vector<16xf32>
        %exp3A_440 = math.exp %mul3A_439 : vector<16xf32>
        %swap3A_441 = arith.constant 0 : i32
        %swap3A_442 = arith.constant 1 : i32
        %swap3A_443 = arith.index_cast %swap3A_441 : i32 to index
        %swap3A_444 = arith.index_cast %swap3A_442 : i32 to index
        %swap3A_445 = arith.index_cast %scan3A_364 : i32 to index
        %swap3A_446 = arith.constant 0 : index
        %swap3A_447 = tpu.vector_load %arg7[%swap3A_443, %swap3A_444, %swap3A_445, %swap3A_446] {strides = array<i32>} : memref<2x2x128x48xf32, #tpu.memory_space<vmem>>, vector<1x1x1x16xf32>,
        %swap3A_448 = vector.shape_cast %swap3A_447 : vector<1x1x1x16xf32> to vector<16xf32>
        %swap3A_449 = vector.shape_cast %exp3A_440 : vector<16xf32> to vector<1x1x1x16xf32>
        tpu.vector_store %arg7[%swap3A_443, %swap3A_444, %swap3A_445, %swap3A_446], %swap3A_449 {strides = array<i32>} : memref<2x2x128x48xf32, #tpu.memory_space<vmem>>, vector<1x1x1x16xf32>,
        %broadcast_in_dim3A_450 = vector.shape_cast %get3A_28 : vector<16xi32> to vector<16x1xi32>
        %gather3A_451 = vector.shape_cast %broadcast_in_dim3A_450 : vector<16x1xi32> to vector<16xi32>
        %gather3A_452 = tpu.dynamic_gather %mul3A_435[%gather3A_451] in [0] : vector<16xf32>, vector<16xi32> -> vector<16xf32>
        %mul3A_453 = arith.mulf %neg3A_15, %gather3A_452 : vector<16xf32>
        %exp3A_454 = math.exp %mul3A_453 : vector<16xf32>
        %swap3A_455 = arith.constant 0 : i32
        %swap3A_456 = arith.constant 1 : i32
        %swap3A_457 = arith.index_cast %swap3A_455 : i32 to index
        %swap3A_458 = arith.index_cast %swap3A_456 : i32 to index
        %swap3A_459 = arith.index_cast %scan3A_364 : i32 to index
        %swap3A_460 = arith.constant 16 : index
        %swap3A_461 = tpu.vector_load %arg7[%swap3A_457, %swap3A_458, %swap3A_459, %swap3A_460] {strides = array<i32>} : memref<2x2x128x48xf32, #tpu.memory_space<vmem>>, vector<1x1x1x16xf32>,
        %swap3A_462 = vector.shape_cast %swap3A_461 : vector<1x1x1x16xf32> to vector<16xf32>
        %swap3A_463 = vector.shape_cast %exp3A_454 : vector<16xf32> to vector<1x1x1x16xf32>
        tpu.vector_store %arg7[%swap3A_457, %swap3A_458, %swap3A_459, %swap3A_460], %swap3A_463 {strides = array<i32>} : memref<2x2x128x48xf32, #tpu.memory_space<vmem>>, vector<1x1x1x16xf32>,
        %broadcast_in_dim3A_464 = vector.shape_cast %get3A_31 : vector<16xi32> to vector<16x1xi32>
        %gather3A_465 = vector.shape_cast %broadcast_in_dim3A_464 : vector<16x1xi32> to vector<16xi32>
        %gather3A_466 = tpu.dynamic_gather %mul3A_435[%gather3A_465] in [0] : vector<16xf32>, vector<16xi32> -> vector<16xf32>
        %mul3A_467 = arith.mulf %neg3A_22, %gather3A_466 : vector<16xf32>
        %exp3A_468 = math.exp %mul3A_467 : vector<16xf32>
        %swap3A_469 = arith.constant 0 : i32
        %swap3A_470 = arith.constant 1 : i32
        %swap3A_471 = arith.index_cast %swap3A_469 : i32 to index
        %swap3A_472 = arith.index_cast %swap3A_470 : i32 to index
        %swap3A_473 = arith.index_cast %scan3A_364 : i32 to index
        %swap3A_474 = arith.constant 32 : index
        %swap3A_475 = tpu.vector_load %arg7[%swap3A_471, %swap3A_472, %swap3A_473, %swap3A_474] {strides = array<i32>} : memref<2x2x128x48xf32, #tpu.memory_space<vmem>>, vector<1x1x1x16xf32>,
        %swap3A_476 = vector.shape_cast %swap3A_475 : vector<1x1x1x16xf32> to vector<16xf32>
        %swap3A_477 = vector.shape_cast %exp3A_468 : vector<16xf32> to vector<1x1x1x16xf32>
        tpu.vector_store %arg7[%swap3A_471, %swap3A_472, %swap3A_473, %swap3A_474], %swap3A_477 {strides = array<i32>} : memref<2x2x128x48xf32, #tpu.memory_space<vmem>>, vector<1x1x1x16xf32>,
        %scan3A_478 = arith.constant 0 : i32
        %scan3A_479 = arith.constant 2 : i32
        %scan3A_480 = arith.addi %scan3A_254, %scan3A_479 : i32
        %add3A_481 = arith.constant 128 : i32
        %add3A_482 = arith.addi %add3A_481, %scan3A_480 : i32
        %get3A_483 = arith.constant 0 : i32
        %get3A_484 = arith.index_cast %get3A_483 : i32 to index
        %get3A_485 = arith.index_cast %add3A_482 : i32 to index
        %get3A_486 = arith.constant 0 : index
        %get3A_487 = tpu.vector_load %arg6[%get3A_484, %get3A_485, %get3A_486] {strides = array<i32>} : memref<2x256x64xf32, #tpu.memory_space<vmem>>, vector<1x1x16xf32>,
        %get3A_488 = vector.shape_cast %get3A_487 : vector<1x1x16xf32> to vector<16xf32>
        %get3A_489 = arith.constant 0 : i32
        %get3A_490 = arith.index_cast %get3A_489 : i32 to index
        %get3A_491 = arith.index_cast %add3A_482 : i32 to index
        %get3A_492 = arith.constant 16 : index
        %get3A_493 = tpu.vector_load %arg6[%get3A_490, %get3A_491, %get3A_492] {strides = array<i32>} : memref<2x256x64xf32, #tpu.memory_space<vmem>>, vector<1x1x16xf32>,
        %get3A_494 = vector.shape_cast %get3A_493 : vector<1x1x16xf32> to vector<16xf32>
        %get3A_495 = arith.constant 0 : i32
        %get3A_496 = arith.index_cast %get3A_495 : i32 to index
        %get3A_497 = arith.index_cast %add3A_482 : i32 to index
        %get3A_498 = arith.constant 32 : index
        %get3A_499 = tpu.vector_load %arg6[%get3A_496, %get3A_497, %get3A_498] {strides = array<i32>} : memref<2x256x64xf32, #tpu.memory_space<vmem>>, vector<1x1x16xf32>,
        %get3A_500 = vector.shape_cast %get3A_499 : vector<1x1x16xf32> to vector<16xf32>
        %get3A_501 = arith.constant 0 : i32
        %get3A_502 = arith.index_cast %get3A_501 : i32 to index
        %get3A_503 = arith.index_cast %add3A_482 : i32 to index
        %get3A_504 = arith.constant 48 : index
        %get3A_505 = tpu.vector_load %arg6[%get3A_502, %get3A_503, %get3A_504] {strides = array<i32>} : memref<2x256x64xf32, #tpu.memory_space<vmem>>, vector<1x1x16xf32>,
        %get3A_506 = vector.shape_cast %get3A_505 : vector<1x1x16xf32> to vector<16xf32>
        %broadcast_in_dim3A_507 = vector.shape_cast %sub3A : vector<16xi32> to vector<16x1xi32>
        %gather3A_508 = vector.shape_cast %broadcast_in_dim3A_507 : vector<16x1xi32> to vector<16xi32>
        %gather3A_509 = tpu.dynamic_gather %get3A_488[%gather3A_508] in [0] : vector<16xf32>, vector<16xi32> -> vector<16xf32>
        %broadcast_in_dim3A_510 = vector.shape_cast %sub3A : vector<16xi32> to vector<16x1xi32>
        %gather3A_511 = vector.shape_cast %broadcast_in_dim3A_510 : vector<16x1xi32> to vector<16xi32>
        %gather3A_512 = tpu.dynamic_gather %get3A_494[%gather3A_511] in [0] : vector<16xf32>, vector<16xi32> -> vector<16xf32>
        %select_n3A_513 = arith.select %eq3A_44, %gather3A_512, %gather3A_509 : vector<16xi1>, vector<16xf32>
        %broadcast_in_dim3A_514 = vector.shape_cast %sub3A : vector<16xi32> to vector<16x1xi32>
        %gather3A_515 = vector.shape_cast %broadcast_in_dim3A_514 : vector<16x1xi32> to vector<16xi32>
        %gather3A_516 = tpu.dynamic_gather %get3A_500[%gather3A_515] in [0] : vector<16xf32>, vector<16xi32> -> vector<16xf32>
        %select_n3A_517 = arith.select %eq3A_47, %gather3A_516, %select_n3A_513 : vector<16xi1>, vector<16xf32>
        %broadcast_in_dim3A_518 = vector.shape_cast %sub3A : vector<16xi32> to vector<16x1xi32>
        %gather3A_519 = vector.shape_cast %broadcast_in_dim3A_518 : vector<16x1xi32> to vector<16xi32>
        %gather3A_520 = tpu.dynamic_gather %get3A_506[%gather3A_519] in [0] : vector<16xf32>, vector<16xi32> -> vector<16xf32>
        %select_n3A_521 = arith.select %eq3A_50, %gather3A_520, %select_n3A_517 : vector<16xi1>, vector<16xf32>
        %max3A_522 = arith.constant 9.99999996E-13 : f32
        %max3A_523 = vector.broadcast %max3A_522 : f32 to vector<16xf32>
        %max3A_524 = arith.maximumf %select_n3A_521, %max3A_523 : vector<16xf32>
        %bitcast_convert_type3A_525 = tpu.bitcast %max3A_524 : vector<16xf32> -> vector<16xi32>
        %shift_right_logical3A_526 = arith.constant 1 : i32
        %shift_right_logical3A_527 = vector.broadcast %shift_right_logical3A_526 : i32 to vector<16xi32>
        %shift_right_logical3A_528 = arith.shrui %bitcast_convert_type3A_525, %shift_right_logical3A_527 : vector<16xi32>
        %sub3A_529 = arith.constant 1597463007 : i32
        %sub3A_530 = vector.broadcast %sub3A_529 : i32 to vector<16xi32>
        %sub3A_531 = arith.subi %sub3A_530, %shift_right_logical3A_528 : vector<16xi32>
        %bitcast_convert_type3A_532 = tpu.bitcast %sub3A_531 : vector<16xi32> -> vector<16xf32>
        %mul3A_533 = arith.constant 5.000000e-01 : f32
        %mul3A_534 = vector.broadcast %mul3A_533 : f32 to vector<16xf32>
        %mul3A_535 = arith.mulf %mul3A_534, %max3A_524 : vector<16xf32>
        %mul3A_536 = arith.mulf %mul3A_535, %bitcast_convert_type3A_532 : vector<16xf32>
        %mul3A_537 = arith.mulf %mul3A_536, %bitcast_convert_type3A_532 : vector<16xf32>
        %sub3A_538 = arith.constant 1.500000e+00 : f32
        %sub3A_539 = vector.broadcast %sub3A_538 : f32 to vector<16xf32>
        %sub3A_540 = arith.subf %sub3A_539, %mul3A_537 : vector<16xf32>
        %mul3A_541 = arith.mulf %bitcast_convert_type3A_532, %sub3A_540 : vector<16xf32>
        %mul3A_542 = arith.constant 5.000000e-01 : f32
        %mul3A_543 = vector.broadcast %mul3A_542 : f32 to vector<16xf32>
        %mul3A_544 = arith.mulf %mul3A_543, %max3A_524 : vector<16xf32>
        %mul3A_545 = arith.mulf %mul3A_544, %mul3A_541 : vector<16xf32>
        %mul3A_546 = arith.mulf %mul3A_545, %mul3A_541 : vector<16xf32>
        %sub3A_547 = arith.constant 1.500000e+00 : f32
        %sub3A_548 = vector.broadcast %sub3A_547 : f32 to vector<16xf32>
        %sub3A_549 = arith.subf %sub3A_548, %mul3A_546 : vector<16xf32>
        %mul3A_550 = arith.mulf %mul3A_541, %sub3A_549 : vector<16xf32>
        %mul3A_551 = arith.mulf %select_n3A_521, %mul3A_550 : vector<16xf32>
        %broadcast_in_dim3A_552 = vector.shape_cast %get3A_25 : vector<16xi32> to vector<16x1xi32>
        %gather3A_553 = vector.shape_cast %broadcast_in_dim3A_552 : vector<16x1xi32> to vector<16xi32>
        %gather3A_554 = tpu.dynamic_gather %mul3A_551[%gather3A_553] in [0] : vector<16xf32>, vector<16xi32> -> vector<16xf32>
        %mul3A_555 = arith.mulf %neg3A_8, %gather3A_554 : vector<16xf32>
        %exp3A_556 = math.exp %mul3A_555 : vector<16xf32>
        %swap3A_557 = arith.constant 0 : i32
        %swap3A_558 = arith.constant 1 : i32
        %swap3A_559 = arith.index_cast %swap3A_557 : i32 to index
        %swap3A_560 = arith.index_cast %swap3A_558 : i32 to index
        %swap3A_561 = arith.index_cast %scan3A_480 : i32 to index
        %swap3A_562 = arith.constant 0 : index
        %swap3A_563 = tpu.vector_load %arg7[%swap3A_559, %swap3A_560, %swap3A_561, %swap3A_562] {strides = array<i32>} : memref<2x2x128x48xf32, #tpu.memory_space<vmem>>, vector<1x1x1x16xf32>,
        %swap3A_564 = vector.shape_cast %swap3A_563 : vector<1x1x1x16xf32> to vector<16xf32>
        %swap3A_565 = vector.shape_cast %exp3A_556 : vector<16xf32> to vector<1x1x1x16xf32>
        tpu.vector_store %arg7[%swap3A_559, %swap3A_560, %swap3A_561, %swap3A_562], %swap3A_565 {strides = array<i32>} : memref<2x2x128x48xf32, #tpu.memory_space<vmem>>, vector<1x1x1x16xf32>,
        %broadcast_in_dim3A_566 = vector.shape_cast %get3A_28 : vector<16xi32> to vector<16x1xi32>
        %gather3A_567 = vector.shape_cast %broadcast_in_dim3A_566 : vector<16x1xi32> to vector<16xi32>
        %gather3A_568 = tpu.dynamic_gather %mul3A_551[%gather3A_567] in [0] : vector<16xf32>, vector<16xi32> -> vector<16xf32>
        %mul3A_569 = arith.mulf %neg3A_15, %gather3A_568 : vector<16xf32>
        %exp3A_570 = math.exp %mul3A_569 : vector<16xf32>
        %swap3A_571 = arith.constant 0 : i32
        %swap3A_572 = arith.constant 1 : i32
        %swap3A_573 = arith.index_cast %swap3A_571 : i32 to index
        %swap3A_574 = arith.index_cast %swap3A_572 : i32 to index
        %swap3A_575 = arith.index_cast %scan3A_480 : i32 to index
        %swap3A_576 = arith.constant 16 : index
        %swap3A_577 = tpu.vector_load %arg7[%swap3A_573, %swap3A_574, %swap3A_575, %swap3A_576] {strides = array<i32>} : memref<2x2x128x48xf32, #tpu.memory_space<vmem>>, vector<1x1x1x16xf32>,
        %swap3A_578 = vector.shape_cast %swap3A_577 : vector<1x1x1x16xf32> to vector<16xf32>
        %swap3A_579 = vector.shape_cast %exp3A_570 : vector<16xf32> to vector<1x1x1x16xf32>
        tpu.vector_store %arg7[%swap3A_573, %swap3A_574, %swap3A_575, %swap3A_576], %swap3A_579 {strides = array<i32>} : memref<2x2x128x48xf32, #tpu.memory_space<vmem>>, vector<1x1x1x16xf32>,
        %broadcast_in_dim3A_580 = vector.shape_cast %get3A_31 : vector<16xi32> to vector<16x1xi32>
        %gather3A_581 = vector.shape_cast %broadcast_in_dim3A_580 : vector<16x1xi32> to vector<16xi32>
        %gather3A_582 = tpu.dynamic_gather %mul3A_551[%gather3A_581] in [0] : vector<16xf32>, vector<16xi32> -> vector<16xf32>
        %mul3A_583 = arith.mulf %neg3A_22, %gather3A_582 : vector<16xf32>
        %exp3A_584 = math.exp %mul3A_583 : vector<16xf32>
        %swap3A_585 = arith.constant 0 : i32
        %swap3A_586 = arith.constant 1 : i32
        %swap3A_587 = arith.index_cast %swap3A_585 : i32 to index
        %swap3A_588 = arith.index_cast %swap3A_586 : i32 to index
        %swap3A_589 = arith.index_cast %scan3A_480 : i32 to index
        %swap3A_590 = arith.constant 32 : index
        %swap3A_591 = tpu.vector_load %arg7[%swap3A_587, %swap3A_588, %swap3A_589, %swap3A_590] {strides = array<i32>} : memref<2x2x128x48xf32, #tpu.memory_space<vmem>>, vector<1x1x1x16xf32>,
        %swap3A_592 = vector.shape_cast %swap3A_591 : vector<1x1x1x16xf32> to vector<16xf32>
        %swap3A_593 = vector.shape_cast %exp3A_584 : vector<16xf32> to vector<1x1x1x16xf32>
        tpu.vector_store %arg7[%swap3A_587, %swap3A_588, %swap3A_589, %swap3A_590], %swap3A_593 {strides = array<i32>} : memref<2x2x128x48xf32, #tpu.memory_space<vmem>>, vector<1x1x1x16xf32>,
        %scan3A_594 = arith.constant 0 : i32
        %scan3A_595 = arith.constant 3 : i32
        %scan3A_596 = arith.addi %scan3A_254, %scan3A_595 : i32
        %add3A_597 = arith.constant 128 : i32
        %add3A_598 = arith.addi %add3A_597, %scan3A_596 : i32
        %get3A_599 = arith.constant 0 : i32
        %get3A_600 = arith.index_cast %get3A_599 : i32 to index
        %get3A_601 = arith.index_cast %add3A_598 : i32 to index
        %get3A_602 = arith.constant 0 : index
        %get3A_603 = tpu.vector_load %arg6[%get3A_600, %get3A_601, %get3A_602] {strides = array<i32>} : memref<2x256x64xf32, #tpu.memory_space<vmem>>, vector<1x1x16xf32>,
        %get3A_604 = vector.shape_cast %get3A_603 : vector<1x1x16xf32> to vector<16xf32>
        %get3A_605 = arith.constant 0 : i32
        %get3A_606 = arith.index_cast %get3A_605 : i32 to index
        %get3A_607 = arith.index_cast %add3A_598 : i32 to index
        %get3A_608 = arith.constant 16 : index
        %get3A_609 = tpu.vector_load %arg6[%get3A_606, %get3A_607, %get3A_608] {strides = array<i32>} : memref<2x256x64xf32, #tpu.memory_space<vmem>>, vector<1x1x16xf32>,
        %get3A_610 = vector.shape_cast %get3A_609 : vector<1x1x16xf32> to vector<16xf32>
        %get3A_611 = arith.constant 0 : i32
        %get3A_612 = arith.index_cast %get3A_611 : i32 to index
        %get3A_613 = arith.index_cast %add3A_598 : i32 to index
        %get3A_614 = arith.constant 32 : index
        %get3A_615 = tpu.vector_load %arg6[%get3A_612, %get3A_613, %get3A_614] {strides = array<i32>} : memref<2x256x64xf32, #tpu.memory_space<vmem>>, vector<1x1x16xf32>,
        %get3A_616 = vector.shape_cast %get3A_615 : vector<1x1x16xf32> to vector<16xf32>
        %get3A_617 = arith.constant 0 : i32
        %get3A_618 = arith.index_cast %get3A_617 : i32 to index
        %get3A_619 = arith.index_cast %add3A_598 : i32 to index
        %get3A_620 = arith.constant 48 : index
        %get3A_621 = tpu.vector_load %arg6[%get3A_618, %get3A_619, %get3A_620] {strides = array<i32>} : memref<2x256x64xf32, #tpu.memory_space<vmem>>, vector<1x1x16xf32>,
        %get3A_622 = vector.shape_cast %get3A_621 : vector<1x1x16xf32> to vector<16xf32>
        %broadcast_in_dim3A_623 = vector.shape_cast %sub3A : vector<16xi32> to vector<16x1xi32>
        %gather3A_624 = vector.shape_cast %broadcast_in_dim3A_623 : vector<16x1xi32> to vector<16xi32>
        %gather3A_625 = tpu.dynamic_gather %get3A_604[%gather3A_624] in [0] : vector<16xf32>, vector<16xi32> -> vector<16xf32>
        %broadcast_in_dim3A_626 = vector.shape_cast %sub3A : vector<16xi32> to vector<16x1xi32>
        %gather3A_627 = vector.shape_cast %broadcast_in_dim3A_626 : vector<16x1xi32> to vector<16xi32>
        %gather3A_628 = tpu.dynamic_gather %get3A_610[%gather3A_627] in [0] : vector<16xf32>, vector<16xi32> -> vector<16xf32>
        %select_n3A_629 = arith.select %eq3A_44, %gather3A_628, %gather3A_625 : vector<16xi1>, vector<16xf32>
        %broadcast_in_dim3A_630 = vector.shape_cast %sub3A : vector<16xi32> to vector<16x1xi32>
        %gather3A_631 = vector.shape_cast %broadcast_in_dim3A_630 : vector<16x1xi32> to vector<16xi32>
        %gather3A_632 = tpu.dynamic_gather %get3A_616[%gather3A_631] in [0] : vector<16xf32>, vector<16xi32> -> vector<16xf32>
        %select_n3A_633 = arith.select %eq3A_47, %gather3A_632, %select_n3A_629 : vector<16xi1>, vector<16xf32>
        %broadcast_in_dim3A_634 = vector.shape_cast %sub3A : vector<16xi32> to vector<16x1xi32>
        %gather3A_635 = vector.shape_cast %broadcast_in_dim3A_634 : vector<16x1xi32> to vector<16xi32>
        %gather3A_636 = tpu.dynamic_gather %get3A_622[%gather3A_635] in [0] : vector<16xf32>, vector<16xi32> -> vector<16xf32>
        %select_n3A_637 = arith.select %eq3A_50, %gather3A_636, %select_n3A_633 : vector<16xi1>, vector<16xf32>
        %max3A_638 = arith.constant 9.99999996E-13 : f32
        %max3A_639 = vector.broadcast %max3A_638 : f32 to vector<16xf32>
        %max3A_640 = arith.maximumf %select_n3A_637, %max3A_639 : vector<16xf32>
        %bitcast_convert_type3A_641 = tpu.bitcast %max3A_640 : vector<16xf32> -> vector<16xi32>
        %shift_right_logical3A_642 = arith.constant 1 : i32
        %shift_right_logical3A_643 = vector.broadcast %shift_right_logical3A_642 : i32 to vector<16xi32>
        %shift_right_logical3A_644 = arith.shrui %bitcast_convert_type3A_641, %shift_right_logical3A_643 : vector<16xi32>
        %sub3A_645 = arith.constant 1597463007 : i32
        %sub3A_646 = vector.broadcast %sub3A_645 : i32 to vector<16xi32>
        %sub3A_647 = arith.subi %sub3A_646, %shift_right_logical3A_644 : vector<16xi32>
        %bitcast_convert_type3A_648 = tpu.bitcast %sub3A_647 : vector<16xi32> -> vector<16xf32>
        %mul3A_649 = arith.constant 5.000000e-01 : f32
        %mul3A_650 = vector.broadcast %mul3A_649 : f32 to vector<16xf32>
        %mul3A_651 = arith.mulf %mul3A_650, %max3A_640 : vector<16xf32>
        %mul3A_652 = arith.mulf %mul3A_651, %bitcast_convert_type3A_648 : vector<16xf32>
        %mul3A_653 = arith.mulf %mul3A_652, %bitcast_convert_type3A_648 : vector<16xf32>
        %sub3A_654 = arith.constant 1.500000e+00 : f32
        %sub3A_655 = vector.broadcast %sub3A_654 : f32 to vector<16xf32>
        %sub3A_656 = arith.subf %sub3A_655, %mul3A_653 : vector<16xf32>
        %mul3A_657 = arith.mulf %bitcast_convert_type3A_648, %sub3A_656 : vector<16xf32>
        %mul3A_658 = arith.constant 5.000000e-01 : f32
        %mul3A_659 = vector.broadcast %mul3A_658 : f32 to vector<16xf32>
        %mul3A_660 = arith.mulf %mul3A_659, %max3A_640 : vector<16xf32>
        %mul3A_661 = arith.mulf %mul3A_660, %mul3A_657 : vector<16xf32>
        %mul3A_662 = arith.mulf %mul3A_661, %mul3A_657 : vector<16xf32>
        %sub3A_663 = arith.constant 1.500000e+00 : f32
        %sub3A_664 = vector.broadcast %sub3A_663 : f32 to vector<16xf32>
        %sub3A_665 = arith.subf %sub3A_664, %mul3A_662 : vector<16xf32>
        %mul3A_666 = arith.mulf %mul3A_657, %sub3A_665 : vector<16xf32>
        %mul3A_667 = arith.mulf %select_n3A_637, %mul3A_666 : vector<16xf32>
        %broadcast_in_dim3A_668 = vector.shape_cast %get3A_25 : vector<16xi32> to vector<16x1xi32>
        %gather3A_669 = vector.shape_cast %broadcast_in_dim3A_668 : vector<16x1xi32> to vector<16xi32>
        %gather3A_670 = tpu.dynamic_gather %mul3A_667[%gather3A_669] in [0] : vector<16xf32>, vector<16xi32> -> vector<16xf32>
        %mul3A_671 = arith.mulf %neg3A_8, %gather3A_670 : vector<16xf32>
        %exp3A_672 = math.exp %mul3A_671 : vector<16xf32>
        %swap3A_673 = arith.constant 0 : i32
        %swap3A_674 = arith.constant 1 : i32
        %swap3A_675 = arith.index_cast %swap3A_673 : i32 to index
        %swap3A_676 = arith.index_cast %swap3A_674 : i32 to index
        %swap3A_677 = arith.index_cast %scan3A_596 : i32 to index
        %swap3A_678 = arith.constant 0 : index
        %swap3A_679 = tpu.vector_load %arg7[%swap3A_675, %swap3A_676, %swap3A_677, %swap3A_678] {strides = array<i32>} : memref<2x2x128x48xf32, #tpu.memory_space<vmem>>, vector<1x1x1x16xf32>,
        %swap3A_680 = vector.shape_cast %swap3A_679 : vector<1x1x1x16xf32> to vector<16xf32>
        %swap3A_681 = vector.shape_cast %exp3A_672 : vector<16xf32> to vector<1x1x1x16xf32>
        tpu.vector_store %arg7[%swap3A_675, %swap3A_676, %swap3A_677, %swap3A_678], %swap3A_681 {strides = array<i32>} : memref<2x2x128x48xf32, #tpu.memory_space<vmem>>, vector<1x1x1x16xf32>,
        %broadcast_in_dim3A_682 = vector.shape_cast %get3A_28 : vector<16xi32> to vector<16x1xi32>
        %gather3A_683 = vector.shape_cast %broadcast_in_dim3A_682 : vector<16x1xi32> to vector<16xi32>
        %gather3A_684 = tpu.dynamic_gather %mul3A_667[%gather3A_683] in [0] : vector<16xf32>, vector<16xi32> -> vector<16xf32>
        %mul3A_685 = arith.mulf %neg3A_15, %gather3A_684 : vector<16xf32>
        %exp3A_686 = math.exp %mul3A_685 : vector<16xf32>
        %swap3A_687 = arith.constant 0 : i32
        %swap3A_688 = arith.constant 1 : i32
        %swap3A_689 = arith.index_cast %swap3A_687 : i32 to index
        %swap3A_690 = arith.index_cast %swap3A_688 : i32 to index
        %swap3A_691 = arith.index_cast %scan3A_596 : i32 to index
        %swap3A_692 = arith.constant 16 : index
        %swap3A_693 = tpu.vector_load %arg7[%swap3A_689, %swap3A_690, %swap3A_691, %swap3A_692] {strides = array<i32>} : memref<2x2x128x48xf32, #tpu.memory_space<vmem>>, vector<1x1x1x16xf32>,
        %swap3A_694 = vector.shape_cast %swap3A_693 : vector<1x1x1x16xf32> to vector<16xf32>
        %swap3A_695 = vector.shape_cast %exp3A_686 : vector<16xf32> to vector<1x1x1x16xf32>
        tpu.vector_store %arg7[%swap3A_689, %swap3A_690, %swap3A_691, %swap3A_692], %swap3A_695 {strides = array<i32>} : memref<2x2x128x48xf32, #tpu.memory_space<vmem>>, vector<1x1x1x16xf32>,
        %broadcast_in_dim3A_696 = vector.shape_cast %get3A_31 : vector<16xi32> to vector<16x1xi32>
        %gather3A_697 = vector.shape_cast %broadcast_in_dim3A_696 : vector<16x1xi32> to vector<16xi32>
        %gather3A_698 = tpu.dynamic_gather %mul3A_667[%gather3A_697] in [0] : vector<16xf32>, vector<16xi32> -> vector<16xf32>
        %mul3A_699 = arith.mulf %neg3A_22, %gather3A_698 : vector<16xf32>
        %exp3A_700 = math.exp %mul3A_699 : vector<16xf32>
        %swap3A_701 = arith.constant 0 : i32
        %swap3A_702 = arith.constant 1 : i32
        %swap3A_703 = arith.index_cast %swap3A_701 : i32 to index
        %swap3A_704 = arith.index_cast %swap3A_702 : i32 to index
        %swap3A_705 = arith.index_cast %scan3A_596 : i32 to index
        %swap3A_706 = arith.constant 32 : index
        %swap3A_707 = tpu.vector_load %arg7[%swap3A_703, %swap3A_704, %swap3A_705, %swap3A_706] {strides = array<i32>} : memref<2x2x128x48xf32, #tpu.memory_space<vmem>>, vector<1x1x1x16xf32>,
        %swap3A_708 = vector.shape_cast %swap3A_707 : vector<1x1x1x16xf32> to vector<16xf32>
        %swap3A_709 = vector.shape_cast %exp3A_700 : vector<16xf32> to vector<1x1x1x16xf32>
        tpu.vector_store %arg7[%swap3A_703, %swap3A_704, %swap3A_705, %swap3A_706], %swap3A_709 {strides = array<i32>} : memref<2x2x128x48xf32, #tpu.memory_space<vmem>>, vector<1x1x1x16xf32>,
        %scan3A_710 = arith.constant 0 : i32
        %scan3A_711 = arith.constant 4 : i32
        %scan3A_712 = arith.addi %scan3A_254, %scan3A_711 : i32
        %add3A_713 = arith.constant 128 : i32
        %add3A_714 = arith.addi %add3A_713, %scan3A_712 : i32
        %get3A_715 = arith.constant 0 : i32
        %get3A_716 = arith.index_cast %get3A_715 : i32 to index
        %get3A_717 = arith.index_cast %add3A_714 : i32 to index
        %get3A_718 = arith.constant 0 : index
        %get3A_719 = tpu.vector_load %arg6[%get3A_716, %get3A_717, %get3A_718] {strides = array<i32>} : memref<2x256x64xf32, #tpu.memory_space<vmem>>, vector<1x1x16xf32>,
        %get3A_720 = vector.shape_cast %get3A_719 : vector<1x1x16xf32> to vector<16xf32>
        %get3A_721 = arith.constant 0 : i32
        %get3A_722 = arith.index_cast %get3A_721 : i32 to index
        %get3A_723 = arith.index_cast %add3A_714 : i32 to index
        %get3A_724 = arith.constant 16 : index
        %get3A_725 = tpu.vector_load %arg6[%get3A_722, %get3A_723, %get3A_724] {strides = array<i32>} : memref<2x256x64xf32, #tpu.memory_space<vmem>>, vector<1x1x16xf32>,
        %get3A_726 = vector.shape_cast %get3A_725 : vector<1x1x16xf32> to vector<16xf32>
        %get3A_727 = arith.constant 0 : i32
        %get3A_728 = arith.index_cast %get3A_727 : i32 to index
        %get3A_729 = arith.index_cast %add3A_714 : i32 to index
        %get3A_730 = arith.constant 32 : index
        %get3A_731 = tpu.vector_load %arg6[%get3A_728, %get3A_729, %get3A_730] {strides = array<i32>} : memref<2x256x64xf32, #tpu.memory_space<vmem>>, vector<1x1x16xf32>,
        %get3A_732 = vector.shape_cast %get3A_731 : vector<1x1x16xf32> to vector<16xf32>
        %get3A_733 = arith.constant 0 : i32
        %get3A_734 = arith.index_cast %get3A_733 : i32 to index
        %get3A_735 = arith.index_cast %add3A_714 : i32 to index
        %get3A_736 = arith.constant 48 : index
        %get3A_737 = tpu.vector_load %arg6[%get3A_734, %get3A_735, %get3A_736] {strides = array<i32>} : memref<2x256x64xf32, #tpu.memory_space<vmem>>, vector<1x1x16xf32>,
        %get3A_738 = vector.shape_cast %get3A_737 : vector<1x1x16xf32> to vector<16xf32>
        %broadcast_in_dim3A_739 = vector.shape_cast %sub3A : vector<16xi32> to vector<16x1xi32>
        %gather3A_740 = vector.shape_cast %broadcast_in_dim3A_739 : vector<16x1xi32> to vector<16xi32>
        %gather3A_741 = tpu.dynamic_gather %get3A_720[%gather3A_740] in [0] : vector<16xf32>, vector<16xi32> -> vector<16xf32>
        %broadcast_in_dim3A_742 = vector.shape_cast %sub3A : vector<16xi32> to vector<16x1xi32>
        %gather3A_743 = vector.shape_cast %broadcast_in_dim3A_742 : vector<16x1xi32> to vector<16xi32>
        %gather3A_744 = tpu.dynamic_gather %get3A_726[%gather3A_743] in [0] : vector<16xf32>, vector<16xi32> -> vector<16xf32>
        %select_n3A_745 = arith.select %eq3A_44, %gather3A_744, %gather3A_741 : vector<16xi1>, vector<16xf32>
        %broadcast_in_dim3A_746 = vector.shape_cast %sub3A : vector<16xi32> to vector<16x1xi32>
        %gather3A_747 = vector.shape_cast %broadcast_in_dim3A_746 : vector<16x1xi32> to vector<16xi32>
        %gather3A_748 = tpu.dynamic_gather %get3A_732[%gather3A_747] in [0] : vector<16xf32>, vector<16xi32> -> vector<16xf32>
        %select_n3A_749 = arith.select %eq3A_47, %gather3A_748, %select_n3A_745 : vector<16xi1>, vector<16xf32>
        %broadcast_in_dim3A_750 = vector.shape_cast %sub3A : vector<16xi32> to vector<16x1xi32>
        %gather3A_751 = vector.shape_cast %broadcast_in_dim3A_750 : vector<16x1xi32> to vector<16xi32>
        %gather3A_752 = tpu.dynamic_gather %get3A_738[%gather3A_751] in [0] : vector<16xf32>, vector<16xi32> -> vector<16xf32>
        %select_n3A_753 = arith.select %eq3A_50, %gather3A_752, %select_n3A_749 : vector<16xi1>, vector<16xf32>
        %max3A_754 = arith.constant 9.99999996E-13 : f32
        %max3A_755 = vector.broadcast %max3A_754 : f32 to vector<16xf32>
        %max3A_756 = arith.maximumf %select_n3A_753, %max3A_755 : vector<16xf32>
        %bitcast_convert_type3A_757 = tpu.bitcast %max3A_756 : vector<16xf32> -> vector<16xi32>
        %shift_right_logical3A_758 = arith.constant 1 : i32
        %shift_right_logical3A_759 = vector.broadcast %shift_right_logical3A_758 : i32 to vector<16xi32>
        %shift_right_logical3A_760 = arith.shrui %bitcast_convert_type3A_757, %shift_right_logical3A_759 : vector<16xi32>
        %sub3A_761 = arith.constant 1597463007 : i32
        %sub3A_762 = vector.broadcast %sub3A_761 : i32 to vector<16xi32>
        %sub3A_763 = arith.subi %sub3A_762, %shift_right_logical3A_760 : vector<16xi32>
        %bitcast_convert_type3A_764 = tpu.bitcast %sub3A_763 : vector<16xi32> -> vector<16xf32>
        %mul3A_765 = arith.constant 5.000000e-01 : f32
        %mul3A_766 = vector.broadcast %mul3A_765 : f32 to vector<16xf32>
        %mul3A_767 = arith.mulf %mul3A_766, %max3A_756 : vector<16xf32>
        %mul3A_768 = arith.mulf %mul3A_767, %bitcast_convert_type3A_764 : vector<16xf32>
        %mul3A_769 = arith.mulf %mul3A_768, %bitcast_convert_type3A_764 : vector<16xf32>
        %sub3A_770 = arith.constant 1.500000e+00 : f32
        %sub3A_771 = vector.broadcast %sub3A_770 : f32 to vector<16xf32>
        %sub3A_772 = arith.subf %sub3A_771, %mul3A_769 : vector<16xf32>
        %mul3A_773 = arith.mulf %bitcast_convert_type3A_764, %sub3A_772 : vector<16xf32>
        %mul3A_774 = arith.constant 5.000000e-01 : f32
        %mul3A_775 = vector.broadcast %mul3A_774 : f32 to vector<16xf32>
        %mul3A_776 = arith.mulf %mul3A_775, %max3A_756 : vector<16xf32>
        %mul3A_777 = arith.mulf %mul3A_776, %mul3A_773 : vector<16xf32>
        %mul3A_778 = arith.mulf %mul3A_777, %mul3A_773 : vector<16xf32>
        %sub3A_779 = arith.constant 1.500000e+00 : f32
        %sub3A_780 = vector.broadcast %sub3A_779 : f32 to vector<16xf32>
        %sub3A_781 = arith.subf %sub3A_780, %mul3A_778 : vector<16xf32>
        %mul3A_782 = arith.mulf %mul3A_773, %sub3A_781 : vector<16xf32>
        %mul3A_783 = arith.mulf %select_n3A_753, %mul3A_782 : vector<16xf32>
        %broadcast_in_dim3A_784 = vector.shape_cast %get3A_25 : vector<16xi32> to vector<16x1xi32>
        %gather3A_785 = vector.shape_cast %broadcast_in_dim3A_784 : vector<16x1xi32> to vector<16xi32>
        %gather3A_786 = tpu.dynamic_gather %mul3A_783[%gather3A_785] in [0] : vector<16xf32>, vector<16xi32> -> vector<16xf32>
        %mul3A_787 = arith.mulf %neg3A_8, %gather3A_786 : vector<16xf32>
        %exp3A_788 = math.exp %mul3A_787 : vector<16xf32>
        %swap3A_789 = arith.constant 0 : i32
        %swap3A_790 = arith.constant 1 : i32
        %swap3A_791 = arith.index_cast %swap3A_789 : i32 to index
        %swap3A_792 = arith.index_cast %swap3A_790 : i32 to index
        %swap3A_793 = arith.index_cast %scan3A_712 : i32 to index
        %swap3A_794 = arith.constant 0 : index
        %swap3A_795 = tpu.vector_load %arg7[%swap3A_791, %swap3A_792, %swap3A_793, %swap3A_794] {strides = array<i32>} : memref<2x2x128x48xf32, #tpu.memory_space<vmem>>, vector<1x1x1x16xf32>,
        %swap3A_796 = vector.shape_cast %swap3A_795 : vector<1x1x1x16xf32> to vector<16xf32>
        %swap3A_797 = vector.shape_cast %exp3A_788 : vector<16xf32> to vector<1x1x1x16xf32>
        tpu.vector_store %arg7[%swap3A_791, %swap3A_792, %swap3A_793, %swap3A_794], %swap3A_797 {strides = array<i32>} : memref<2x2x128x48xf32, #tpu.memory_space<vmem>>, vector<1x1x1x16xf32>,
        %broadcast_in_dim3A_798 = vector.shape_cast %get3A_28 : vector<16xi32> to vector<16x1xi32>
        %gather3A_799 = vector.shape_cast %broadcast_in_dim3A_798 : vector<16x1xi32> to vector<16xi32>
        %gather3A_800 = tpu.dynamic_gather %mul3A_783[%gather3A_799] in [0] : vector<16xf32>, vector<16xi32> -> vector<16xf32>
        %mul3A_801 = arith.mulf %neg3A_15, %gather3A_800 : vector<16xf32>
        %exp3A_802 = math.exp %mul3A_801 : vector<16xf32>
        %swap3A_803 = arith.constant 0 : i32
        %swap3A_804 = arith.constant 1 : i32
        %swap3A_805 = arith.index_cast %swap3A_803 : i32 to index
        %swap3A_806 = arith.index_cast %swap3A_804 : i32 to index
        %swap3A_807 = arith.index_cast %scan3A_712 : i32 to index
        %swap3A_808 = arith.constant 16 : index
        %swap3A_809 = tpu.vector_load %arg7[%swap3A_805, %swap3A_806, %swap3A_807, %swap3A_808] {strides = array<i32>} : memref<2x2x128x48xf32, #tpu.memory_space<vmem>>, vector<1x1x1x16xf32>,
        %swap3A_810 = vector.shape_cast %swap3A_809 : vector<1x1x1x16xf32> to vector<16xf32>
        %swap3A_811 = vector.shape_cast %exp3A_802 : vector<16xf32> to vector<1x1x1x16xf32>
        tpu.vector_store %arg7[%swap3A_805, %swap3A_806, %swap3A_807, %swap3A_808], %swap3A_811 {strides = array<i32>} : memref<2x2x128x48xf32, #tpu.memory_space<vmem>>, vector<1x1x1x16xf32>,
        %broadcast_in_dim3A_812 = vector.shape_cast %get3A_31 : vector<16xi32> to vector<16x1xi32>
        %gather3A_813 = vector.shape_cast %broadcast_in_dim3A_812 : vector<16x1xi32> to vector<16xi32>
        %gather3A_814 = tpu.dynamic_gather %mul3A_783[%gather3A_813] in [0] : vector<16xf32>, vector<16xi32> -> vector<16xf32>
        %mul3A_815 = arith.mulf %neg3A_22, %gather3A_814 : vector<16xf32>
        %exp3A_816 = math.exp %mul3A_815 : vector<16xf32>
        %swap3A_817 = arith.constant 0 : i32
        %swap3A_818 = arith.constant 1 : i32
        %swap3A_819 = arith.index_cast %swap3A_817 : i32 to index
        %swap3A_820 = arith.index_cast %swap3A_818 : i32 to index
        %swap3A_821 = arith.index_cast %scan3A_712 : i32 to index
        %swap3A_822 = arith.constant 32 : index
        %swap3A_823 = tpu.vector_load %arg7[%swap3A_819, %swap3A_820, %swap3A_821, %swap3A_822] {strides = array<i32>} : memref<2x2x128x48xf32, #tpu.memory_space<vmem>>, vector<1x1x1x16xf32>,
        %swap3A_824 = vector.shape_cast %swap3A_823 : vector<1x1x1x16xf32> to vector<16xf32>
        %swap3A_825 = vector.shape_cast %exp3A_816 : vector<16xf32> to vector<1x1x1x16xf32>
        tpu.vector_store %arg7[%swap3A_819, %swap3A_820, %swap3A_821, %swap3A_822], %swap3A_825 {strides = array<i32>} : memref<2x2x128x48xf32, #tpu.memory_space<vmem>>, vector<1x1x1x16xf32>,
        %scan3A_826 = arith.constant 0 : i32
        %scan3A_827 = arith.constant 5 : i32
        %scan3A_828 = arith.addi %scan3A_254, %scan3A_827 : i32
        %add3A_829 = arith.constant 128 : i32
        %add3A_830 = arith.addi %add3A_829, %scan3A_828 : i32
        %get3A_831 = arith.constant 0 : i32
        %get3A_832 = arith.index_cast %get3A_831 : i32 to index
        %get3A_833 = arith.index_cast %add3A_830 : i32 to index
        %get3A_834 = arith.constant 0 : index
        %get3A_835 = tpu.vector_load %arg6[%get3A_832, %get3A_833, %get3A_834] {strides = array<i32>} : memref<2x256x64xf32, #tpu.memory_space<vmem>>, vector<1x1x16xf32>,
        %get3A_836 = vector.shape_cast %get3A_835 : vector<1x1x16xf32> to vector<16xf32>
        %get3A_837 = arith.constant 0 : i32
        %get3A_838 = arith.index_cast %get3A_837 : i32 to index
        %get3A_839 = arith.index_cast %add3A_830 : i32 to index
        %get3A_840 = arith.constant 16 : index
        %get3A_841 = tpu.vector_load %arg6[%get3A_838, %get3A_839, %get3A_840] {strides = array<i32>} : memref<2x256x64xf32, #tpu.memory_space<vmem>>, vector<1x1x16xf32>,
        %get3A_842 = vector.shape_cast %get3A_841 : vector<1x1x16xf32> to vector<16xf32>
        %get3A_843 = arith.constant 0 : i32
        %get3A_844 = arith.index_cast %get3A_843 : i32 to index
        %get3A_845 = arith.index_cast %add3A_830 : i32 to index
        %get3A_846 = arith.constant 32 : index
        %get3A_847 = tpu.vector_load %arg6[%get3A_844, %get3A_845, %get3A_846] {strides = array<i32>} : memref<2x256x64xf32, #tpu.memory_space<vmem>>, vector<1x1x16xf32>,
        %get3A_848 = vector.shape_cast %get3A_847 : vector<1x1x16xf32> to vector<16xf32>
        %get3A_849 = arith.constant 0 : i32
        %get3A_850 = arith.index_cast %get3A_849 : i32 to index
        %get3A_851 = arith.index_cast %add3A_830 : i32 to index
        %get3A_852 = arith.constant 48 : index
        %get3A_853 = tpu.vector_load %arg6[%get3A_850, %get3A_851, %get3A_852] {strides = array<i32>} : memref<2x256x64xf32, #tpu.memory_space<vmem>>, vector<1x1x16xf32>,
        %get3A_854 = vector.shape_cast %get3A_853 : vector<1x1x16xf32> to vector<16xf32>
        %broadcast_in_dim3A_855 = vector.shape_cast %sub3A : vector<16xi32> to vector<16x1xi32>
        %gather3A_856 = vector.shape_cast %broadcast_in_dim3A_855 : vector<16x1xi32> to vector<16xi32>
        %gather3A_857 = tpu.dynamic_gather %get3A_836[%gather3A_856] in [0] : vector<16xf32>, vector<16xi32> -> vector<16xf32>
        %broadcast_in_dim3A_858 = vector.shape_cast %sub3A : vector<16xi32> to vector<16x1xi32>
        %gather3A_859 = vector.shape_cast %broadcast_in_dim3A_858 : vector<16x1xi32> to vector<16xi32>
        %gather3A_860 = tpu.dynamic_gather %get3A_842[%gather3A_859] in [0] : vector<16xf32>, vector<16xi32> -> vector<16xf32>
        %select_n3A_861 = arith.select %eq3A_44, %gather3A_860, %gather3A_857 : vector<16xi1>, vector<16xf32>
        %broadcast_in_dim3A_862 = vector.shape_cast %sub3A : vector<16xi32> to vector<16x1xi32>
        %gather3A_863 = vector.shape_cast %broadcast_in_dim3A_862 : vector<16x1xi32> to vector<16xi32>
        %gather3A_864 = tpu.dynamic_gather %get3A_848[%gather3A_863] in [0] : vector<16xf32>, vector<16xi32> -> vector<16xf32>
        %select_n3A_865 = arith.select %eq3A_47, %gather3A_864, %select_n3A_861 : vector<16xi1>, vector<16xf32>
        %broadcast_in_dim3A_866 = vector.shape_cast %sub3A : vector<16xi32> to vector<16x1xi32>
        %gather3A_867 = vector.shape_cast %broadcast_in_dim3A_866 : vector<16x1xi32> to vector<16xi32>
        %gather3A_868 = tpu.dynamic_gather %get3A_854[%gather3A_867] in [0] : vector<16xf32>, vector<16xi32> -> vector<16xf32>
        %select_n3A_869 = arith.select %eq3A_50, %gather3A_868, %select_n3A_865 : vector<16xi1>, vector<16xf32>
        %max3A_870 = arith.constant 9.99999996E-13 : f32
        %max3A_871 = vector.broadcast %max3A_870 : f32 to vector<16xf32>
        %max3A_872 = arith.maximumf %select_n3A_869, %max3A_871 : vector<16xf32>
        %bitcast_convert_type3A_873 = tpu.bitcast %max3A_872 : vector<16xf32> -> vector<16xi32>
        %shift_right_logical3A_874 = arith.constant 1 : i32
        %shift_right_logical3A_875 = vector.broadcast %shift_right_logical3A_874 : i32 to vector<16xi32>
        %shift_right_logical3A_876 = arith.shrui %bitcast_convert_type3A_873, %shift_right_logical3A_875 : vector<16xi32>
        %sub3A_877 = arith.constant 1597463007 : i32
        %sub3A_878 = vector.broadcast %sub3A_877 : i32 to vector<16xi32>
        %sub3A_879 = arith.subi %sub3A_878, %shift_right_logical3A_876 : vector<16xi32>
        %bitcast_convert_type3A_880 = tpu.bitcast %sub3A_879 : vector<16xi32> -> vector<16xf32>
        %mul3A_881 = arith.constant 5.000000e-01 : f32
        %mul3A_882 = vector.broadcast %mul3A_881 : f32 to vector<16xf32>
        %mul3A_883 = arith.mulf %mul3A_882, %max3A_872 : vector<16xf32>
        %mul3A_884 = arith.mulf %mul3A_883, %bitcast_convert_type3A_880 : vector<16xf32>
        %mul3A_885 = arith.mulf %mul3A_884, %bitcast_convert_type3A_880 : vector<16xf32>
        %sub3A_886 = arith.constant 1.500000e+00 : f32
        %sub3A_887 = vector.broadcast %sub3A_886 : f32 to vector<16xf32>
        %sub3A_888 = arith.subf %sub3A_887, %mul3A_885 : vector<16xf32>
        %mul3A_889 = arith.mulf %bitcast_convert_type3A_880, %sub3A_888 : vector<16xf32>
        %mul3A_890 = arith.constant 5.000000e-01 : f32
        %mul3A_891 = vector.broadcast %mul3A_890 : f32 to vector<16xf32>
        %mul3A_892 = arith.mulf %mul3A_891, %max3A_872 : vector<16xf32>
        %mul3A_893 = arith.mulf %mul3A_892, %mul3A_889 : vector<16xf32>
        %mul3A_894 = arith.mulf %mul3A_893, %mul3A_889 : vector<16xf32>
        %sub3A_895 = arith.constant 1.500000e+00 : f32
        %sub3A_896 = vector.broadcast %sub3A_895 : f32 to vector<16xf32>
        %sub3A_897 = arith.subf %sub3A_896, %mul3A_894 : vector<16xf32>
        %mul3A_898 = arith.mulf %mul3A_889, %sub3A_897 : vector<16xf32>
        %mul3A_899 = arith.mulf %select_n3A_869, %mul3A_898 : vector<16xf32>
        %broadcast_in_dim3A_900 = vector.shape_cast %get3A_25 : vector<16xi32> to vector<16x1xi32>
        %gather3A_901 = vector.shape_cast %broadcast_in_dim3A_900 : vector<16x1xi32> to vector<16xi32>
        %gather3A_902 = tpu.dynamic_gather %mul3A_899[%gather3A_901] in [0] : vector<16xf32>, vector<16xi32> -> vector<16xf32>
        %mul3A_903 = arith.mulf %neg3A_8, %gather3A_902 : vector<16xf32>
        %exp3A_904 = math.exp %mul3A_903 : vector<16xf32>
        %swap3A_905 = arith.constant 0 : i32
        %swap3A_906 = arith.constant 1 : i32
        %swap3A_907 = arith.index_cast %swap3A_905 : i32 to index
        %swap3A_908 = arith.index_cast %swap3A_906 : i32 to index
        %swap3A_909 = arith.index_cast %scan3A_828 : i32 to index
        %swap3A_910 = arith.constant 0 : index
        %swap3A_911 = tpu.vector_load %arg7[%swap3A_907, %swap3A_908, %swap3A_909, %swap3A_910] {strides = array<i32>} : memref<2x2x128x48xf32, #tpu.memory_space<vmem>>, vector<1x1x1x16xf32>,
        %swap3A_912 = vector.shape_cast %swap3A_911 : vector<1x1x1x16xf32> to vector<16xf32>
        %swap3A_913 = vector.shape_cast %exp3A_904 : vector<16xf32> to vector<1x1x1x16xf32>
        tpu.vector_store %arg7[%swap3A_907, %swap3A_908, %swap3A_909, %swap3A_910], %swap3A_913 {strides = array<i32>} : memref<2x2x128x48xf32, #tpu.memory_space<vmem>>, vector<1x1x1x16xf32>,
        %broadcast_in_dim3A_914 = vector.shape_cast %get3A_28 : vector<16xi32> to vector<16x1xi32>
        %gather3A_915 = vector.shape_cast %broadcast_in_dim3A_914 : vector<16x1xi32> to vector<16xi32>
        %gather3A_916 = tpu.dynamic_gather %mul3A_899[%gather3A_915] in [0] : vector<16xf32>, vector<16xi32> -> vector<16xf32>
        %mul3A_917 = arith.mulf %neg3A_15, %gather3A_916 : vector<16xf32>
        %exp3A_918 = math.exp %mul3A_917 : vector<16xf32>
        %swap3A_919 = arith.constant 0 : i32
        %swap3A_920 = arith.constant 1 : i32
        %swap3A_921 = arith.index_cast %swap3A_919 : i32 to index
        %swap3A_922 = arith.index_cast %swap3A_920 : i32 to index
        %swap3A_923 = arith.index_cast %scan3A_828 : i32 to index
        %swap3A_924 = arith.constant 16 : index
        %swap3A_925 = tpu.vector_load %arg7[%swap3A_921, %swap3A_922, %swap3A_923, %swap3A_924] {strides = array<i32>} : memref<2x2x128x48xf32, #tpu.memory_space<vmem>>, vector<1x1x1x16xf32>,
        %swap3A_926 = vector.shape_cast %swap3A_925 : vector<1x1x1x16xf32> to vector<16xf32>
        %swap3A_927 = vector.shape_cast %exp3A_918 : vector<16xf32> to vector<1x1x1x16xf32>
        tpu.vector_store %arg7[%swap3A_921, %swap3A_922, %swap3A_923, %swap3A_924], %swap3A_927 {strides = array<i32>} : memref<2x2x128x48xf32, #tpu.memory_space<vmem>>, vector<1x1x1x16xf32>,
        %broadcast_in_dim3A_928 = vector.shape_cast %get3A_31 : vector<16xi32> to vector<16x1xi32>
        %gather3A_929 = vector.shape_cast %broadcast_in_dim3A_928 : vector<16x1xi32> to vector<16xi32>
        %gather3A_930 = tpu.dynamic_gather %mul3A_899[%gather3A_929] in [0] : vector<16xf32>, vector<16xi32> -> vector<16xf32>
        %mul3A_931 = arith.mulf %neg3A_22, %gather3A_930 : vector<16xf32>
        %exp3A_932 = math.exp %mul3A_931 : vector<16xf32>
        %swap3A_933 = arith.constant 0 : i32
        %swap3A_934 = arith.constant 1 : i32
        %swap3A_935 = arith.index_cast %swap3A_933 : i32 to index
        %swap3A_936 = arith.index_cast %swap3A_934 : i32 to index
        %swap3A_937 = arith.index_cast %scan3A_828 : i32 to index
        %swap3A_938 = arith.constant 32 : index
        %swap3A_939 = tpu.vector_load %arg7[%swap3A_935, %swap3A_936, %swap3A_937, %swap3A_938] {strides = array<i32>} : memref<2x2x128x48xf32, #tpu.memory_space<vmem>>, vector<1x1x1x16xf32>,
        %swap3A_940 = vector.shape_cast %swap3A_939 : vector<1x1x1x16xf32> to vector<16xf32>
        %swap3A_941 = vector.shape_cast %exp3A_932 : vector<16xf32> to vector<1x1x1x16xf32>
        tpu.vector_store %arg7[%swap3A_935, %swap3A_936, %swap3A_937, %swap3A_938], %swap3A_941 {strides = array<i32>} : memref<2x2x128x48xf32, #tpu.memory_space<vmem>>, vector<1x1x1x16xf32>,
        %scan3A_942 = arith.constant 0 : i32
        %scan3A_943 = arith.constant 6 : i32
        %scan3A_944 = arith.addi %scan3A_254, %scan3A_943 : i32
        %add3A_945 = arith.constant 128 : i32
        %add3A_946 = arith.addi %add3A_945, %scan3A_944 : i32
        %get3A_947 = arith.constant 0 : i32
        %get3A_948 = arith.index_cast %get3A_947 : i32 to index
        %get3A_949 = arith.index_cast %add3A_946 : i32 to index
        %get3A_950 = arith.constant 0 : index
        %get3A_951 = tpu.vector_load %arg6[%get3A_948, %get3A_949, %get3A_950] {strides = array<i32>} : memref<2x256x64xf32, #tpu.memory_space<vmem>>, vector<1x1x16xf32>,
        %get3A_952 = vector.shape_cast %get3A_951 : vector<1x1x16xf32> to vector<16xf32>
        %get3A_953 = arith.constant 0 : i32
        %get3A_954 = arith.index_cast %get3A_953 : i32 to index
        %get3A_955 = arith.index_cast %add3A_946 : i32 to index
        %get3A_956 = arith.constant 16 : index
        %get3A_957 = tpu.vector_load %arg6[%get3A_954, %get3A_955, %get3A_956] {strides = array<i32>} : memref<2x256x64xf32, #tpu.memory_space<vmem>>, vector<1x1x16xf32>,
        %get3A_958 = vector.shape_cast %get3A_957 : vector<1x1x16xf32> to vector<16xf32>
        %get3A_959 = arith.constant 0 : i32
        %get3A_960 = arith.index_cast %get3A_959 : i32 to index
        %get3A_961 = arith.index_cast %add3A_946 : i32 to index
        %get3A_962 = arith.constant 32 : index
        %get3A_963 = tpu.vector_load %arg6[%get3A_960, %get3A_961, %get3A_962] {strides = array<i32>} : memref<2x256x64xf32, #tpu.memory_space<vmem>>, vector<1x1x16xf32>,
        %get3A_964 = vector.shape_cast %get3A_963 : vector<1x1x16xf32> to vector<16xf32>
        %get3A_965 = arith.constant 0 : i32
        %get3A_966 = arith.index_cast %get3A_965 : i32 to index
        %get3A_967 = arith.index_cast %add3A_946 : i32 to index
        %get3A_968 = arith.constant 48 : index
        %get3A_969 = tpu.vector_load %arg6[%get3A_966, %get3A_967, %get3A_968] {strides = array<i32>} : memref<2x256x64xf32, #tpu.memory_space<vmem>>, vector<1x1x16xf32>,
        %get3A_970 = vector.shape_cast %get3A_969 : vector<1x1x16xf32> to vector<16xf32>
        %broadcast_in_dim3A_971 = vector.shape_cast %sub3A : vector<16xi32> to vector<16x1xi32>
        %gather3A_972 = vector.shape_cast %broadcast_in_dim3A_971 : vector<16x1xi32> to vector<16xi32>
        %gather3A_973 = tpu.dynamic_gather %get3A_952[%gather3A_972] in [0] : vector<16xf32>, vector<16xi32> -> vector<16xf32>
        %broadcast_in_dim3A_974 = vector.shape_cast %sub3A : vector<16xi32> to vector<16x1xi32>
        %gather3A_975 = vector.shape_cast %broadcast_in_dim3A_974 : vector<16x1xi32> to vector<16xi32>
        %gather3A_976 = tpu.dynamic_gather %get3A_958[%gather3A_975] in [0] : vector<16xf32>, vector<16xi32> -> vector<16xf32>
        %select_n3A_977 = arith.select %eq3A_44, %gather3A_976, %gather3A_973 : vector<16xi1>, vector<16xf32>
        %broadcast_in_dim3A_978 = vector.shape_cast %sub3A : vector<16xi32> to vector<16x1xi32>
        %gather3A_979 = vector.shape_cast %broadcast_in_dim3A_978 : vector<16x1xi32> to vector<16xi32>
        %gather3A_980 = tpu.dynamic_gather %get3A_964[%gather3A_979] in [0] : vector<16xf32>, vector<16xi32> -> vector<16xf32>
        %select_n3A_981 = arith.select %eq3A_47, %gather3A_980, %select_n3A_977 : vector<16xi1>, vector<16xf32>
        %broadcast_in_dim3A_982 = vector.shape_cast %sub3A : vector<16xi32> to vector<16x1xi32>
        %gather3A_983 = vector.shape_cast %broadcast_in_dim3A_982 : vector<16x1xi32> to vector<16xi32>
        %gather3A_984 = tpu.dynamic_gather %get3A_970[%gather3A_983] in [0] : vector<16xf32>, vector<16xi32> -> vector<16xf32>
        %select_n3A_985 = arith.select %eq3A_50, %gather3A_984, %select_n3A_981 : vector<16xi1>, vector<16xf32>
        %max3A_986 = arith.constant 9.99999996E-13 : f32
        %max3A_987 = vector.broadcast %max3A_986 : f32 to vector<16xf32>
        %max3A_988 = arith.maximumf %select_n3A_985, %max3A_987 : vector<16xf32>
        %bitcast_convert_type3A_989 = tpu.bitcast %max3A_988 : vector<16xf32> -> vector<16xi32>
        %shift_right_logical3A_990 = arith.constant 1 : i32
        %shift_right_logical3A_991 = vector.broadcast %shift_right_logical3A_990 : i32 to vector<16xi32>
        %shift_right_logical3A_992 = arith.shrui %bitcast_convert_type3A_989, %shift_right_logical3A_991 : vector<16xi32>
        %sub3A_993 = arith.constant 1597463007 : i32
        %sub3A_994 = vector.broadcast %sub3A_993 : i32 to vector<16xi32>
        %sub3A_995 = arith.subi %sub3A_994, %shift_right_logical3A_992 : vector<16xi32>
        %bitcast_convert_type3A_996 = tpu.bitcast %sub3A_995 : vector<16xi32> -> vector<16xf32>
        %mul3A_997 = arith.constant 5.000000e-01 : f32
        %mul3A_998 = vector.broadcast %mul3A_997 : f32 to vector<16xf32>
        %mul3A_999 = arith.mulf %mul3A_998, %max3A_988 : vector<16xf32>
        %mul3A_1000 = arith.mulf %mul3A_999, %bitcast_convert_type3A_996 : vector<16xf32>
        %mul3A_1001 = arith.mulf %mul3A_1000, %bitcast_convert_type3A_996 : vector<16xf32>
        %sub3A_1002 = arith.constant 1.500000e+00 : f32
        %sub3A_1003 = vector.broadcast %sub3A_1002 : f32 to vector<16xf32>
        %sub3A_1004 = arith.subf %sub3A_1003, %mul3A_1001 : vector<16xf32>
        %mul3A_1005 = arith.mulf %bitcast_convert_type3A_996, %sub3A_1004 : vector<16xf32>
        %mul3A_1006 = arith.constant 5.000000e-01 : f32
        %mul3A_1007 = vector.broadcast %mul3A_1006 : f32 to vector<16xf32>
        %mul3A_1008 = arith.mulf %mul3A_1007, %max3A_988 : vector<16xf32>
        %mul3A_1009 = arith.mulf %mul3A_1008, %mul3A_1005 : vector<16xf32>
        %mul3A_1010 = arith.mulf %mul3A_1009, %mul3A_1005 : vector<16xf32>
        %sub3A_1011 = arith.constant 1.500000e+00 : f32
        %sub3A_1012 = vector.broadcast %sub3A_1011 : f32 to vector<16xf32>
        %sub3A_1013 = arith.subf %sub3A_1012, %mul3A_1010 : vector<16xf32>
        %mul3A_1014 = arith.mulf %mul3A_1005, %sub3A_1013 : vector<16xf32>
        %mul3A_1015 = arith.mulf %select_n3A_985, %mul3A_1014 : vector<16xf32>
        %broadcast_in_dim3A_1016 = vector.shape_cast %get3A_25 : vector<16xi32> to vector<16x1xi32>
        %gather3A_1017 = vector.shape_cast %broadcast_in_dim3A_1016 : vector<16x1xi32> to vector<16xi32>
        %gather3A_1018 = tpu.dynamic_gather %mul3A_1015[%gather3A_1017] in [0] : vector<16xf32>, vector<16xi32> -> vector<16xf32>
        %mul3A_1019 = arith.mulf %neg3A_8, %gather3A_1018 : vector<16xf32>
        %exp3A_1020 = math.exp %mul3A_1019 : vector<16xf32>
        %swap3A_1021 = arith.constant 0 : i32
        %swap3A_1022 = arith.constant 1 : i32
        %swap3A_1023 = arith.index_cast %swap3A_1021 : i32 to index
        %swap3A_1024 = arith.index_cast %swap3A_1022 : i32 to index
        %swap3A_1025 = arith.index_cast %scan3A_944 : i32 to index
        %swap3A_1026 = arith.constant 0 : index
        %swap3A_1027 = tpu.vector_load %arg7[%swap3A_1023, %swap3A_1024, %swap3A_1025, %swap3A_1026] {strides = array<i32>} : memref<2x2x128x48xf32, #tpu.memory_space<vmem>>, vector<1x1x1x16xf32>,
        %swap3A_1028 = vector.shape_cast %swap3A_1027 : vector<1x1x1x16xf32> to vector<16xf32>
        %swap3A_1029 = vector.shape_cast %exp3A_1020 : vector<16xf32> to vector<1x1x1x16xf32>
        tpu.vector_store %arg7[%swap3A_1023, %swap3A_1024, %swap3A_1025, %swap3A_1026], %swap3A_1029 {strides = array<i32>} : memref<2x2x128x48xf32, #tpu.memory_space<vmem>>, vector<1x1x1x16xf32>,
        %broadcast_in_dim3A_1030 = vector.shape_cast %get3A_28 : vector<16xi32> to vector<16x1xi32>
        %gather3A_1031 = vector.shape_cast %broadcast_in_dim3A_1030 : vector<16x1xi32> to vector<16xi32>
        %gather3A_1032 = tpu.dynamic_gather %mul3A_1015[%gather3A_1031] in [0] : vector<16xf32>, vector<16xi32> -> vector<16xf32>
        %mul3A_1033 = arith.mulf %neg3A_15, %gather3A_1032 : vector<16xf32>
        %exp3A_1034 = math.exp %mul3A_1033 : vector<16xf32>
        %swap3A_1035 = arith.constant 0 : i32
        %swap3A_1036 = arith.constant 1 : i32
        %swap3A_1037 = arith.index_cast %swap3A_1035 : i32 to index
        %swap3A_1038 = arith.index_cast %swap3A_1036 : i32 to index
        %swap3A_1039 = arith.index_cast %scan3A_944 : i32 to index
        %swap3A_1040 = arith.constant 16 : index
        %swap3A_1041 = tpu.vector_load %arg7[%swap3A_1037, %swap3A_1038, %swap3A_1039, %swap3A_1040] {strides = array<i32>} : memref<2x2x128x48xf32, #tpu.memory_space<vmem>>, vector<1x1x1x16xf32>,
        %swap3A_1042 = vector.shape_cast %swap3A_1041 : vector<1x1x1x16xf32> to vector<16xf32>
        %swap3A_1043 = vector.shape_cast %exp3A_1034 : vector<16xf32> to vector<1x1x1x16xf32>
        tpu.vector_store %arg7[%swap3A_1037, %swap3A_1038, %swap3A_1039, %swap3A_1040], %swap3A_1043 {strides = array<i32>} : memref<2x2x128x48xf32, #tpu.memory_space<vmem>>, vector<1x1x1x16xf32>,
        %broadcast_in_dim3A_1044 = vector.shape_cast %get3A_31 : vector<16xi32> to vector<16x1xi32>
        %gather3A_1045 = vector.shape_cast %broadcast_in_dim3A_1044 : vector<16x1xi32> to vector<16xi32>
        %gather3A_1046 = tpu.dynamic_gather %mul3A_1015[%gather3A_1045] in [0] : vector<16xf32>, vector<16xi32> -> vector<16xf32>
        %mul3A_1047 = arith.mulf %neg3A_22, %gather3A_1046 : vector<16xf32>
        %exp3A_1048 = math.exp %mul3A_1047 : vector<16xf32>
        %swap3A_1049 = arith.constant 0 : i32
        %swap3A_1050 = arith.constant 1 : i32
        %swap3A_1051 = arith.index_cast %swap3A_1049 : i32 to index
        %swap3A_1052 = arith.index_cast %swap3A_1050 : i32 to index
        %swap3A_1053 = arith.index_cast %scan3A_944 : i32 to index
        %swap3A_1054 = arith.constant 32 : index
        %swap3A_1055 = tpu.vector_load %arg7[%swap3A_1051, %swap3A_1052, %swap3A_1053, %swap3A_1054] {strides = array<i32>} : memref<2x2x128x48xf32, #tpu.memory_space<vmem>>, vector<1x1x1x16xf32>,
        %swap3A_1056 = vector.shape_cast %swap3A_1055 : vector<1x1x1x16xf32> to vector<16xf32>
        %swap3A_1057 = vector.shape_cast %exp3A_1048 : vector<16xf32> to vector<1x1x1x16xf32>
        tpu.vector_store %arg7[%swap3A_1051, %swap3A_1052, %swap3A_1053, %swap3A_1054], %swap3A_1057 {strides = array<i32>} : memref<2x2x128x48xf32, #tpu.memory_space<vmem>>, vector<1x1x1x16xf32>,
        %scan3A_1058 = arith.constant 0 : i32
        %scan3A_1059 = arith.constant 7 : i32
        %scan3A_1060 = arith.addi %scan3A_254, %scan3A_1059 : i32
        %add3A_1061 = arith.constant 128 : i32
        %add3A_1062 = arith.addi %add3A_1061, %scan3A_1060 : i32
        %get3A_1063 = arith.constant 0 : i32
        %get3A_1064 = arith.index_cast %get3A_1063 : i32 to index
        %get3A_1065 = arith.index_cast %add3A_1062 : i32 to index
        %get3A_1066 = arith.constant 0 : index
        %get3A_1067 = tpu.vector_load %arg6[%get3A_1064, %get3A_1065, %get3A_1066] {strides = array<i32>} : memref<2x256x64xf32, #tpu.memory_space<vmem>>, vector<1x1x16xf32>,
        %get3A_1068 = vector.shape_cast %get3A_1067 : vector<1x1x16xf32> to vector<16xf32>
        %get3A_1069 = arith.constant 0 : i32
        %get3A_1070 = arith.index_cast %get3A_1069 : i32 to index
        %get3A_1071 = arith.index_cast %add3A_1062 : i32 to index
        %get3A_1072 = arith.constant 16 : index
        %get3A_1073 = tpu.vector_load %arg6[%get3A_1070, %get3A_1071, %get3A_1072] {strides = array<i32>} : memref<2x256x64xf32, #tpu.memory_space<vmem>>, vector<1x1x16xf32>,
        %get3A_1074 = vector.shape_cast %get3A_1073 : vector<1x1x16xf32> to vector<16xf32>
        %get3A_1075 = arith.constant 0 : i32
        %get3A_1076 = arith.index_cast %get3A_1075 : i32 to index
        %get3A_1077 = arith.index_cast %add3A_1062 : i32 to index
        %get3A_1078 = arith.constant 32 : index
        %get3A_1079 = tpu.vector_load %arg6[%get3A_1076, %get3A_1077, %get3A_1078] {strides = array<i32>} : memref<2x256x64xf32, #tpu.memory_space<vmem>>, vector<1x1x16xf32>,
        %get3A_1080 = vector.shape_cast %get3A_1079 : vector<1x1x16xf32> to vector<16xf32>
        %get3A_1081 = arith.constant 0 : i32
        %get3A_1082 = arith.index_cast %get3A_1081 : i32 to index
        %get3A_1083 = arith.index_cast %add3A_1062 : i32 to index
        %get3A_1084 = arith.constant 48 : index
        %get3A_1085 = tpu.vector_load %arg6[%get3A_1082, %get3A_1083, %get3A_1084] {strides = array<i32>} : memref<2x256x64xf32, #tpu.memory_space<vmem>>, vector<1x1x16xf32>,
        %get3A_1086 = vector.shape_cast %get3A_1085 : vector<1x1x16xf32> to vector<16xf32>
        %broadcast_in_dim3A_1087 = vector.shape_cast %sub3A : vector<16xi32> to vector<16x1xi32>
        %gather3A_1088 = vector.shape_cast %broadcast_in_dim3A_1087 : vector<16x1xi32> to vector<16xi32>
        %gather3A_1089 = tpu.dynamic_gather %get3A_1068[%gather3A_1088] in [0] : vector<16xf32>, vector<16xi32> -> vector<16xf32>
        %broadcast_in_dim3A_1090 = vector.shape_cast %sub3A : vector<16xi32> to vector<16x1xi32>
        %gather3A_1091 = vector.shape_cast %broadcast_in_dim3A_1090 : vector<16x1xi32> to vector<16xi32>
        %gather3A_1092 = tpu.dynamic_gather %get3A_1074[%gather3A_1091] in [0] : vector<16xf32>, vector<16xi32> -> vector<16xf32>
        %select_n3A_1093 = arith.select %eq3A_44, %gather3A_1092, %gather3A_1089 : vector<16xi1>, vector<16xf32>
        %broadcast_in_dim3A_1094 = vector.shape_cast %sub3A : vector<16xi32> to vector<16x1xi32>
        %gather3A_1095 = vector.shape_cast %broadcast_in_dim3A_1094 : vector<16x1xi32> to vector<16xi32>
        %gather3A_1096 = tpu.dynamic_gather %get3A_1080[%gather3A_1095] in [0] : vector<16xf32>, vector<16xi32> -> vector<16xf32>
        %select_n3A_1097 = arith.select %eq3A_47, %gather3A_1096, %select_n3A_1093 : vector<16xi1>, vector<16xf32>
        %broadcast_in_dim3A_1098 = vector.shape_cast %sub3A : vector<16xi32> to vector<16x1xi32>
        %gather3A_1099 = vector.shape_cast %broadcast_in_dim3A_1098 : vector<16x1xi32> to vector<16xi32>
        %gather3A_1100 = tpu.dynamic_gather %get3A_1086[%gather3A_1099] in [0] : vector<16xf32>, vector<16xi32> -> vector<16xf32>
        %select_n3A_1101 = arith.select %eq3A_50, %gather3A_1100, %select_n3A_1097 : vector<16xi1>, vector<16xf32>
        %max3A_1102 = arith.constant 9.99999996E-13 : f32
        %max3A_1103 = vector.broadcast %max3A_1102 : f32 to vector<16xf32>
        %max3A_1104 = arith.maximumf %select_n3A_1101, %max3A_1103 : vector<16xf32>
        %bitcast_convert_type3A_1105 = tpu.bitcast %max3A_1104 : vector<16xf32> -> vector<16xi32>
        %shift_right_logical3A_1106 = arith.constant 1 : i32
        %shift_right_logical3A_1107 = vector.broadcast %shift_right_logical3A_1106 : i32 to vector<16xi32>
        %shift_right_logical3A_1108 = arith.shrui %bitcast_convert_type3A_1105, %shift_right_logical3A_1107 : vector<16xi32>
        %sub3A_1109 = arith.constant 1597463007 : i32
        %sub3A_1110 = vector.broadcast %sub3A_1109 : i32 to vector<16xi32>
        %sub3A_1111 = arith.subi %sub3A_1110, %shift_right_logical3A_1108 : vector<16xi32>
        %bitcast_convert_type3A_1112 = tpu.bitcast %sub3A_1111 : vector<16xi32> -> vector<16xf32>
        %mul3A_1113 = arith.constant 5.000000e-01 : f32
        %mul3A_1114 = vector.broadcast %mul3A_1113 : f32 to vector<16xf32>
        %mul3A_1115 = arith.mulf %mul3A_1114, %max3A_1104 : vector<16xf32>
        %mul3A_1116 = arith.mulf %mul3A_1115, %bitcast_convert_type3A_1112 : vector<16xf32>
        %mul3A_1117 = arith.mulf %mul3A_1116, %bitcast_convert_type3A_1112 : vector<16xf32>
        %sub3A_1118 = arith.constant 1.500000e+00 : f32
        %sub3A_1119 = vector.broadcast %sub3A_1118 : f32 to vector<16xf32>
        %sub3A_1120 = arith.subf %sub3A_1119, %mul3A_1117 : vector<16xf32>
        %mul3A_1121 = arith.mulf %bitcast_convert_type3A_1112, %sub3A_1120 : vector<16xf32>
        %mul3A_1122 = arith.constant 5.000000e-01 : f32
        %mul3A_1123 = vector.broadcast %mul3A_1122 : f32 to vector<16xf32>
        %mul3A_1124 = arith.mulf %mul3A_1123, %max3A_1104 : vector<16xf32>
        %mul3A_1125 = arith.mulf %mul3A_1124, %mul3A_1121 : vector<16xf32>
        %mul3A_1126 = arith.mulf %mul3A_1125, %mul3A_1121 : vector<16xf32>
        %sub3A_1127 = arith.constant 1.500000e+00 : f32
        %sub3A_1128 = vector.broadcast %sub3A_1127 : f32 to vector<16xf32>
        %sub3A_1129 = arith.subf %sub3A_1128, %mul3A_1126 : vector<16xf32>
        %mul3A_1130 = arith.mulf %mul3A_1121, %sub3A_1129 : vector<16xf32>
        %mul3A_1131 = arith.mulf %select_n3A_1101, %mul3A_1130 : vector<16xf32>
        %broadcast_in_dim3A_1132 = vector.shape_cast %get3A_25 : vector<16xi32> to vector<16x1xi32>
        %gather3A_1133 = vector.shape_cast %broadcast_in_dim3A_1132 : vector<16x1xi32> to vector<16xi32>
        %gather3A_1134 = tpu.dynamic_gather %mul3A_1131[%gather3A_1133] in [0] : vector<16xf32>, vector<16xi32> -> vector<16xf32>
        %mul3A_1135 = arith.mulf %neg3A_8, %gather3A_1134 : vector<16xf32>
        %exp3A_1136 = math.exp %mul3A_1135 : vector<16xf32>
        %swap3A_1137 = arith.constant 0 : i32
        %swap3A_1138 = arith.constant 1 : i32
        %swap3A_1139 = arith.index_cast %swap3A_1137 : i32 to index
        %swap3A_1140 = arith.index_cast %swap3A_1138 : i32 to index
        %swap3A_1141 = arith.index_cast %scan3A_1060 : i32 to index
        %swap3A_1142 = arith.constant 0 : index
        %swap3A_1143 = tpu.vector_load %arg7[%swap3A_1139, %swap3A_1140, %swap3A_1141, %swap3A_1142] {strides = array<i32>} : memref<2x2x128x48xf32, #tpu.memory_space<vmem>>, vector<1x1x1x16xf32>,
        %swap3A_1144 = vector.shape_cast %swap3A_1143 : vector<1x1x1x16xf32> to vector<16xf32>
        %swap3A_1145 = vector.shape_cast %exp3A_1136 : vector<16xf32> to vector<1x1x1x16xf32>
        tpu.vector_store %arg7[%swap3A_1139, %swap3A_1140, %swap3A_1141, %swap3A_1142], %swap3A_1145 {strides = array<i32>} : memref<2x2x128x48xf32, #tpu.memory_space<vmem>>, vector<1x1x1x16xf32>,
        %broadcast_in_dim3A_1146 = vector.shape_cast %get3A_28 : vector<16xi32> to vector<16x1xi32>
        %gather3A_1147 = vector.shape_cast %broadcast_in_dim3A_1146 : vector<16x1xi32> to vector<16xi32>
        %gather3A_1148 = tpu.dynamic_gather %mul3A_1131[%gather3A_1147] in [0] : vector<16xf32>, vector<16xi32> -> vector<16xf32>
        %mul3A_1149 = arith.mulf %neg3A_15, %gather3A_1148 : vector<16xf32>
        %exp3A_1150 = math.exp %mul3A_1149 : vector<16xf32>
        %swap3A_1151 = arith.constant 0 : i32
        %swap3A_1152 = arith.constant 1 : i32
        %swap3A_1153 = arith.index_cast %swap3A_1151 : i32 to index
        %swap3A_1154 = arith.index_cast %swap3A_1152 : i32 to index
        %swap3A_1155 = arith.index_cast %scan3A_1060 : i32 to index
        %swap3A_1156 = arith.constant 16 : index
        %swap3A_1157 = tpu.vector_load %arg7[%swap3A_1153, %swap3A_1154, %swap3A_1155, %swap3A_1156] {strides = array<i32>} : memref<2x2x128x48xf32, #tpu.memory_space<vmem>>, vector<1x1x1x16xf32>,
        %swap3A_1158 = vector.shape_cast %swap3A_1157 : vector<1x1x1x16xf32> to vector<16xf32>
        %swap3A_1159 = vector.shape_cast %exp3A_1150 : vector<16xf32> to vector<1x1x1x16xf32>
        tpu.vector_store %arg7[%swap3A_1153, %swap3A_1154, %swap3A_1155, %swap3A_1156], %swap3A_1159 {strides = array<i32>} : memref<2x2x128x48xf32, #tpu.memory_space<vmem>>, vector<1x1x1x16xf32>,
        %broadcast_in_dim3A_1160 = vector.shape_cast %get3A_31 : vector<16xi32> to vector<16x1xi32>
        %gather3A_1161 = vector.shape_cast %broadcast_in_dim3A_1160 : vector<16x1xi32> to vector<16xi32>
        %gather3A_1162 = tpu.dynamic_gather %mul3A_1131[%gather3A_1161] in [0] : vector<16xf32>, vector<16xi32> -> vector<16xf32>
        %mul3A_1163 = arith.mulf %neg3A_22, %gather3A_1162 : vector<16xf32>
        %exp3A_1164 = math.exp %mul3A_1163 : vector<16xf32>
        %swap3A_1165 = arith.constant 0 : i32
        %swap3A_1166 = arith.constant 1 : i32
        %swap3A_1167 = arith.index_cast %swap3A_1165 : i32 to index
        %swap3A_1168 = arith.index_cast %swap3A_1166 : i32 to index
        %swap3A_1169 = arith.index_cast %scan3A_1060 : i32 to index
        %swap3A_1170 = arith.constant 32 : index
        %swap3A_1171 = tpu.vector_load %arg7[%swap3A_1167, %swap3A_1168, %swap3A_1169, %swap3A_1170] {strides = array<i32>} : memref<2x2x128x48xf32, #tpu.memory_space<vmem>>, vector<1x1x1x16xf32>,
        %swap3A_1172 = vector.shape_cast %swap3A_1171 : vector<1x1x1x16xf32> to vector<16xf32>
        %swap3A_1173 = vector.shape_cast %exp3A_1164 : vector<16xf32> to vector<1x1x1x16xf32>
        tpu.vector_store %arg7[%swap3A_1167, %swap3A_1168, %swap3A_1169, %swap3A_1170], %swap3A_1173 {strides = array<i32>} : memref<2x2x128x48xf32, #tpu.memory_space<vmem>>, vector<1x1x1x16xf32>,
        %scan3A_1174 = arith.constant 0 : i32
        scf.yield %scan3A_1174 : i32
      }
      %scan3A_160 = arith.constant 128 : i32
      %mul3A_161 = arith.constant 2 : i32
      %mul3A_162 = arith.muli %add3A_128, %mul3A_161 : i32
      %add3A_163 = arith.addi %mul3A_4, %mul3A_162 : i32
      %dma_start3A_164 = arith.constant 0 : i32
      %dma_start3A_165 = arith.constant 0 : i32
      %dma_start3A_166 = arith.constant 0 : i32
      %dma_start3A_167 = arith.constant 0 : i32
      %dma_start3A_168 = tpu.memref_slice %arg7[%dma_start3A_164, %dma_start3A_165, %dma_start3A_166, %dma_start3A_167] : memref<2x2x128x48xf32, #tpu.memory_space<vmem>> -> memref<1x2x128x48xf32, #tpu.memory_space<vmem>>
      %dma_start3A_169 = tpu.memref_squeeze %dma_start3A_168 : memref<1x2x128x48xf32, #tpu.memory_space<vmem>> -> memref<2x128x48xf32, #tpu.memory_space<vmem>>
      %dma_start3A_170 = arith.constant 0 : i32
      %dma_start3A_171 = arith.constant 0 : i32
      %dma_start3A_172 = tpu.memref_slice %arg5[%add3A_163, %dma_start3A_170, %dma_start3A_171] : memref<4096x128x48xf32, #tpu.memory_space<hbm>> -> memref<2x128x48xf32, #tpu.memory_space<hbm>>
      %dma_start3A_173 = arith.constant 0 : i32
      %dma_start3A_174 = arith.constant 0 : i32
      %dma_start3A_175 = tpu.memref_slice %arg5[%add3A_163, %dma_start3A_173, %dma_start3A_174] : memref<4096x128x48xf32, #tpu.memory_space<hbm>> -> memref<2x128x48xf32, #tpu.memory_space<hbm>>
      %dma_start3A_176 = arith.constant 0 : i32
      %dma_start3A_177 = arith.constant 0 : i32
      %dma_start3A_178 = arith.constant 0 : i32
      %dma_start3A_179 = tpu.memref_slice %arg7[%dma_start3A_164, %dma_start3A_176, %dma_start3A_177, %dma_start3A_178] : memref<2x2x128x48xf32, #tpu.memory_space<vmem>> -> memref<1x2x128x48xf32, #tpu.memory_space<vmem>>
      %dma_start3A_180 = tpu.memref_squeeze %dma_start3A_179 : memref<1x2x128x48xf32, #tpu.memory_space<vmem>> -> memref<2x128x48xf32, #tpu.memory_space<vmem>>
      tpu.enqueue_dma source(%dma_start3A_180 : memref<2x128x48xf32, #tpu.memory_space<vmem>>) target(%dma_start3A_175 : memref<2x128x48xf32, #tpu.memory_space<hbm>>) target_semaphore(%arg12 : memref<!tpu.dma_semaphore, #tpu.memory_space<semaphore_mem>>)
      %add3A_181 = arith.constant 2 : i32
      %add3A_182 = arith.addi %add3A_128, %add3A_181 : i32
      %lt3A = arith.constant 64 : i32
      %lt3A_183 = arith.cmpi slt, %add3A_182, %lt3A : i32
      %convert_element_type3A_184 = arith.extui %lt3A_183 : i1 to i32
      %cond3A_185 = arith.constant 0 : i32
      %cond3A_186 = arith.cmpi ne, %convert_element_type3A_184, %cond3A_185 : i32
      scf.if %cond3A_186 {
        %add3A_254 = arith.constant 2 : i32
        %add3A_255 = arith.addi %add3A_128, %add3A_254 : i32
        %mul3A_256 = arith.constant 256 : i32
        %mul3A_257 = arith.muli %add3A_255, %mul3A_256 : i32
        %add3A_258 = arith.addi %mul3A_2, %mul3A_257 : i32
        %dma_start3A_259 = arith.constant 0 : i32
        %dma_start3A_260 = arith.constant 0 : i32
        %dma_start3A_261 = arith.constant 0 : i32
        %dma_start3A_262 = tpu.memref_slice %arg6[%dma_start3A_259, %dma_start3A_260, %dma_start3A_261] : memref<2x256x64xf32, #tpu.memory_space<vmem>> -> memref<1x256x64xf32, #tpu.memory_space<vmem>>
        %dma_start3A_263 = tpu.memref_squeeze %dma_start3A_262 : memref<1x256x64xf32, #tpu.memory_space<vmem>> -> memref<256x64xf32, #tpu.memory_space<vmem>>
        %dma_start3A_264 = arith.constant 0 : i32
        %dma_start3A_265 = tpu.memref_slice %arg2[%add3A_258, %dma_start3A_264] : memref<524288x64xf32, #tpu.memory_space<hbm>> -> memref<256x64xf32, #tpu.memory_space<hbm>>
        %dma_start3A_266 = arith.constant 0 : i32
        %dma_start3A_267 = arith.constant 0 : i32
        %dma_start3A_268 = tpu.memref_slice %arg6[%dma_start3A_259, %dma_start3A_266, %dma_start3A_267] : memref<2x256x64xf32, #tpu.memory_space<vmem>> -> memref<1x256x64xf32, #tpu.memory_space<vmem>>
        %dma_start3A_269 = tpu.memref_squeeze %dma_start3A_268 : memref<1x256x64xf32, #tpu.memory_space<vmem>> -> memref<256x64xf32, #tpu.memory_space<vmem>>
        %dma_start3A_270 = arith.constant 0 : i32
        %dma_start3A_271 = tpu.memref_slice %arg2[%add3A_258, %dma_start3A_270] : memref<524288x64xf32, #tpu.memory_space<hbm>> -> memref<256x64xf32, #tpu.memory_space<hbm>>
        tpu.enqueue_dma source(%dma_start3A_271 : memref<256x64xf32, #tpu.memory_space<hbm>>) target(%dma_start3A_269 : memref<256x64xf32, #tpu.memory_space<vmem>>) target_semaphore(%arg10 : memref<!tpu.dma_semaphore, #tpu.memory_space<semaphore_mem>>)
      } else {
      }
      %mul3A_187 = arith.constant 2 : i32
      %mul3A_188 = arith.muli %mul3A_187, %scan3A_123 : i32
      %add3A_189 = arith.constant 1 : i32
      %add3A_190 = arith.addi %mul3A_188, %add3A_189 : i32
      %mul3A_191 = arith.constant 256 : i32
      %mul3A_192 = arith.muli %add3A_190, %mul3A_191 : i32
      %add3A_193 = arith.addi %mul3A_2, %mul3A_192 : i32
      %dma_wait3A_194 = arith.constant 1 : i32
      %dma_wait3A_195 = arith.constant 0 : i32
      %dma_wait3A_196 = arith.constant 0 : i32
      %dma_wait3A_197 = tpu.memref_slice %arg6[%dma_wait3A_194, %dma_wait3A_195, %dma_wait3A_196] : memref<2x256x64xf32, #tpu.memory_space<vmem>> -> memref<1x256x64xf32, #tpu.memory_space<vmem>>
      %dma_wait3A_198 = tpu.memref_squeeze %dma_wait3A_197 : memref<1x256x64xf32, #tpu.memory_space<vmem>> -> memref<256x64xf32, #tpu.memory_space<vmem>>
      %dma_wait3A_199 = arith.constant 0 : i32
      %dma_wait3A_200 = tpu.memref_slice %arg2[%add3A_193, %dma_wait3A_199] : memref<524288x64xf32, #tpu.memory_space<hbm>> -> memref<256x64xf32, #tpu.memory_space<hbm>>
      %dma_wait3A_201 = arith.constant 0 : i32
      %dma_wait3A_202 = arith.constant 0 : i32
      %dma_wait3A_203 = tpu.memref_slice %arg6[%dma_wait3A_194, %dma_wait3A_201, %dma_wait3A_202] : memref<2x256x64xf32, #tpu.memory_space<vmem>> -> memref<1x256x64xf32, #tpu.memory_space<vmem>>
      %dma_wait3A_204 = tpu.memref_squeeze %dma_wait3A_203 : memref<1x256x64xf32, #tpu.memory_space<vmem>> -> memref<256x64xf32, #tpu.memory_space<vmem>>
      %dma_wait3A_205 = arith.constant 0 : i32
      %dma_wait3A_206 = tpu.memref_slice %arg2[%add3A_193, %dma_wait3A_205] : memref<524288x64xf32, #tpu.memory_space<hbm>> -> memref<256x64xf32, #tpu.memory_space<hbm>>
      tpu.wait_dma2 semaphore(%arg11 : memref<!tpu.dma_semaphore, #tpu.memory_space<semaphore_mem>>) src(%dma_wait3A_206 : memref<256x64xf32, #tpu.memory_space<hbm>>) dst(%dma_wait3A_204 : memref<256x64xf32, #tpu.memory_space<vmem>>)
      %ge3A_207 = arith.constant 2 : i32
      %ge3A_208 = arith.cmpi sge, %add3A_190, %ge3A_207 : i32
      %convert_element_type3A_209 = arith.extui %ge3A_208 : i1 to i32
      %cond3A_210 = arith.constant 0 : i32
      %cond3A_211 = arith.cmpi ne, %convert_element_type3A_209, %cond3A_210 : i32
      scf.if %cond3A_211 {
        %sub3A_254 = arith.constant 2 : i32
        %sub3A_255 = arith.subi %add3A_190, %sub3A_254 : i32
        %mul3A_256 = arith.constant 2 : i32
        %mul3A_257 = arith.muli %sub3A_255, %mul3A_256 : i32
        %add3A_258 = arith.addi %mul3A_4, %mul3A_257 : i32
        %dma_wait3A_259 = arith.constant 1 : i32
        %dma_wait3A_260 = arith.constant 0 : i32
        %dma_wait3A_261 = arith.constant 0 : i32
        %dma_wait3A_262 = arith.constant 0 : i32
        %dma_wait3A_263 = tpu.memref_slice %arg7[%dma_wait3A_259, %dma_wait3A_260, %dma_wait3A_261, %dma_wait3A_262] : memref<2x2x128x48xf32, #tpu.memory_space<vmem>> -> memref<1x2x128x48xf32, #tpu.memory_space<vmem>>
        %dma_wait3A_264 = tpu.memref_squeeze %dma_wait3A_263 : memref<1x2x128x48xf32, #tpu.memory_space<vmem>> -> memref<2x128x48xf32, #tpu.memory_space<vmem>>
        %dma_wait3A_265 = arith.constant 0 : i32
        %dma_wait3A_266 = arith.constant 0 : i32
        %dma_wait3A_267 = tpu.memref_slice %arg5[%add3A_258, %dma_wait3A_265, %dma_wait3A_266] : memref<4096x128x48xf32, #tpu.memory_space<hbm>> -> memref<2x128x48xf32, #tpu.memory_space<hbm>>
        %dma_wait3A_268 = arith.constant 0 : i32
        %dma_wait3A_269 = arith.constant 0 : i32
        %dma_wait3A_270 = tpu.memref_slice %arg5[%add3A_258, %dma_wait3A_268, %dma_wait3A_269] : memref<4096x128x48xf32, #tpu.memory_space<hbm>> -> memref<2x128x48xf32, #tpu.memory_space<hbm>>
        %dma_wait3A_271 = arith.constant 0 : i32
        %dma_wait3A_272 = arith.constant 0 : i32
        %dma_wait3A_273 = arith.constant 0 : i32
        %dma_wait3A_274 = tpu.memref_slice %arg7[%dma_wait3A_259, %dma_wait3A_271, %dma_wait3A_272, %dma_wait3A_273] : memref<2x2x128x48xf32, #tpu.memory_space<vmem>> -> memref<1x2x128x48xf32, #tpu.memory_space<vmem>>
        %dma_wait3A_275 = tpu.memref_squeeze %dma_wait3A_274 : memref<1x2x128x48xf32, #tpu.memory_space<vmem>> -> memref<2x128x48xf32, #tpu.memory_space<vmem>>
        tpu.wait_dma2 semaphore(%arg13 : memref<!tpu.dma_semaphore, #tpu.memory_space<semaphore_mem>>) src(%dma_wait3A_275 : memref<2x128x48xf32, #tpu.memory_space<vmem>>) dst(%dma_wait3A_270 : memref<2x128x48xf32, #tpu.memory_space<hbm>>)
      } else {
      }
      %scan3A_212 = arith.constant 0 : i32
      %scan3A_213 = arith.constant 0 : i32
      %scan3A_214 = arith.constant 128 : i32
      %scan3A_215 = arith.addi %scan3A_213, %scan3A_214 : i32
      %scan3A_216 = arith.constant 8 : i32
      %scan3A_217 = scf.for %scan3A_254 = %scan3A_213 to %scan3A_215 step %scan3A_216 iter_args(%scan3A_255 = %scan3A_212) -> (i32)  : i32 {
        %add3A_256 = arith.constant 0 : i32
        %add3A_257 = arith.addi %add3A_256, %scan3A_254 : i32
        %get3A_258 = arith.constant 1 : i32
        %get3A_259 = arith.index_cast %get3A_258 : i32 to index
        %get3A_260 = arith.index_cast %add3A_257 : i32 to index
        %get3A_261 = arith.constant 0 : index
        %get3A_262 = tpu.vector_load %arg6[%get3A_259, %get3A_260, %get3A_261] {strides = array<i32>} : memref<2x256x64xf32, #tpu.memory_space<vmem>>, vector<1x1x16xf32>,
        %get3A_263 = vector.shape_cast %get3A_262 : vector<1x1x16xf32> to vector<16xf32>
        %get3A_264 = arith.constant 1 : i32
        %get3A_265 = arith.index_cast %get3A_264 : i32 to index
        %get3A_266 = arith.index_cast %add3A_257 : i32 to index
        %get3A_267 = arith.constant 16 : index
        %get3A_268 = tpu.vector_load %arg6[%get3A_265, %get3A_266, %get3A_267] {strides = array<i32>} : memref<2x256x64xf32, #tpu.memory_space<vmem>>, vector<1x1x16xf32>,
        %get3A_269 = vector.shape_cast %get3A_268 : vector<1x1x16xf32> to vector<16xf32>
        %get3A_270 = arith.constant 1 : i32
        %get3A_271 = arith.index_cast %get3A_270 : i32 to index
        %get3A_272 = arith.index_cast %add3A_257 : i32 to index
        %get3A_273 = arith.constant 32 : index
        %get3A_274 = tpu.vector_load %arg6[%get3A_271, %get3A_272, %get3A_273] {strides = array<i32>} : memref<2x256x64xf32, #tpu.memory_space<vmem>>, vector<1x1x16xf32>,
        %get3A_275 = vector.shape_cast %get3A_274 : vector<1x1x16xf32> to vector<16xf32>
        %get3A_276 = arith.constant 1 : i32
        %get3A_277 = arith.index_cast %get3A_276 : i32 to index
        %get3A_278 = arith.index_cast %add3A_257 : i32 to index
        %get3A_279 = arith.constant 48 : index
        %get3A_280 = tpu.vector_load %arg6[%get3A_277, %get3A_278, %get3A_279] {strides = array<i32>} : memref<2x256x64xf32, #tpu.memory_space<vmem>>, vector<1x1x16xf32>,
        %get3A_281 = vector.shape_cast %get3A_280 : vector<1x1x16xf32> to vector<16xf32>
        %broadcast_in_dim3A = vector.shape_cast %sub3A : vector<16xi32> to vector<16x1xi32>
        %gather3A = vector.shape_cast %broadcast_in_dim3A : vector<16x1xi32> to vector<16xi32>
        %gather3A_282 = tpu.dynamic_gather %get3A_263[%gather3A] in [0] : vector<16xf32>, vector<16xi32> -> vector<16xf32>
        %broadcast_in_dim3A_283 = vector.shape_cast %sub3A : vector<16xi32> to vector<16x1xi32>
        %gather3A_284 = vector.shape_cast %broadcast_in_dim3A_283 : vector<16x1xi32> to vector<16xi32>
        %gather3A_285 = tpu.dynamic_gather %get3A_269[%gather3A_284] in [0] : vector<16xf32>, vector<16xi32> -> vector<16xf32>
        %select_n3A = arith.select %eq3A_44, %gather3A_285, %gather3A_282 : vector<16xi1>, vector<16xf32>
        %broadcast_in_dim3A_286 = vector.shape_cast %sub3A : vector<16xi32> to vector<16x1xi32>
        %gather3A_287 = vector.shape_cast %broadcast_in_dim3A_286 : vector<16x1xi32> to vector<16xi32>
        %gather3A_288 = tpu.dynamic_gather %get3A_275[%gather3A_287] in [0] : vector<16xf32>, vector<16xi32> -> vector<16xf32>
        %select_n3A_289 = arith.select %eq3A_47, %gather3A_288, %select_n3A : vector<16xi1>, vector<16xf32>
        %broadcast_in_dim3A_290 = vector.shape_cast %sub3A : vector<16xi32> to vector<16x1xi32>
        %gather3A_291 = vector.shape_cast %broadcast_in_dim3A_290 : vector<16x1xi32> to vector<16xi32>
        %gather3A_292 = tpu.dynamic_gather %get3A_281[%gather3A_291] in [0] : vector<16xf32>, vector<16xi32> -> vector<16xf32>
        %select_n3A_293 = arith.select %eq3A_50, %gather3A_292, %select_n3A_289 : vector<16xi1>, vector<16xf32>
        %max3A = arith.constant 9.99999996E-13 : f32
        %max3A_294 = vector.broadcast %max3A : f32 to vector<16xf32>
        %max3A_295 = arith.maximumf %select_n3A_293, %max3A_294 : vector<16xf32>
        %bitcast_convert_type3A = tpu.bitcast %max3A_295 : vector<16xf32> -> vector<16xi32>
        %shift_right_logical3A_296 = arith.constant 1 : i32
        %shift_right_logical3A_297 = vector.broadcast %shift_right_logical3A_296 : i32 to vector<16xi32>
        %shift_right_logical3A_298 = arith.shrui %bitcast_convert_type3A, %shift_right_logical3A_297 : vector<16xi32>
        %sub3A_299 = arith.constant 1597463007 : i32
        %sub3A_300 = vector.broadcast %sub3A_299 : i32 to vector<16xi32>
        %sub3A_301 = arith.subi %sub3A_300, %shift_right_logical3A_298 : vector<16xi32>
        %bitcast_convert_type3A_302 = tpu.bitcast %sub3A_301 : vector<16xi32> -> vector<16xf32>
        %mul3A_303 = arith.constant 5.000000e-01 : f32
        %mul3A_304 = vector.broadcast %mul3A_303 : f32 to vector<16xf32>
        %mul3A_305 = arith.mulf %mul3A_304, %max3A_295 : vector<16xf32>
        %mul3A_306 = arith.mulf %mul3A_305, %bitcast_convert_type3A_302 : vector<16xf32>
        %mul3A_307 = arith.mulf %mul3A_306, %bitcast_convert_type3A_302 : vector<16xf32>
        %sub3A_308 = arith.constant 1.500000e+00 : f32
        %sub3A_309 = vector.broadcast %sub3A_308 : f32 to vector<16xf32>
        %sub3A_310 = arith.subf %sub3A_309, %mul3A_307 : vector<16xf32>
        %mul3A_311 = arith.mulf %bitcast_convert_type3A_302, %sub3A_310 : vector<16xf32>
        %mul3A_312 = arith.constant 5.000000e-01 : f32
        %mul3A_313 = vector.broadcast %mul3A_312 : f32 to vector<16xf32>
        %mul3A_314 = arith.mulf %mul3A_313, %max3A_295 : vector<16xf32>
        %mul3A_315 = arith.mulf %mul3A_314, %mul3A_311 : vector<16xf32>
        %mul3A_316 = arith.mulf %mul3A_315, %mul3A_311 : vector<16xf32>
        %sub3A_317 = arith.constant 1.500000e+00 : f32
        %sub3A_318 = vector.broadcast %sub3A_317 : f32 to vector<16xf32>
        %sub3A_319 = arith.subf %sub3A_318, %mul3A_316 : vector<16xf32>
        %mul3A_320 = arith.mulf %mul3A_311, %sub3A_319 : vector<16xf32>
        %mul3A_321 = arith.mulf %select_n3A_293, %mul3A_320 : vector<16xf32>
        %broadcast_in_dim3A_322 = vector.shape_cast %get3A_25 : vector<16xi32> to vector<16x1xi32>
        %gather3A_323 = vector.shape_cast %broadcast_in_dim3A_322 : vector<16x1xi32> to vector<16xi32>
        %gather3A_324 = tpu.dynamic_gather %mul3A_321[%gather3A_323] in [0] : vector<16xf32>, vector<16xi32> -> vector<16xf32>
        %mul3A_325 = arith.mulf %neg3A_8, %gather3A_324 : vector<16xf32>
        %exp3A = math.exp %mul3A_325 : vector<16xf32>
        %swap3A = arith.constant 1 : i32
        %swap3A_326 = arith.constant 0 : i32
        %swap3A_327 = arith.index_cast %swap3A : i32 to index
        %swap3A_328 = arith.index_cast %swap3A_326 : i32 to index
        %swap3A_329 = arith.index_cast %scan3A_254 : i32 to index
        %swap3A_330 = arith.constant 0 : index
        %swap3A_331 = tpu.vector_load %arg7[%swap3A_327, %swap3A_328, %swap3A_329, %swap3A_330] {strides = array<i32>} : memref<2x2x128x48xf32, #tpu.memory_space<vmem>>, vector<1x1x1x16xf32>,
        %swap3A_332 = vector.shape_cast %swap3A_331 : vector<1x1x1x16xf32> to vector<16xf32>
        %swap3A_333 = vector.shape_cast %exp3A : vector<16xf32> to vector<1x1x1x16xf32>
        tpu.vector_store %arg7[%swap3A_327, %swap3A_328, %swap3A_329, %swap3A_330], %swap3A_333 {strides = array<i32>} : memref<2x2x128x48xf32, #tpu.memory_space<vmem>>, vector<1x1x1x16xf32>,
        %broadcast_in_dim3A_334 = vector.shape_cast %get3A_28 : vector<16xi32> to vector<16x1xi32>
        %gather3A_335 = vector.shape_cast %broadcast_in_dim3A_334 : vector<16x1xi32> to vector<16xi32>
        %gather3A_336 = tpu.dynamic_gather %mul3A_321[%gather3A_335] in [0] : vector<16xf32>, vector<16xi32> -> vector<16xf32>
        %mul3A_337 = arith.mulf %neg3A_15, %gather3A_336 : vector<16xf32>
        %exp3A_338 = math.exp %mul3A_337 : vector<16xf32>
        %swap3A_339 = arith.constant 1 : i32
        %swap3A_340 = arith.constant 0 : i32
        %swap3A_341 = arith.index_cast %swap3A_339 : i32 to index
        %swap3A_342 = arith.index_cast %swap3A_340 : i32 to index
        %swap3A_343 = arith.index_cast %scan3A_254 : i32 to index
        %swap3A_344 = arith.constant 16 : index
        %swap3A_345 = tpu.vector_load %arg7[%swap3A_341, %swap3A_342, %swap3A_343, %swap3A_344] {strides = array<i32>} : memref<2x2x128x48xf32, #tpu.memory_space<vmem>>, vector<1x1x1x16xf32>,
        %swap3A_346 = vector.shape_cast %swap3A_345 : vector<1x1x1x16xf32> to vector<16xf32>
        %swap3A_347 = vector.shape_cast %exp3A_338 : vector<16xf32> to vector<1x1x1x16xf32>
        tpu.vector_store %arg7[%swap3A_341, %swap3A_342, %swap3A_343, %swap3A_344], %swap3A_347 {strides = array<i32>} : memref<2x2x128x48xf32, #tpu.memory_space<vmem>>, vector<1x1x1x16xf32>,
        %broadcast_in_dim3A_348 = vector.shape_cast %get3A_31 : vector<16xi32> to vector<16x1xi32>
        %gather3A_349 = vector.shape_cast %broadcast_in_dim3A_348 : vector<16x1xi32> to vector<16xi32>
        %gather3A_350 = tpu.dynamic_gather %mul3A_321[%gather3A_349] in [0] : vector<16xf32>, vector<16xi32> -> vector<16xf32>
        %mul3A_351 = arith.mulf %neg3A_22, %gather3A_350 : vector<16xf32>
        %exp3A_352 = math.exp %mul3A_351 : vector<16xf32>
        %swap3A_353 = arith.constant 1 : i32
        %swap3A_354 = arith.constant 0 : i32
        %swap3A_355 = arith.index_cast %swap3A_353 : i32 to index
        %swap3A_356 = arith.index_cast %swap3A_354 : i32 to index
        %swap3A_357 = arith.index_cast %scan3A_254 : i32 to index
        %swap3A_358 = arith.constant 32 : index
        %swap3A_359 = tpu.vector_load %arg7[%swap3A_355, %swap3A_356, %swap3A_357, %swap3A_358] {strides = array<i32>} : memref<2x2x128x48xf32, #tpu.memory_space<vmem>>, vector<1x1x1x16xf32>,
        %swap3A_360 = vector.shape_cast %swap3A_359 : vector<1x1x1x16xf32> to vector<16xf32>
        %swap3A_361 = vector.shape_cast %exp3A_352 : vector<16xf32> to vector<1x1x1x16xf32>
        tpu.vector_store %arg7[%swap3A_355, %swap3A_356, %swap3A_357, %swap3A_358], %swap3A_361 {strides = array<i32>} : memref<2x2x128x48xf32, #tpu.memory_space<vmem>>, vector<1x1x1x16xf32>,
        %scan3A_362 = arith.constant 0 : i32
        %scan3A_363 = arith.constant 1 : i32
        %scan3A_364 = arith.addi %scan3A_254, %scan3A_363 : i32
        %add3A_365 = arith.constant 0 : i32
        %add3A_366 = arith.addi %add3A_365, %scan3A_364 : i32
        %get3A_367 = arith.constant 1 : i32
        %get3A_368 = arith.index_cast %get3A_367 : i32 to index
        %get3A_369 = arith.index_cast %add3A_366 : i32 to index
        %get3A_370 = arith.constant 0 : index
        %get3A_371 = tpu.vector_load %arg6[%get3A_368, %get3A_369, %get3A_370] {strides = array<i32>} : memref<2x256x64xf32, #tpu.memory_space<vmem>>, vector<1x1x16xf32>,
        %get3A_372 = vector.shape_cast %get3A_371 : vector<1x1x16xf32> to vector<16xf32>
        %get3A_373 = arith.constant 1 : i32
        %get3A_374 = arith.index_cast %get3A_373 : i32 to index
        %get3A_375 = arith.index_cast %add3A_366 : i32 to index
        %get3A_376 = arith.constant 16 : index
        %get3A_377 = tpu.vector_load %arg6[%get3A_374, %get3A_375, %get3A_376] {strides = array<i32>} : memref<2x256x64xf32, #tpu.memory_space<vmem>>, vector<1x1x16xf32>,
        %get3A_378 = vector.shape_cast %get3A_377 : vector<1x1x16xf32> to vector<16xf32>
        %get3A_379 = arith.constant 1 : i32
        %get3A_380 = arith.index_cast %get3A_379 : i32 to index
        %get3A_381 = arith.index_cast %add3A_366 : i32 to index
        %get3A_382 = arith.constant 32 : index
        %get3A_383 = tpu.vector_load %arg6[%get3A_380, %get3A_381, %get3A_382] {strides = array<i32>} : memref<2x256x64xf32, #tpu.memory_space<vmem>>, vector<1x1x16xf32>,
        %get3A_384 = vector.shape_cast %get3A_383 : vector<1x1x16xf32> to vector<16xf32>
        %get3A_385 = arith.constant 1 : i32
        %get3A_386 = arith.index_cast %get3A_385 : i32 to index
        %get3A_387 = arith.index_cast %add3A_366 : i32 to index
        %get3A_388 = arith.constant 48 : index
        %get3A_389 = tpu.vector_load %arg6[%get3A_386, %get3A_387, %get3A_388] {strides = array<i32>} : memref<2x256x64xf32, #tpu.memory_space<vmem>>, vector<1x1x16xf32>,
        %get3A_390 = vector.shape_cast %get3A_389 : vector<1x1x16xf32> to vector<16xf32>
        %broadcast_in_dim3A_391 = vector.shape_cast %sub3A : vector<16xi32> to vector<16x1xi32>
        %gather3A_392 = vector.shape_cast %broadcast_in_dim3A_391 : vector<16x1xi32> to vector<16xi32>
        %gather3A_393 = tpu.dynamic_gather %get3A_372[%gather3A_392] in [0] : vector<16xf32>, vector<16xi32> -> vector<16xf32>
        %broadcast_in_dim3A_394 = vector.shape_cast %sub3A : vector<16xi32> to vector<16x1xi32>
        %gather3A_395 = vector.shape_cast %broadcast_in_dim3A_394 : vector<16x1xi32> to vector<16xi32>
        %gather3A_396 = tpu.dynamic_gather %get3A_378[%gather3A_395] in [0] : vector<16xf32>, vector<16xi32> -> vector<16xf32>
        %select_n3A_397 = arith.select %eq3A_44, %gather3A_396, %gather3A_393 : vector<16xi1>, vector<16xf32>
        %broadcast_in_dim3A_398 = vector.shape_cast %sub3A : vector<16xi32> to vector<16x1xi32>
        %gather3A_399 = vector.shape_cast %broadcast_in_dim3A_398 : vector<16x1xi32> to vector<16xi32>
        %gather3A_400 = tpu.dynamic_gather %get3A_384[%gather3A_399] in [0] : vector<16xf32>, vector<16xi32> -> vector<16xf32>
        %select_n3A_401 = arith.select %eq3A_47, %gather3A_400, %select_n3A_397 : vector<16xi1>, vector<16xf32>
        %broadcast_in_dim3A_402 = vector.shape_cast %sub3A : vector<16xi32> to vector<16x1xi32>
        %gather3A_403 = vector.shape_cast %broadcast_in_dim3A_402 : vector<16x1xi32> to vector<16xi32>
        %gather3A_404 = tpu.dynamic_gather %get3A_390[%gather3A_403] in [0] : vector<16xf32>, vector<16xi32> -> vector<16xf32>
        %select_n3A_405 = arith.select %eq3A_50, %gather3A_404, %select_n3A_401 : vector<16xi1>, vector<16xf32>
        %max3A_406 = arith.constant 9.99999996E-13 : f32
        %max3A_407 = vector.broadcast %max3A_406 : f32 to vector<16xf32>
        %max3A_408 = arith.maximumf %select_n3A_405, %max3A_407 : vector<16xf32>
        %bitcast_convert_type3A_409 = tpu.bitcast %max3A_408 : vector<16xf32> -> vector<16xi32>
        %shift_right_logical3A_410 = arith.constant 1 : i32
        %shift_right_logical3A_411 = vector.broadcast %shift_right_logical3A_410 : i32 to vector<16xi32>
        %shift_right_logical3A_412 = arith.shrui %bitcast_convert_type3A_409, %shift_right_logical3A_411 : vector<16xi32>
        %sub3A_413 = arith.constant 1597463007 : i32
        %sub3A_414 = vector.broadcast %sub3A_413 : i32 to vector<16xi32>
        %sub3A_415 = arith.subi %sub3A_414, %shift_right_logical3A_412 : vector<16xi32>
        %bitcast_convert_type3A_416 = tpu.bitcast %sub3A_415 : vector<16xi32> -> vector<16xf32>
        %mul3A_417 = arith.constant 5.000000e-01 : f32
        %mul3A_418 = vector.broadcast %mul3A_417 : f32 to vector<16xf32>
        %mul3A_419 = arith.mulf %mul3A_418, %max3A_408 : vector<16xf32>
        %mul3A_420 = arith.mulf %mul3A_419, %bitcast_convert_type3A_416 : vector<16xf32>
        %mul3A_421 = arith.mulf %mul3A_420, %bitcast_convert_type3A_416 : vector<16xf32>
        %sub3A_422 = arith.constant 1.500000e+00 : f32
        %sub3A_423 = vector.broadcast %sub3A_422 : f32 to vector<16xf32>
        %sub3A_424 = arith.subf %sub3A_423, %mul3A_421 : vector<16xf32>
        %mul3A_425 = arith.mulf %bitcast_convert_type3A_416, %sub3A_424 : vector<16xf32>
        %mul3A_426 = arith.constant 5.000000e-01 : f32
        %mul3A_427 = vector.broadcast %mul3A_426 : f32 to vector<16xf32>
        %mul3A_428 = arith.mulf %mul3A_427, %max3A_408 : vector<16xf32>
        %mul3A_429 = arith.mulf %mul3A_428, %mul3A_425 : vector<16xf32>
        %mul3A_430 = arith.mulf %mul3A_429, %mul3A_425 : vector<16xf32>
        %sub3A_431 = arith.constant 1.500000e+00 : f32
        %sub3A_432 = vector.broadcast %sub3A_431 : f32 to vector<16xf32>
        %sub3A_433 = arith.subf %sub3A_432, %mul3A_430 : vector<16xf32>
        %mul3A_434 = arith.mulf %mul3A_425, %sub3A_433 : vector<16xf32>
        %mul3A_435 = arith.mulf %select_n3A_405, %mul3A_434 : vector<16xf32>
        %broadcast_in_dim3A_436 = vector.shape_cast %get3A_25 : vector<16xi32> to vector<16x1xi32>
        %gather3A_437 = vector.shape_cast %broadcast_in_dim3A_436 : vector<16x1xi32> to vector<16xi32>
        %gather3A_438 = tpu.dynamic_gather %mul3A_435[%gather3A_437] in [0] : vector<16xf32>, vector<16xi32> -> vector<16xf32>
        %mul3A_439 = arith.mulf %neg3A_8, %gather3A_438 : vector<16xf32>
        %exp3A_440 = math.exp %mul3A_439 : vector<16xf32>
        %swap3A_441 = arith.constant 1 : i32
        %swap3A_442 = arith.constant 0 : i32
        %swap3A_443 = arith.index_cast %swap3A_441 : i32 to index
        %swap3A_444 = arith.index_cast %swap3A_442 : i32 to index
        %swap3A_445 = arith.index_cast %scan3A_364 : i32 to index
        %swap3A_446 = arith.constant 0 : index
        %swap3A_447 = tpu.vector_load %arg7[%swap3A_443, %swap3A_444, %swap3A_445, %swap3A_446] {strides = array<i32>} : memref<2x2x128x48xf32, #tpu.memory_space<vmem>>, vector<1x1x1x16xf32>,
        %swap3A_448 = vector.shape_cast %swap3A_447 : vector<1x1x1x16xf32> to vector<16xf32>
        %swap3A_449 = vector.shape_cast %exp3A_440 : vector<16xf32> to vector<1x1x1x16xf32>
        tpu.vector_store %arg7[%swap3A_443, %swap3A_444, %swap3A_445, %swap3A_446], %swap3A_449 {strides = array<i32>} : memref<2x2x128x48xf32, #tpu.memory_space<vmem>>, vector<1x1x1x16xf32>,
        %broadcast_in_dim3A_450 = vector.shape_cast %get3A_28 : vector<16xi32> to vector<16x1xi32>
        %gather3A_451 = vector.shape_cast %broadcast_in_dim3A_450 : vector<16x1xi32> to vector<16xi32>
        %gather3A_452 = tpu.dynamic_gather %mul3A_435[%gather3A_451] in [0] : vector<16xf32>, vector<16xi32> -> vector<16xf32>
        %mul3A_453 = arith.mulf %neg3A_15, %gather3A_452 : vector<16xf32>
        %exp3A_454 = math.exp %mul3A_453 : vector<16xf32>
        %swap3A_455 = arith.constant 1 : i32
        %swap3A_456 = arith.constant 0 : i32
        %swap3A_457 = arith.index_cast %swap3A_455 : i32 to index
        %swap3A_458 = arith.index_cast %swap3A_456 : i32 to index
        %swap3A_459 = arith.index_cast %scan3A_364 : i32 to index
        %swap3A_460 = arith.constant 16 : index
        %swap3A_461 = tpu.vector_load %arg7[%swap3A_457, %swap3A_458, %swap3A_459, %swap3A_460] {strides = array<i32>} : memref<2x2x128x48xf32, #tpu.memory_space<vmem>>, vector<1x1x1x16xf32>,
        %swap3A_462 = vector.shape_cast %swap3A_461 : vector<1x1x1x16xf32> to vector<16xf32>
        %swap3A_463 = vector.shape_cast %exp3A_454 : vector<16xf32> to vector<1x1x1x16xf32>
        tpu.vector_store %arg7[%swap3A_457, %swap3A_458, %swap3A_459, %swap3A_460], %swap3A_463 {strides = array<i32>} : memref<2x2x128x48xf32, #tpu.memory_space<vmem>>, vector<1x1x1x16xf32>,
        %broadcast_in_dim3A_464 = vector.shape_cast %get3A_31 : vector<16xi32> to vector<16x1xi32>
        %gather3A_465 = vector.shape_cast %broadcast_in_dim3A_464 : vector<16x1xi32> to vector<16xi32>
        %gather3A_466 = tpu.dynamic_gather %mul3A_435[%gather3A_465] in [0] : vector<16xf32>, vector<16xi32> -> vector<16xf32>
        %mul3A_467 = arith.mulf %neg3A_22, %gather3A_466 : vector<16xf32>
        %exp3A_468 = math.exp %mul3A_467 : vector<16xf32>
        %swap3A_469 = arith.constant 1 : i32
        %swap3A_470 = arith.constant 0 : i32
        %swap3A_471 = arith.index_cast %swap3A_469 : i32 to index
        %swap3A_472 = arith.index_cast %swap3A_470 : i32 to index
        %swap3A_473 = arith.index_cast %scan3A_364 : i32 to index
        %swap3A_474 = arith.constant 32 : index
        %swap3A_475 = tpu.vector_load %arg7[%swap3A_471, %swap3A_472, %swap3A_473, %swap3A_474] {strides = array<i32>} : memref<2x2x128x48xf32, #tpu.memory_space<vmem>>, vector<1x1x1x16xf32>,
        %swap3A_476 = vector.shape_cast %swap3A_475 : vector<1x1x1x16xf32> to vector<16xf32>
        %swap3A_477 = vector.shape_cast %exp3A_468 : vector<16xf32> to vector<1x1x1x16xf32>
        tpu.vector_store %arg7[%swap3A_471, %swap3A_472, %swap3A_473, %swap3A_474], %swap3A_477 {strides = array<i32>} : memref<2x2x128x48xf32, #tpu.memory_space<vmem>>, vector<1x1x1x16xf32>,
        %scan3A_478 = arith.constant 0 : i32
        %scan3A_479 = arith.constant 2 : i32
        %scan3A_480 = arith.addi %scan3A_254, %scan3A_479 : i32
        %add3A_481 = arith.constant 0 : i32
        %add3A_482 = arith.addi %add3A_481, %scan3A_480 : i32
        %get3A_483 = arith.constant 1 : i32
        %get3A_484 = arith.index_cast %get3A_483 : i32 to index
        %get3A_485 = arith.index_cast %add3A_482 : i32 to index
        %get3A_486 = arith.constant 0 : index
        %get3A_487 = tpu.vector_load %arg6[%get3A_484, %get3A_485, %get3A_486] {strides = array<i32>} : memref<2x256x64xf32, #tpu.memory_space<vmem>>, vector<1x1x16xf32>,
        %get3A_488 = vector.shape_cast %get3A_487 : vector<1x1x16xf32> to vector<16xf32>
        %get3A_489 = arith.constant 1 : i32
        %get3A_490 = arith.index_cast %get3A_489 : i32 to index
        %get3A_491 = arith.index_cast %add3A_482 : i32 to index
        %get3A_492 = arith.constant 16 : index
        %get3A_493 = tpu.vector_load %arg6[%get3A_490, %get3A_491, %get3A_492] {strides = array<i32>} : memref<2x256x64xf32, #tpu.memory_space<vmem>>, vector<1x1x16xf32>,
        %get3A_494 = vector.shape_cast %get3A_493 : vector<1x1x16xf32> to vector<16xf32>
        %get3A_495 = arith.constant 1 : i32
        %get3A_496 = arith.index_cast %get3A_495 : i32 to index
        %get3A_497 = arith.index_cast %add3A_482 : i32 to index
        %get3A_498 = arith.constant 32 : index
        %get3A_499 = tpu.vector_load %arg6[%get3A_496, %get3A_497, %get3A_498] {strides = array<i32>} : memref<2x256x64xf32, #tpu.memory_space<vmem>>, vector<1x1x16xf32>,
        %get3A_500 = vector.shape_cast %get3A_499 : vector<1x1x16xf32> to vector<16xf32>
        %get3A_501 = arith.constant 1 : i32
        %get3A_502 = arith.index_cast %get3A_501 : i32 to index
        %get3A_503 = arith.index_cast %add3A_482 : i32 to index
        %get3A_504 = arith.constant 48 : index
        %get3A_505 = tpu.vector_load %arg6[%get3A_502, %get3A_503, %get3A_504] {strides = array<i32>} : memref<2x256x64xf32, #tpu.memory_space<vmem>>, vector<1x1x16xf32>,
        %get3A_506 = vector.shape_cast %get3A_505 : vector<1x1x16xf32> to vector<16xf32>
        %broadcast_in_dim3A_507 = vector.shape_cast %sub3A : vector<16xi32> to vector<16x1xi32>
        %gather3A_508 = vector.shape_cast %broadcast_in_dim3A_507 : vector<16x1xi32> to vector<16xi32>
        %gather3A_509 = tpu.dynamic_gather %get3A_488[%gather3A_508] in [0] : vector<16xf32>, vector<16xi32> -> vector<16xf32>
        %broadcast_in_dim3A_510 = vector.shape_cast %sub3A : vector<16xi32> to vector<16x1xi32>
        %gather3A_511 = vector.shape_cast %broadcast_in_dim3A_510 : vector<16x1xi32> to vector<16xi32>
        %gather3A_512 = tpu.dynamic_gather %get3A_494[%gather3A_511] in [0] : vector<16xf32>, vector<16xi32> -> vector<16xf32>
        %select_n3A_513 = arith.select %eq3A_44, %gather3A_512, %gather3A_509 : vector<16xi1>, vector<16xf32>
        %broadcast_in_dim3A_514 = vector.shape_cast %sub3A : vector<16xi32> to vector<16x1xi32>
        %gather3A_515 = vector.shape_cast %broadcast_in_dim3A_514 : vector<16x1xi32> to vector<16xi32>
        %gather3A_516 = tpu.dynamic_gather %get3A_500[%gather3A_515] in [0] : vector<16xf32>, vector<16xi32> -> vector<16xf32>
        %select_n3A_517 = arith.select %eq3A_47, %gather3A_516, %select_n3A_513 : vector<16xi1>, vector<16xf32>
        %broadcast_in_dim3A_518 = vector.shape_cast %sub3A : vector<16xi32> to vector<16x1xi32>
        %gather3A_519 = vector.shape_cast %broadcast_in_dim3A_518 : vector<16x1xi32> to vector<16xi32>
        %gather3A_520 = tpu.dynamic_gather %get3A_506[%gather3A_519] in [0] : vector<16xf32>, vector<16xi32> -> vector<16xf32>
        %select_n3A_521 = arith.select %eq3A_50, %gather3A_520, %select_n3A_517 : vector<16xi1>, vector<16xf32>
        %max3A_522 = arith.constant 9.99999996E-13 : f32
        %max3A_523 = vector.broadcast %max3A_522 : f32 to vector<16xf32>
        %max3A_524 = arith.maximumf %select_n3A_521, %max3A_523 : vector<16xf32>
        %bitcast_convert_type3A_525 = tpu.bitcast %max3A_524 : vector<16xf32> -> vector<16xi32>
        %shift_right_logical3A_526 = arith.constant 1 : i32
        %shift_right_logical3A_527 = vector.broadcast %shift_right_logical3A_526 : i32 to vector<16xi32>
        %shift_right_logical3A_528 = arith.shrui %bitcast_convert_type3A_525, %shift_right_logical3A_527 : vector<16xi32>
        %sub3A_529 = arith.constant 1597463007 : i32
        %sub3A_530 = vector.broadcast %sub3A_529 : i32 to vector<16xi32>
        %sub3A_531 = arith.subi %sub3A_530, %shift_right_logical3A_528 : vector<16xi32>
        %bitcast_convert_type3A_532 = tpu.bitcast %sub3A_531 : vector<16xi32> -> vector<16xf32>
        %mul3A_533 = arith.constant 5.000000e-01 : f32
        %mul3A_534 = vector.broadcast %mul3A_533 : f32 to vector<16xf32>
        %mul3A_535 = arith.mulf %mul3A_534, %max3A_524 : vector<16xf32>
        %mul3A_536 = arith.mulf %mul3A_535, %bitcast_convert_type3A_532 : vector<16xf32>
        %mul3A_537 = arith.mulf %mul3A_536, %bitcast_convert_type3A_532 : vector<16xf32>
        %sub3A_538 = arith.constant 1.500000e+00 : f32
        %sub3A_539 = vector.broadcast %sub3A_538 : f32 to vector<16xf32>
        %sub3A_540 = arith.subf %sub3A_539, %mul3A_537 : vector<16xf32>
        %mul3A_541 = arith.mulf %bitcast_convert_type3A_532, %sub3A_540 : vector<16xf32>
        %mul3A_542 = arith.constant 5.000000e-01 : f32
        %mul3A_543 = vector.broadcast %mul3A_542 : f32 to vector<16xf32>
        %mul3A_544 = arith.mulf %mul3A_543, %max3A_524 : vector<16xf32>
        %mul3A_545 = arith.mulf %mul3A_544, %mul3A_541 : vector<16xf32>
        %mul3A_546 = arith.mulf %mul3A_545, %mul3A_541 : vector<16xf32>
        %sub3A_547 = arith.constant 1.500000e+00 : f32
        %sub3A_548 = vector.broadcast %sub3A_547 : f32 to vector<16xf32>
        %sub3A_549 = arith.subf %sub3A_548, %mul3A_546 : vector<16xf32>
        %mul3A_550 = arith.mulf %mul3A_541, %sub3A_549 : vector<16xf32>
        %mul3A_551 = arith.mulf %select_n3A_521, %mul3A_550 : vector<16xf32>
        %broadcast_in_dim3A_552 = vector.shape_cast %get3A_25 : vector<16xi32> to vector<16x1xi32>
        %gather3A_553 = vector.shape_cast %broadcast_in_dim3A_552 : vector<16x1xi32> to vector<16xi32>
        %gather3A_554 = tpu.dynamic_gather %mul3A_551[%gather3A_553] in [0] : vector<16xf32>, vector<16xi32> -> vector<16xf32>
        %mul3A_555 = arith.mulf %neg3A_8, %gather3A_554 : vector<16xf32>
        %exp3A_556 = math.exp %mul3A_555 : vector<16xf32>
        %swap3A_557 = arith.constant 1 : i32
        %swap3A_558 = arith.constant 0 : i32
        %swap3A_559 = arith.index_cast %swap3A_557 : i32 to index
        %swap3A_560 = arith.index_cast %swap3A_558 : i32 to index
        %swap3A_561 = arith.index_cast %scan3A_480 : i32 to index
        %swap3A_562 = arith.constant 0 : index
        %swap3A_563 = tpu.vector_load %arg7[%swap3A_559, %swap3A_560, %swap3A_561, %swap3A_562] {strides = array<i32>} : memref<2x2x128x48xf32, #tpu.memory_space<vmem>>, vector<1x1x1x16xf32>,
        %swap3A_564 = vector.shape_cast %swap3A_563 : vector<1x1x1x16xf32> to vector<16xf32>
        %swap3A_565 = vector.shape_cast %exp3A_556 : vector<16xf32> to vector<1x1x1x16xf32>
        tpu.vector_store %arg7[%swap3A_559, %swap3A_560, %swap3A_561, %swap3A_562], %swap3A_565 {strides = array<i32>} : memref<2x2x128x48xf32, #tpu.memory_space<vmem>>, vector<1x1x1x16xf32>,
        %broadcast_in_dim3A_566 = vector.shape_cast %get3A_28 : vector<16xi32> to vector<16x1xi32>
        %gather3A_567 = vector.shape_cast %broadcast_in_dim3A_566 : vector<16x1xi32> to vector<16xi32>
        %gather3A_568 = tpu.dynamic_gather %mul3A_551[%gather3A_567] in [0] : vector<16xf32>, vector<16xi32> -> vector<16xf32>
        %mul3A_569 = arith.mulf %neg3A_15, %gather3A_568 : vector<16xf32>
        %exp3A_570 = math.exp %mul3A_569 : vector<16xf32>
        %swap3A_571 = arith.constant 1 : i32
        %swap3A_572 = arith.constant 0 : i32
        %swap3A_573 = arith.index_cast %swap3A_571 : i32 to index
        %swap3A_574 = arith.index_cast %swap3A_572 : i32 to index
        %swap3A_575 = arith.index_cast %scan3A_480 : i32 to index
        %swap3A_576 = arith.constant 16 : index
        %swap3A_577 = tpu.vector_load %arg7[%swap3A_573, %swap3A_574, %swap3A_575, %swap3A_576] {strides = array<i32>} : memref<2x2x128x48xf32, #tpu.memory_space<vmem>>, vector<1x1x1x16xf32>,
        %swap3A_578 = vector.shape_cast %swap3A_577 : vector<1x1x1x16xf32> to vector<16xf32>
        %swap3A_579 = vector.shape_cast %exp3A_570 : vector<16xf32> to vector<1x1x1x16xf32>
        tpu.vector_store %arg7[%swap3A_573, %swap3A_574, %swap3A_575, %swap3A_576], %swap3A_579 {strides = array<i32>} : memref<2x2x128x48xf32, #tpu.memory_space<vmem>>, vector<1x1x1x16xf32>,
        %broadcast_in_dim3A_580 = vector.shape_cast %get3A_31 : vector<16xi32> to vector<16x1xi32>
        %gather3A_581 = vector.shape_cast %broadcast_in_dim3A_580 : vector<16x1xi32> to vector<16xi32>
        %gather3A_582 = tpu.dynamic_gather %mul3A_551[%gather3A_581] in [0] : vector<16xf32>, vector<16xi32> -> vector<16xf32>
        %mul3A_583 = arith.mulf %neg3A_22, %gather3A_582 : vector<16xf32>
        %exp3A_584 = math.exp %mul3A_583 : vector<16xf32>
        %swap3A_585 = arith.constant 1 : i32
        %swap3A_586 = arith.constant 0 : i32
        %swap3A_587 = arith.index_cast %swap3A_585 : i32 to index
        %swap3A_588 = arith.index_cast %swap3A_586 : i32 to index
        %swap3A_589 = arith.index_cast %scan3A_480 : i32 to index
        %swap3A_590 = arith.constant 32 : index
        %swap3A_591 = tpu.vector_load %arg7[%swap3A_587, %swap3A_588, %swap3A_589, %swap3A_590] {strides = array<i32>} : memref<2x2x128x48xf32, #tpu.memory_space<vmem>>, vector<1x1x1x16xf32>,
        %swap3A_592 = vector.shape_cast %swap3A_591 : vector<1x1x1x16xf32> to vector<16xf32>
        %swap3A_593 = vector.shape_cast %exp3A_584 : vector<16xf32> to vector<1x1x1x16xf32>
        tpu.vector_store %arg7[%swap3A_587, %swap3A_588, %swap3A_589, %swap3A_590], %swap3A_593 {strides = array<i32>} : memref<2x2x128x48xf32, #tpu.memory_space<vmem>>, vector<1x1x1x16xf32>,
        %scan3A_594 = arith.constant 0 : i32
        %scan3A_595 = arith.constant 3 : i32
        %scan3A_596 = arith.addi %scan3A_254, %scan3A_595 : i32
        %add3A_597 = arith.constant 0 : i32
        %add3A_598 = arith.addi %add3A_597, %scan3A_596 : i32
        %get3A_599 = arith.constant 1 : i32
        %get3A_600 = arith.index_cast %get3A_599 : i32 to index
        %get3A_601 = arith.index_cast %add3A_598 : i32 to index
        %get3A_602 = arith.constant 0 : index
        %get3A_603 = tpu.vector_load %arg6[%get3A_600, %get3A_601, %get3A_602] {strides = array<i32>} : memref<2x256x64xf32, #tpu.memory_space<vmem>>, vector<1x1x16xf32>,
        %get3A_604 = vector.shape_cast %get3A_603 : vector<1x1x16xf32> to vector<16xf32>
        %get3A_605 = arith.constant 1 : i32
        %get3A_606 = arith.index_cast %get3A_605 : i32 to index
        %get3A_607 = arith.index_cast %add3A_598 : i32 to index
        %get3A_608 = arith.constant 16 : index
        %get3A_609 = tpu.vector_load %arg6[%get3A_606, %get3A_607, %get3A_608] {strides = array<i32>} : memref<2x256x64xf32, #tpu.memory_space<vmem>>, vector<1x1x16xf32>,
        %get3A_610 = vector.shape_cast %get3A_609 : vector<1x1x16xf32> to vector<16xf32>
        %get3A_611 = arith.constant 1 : i32
        %get3A_612 = arith.index_cast %get3A_611 : i32 to index
        %get3A_613 = arith.index_cast %add3A_598 : i32 to index
        %get3A_614 = arith.constant 32 : index
        %get3A_615 = tpu.vector_load %arg6[%get3A_612, %get3A_613, %get3A_614] {strides = array<i32>} : memref<2x256x64xf32, #tpu.memory_space<vmem>>, vector<1x1x16xf32>,
        %get3A_616 = vector.shape_cast %get3A_615 : vector<1x1x16xf32> to vector<16xf32>
        %get3A_617 = arith.constant 1 : i32
        %get3A_618 = arith.index_cast %get3A_617 : i32 to index
        %get3A_619 = arith.index_cast %add3A_598 : i32 to index
        %get3A_620 = arith.constant 48 : index
        %get3A_621 = tpu.vector_load %arg6[%get3A_618, %get3A_619, %get3A_620] {strides = array<i32>} : memref<2x256x64xf32, #tpu.memory_space<vmem>>, vector<1x1x16xf32>,
        %get3A_622 = vector.shape_cast %get3A_621 : vector<1x1x16xf32> to vector<16xf32>
        %broadcast_in_dim3A_623 = vector.shape_cast %sub3A : vector<16xi32> to vector<16x1xi32>
        %gather3A_624 = vector.shape_cast %broadcast_in_dim3A_623 : vector<16x1xi32> to vector<16xi32>
        %gather3A_625 = tpu.dynamic_gather %get3A_604[%gather3A_624] in [0] : vector<16xf32>, vector<16xi32> -> vector<16xf32>
        %broadcast_in_dim3A_626 = vector.shape_cast %sub3A : vector<16xi32> to vector<16x1xi32>
        %gather3A_627 = vector.shape_cast %broadcast_in_dim3A_626 : vector<16x1xi32> to vector<16xi32>
        %gather3A_628 = tpu.dynamic_gather %get3A_610[%gather3A_627] in [0] : vector<16xf32>, vector<16xi32> -> vector<16xf32>
        %select_n3A_629 = arith.select %eq3A_44, %gather3A_628, %gather3A_625 : vector<16xi1>, vector<16xf32>
        %broadcast_in_dim3A_630 = vector.shape_cast %sub3A : vector<16xi32> to vector<16x1xi32>
        %gather3A_631 = vector.shape_cast %broadcast_in_dim3A_630 : vector<16x1xi32> to vector<16xi32>
        %gather3A_632 = tpu.dynamic_gather %get3A_616[%gather3A_631] in [0] : vector<16xf32>, vector<16xi32> -> vector<16xf32>
        %select_n3A_633 = arith.select %eq3A_47, %gather3A_632, %select_n3A_629 : vector<16xi1>, vector<16xf32>
        %broadcast_in_dim3A_634 = vector.shape_cast %sub3A : vector<16xi32> to vector<16x1xi32>
        %gather3A_635 = vector.shape_cast %broadcast_in_dim3A_634 : vector<16x1xi32> to vector<16xi32>
        %gather3A_636 = tpu.dynamic_gather %get3A_622[%gather3A_635] in [0] : vector<16xf32>, vector<16xi32> -> vector<16xf32>
        %select_n3A_637 = arith.select %eq3A_50, %gather3A_636, %select_n3A_633 : vector<16xi1>, vector<16xf32>
        %max3A_638 = arith.constant 9.99999996E-13 : f32
        %max3A_639 = vector.broadcast %max3A_638 : f32 to vector<16xf32>
        %max3A_640 = arith.maximumf %select_n3A_637, %max3A_639 : vector<16xf32>
        %bitcast_convert_type3A_641 = tpu.bitcast %max3A_640 : vector<16xf32> -> vector<16xi32>
        %shift_right_logical3A_642 = arith.constant 1 : i32
        %shift_right_logical3A_643 = vector.broadcast %shift_right_logical3A_642 : i32 to vector<16xi32>
        %shift_right_logical3A_644 = arith.shrui %bitcast_convert_type3A_641, %shift_right_logical3A_643 : vector<16xi32>
        %sub3A_645 = arith.constant 1597463007 : i32
        %sub3A_646 = vector.broadcast %sub3A_645 : i32 to vector<16xi32>
        %sub3A_647 = arith.subi %sub3A_646, %shift_right_logical3A_644 : vector<16xi32>
        %bitcast_convert_type3A_648 = tpu.bitcast %sub3A_647 : vector<16xi32> -> vector<16xf32>
        %mul3A_649 = arith.constant 5.000000e-01 : f32
        %mul3A_650 = vector.broadcast %mul3A_649 : f32 to vector<16xf32>
        %mul3A_651 = arith.mulf %mul3A_650, %max3A_640 : vector<16xf32>
        %mul3A_652 = arith.mulf %mul3A_651, %bitcast_convert_type3A_648 : vector<16xf32>
        %mul3A_653 = arith.mulf %mul3A_652, %bitcast_convert_type3A_648 : vector<16xf32>
        %sub3A_654 = arith.constant 1.500000e+00 : f32
        %sub3A_655 = vector.broadcast %sub3A_654 : f32 to vector<16xf32>
        %sub3A_656 = arith.subf %sub3A_655, %mul3A_653 : vector<16xf32>
        %mul3A_657 = arith.mulf %bitcast_convert_type3A_648, %sub3A_656 : vector<16xf32>
        %mul3A_658 = arith.constant 5.000000e-01 : f32
        %mul3A_659 = vector.broadcast %mul3A_658 : f32 to vector<16xf32>
        %mul3A_660 = arith.mulf %mul3A_659, %max3A_640 : vector<16xf32>
        %mul3A_661 = arith.mulf %mul3A_660, %mul3A_657 : vector<16xf32>
        %mul3A_662 = arith.mulf %mul3A_661, %mul3A_657 : vector<16xf32>
        %sub3A_663 = arith.constant 1.500000e+00 : f32
        %sub3A_664 = vector.broadcast %sub3A_663 : f32 to vector<16xf32>
        %sub3A_665 = arith.subf %sub3A_664, %mul3A_662 : vector<16xf32>
        %mul3A_666 = arith.mulf %mul3A_657, %sub3A_665 : vector<16xf32>
        %mul3A_667 = arith.mulf %select_n3A_637, %mul3A_666 : vector<16xf32>
        %broadcast_in_dim3A_668 = vector.shape_cast %get3A_25 : vector<16xi32> to vector<16x1xi32>
        %gather3A_669 = vector.shape_cast %broadcast_in_dim3A_668 : vector<16x1xi32> to vector<16xi32>
        %gather3A_670 = tpu.dynamic_gather %mul3A_667[%gather3A_669] in [0] : vector<16xf32>, vector<16xi32> -> vector<16xf32>
        %mul3A_671 = arith.mulf %neg3A_8, %gather3A_670 : vector<16xf32>
        %exp3A_672 = math.exp %mul3A_671 : vector<16xf32>
        %swap3A_673 = arith.constant 1 : i32
        %swap3A_674 = arith.constant 0 : i32
        %swap3A_675 = arith.index_cast %swap3A_673 : i32 to index
        %swap3A_676 = arith.index_cast %swap3A_674 : i32 to index
        %swap3A_677 = arith.index_cast %scan3A_596 : i32 to index
        %swap3A_678 = arith.constant 0 : index
        %swap3A_679 = tpu.vector_load %arg7[%swap3A_675, %swap3A_676, %swap3A_677, %swap3A_678] {strides = array<i32>} : memref<2x2x128x48xf32, #tpu.memory_space<vmem>>, vector<1x1x1x16xf32>,
        %swap3A_680 = vector.shape_cast %swap3A_679 : vector<1x1x1x16xf32> to vector<16xf32>
        %swap3A_681 = vector.shape_cast %exp3A_672 : vector<16xf32> to vector<1x1x1x16xf32>
        tpu.vector_store %arg7[%swap3A_675, %swap3A_676, %swap3A_677, %swap3A_678], %swap3A_681 {strides = array<i32>} : memref<2x2x128x48xf32, #tpu.memory_space<vmem>>, vector<1x1x1x16xf32>,
        %broadcast_in_dim3A_682 = vector.shape_cast %get3A_28 : vector<16xi32> to vector<16x1xi32>
        %gather3A_683 = vector.shape_cast %broadcast_in_dim3A_682 : vector<16x1xi32> to vector<16xi32>
        %gather3A_684 = tpu.dynamic_gather %mul3A_667[%gather3A_683] in [0] : vector<16xf32>, vector<16xi32> -> vector<16xf32>
        %mul3A_685 = arith.mulf %neg3A_15, %gather3A_684 : vector<16xf32>
        %exp3A_686 = math.exp %mul3A_685 : vector<16xf32>
        %swap3A_687 = arith.constant 1 : i32
        %swap3A_688 = arith.constant 0 : i32
        %swap3A_689 = arith.index_cast %swap3A_687 : i32 to index
        %swap3A_690 = arith.index_cast %swap3A_688 : i32 to index
        %swap3A_691 = arith.index_cast %scan3A_596 : i32 to index
        %swap3A_692 = arith.constant 16 : index
        %swap3A_693 = tpu.vector_load %arg7[%swap3A_689, %swap3A_690, %swap3A_691, %swap3A_692] {strides = array<i32>} : memref<2x2x128x48xf32, #tpu.memory_space<vmem>>, vector<1x1x1x16xf32>,
        %swap3A_694 = vector.shape_cast %swap3A_693 : vector<1x1x1x16xf32> to vector<16xf32>
        %swap3A_695 = vector.shape_cast %exp3A_686 : vector<16xf32> to vector<1x1x1x16xf32>
        tpu.vector_store %arg7[%swap3A_689, %swap3A_690, %swap3A_691, %swap3A_692], %swap3A_695 {strides = array<i32>} : memref<2x2x128x48xf32, #tpu.memory_space<vmem>>, vector<1x1x1x16xf32>,
        %broadcast_in_dim3A_696 = vector.shape_cast %get3A_31 : vector<16xi32> to vector<16x1xi32>
        %gather3A_697 = vector.shape_cast %broadcast_in_dim3A_696 : vector<16x1xi32> to vector<16xi32>
        %gather3A_698 = tpu.dynamic_gather %mul3A_667[%gather3A_697] in [0] : vector<16xf32>, vector<16xi32> -> vector<16xf32>
        %mul3A_699 = arith.mulf %neg3A_22, %gather3A_698 : vector<16xf32>
        %exp3A_700 = math.exp %mul3A_699 : vector<16xf32>
        %swap3A_701 = arith.constant 1 : i32
        %swap3A_702 = arith.constant 0 : i32
        %swap3A_703 = arith.index_cast %swap3A_701 : i32 to index
        %swap3A_704 = arith.index_cast %swap3A_702 : i32 to index
        %swap3A_705 = arith.index_cast %scan3A_596 : i32 to index
        %swap3A_706 = arith.constant 32 : index
        %swap3A_707 = tpu.vector_load %arg7[%swap3A_703, %swap3A_704, %swap3A_705, %swap3A_706] {strides = array<i32>} : memref<2x2x128x48xf32, #tpu.memory_space<vmem>>, vector<1x1x1x16xf32>,
        %swap3A_708 = vector.shape_cast %swap3A_707 : vector<1x1x1x16xf32> to vector<16xf32>
        %swap3A_709 = vector.shape_cast %exp3A_700 : vector<16xf32> to vector<1x1x1x16xf32>
        tpu.vector_store %arg7[%swap3A_703, %swap3A_704, %swap3A_705, %swap3A_706], %swap3A_709 {strides = array<i32>} : memref<2x2x128x48xf32, #tpu.memory_space<vmem>>, vector<1x1x1x16xf32>,
        %scan3A_710 = arith.constant 0 : i32
        %scan3A_711 = arith.constant 4 : i32
        %scan3A_712 = arith.addi %scan3A_254, %scan3A_711 : i32
        %add3A_713 = arith.constant 0 : i32
        %add3A_714 = arith.addi %add3A_713, %scan3A_712 : i32
        %get3A_715 = arith.constant 1 : i32
        %get3A_716 = arith.index_cast %get3A_715 : i32 to index
        %get3A_717 = arith.index_cast %add3A_714 : i32 to index
        %get3A_718 = arith.constant 0 : index
        %get3A_719 = tpu.vector_load %arg6[%get3A_716, %get3A_717, %get3A_718] {strides = array<i32>} : memref<2x256x64xf32, #tpu.memory_space<vmem>>, vector<1x1x16xf32>,
        %get3A_720 = vector.shape_cast %get3A_719 : vector<1x1x16xf32> to vector<16xf32>
        %get3A_721 = arith.constant 1 : i32
        %get3A_722 = arith.index_cast %get3A_721 : i32 to index
        %get3A_723 = arith.index_cast %add3A_714 : i32 to index
        %get3A_724 = arith.constant 16 : index
        %get3A_725 = tpu.vector_load %arg6[%get3A_722, %get3A_723, %get3A_724] {strides = array<i32>} : memref<2x256x64xf32, #tpu.memory_space<vmem>>, vector<1x1x16xf32>,
        %get3A_726 = vector.shape_cast %get3A_725 : vector<1x1x16xf32> to vector<16xf32>
        %get3A_727 = arith.constant 1 : i32
        %get3A_728 = arith.index_cast %get3A_727 : i32 to index
        %get3A_729 = arith.index_cast %add3A_714 : i32 to index
        %get3A_730 = arith.constant 32 : index
        %get3A_731 = tpu.vector_load %arg6[%get3A_728, %get3A_729, %get3A_730] {strides = array<i32>} : memref<2x256x64xf32, #tpu.memory_space<vmem>>, vector<1x1x16xf32>,
        %get3A_732 = vector.shape_cast %get3A_731 : vector<1x1x16xf32> to vector<16xf32>
        %get3A_733 = arith.constant 1 : i32
        %get3A_734 = arith.index_cast %get3A_733 : i32 to index
        %get3A_735 = arith.index_cast %add3A_714 : i32 to index
        %get3A_736 = arith.constant 48 : index
        %get3A_737 = tpu.vector_load %arg6[%get3A_734, %get3A_735, %get3A_736] {strides = array<i32>} : memref<2x256x64xf32, #tpu.memory_space<vmem>>, vector<1x1x16xf32>,
        %get3A_738 = vector.shape_cast %get3A_737 : vector<1x1x16xf32> to vector<16xf32>
        %broadcast_in_dim3A_739 = vector.shape_cast %sub3A : vector<16xi32> to vector<16x1xi32>
        %gather3A_740 = vector.shape_cast %broadcast_in_dim3A_739 : vector<16x1xi32> to vector<16xi32>
        %gather3A_741 = tpu.dynamic_gather %get3A_720[%gather3A_740] in [0] : vector<16xf32>, vector<16xi32> -> vector<16xf32>
        %broadcast_in_dim3A_742 = vector.shape_cast %sub3A : vector<16xi32> to vector<16x1xi32>
        %gather3A_743 = vector.shape_cast %broadcast_in_dim3A_742 : vector<16x1xi32> to vector<16xi32>
        %gather3A_744 = tpu.dynamic_gather %get3A_726[%gather3A_743] in [0] : vector<16xf32>, vector<16xi32> -> vector<16xf32>
        %select_n3A_745 = arith.select %eq3A_44, %gather3A_744, %gather3A_741 : vector<16xi1>, vector<16xf32>
        %broadcast_in_dim3A_746 = vector.shape_cast %sub3A : vector<16xi32> to vector<16x1xi32>
        %gather3A_747 = vector.shape_cast %broadcast_in_dim3A_746 : vector<16x1xi32> to vector<16xi32>
        %gather3A_748 = tpu.dynamic_gather %get3A_732[%gather3A_747] in [0] : vector<16xf32>, vector<16xi32> -> vector<16xf32>
        %select_n3A_749 = arith.select %eq3A_47, %gather3A_748, %select_n3A_745 : vector<16xi1>, vector<16xf32>
        %broadcast_in_dim3A_750 = vector.shape_cast %sub3A : vector<16xi32> to vector<16x1xi32>
        %gather3A_751 = vector.shape_cast %broadcast_in_dim3A_750 : vector<16x1xi32> to vector<16xi32>
        %gather3A_752 = tpu.dynamic_gather %get3A_738[%gather3A_751] in [0] : vector<16xf32>, vector<16xi32> -> vector<16xf32>
        %select_n3A_753 = arith.select %eq3A_50, %gather3A_752, %select_n3A_749 : vector<16xi1>, vector<16xf32>
        %max3A_754 = arith.constant 9.99999996E-13 : f32
        %max3A_755 = vector.broadcast %max3A_754 : f32 to vector<16xf32>
        %max3A_756 = arith.maximumf %select_n3A_753, %max3A_755 : vector<16xf32>
        %bitcast_convert_type3A_757 = tpu.bitcast %max3A_756 : vector<16xf32> -> vector<16xi32>
        %shift_right_logical3A_758 = arith.constant 1 : i32
        %shift_right_logical3A_759 = vector.broadcast %shift_right_logical3A_758 : i32 to vector<16xi32>
        %shift_right_logical3A_760 = arith.shrui %bitcast_convert_type3A_757, %shift_right_logical3A_759 : vector<16xi32>
        %sub3A_761 = arith.constant 1597463007 : i32
        %sub3A_762 = vector.broadcast %sub3A_761 : i32 to vector<16xi32>
        %sub3A_763 = arith.subi %sub3A_762, %shift_right_logical3A_760 : vector<16xi32>
        %bitcast_convert_type3A_764 = tpu.bitcast %sub3A_763 : vector<16xi32> -> vector<16xf32>
        %mul3A_765 = arith.constant 5.000000e-01 : f32
        %mul3A_766 = vector.broadcast %mul3A_765 : f32 to vector<16xf32>
        %mul3A_767 = arith.mulf %mul3A_766, %max3A_756 : vector<16xf32>
        %mul3A_768 = arith.mulf %mul3A_767, %bitcast_convert_type3A_764 : vector<16xf32>
        %mul3A_769 = arith.mulf %mul3A_768, %bitcast_convert_type3A_764 : vector<16xf32>
        %sub3A_770 = arith.constant 1.500000e+00 : f32
        %sub3A_771 = vector.broadcast %sub3A_770 : f32 to vector<16xf32>
        %sub3A_772 = arith.subf %sub3A_771, %mul3A_769 : vector<16xf32>
        %mul3A_773 = arith.mulf %bitcast_convert_type3A_764, %sub3A_772 : vector<16xf32>
        %mul3A_774 = arith.constant 5.000000e-01 : f32
        %mul3A_775 = vector.broadcast %mul3A_774 : f32 to vector<16xf32>
        %mul3A_776 = arith.mulf %mul3A_775, %max3A_756 : vector<16xf32>
        %mul3A_777 = arith.mulf %mul3A_776, %mul3A_773 : vector<16xf32>
        %mul3A_778 = arith.mulf %mul3A_777, %mul3A_773 : vector<16xf32>
        %sub3A_779 = arith.constant 1.500000e+00 : f32
        %sub3A_780 = vector.broadcast %sub3A_779 : f32 to vector<16xf32>
        %sub3A_781 = arith.subf %sub3A_780, %mul3A_778 : vector<16xf32>
        %mul3A_782 = arith.mulf %mul3A_773, %sub3A_781 : vector<16xf32>
        %mul3A_783 = arith.mulf %select_n3A_753, %mul3A_782 : vector<16xf32>
        %broadcast_in_dim3A_784 = vector.shape_cast %get3A_25 : vector<16xi32> to vector<16x1xi32>
        %gather3A_785 = vector.shape_cast %broadcast_in_dim3A_784 : vector<16x1xi32> to vector<16xi32>
        %gather3A_786 = tpu.dynamic_gather %mul3A_783[%gather3A_785] in [0] : vector<16xf32>, vector<16xi32> -> vector<16xf32>
        %mul3A_787 = arith.mulf %neg3A_8, %gather3A_786 : vector<16xf32>
        %exp3A_788 = math.exp %mul3A_787 : vector<16xf32>
        %swap3A_789 = arith.constant 1 : i32
        %swap3A_790 = arith.constant 0 : i32
        %swap3A_791 = arith.index_cast %swap3A_789 : i32 to index
        %swap3A_792 = arith.index_cast %swap3A_790 : i32 to index
        %swap3A_793 = arith.index_cast %scan3A_712 : i32 to index
        %swap3A_794 = arith.constant 0 : index
        %swap3A_795 = tpu.vector_load %arg7[%swap3A_791, %swap3A_792, %swap3A_793, %swap3A_794] {strides = array<i32>} : memref<2x2x128x48xf32, #tpu.memory_space<vmem>>, vector<1x1x1x16xf32>,
        %swap3A_796 = vector.shape_cast %swap3A_795 : vector<1x1x1x16xf32> to vector<16xf32>
        %swap3A_797 = vector.shape_cast %exp3A_788 : vector<16xf32> to vector<1x1x1x16xf32>
        tpu.vector_store %arg7[%swap3A_791, %swap3A_792, %swap3A_793, %swap3A_794], %swap3A_797 {strides = array<i32>} : memref<2x2x128x48xf32, #tpu.memory_space<vmem>>, vector<1x1x1x16xf32>,
        %broadcast_in_dim3A_798 = vector.shape_cast %get3A_28 : vector<16xi32> to vector<16x1xi32>
        %gather3A_799 = vector.shape_cast %broadcast_in_dim3A_798 : vector<16x1xi32> to vector<16xi32>
        %gather3A_800 = tpu.dynamic_gather %mul3A_783[%gather3A_799] in [0] : vector<16xf32>, vector<16xi32> -> vector<16xf32>
        %mul3A_801 = arith.mulf %neg3A_15, %gather3A_800 : vector<16xf32>
        %exp3A_802 = math.exp %mul3A_801 : vector<16xf32>
        %swap3A_803 = arith.constant 1 : i32
        %swap3A_804 = arith.constant 0 : i32
        %swap3A_805 = arith.index_cast %swap3A_803 : i32 to index
        %swap3A_806 = arith.index_cast %swap3A_804 : i32 to index
        %swap3A_807 = arith.index_cast %scan3A_712 : i32 to index
        %swap3A_808 = arith.constant 16 : index
        %swap3A_809 = tpu.vector_load %arg7[%swap3A_805, %swap3A_806, %swap3A_807, %swap3A_808] {strides = array<i32>} : memref<2x2x128x48xf32, #tpu.memory_space<vmem>>, vector<1x1x1x16xf32>,
        %swap3A_810 = vector.shape_cast %swap3A_809 : vector<1x1x1x16xf32> to vector<16xf32>
        %swap3A_811 = vector.shape_cast %exp3A_802 : vector<16xf32> to vector<1x1x1x16xf32>
        tpu.vector_store %arg7[%swap3A_805, %swap3A_806, %swap3A_807, %swap3A_808], %swap3A_811 {strides = array<i32>} : memref<2x2x128x48xf32, #tpu.memory_space<vmem>>, vector<1x1x1x16xf32>,
        %broadcast_in_dim3A_812 = vector.shape_cast %get3A_31 : vector<16xi32> to vector<16x1xi32>
        %gather3A_813 = vector.shape_cast %broadcast_in_dim3A_812 : vector<16x1xi32> to vector<16xi32>
        %gather3A_814 = tpu.dynamic_gather %mul3A_783[%gather3A_813] in [0] : vector<16xf32>, vector<16xi32> -> vector<16xf32>
        %mul3A_815 = arith.mulf %neg3A_22, %gather3A_814 : vector<16xf32>
        %exp3A_816 = math.exp %mul3A_815 : vector<16xf32>
        %swap3A_817 = arith.constant 1 : i32
        %swap3A_818 = arith.constant 0 : i32
        %swap3A_819 = arith.index_cast %swap3A_817 : i32 to index
        %swap3A_820 = arith.index_cast %swap3A_818 : i32 to index
        %swap3A_821 = arith.index_cast %scan3A_712 : i32 to index
        %swap3A_822 = arith.constant 32 : index
        %swap3A_823 = tpu.vector_load %arg7[%swap3A_819, %swap3A_820, %swap3A_821, %swap3A_822] {strides = array<i32>} : memref<2x2x128x48xf32, #tpu.memory_space<vmem>>, vector<1x1x1x16xf32>,
        %swap3A_824 = vector.shape_cast %swap3A_823 : vector<1x1x1x16xf32> to vector<16xf32>
        %swap3A_825 = vector.shape_cast %exp3A_816 : vector<16xf32> to vector<1x1x1x16xf32>
        tpu.vector_store %arg7[%swap3A_819, %swap3A_820, %swap3A_821, %swap3A_822], %swap3A_825 {strides = array<i32>} : memref<2x2x128x48xf32, #tpu.memory_space<vmem>>, vector<1x1x1x16xf32>,
        %scan3A_826 = arith.constant 0 : i32
        %scan3A_827 = arith.constant 5 : i32
        %scan3A_828 = arith.addi %scan3A_254, %scan3A_827 : i32
        %add3A_829 = arith.constant 0 : i32
        %add3A_830 = arith.addi %add3A_829, %scan3A_828 : i32
        %get3A_831 = arith.constant 1 : i32
        %get3A_832 = arith.index_cast %get3A_831 : i32 to index
        %get3A_833 = arith.index_cast %add3A_830 : i32 to index
        %get3A_834 = arith.constant 0 : index
        %get3A_835 = tpu.vector_load %arg6[%get3A_832, %get3A_833, %get3A_834] {strides = array<i32>} : memref<2x256x64xf32, #tpu.memory_space<vmem>>, vector<1x1x16xf32>,
        %get3A_836 = vector.shape_cast %get3A_835 : vector<1x1x16xf32> to vector<16xf32>
        %get3A_837 = arith.constant 1 : i32
        %get3A_838 = arith.index_cast %get3A_837 : i32 to index
        %get3A_839 = arith.index_cast %add3A_830 : i32 to index
        %get3A_840 = arith.constant 16 : index
        %get3A_841 = tpu.vector_load %arg6[%get3A_838, %get3A_839, %get3A_840] {strides = array<i32>} : memref<2x256x64xf32, #tpu.memory_space<vmem>>, vector<1x1x16xf32>,
        %get3A_842 = vector.shape_cast %get3A_841 : vector<1x1x16xf32> to vector<16xf32>
        %get3A_843 = arith.constant 1 : i32
        %get3A_844 = arith.index_cast %get3A_843 : i32 to index
        %get3A_845 = arith.index_cast %add3A_830 : i32 to index
        %get3A_846 = arith.constant 32 : index
        %get3A_847 = tpu.vector_load %arg6[%get3A_844, %get3A_845, %get3A_846] {strides = array<i32>} : memref<2x256x64xf32, #tpu.memory_space<vmem>>, vector<1x1x16xf32>,
        %get3A_848 = vector.shape_cast %get3A_847 : vector<1x1x16xf32> to vector<16xf32>
        %get3A_849 = arith.constant 1 : i32
        %get3A_850 = arith.index_cast %get3A_849 : i32 to index
        %get3A_851 = arith.index_cast %add3A_830 : i32 to index
        %get3A_852 = arith.constant 48 : index
        %get3A_853 = tpu.vector_load %arg6[%get3A_850, %get3A_851, %get3A_852] {strides = array<i32>} : memref<2x256x64xf32, #tpu.memory_space<vmem>>, vector<1x1x16xf32>,
        %get3A_854 = vector.shape_cast %get3A_853 : vector<1x1x16xf32> to vector<16xf32>
        %broadcast_in_dim3A_855 = vector.shape_cast %sub3A : vector<16xi32> to vector<16x1xi32>
        %gather3A_856 = vector.shape_cast %broadcast_in_dim3A_855 : vector<16x1xi32> to vector<16xi32>
        %gather3A_857 = tpu.dynamic_gather %get3A_836[%gather3A_856] in [0] : vector<16xf32>, vector<16xi32> -> vector<16xf32>
        %broadcast_in_dim3A_858 = vector.shape_cast %sub3A : vector<16xi32> to vector<16x1xi32>
        %gather3A_859 = vector.shape_cast %broadcast_in_dim3A_858 : vector<16x1xi32> to vector<16xi32>
        %gather3A_860 = tpu.dynamic_gather %get3A_842[%gather3A_859] in [0] : vector<16xf32>, vector<16xi32> -> vector<16xf32>
        %select_n3A_861 = arith.select %eq3A_44, %gather3A_860, %gather3A_857 : vector<16xi1>, vector<16xf32>
        %broadcast_in_dim3A_862 = vector.shape_cast %sub3A : vector<16xi32> to vector<16x1xi32>
        %gather3A_863 = vector.shape_cast %broadcast_in_dim3A_862 : vector<16x1xi32> to vector<16xi32>
        %gather3A_864 = tpu.dynamic_gather %get3A_848[%gather3A_863] in [0] : vector<16xf32>, vector<16xi32> -> vector<16xf32>
        %select_n3A_865 = arith.select %eq3A_47, %gather3A_864, %select_n3A_861 : vector<16xi1>, vector<16xf32>
        %broadcast_in_dim3A_866 = vector.shape_cast %sub3A : vector<16xi32> to vector<16x1xi32>
        %gather3A_867 = vector.shape_cast %broadcast_in_dim3A_866 : vector<16x1xi32> to vector<16xi32>
        %gather3A_868 = tpu.dynamic_gather %get3A_854[%gather3A_867] in [0] : vector<16xf32>, vector<16xi32> -> vector<16xf32>
        %select_n3A_869 = arith.select %eq3A_50, %gather3A_868, %select_n3A_865 : vector<16xi1>, vector<16xf32>
        %max3A_870 = arith.constant 9.99999996E-13 : f32
        %max3A_871 = vector.broadcast %max3A_870 : f32 to vector<16xf32>
        %max3A_872 = arith.maximumf %select_n3A_869, %max3A_871 : vector<16xf32>
        %bitcast_convert_type3A_873 = tpu.bitcast %max3A_872 : vector<16xf32> -> vector<16xi32>
        %shift_right_logical3A_874 = arith.constant 1 : i32
        %shift_right_logical3A_875 = vector.broadcast %shift_right_logical3A_874 : i32 to vector<16xi32>
        %shift_right_logical3A_876 = arith.shrui %bitcast_convert_type3A_873, %shift_right_logical3A_875 : vector<16xi32>
        %sub3A_877 = arith.constant 1597463007 : i32
        %sub3A_878 = vector.broadcast %sub3A_877 : i32 to vector<16xi32>
        %sub3A_879 = arith.subi %sub3A_878, %shift_right_logical3A_876 : vector<16xi32>
        %bitcast_convert_type3A_880 = tpu.bitcast %sub3A_879 : vector<16xi32> -> vector<16xf32>
        %mul3A_881 = arith.constant 5.000000e-01 : f32
        %mul3A_882 = vector.broadcast %mul3A_881 : f32 to vector<16xf32>
        %mul3A_883 = arith.mulf %mul3A_882, %max3A_872 : vector<16xf32>
        %mul3A_884 = arith.mulf %mul3A_883, %bitcast_convert_type3A_880 : vector<16xf32>
        %mul3A_885 = arith.mulf %mul3A_884, %bitcast_convert_type3A_880 : vector<16xf32>
        %sub3A_886 = arith.constant 1.500000e+00 : f32
        %sub3A_887 = vector.broadcast %sub3A_886 : f32 to vector<16xf32>
        %sub3A_888 = arith.subf %sub3A_887, %mul3A_885 : vector<16xf32>
        %mul3A_889 = arith.mulf %bitcast_convert_type3A_880, %sub3A_888 : vector<16xf32>
        %mul3A_890 = arith.constant 5.000000e-01 : f32
        %mul3A_891 = vector.broadcast %mul3A_890 : f32 to vector<16xf32>
        %mul3A_892 = arith.mulf %mul3A_891, %max3A_872 : vector<16xf32>
        %mul3A_893 = arith.mulf %mul3A_892, %mul3A_889 : vector<16xf32>
        %mul3A_894 = arith.mulf %mul3A_893, %mul3A_889 : vector<16xf32>
        %sub3A_895 = arith.constant 1.500000e+00 : f32
        %sub3A_896 = vector.broadcast %sub3A_895 : f32 to vector<16xf32>
        %sub3A_897 = arith.subf %sub3A_896, %mul3A_894 : vector<16xf32>
        %mul3A_898 = arith.mulf %mul3A_889, %sub3A_897 : vector<16xf32>
        %mul3A_899 = arith.mulf %select_n3A_869, %mul3A_898 : vector<16xf32>
        %broadcast_in_dim3A_900 = vector.shape_cast %get3A_25 : vector<16xi32> to vector<16x1xi32>
        %gather3A_901 = vector.shape_cast %broadcast_in_dim3A_900 : vector<16x1xi32> to vector<16xi32>
        %gather3A_902 = tpu.dynamic_gather %mul3A_899[%gather3A_901] in [0] : vector<16xf32>, vector<16xi32> -> vector<16xf32>
        %mul3A_903 = arith.mulf %neg3A_8, %gather3A_902 : vector<16xf32>
        %exp3A_904 = math.exp %mul3A_903 : vector<16xf32>
        %swap3A_905 = arith.constant 1 : i32
        %swap3A_906 = arith.constant 0 : i32
        %swap3A_907 = arith.index_cast %swap3A_905 : i32 to index
        %swap3A_908 = arith.index_cast %swap3A_906 : i32 to index
        %swap3A_909 = arith.index_cast %scan3A_828 : i32 to index
        %swap3A_910 = arith.constant 0 : index
        %swap3A_911 = tpu.vector_load %arg7[%swap3A_907, %swap3A_908, %swap3A_909, %swap3A_910] {strides = array<i32>} : memref<2x2x128x48xf32, #tpu.memory_space<vmem>>, vector<1x1x1x16xf32>,
        %swap3A_912 = vector.shape_cast %swap3A_911 : vector<1x1x1x16xf32> to vector<16xf32>
        %swap3A_913 = vector.shape_cast %exp3A_904 : vector<16xf32> to vector<1x1x1x16xf32>
        tpu.vector_store %arg7[%swap3A_907, %swap3A_908, %swap3A_909, %swap3A_910], %swap3A_913 {strides = array<i32>} : memref<2x2x128x48xf32, #tpu.memory_space<vmem>>, vector<1x1x1x16xf32>,
        %broadcast_in_dim3A_914 = vector.shape_cast %get3A_28 : vector<16xi32> to vector<16x1xi32>
        %gather3A_915 = vector.shape_cast %broadcast_in_dim3A_914 : vector<16x1xi32> to vector<16xi32>
        %gather3A_916 = tpu.dynamic_gather %mul3A_899[%gather3A_915] in [0] : vector<16xf32>, vector<16xi32> -> vector<16xf32>
        %mul3A_917 = arith.mulf %neg3A_15, %gather3A_916 : vector<16xf32>
        %exp3A_918 = math.exp %mul3A_917 : vector<16xf32>
        %swap3A_919 = arith.constant 1 : i32
        %swap3A_920 = arith.constant 0 : i32
        %swap3A_921 = arith.index_cast %swap3A_919 : i32 to index
        %swap3A_922 = arith.index_cast %swap3A_920 : i32 to index
        %swap3A_923 = arith.index_cast %scan3A_828 : i32 to index
        %swap3A_924 = arith.constant 16 : index
        %swap3A_925 = tpu.vector_load %arg7[%swap3A_921, %swap3A_922, %swap3A_923, %swap3A_924] {strides = array<i32>} : memref<2x2x128x48xf32, #tpu.memory_space<vmem>>, vector<1x1x1x16xf32>,
        %swap3A_926 = vector.shape_cast %swap3A_925 : vector<1x1x1x16xf32> to vector<16xf32>
        %swap3A_927 = vector.shape_cast %exp3A_918 : vector<16xf32> to vector<1x1x1x16xf32>
        tpu.vector_store %arg7[%swap3A_921, %swap3A_922, %swap3A_923, %swap3A_924], %swap3A_927 {strides = array<i32>} : memref<2x2x128x48xf32, #tpu.memory_space<vmem>>, vector<1x1x1x16xf32>,
        %broadcast_in_dim3A_928 = vector.shape_cast %get3A_31 : vector<16xi32> to vector<16x1xi32>
        %gather3A_929 = vector.shape_cast %broadcast_in_dim3A_928 : vector<16x1xi32> to vector<16xi32>
        %gather3A_930 = tpu.dynamic_gather %mul3A_899[%gather3A_929] in [0] : vector<16xf32>, vector<16xi32> -> vector<16xf32>
        %mul3A_931 = arith.mulf %neg3A_22, %gather3A_930 : vector<16xf32>
        %exp3A_932 = math.exp %mul3A_931 : vector<16xf32>
        %swap3A_933 = arith.constant 1 : i32
        %swap3A_934 = arith.constant 0 : i32
        %swap3A_935 = arith.index_cast %swap3A_933 : i32 to index
        %swap3A_936 = arith.index_cast %swap3A_934 : i32 to index
        %swap3A_937 = arith.index_cast %scan3A_828 : i32 to index
        %swap3A_938 = arith.constant 32 : index
        %swap3A_939 = tpu.vector_load %arg7[%swap3A_935, %swap3A_936, %swap3A_937, %swap3A_938] {strides = array<i32>} : memref<2x2x128x48xf32, #tpu.memory_space<vmem>>, vector<1x1x1x16xf32>,
        %swap3A_940 = vector.shape_cast %swap3A_939 : vector<1x1x1x16xf32> to vector<16xf32>
        %swap3A_941 = vector.shape_cast %exp3A_932 : vector<16xf32> to vector<1x1x1x16xf32>
        tpu.vector_store %arg7[%swap3A_935, %swap3A_936, %swap3A_937, %swap3A_938], %swap3A_941 {strides = array<i32>} : memref<2x2x128x48xf32, #tpu.memory_space<vmem>>, vector<1x1x1x16xf32>,
        %scan3A_942 = arith.constant 0 : i32
        %scan3A_943 = arith.constant 6 : i32
        %scan3A_944 = arith.addi %scan3A_254, %scan3A_943 : i32
        %add3A_945 = arith.constant 0 : i32
        %add3A_946 = arith.addi %add3A_945, %scan3A_944 : i32
        %get3A_947 = arith.constant 1 : i32
        %get3A_948 = arith.index_cast %get3A_947 : i32 to index
        %get3A_949 = arith.index_cast %add3A_946 : i32 to index
        %get3A_950 = arith.constant 0 : index
        %get3A_951 = tpu.vector_load %arg6[%get3A_948, %get3A_949, %get3A_950] {strides = array<i32>} : memref<2x256x64xf32, #tpu.memory_space<vmem>>, vector<1x1x16xf32>,
        %get3A_952 = vector.shape_cast %get3A_951 : vector<1x1x16xf32> to vector<16xf32>
        %get3A_953 = arith.constant 1 : i32
        %get3A_954 = arith.index_cast %get3A_953 : i32 to index
        %get3A_955 = arith.index_cast %add3A_946 : i32 to index
        %get3A_956 = arith.constant 16 : index
        %get3A_957 = tpu.vector_load %arg6[%get3A_954, %get3A_955, %get3A_956] {strides = array<i32>} : memref<2x256x64xf32, #tpu.memory_space<vmem>>, vector<1x1x16xf32>,
        %get3A_958 = vector.shape_cast %get3A_957 : vector<1x1x16xf32> to vector<16xf32>
        %get3A_959 = arith.constant 1 : i32
        %get3A_960 = arith.index_cast %get3A_959 : i32 to index
        %get3A_961 = arith.index_cast %add3A_946 : i32 to index
        %get3A_962 = arith.constant 32 : index
        %get3A_963 = tpu.vector_load %arg6[%get3A_960, %get3A_961, %get3A_962] {strides = array<i32>} : memref<2x256x64xf32, #tpu.memory_space<vmem>>, vector<1x1x16xf32>,
        %get3A_964 = vector.shape_cast %get3A_963 : vector<1x1x16xf32> to vector<16xf32>
        %get3A_965 = arith.constant 1 : i32
        %get3A_966 = arith.index_cast %get3A_965 : i32 to index
        %get3A_967 = arith.index_cast %add3A_946 : i32 to index
        %get3A_968 = arith.constant 48 : index
        %get3A_969 = tpu.vector_load %arg6[%get3A_966, %get3A_967, %get3A_968] {strides = array<i32>} : memref<2x256x64xf32, #tpu.memory_space<vmem>>, vector<1x1x16xf32>,
        %get3A_970 = vector.shape_cast %get3A_969 : vector<1x1x16xf32> to vector<16xf32>
        %broadcast_in_dim3A_971 = vector.shape_cast %sub3A : vector<16xi32> to vector<16x1xi32>
        %gather3A_972 = vector.shape_cast %broadcast_in_dim3A_971 : vector<16x1xi32> to vector<16xi32>
        %gather3A_973 = tpu.dynamic_gather %get3A_952[%gather3A_972] in [0] : vector<16xf32>, vector<16xi32> -> vector<16xf32>
        %broadcast_in_dim3A_974 = vector.shape_cast %sub3A : vector<16xi32> to vector<16x1xi32>
        %gather3A_975 = vector.shape_cast %broadcast_in_dim3A_974 : vector<16x1xi32> to vector<16xi32>
        %gather3A_976 = tpu.dynamic_gather %get3A_958[%gather3A_975] in [0] : vector<16xf32>, vector<16xi32> -> vector<16xf32>
        %select_n3A_977 = arith.select %eq3A_44, %gather3A_976, %gather3A_973 : vector<16xi1>, vector<16xf32>
        %broadcast_in_dim3A_978 = vector.shape_cast %sub3A : vector<16xi32> to vector<16x1xi32>
        %gather3A_979 = vector.shape_cast %broadcast_in_dim3A_978 : vector<16x1xi32> to vector<16xi32>
        %gather3A_980 = tpu.dynamic_gather %get3A_964[%gather3A_979] in [0] : vector<16xf32>, vector<16xi32> -> vector<16xf32>
        %select_n3A_981 = arith.select %eq3A_47, %gather3A_980, %select_n3A_977 : vector<16xi1>, vector<16xf32>
        %broadcast_in_dim3A_982 = vector.shape_cast %sub3A : vector<16xi32> to vector<16x1xi32>
        %gather3A_983 = vector.shape_cast %broadcast_in_dim3A_982 : vector<16x1xi32> to vector<16xi32>
        %gather3A_984 = tpu.dynamic_gather %get3A_970[%gather3A_983] in [0] : vector<16xf32>, vector<16xi32> -> vector<16xf32>
        %select_n3A_985 = arith.select %eq3A_50, %gather3A_984, %select_n3A_981 : vector<16xi1>, vector<16xf32>
        %max3A_986 = arith.constant 9.99999996E-13 : f32
        %max3A_987 = vector.broadcast %max3A_986 : f32 to vector<16xf32>
        %max3A_988 = arith.maximumf %select_n3A_985, %max3A_987 : vector<16xf32>
        %bitcast_convert_type3A_989 = tpu.bitcast %max3A_988 : vector<16xf32> -> vector<16xi32>
        %shift_right_logical3A_990 = arith.constant 1 : i32
        %shift_right_logical3A_991 = vector.broadcast %shift_right_logical3A_990 : i32 to vector<16xi32>
        %shift_right_logical3A_992 = arith.shrui %bitcast_convert_type3A_989, %shift_right_logical3A_991 : vector<16xi32>
        %sub3A_993 = arith.constant 1597463007 : i32
        %sub3A_994 = vector.broadcast %sub3A_993 : i32 to vector<16xi32>
        %sub3A_995 = arith.subi %sub3A_994, %shift_right_logical3A_992 : vector<16xi32>
        %bitcast_convert_type3A_996 = tpu.bitcast %sub3A_995 : vector<16xi32> -> vector<16xf32>
        %mul3A_997 = arith.constant 5.000000e-01 : f32
        %mul3A_998 = vector.broadcast %mul3A_997 : f32 to vector<16xf32>
        %mul3A_999 = arith.mulf %mul3A_998, %max3A_988 : vector<16xf32>
        %mul3A_1000 = arith.mulf %mul3A_999, %bitcast_convert_type3A_996 : vector<16xf32>
        %mul3A_1001 = arith.mulf %mul3A_1000, %bitcast_convert_type3A_996 : vector<16xf32>
        %sub3A_1002 = arith.constant 1.500000e+00 : f32
        %sub3A_1003 = vector.broadcast %sub3A_1002 : f32 to vector<16xf32>
        %sub3A_1004 = arith.subf %sub3A_1003, %mul3A_1001 : vector<16xf32>
        %mul3A_1005 = arith.mulf %bitcast_convert_type3A_996, %sub3A_1004 : vector<16xf32>
        %mul3A_1006 = arith.constant 5.000000e-01 : f32
        %mul3A_1007 = vector.broadcast %mul3A_1006 : f32 to vector<16xf32>
        %mul3A_1008 = arith.mulf %mul3A_1007, %max3A_988 : vector<16xf32>
        %mul3A_1009 = arith.mulf %mul3A_1008, %mul3A_1005 : vector<16xf32>
        %mul3A_1010 = arith.mulf %mul3A_1009, %mul3A_1005 : vector<16xf32>
        %sub3A_1011 = arith.constant 1.500000e+00 : f32
        %sub3A_1012 = vector.broadcast %sub3A_1011 : f32 to vector<16xf32>
        %sub3A_1013 = arith.subf %sub3A_1012, %mul3A_1010 : vector<16xf32>
        %mul3A_1014 = arith.mulf %mul3A_1005, %sub3A_1013 : vector<16xf32>
        %mul3A_1015 = arith.mulf %select_n3A_985, %mul3A_1014 : vector<16xf32>
        %broadcast_in_dim3A_1016 = vector.shape_cast %get3A_25 : vector<16xi32> to vector<16x1xi32>
        %gather3A_1017 = vector.shape_cast %broadcast_in_dim3A_1016 : vector<16x1xi32> to vector<16xi32>
        %gather3A_1018 = tpu.dynamic_gather %mul3A_1015[%gather3A_1017] in [0] : vector<16xf32>, vector<16xi32> -> vector<16xf32>
        %mul3A_1019 = arith.mulf %neg3A_8, %gather3A_1018 : vector<16xf32>
        %exp3A_1020 = math.exp %mul3A_1019 : vector<16xf32>
        %swap3A_1021 = arith.constant 1 : i32
        %swap3A_1022 = arith.constant 0 : i32
        %swap3A_1023 = arith.index_cast %swap3A_1021 : i32 to index
        %swap3A_1024 = arith.index_cast %swap3A_1022 : i32 to index
        %swap3A_1025 = arith.index_cast %scan3A_944 : i32 to index
        %swap3A_1026 = arith.constant 0 : index
        %swap3A_1027 = tpu.vector_load %arg7[%swap3A_1023, %swap3A_1024, %swap3A_1025, %swap3A_1026] {strides = array<i32>} : memref<2x2x128x48xf32, #tpu.memory_space<vmem>>, vector<1x1x1x16xf32>,
        %swap3A_1028 = vector.shape_cast %swap3A_1027 : vector<1x1x1x16xf32> to vector<16xf32>
        %swap3A_1029 = vector.shape_cast %exp3A_1020 : vector<16xf32> to vector<1x1x1x16xf32>
        tpu.vector_store %arg7[%swap3A_1023, %swap3A_1024, %swap3A_1025, %swap3A_1026], %swap3A_1029 {strides = array<i32>} : memref<2x2x128x48xf32, #tpu.memory_space<vmem>>, vector<1x1x1x16xf32>,
        %broadcast_in_dim3A_1030 = vector.shape_cast %get3A_28 : vector<16xi32> to vector<16x1xi32>
        %gather3A_1031 = vector.shape_cast %broadcast_in_dim3A_1030 : vector<16x1xi32> to vector<16xi32>
        %gather3A_1032 = tpu.dynamic_gather %mul3A_1015[%gather3A_1031] in [0] : vector<16xf32>, vector<16xi32> -> vector<16xf32>
        %mul3A_1033 = arith.mulf %neg3A_15, %gather3A_1032 : vector<16xf32>
        %exp3A_1034 = math.exp %mul3A_1033 : vector<16xf32>
        %swap3A_1035 = arith.constant 1 : i32
        %swap3A_1036 = arith.constant 0 : i32
        %swap3A_1037 = arith.index_cast %swap3A_1035 : i32 to index
        %swap3A_1038 = arith.index_cast %swap3A_1036 : i32 to index
        %swap3A_1039 = arith.index_cast %scan3A_944 : i32 to index
        %swap3A_1040 = arith.constant 16 : index
        %swap3A_1041 = tpu.vector_load %arg7[%swap3A_1037, %swap3A_1038, %swap3A_1039, %swap3A_1040] {strides = array<i32>} : memref<2x2x128x48xf32, #tpu.memory_space<vmem>>, vector<1x1x1x16xf32>,
        %swap3A_1042 = vector.shape_cast %swap3A_1041 : vector<1x1x1x16xf32> to vector<16xf32>
        %swap3A_1043 = vector.shape_cast %exp3A_1034 : vector<16xf32> to vector<1x1x1x16xf32>
        tpu.vector_store %arg7[%swap3A_1037, %swap3A_1038, %swap3A_1039, %swap3A_1040], %swap3A_1043 {strides = array<i32>} : memref<2x2x128x48xf32, #tpu.memory_space<vmem>>, vector<1x1x1x16xf32>,
        %broadcast_in_dim3A_1044 = vector.shape_cast %get3A_31 : vector<16xi32> to vector<16x1xi32>
        %gather3A_1045 = vector.shape_cast %broadcast_in_dim3A_1044 : vector<16x1xi32> to vector<16xi32>
        %gather3A_1046 = tpu.dynamic_gather %mul3A_1015[%gather3A_1045] in [0] : vector<16xf32>, vector<16xi32> -> vector<16xf32>
        %mul3A_1047 = arith.mulf %neg3A_22, %gather3A_1046 : vector<16xf32>
        %exp3A_1048 = math.exp %mul3A_1047 : vector<16xf32>
        %swap3A_1049 = arith.constant 1 : i32
        %swap3A_1050 = arith.constant 0 : i32
        %swap3A_1051 = arith.index_cast %swap3A_1049 : i32 to index
        %swap3A_1052 = arith.index_cast %swap3A_1050 : i32 to index
        %swap3A_1053 = arith.index_cast %scan3A_944 : i32 to index
        %swap3A_1054 = arith.constant 32 : index
        %swap3A_1055 = tpu.vector_load %arg7[%swap3A_1051, %swap3A_1052, %swap3A_1053, %swap3A_1054] {strides = array<i32>} : memref<2x2x128x48xf32, #tpu.memory_space<vmem>>, vector<1x1x1x16xf32>,
        %swap3A_1056 = vector.shape_cast %swap3A_1055 : vector<1x1x1x16xf32> to vector<16xf32>
        %swap3A_1057 = vector.shape_cast %exp3A_1048 : vector<16xf32> to vector<1x1x1x16xf32>
        tpu.vector_store %arg7[%swap3A_1051, %swap3A_1052, %swap3A_1053, %swap3A_1054], %swap3A_1057 {strides = array<i32>} : memref<2x2x128x48xf32, #tpu.memory_space<vmem>>, vector<1x1x1x16xf32>,
        %scan3A_1058 = arith.constant 0 : i32
        %scan3A_1059 = arith.constant 7 : i32
        %scan3A_1060 = arith.addi %scan3A_254, %scan3A_1059 : i32
        %add3A_1061 = arith.constant 0 : i32
        %add3A_1062 = arith.addi %add3A_1061, %scan3A_1060 : i32
        %get3A_1063 = arith.constant 1 : i32
        %get3A_1064 = arith.index_cast %get3A_1063 : i32 to index
        %get3A_1065 = arith.index_cast %add3A_1062 : i32 to index
        %get3A_1066 = arith.constant 0 : index
        %get3A_1067 = tpu.vector_load %arg6[%get3A_1064, %get3A_1065, %get3A_1066] {strides = array<i32>} : memref<2x256x64xf32, #tpu.memory_space<vmem>>, vector<1x1x16xf32>,
        %get3A_1068 = vector.shape_cast %get3A_1067 : vector<1x1x16xf32> to vector<16xf32>
        %get3A_1069 = arith.constant 1 : i32
        %get3A_1070 = arith.index_cast %get3A_1069 : i32 to index
        %get3A_1071 = arith.index_cast %add3A_1062 : i32 to index
        %get3A_1072 = arith.constant 16 : index
        %get3A_1073 = tpu.vector_load %arg6[%get3A_1070, %get3A_1071, %get3A_1072] {strides = array<i32>} : memref<2x256x64xf32, #tpu.memory_space<vmem>>, vector<1x1x16xf32>,
        %get3A_1074 = vector.shape_cast %get3A_1073 : vector<1x1x16xf32> to vector<16xf32>
        %get3A_1075 = arith.constant 1 : i32
        %get3A_1076 = arith.index_cast %get3A_1075 : i32 to index
        %get3A_1077 = arith.index_cast %add3A_1062 : i32 to index
        %get3A_1078 = arith.constant 32 : index
        %get3A_1079 = tpu.vector_load %arg6[%get3A_1076, %get3A_1077, %get3A_1078] {strides = array<i32>} : memref<2x256x64xf32, #tpu.memory_space<vmem>>, vector<1x1x16xf32>,
        %get3A_1080 = vector.shape_cast %get3A_1079 : vector<1x1x16xf32> to vector<16xf32>
        %get3A_1081 = arith.constant 1 : i32
        %get3A_1082 = arith.index_cast %get3A_1081 : i32 to index
        %get3A_1083 = arith.index_cast %add3A_1062 : i32 to index
        %get3A_1084 = arith.constant 48 : index
        %get3A_1085 = tpu.vector_load %arg6[%get3A_1082, %get3A_1083, %get3A_1084] {strides = array<i32>} : memref<2x256x64xf32, #tpu.memory_space<vmem>>, vector<1x1x16xf32>,
        %get3A_1086 = vector.shape_cast %get3A_1085 : vector<1x1x16xf32> to vector<16xf32>
        %broadcast_in_dim3A_1087 = vector.shape_cast %sub3A : vector<16xi32> to vector<16x1xi32>
        %gather3A_1088 = vector.shape_cast %broadcast_in_dim3A_1087 : vector<16x1xi32> to vector<16xi32>
        %gather3A_1089 = tpu.dynamic_gather %get3A_1068[%gather3A_1088] in [0] : vector<16xf32>, vector<16xi32> -> vector<16xf32>
        %broadcast_in_dim3A_1090 = vector.shape_cast %sub3A : vector<16xi32> to vector<16x1xi32>
        %gather3A_1091 = vector.shape_cast %broadcast_in_dim3A_1090 : vector<16x1xi32> to vector<16xi32>
        %gather3A_1092 = tpu.dynamic_gather %get3A_1074[%gather3A_1091] in [0] : vector<16xf32>, vector<16xi32> -> vector<16xf32>
        %select_n3A_1093 = arith.select %eq3A_44, %gather3A_1092, %gather3A_1089 : vector<16xi1>, vector<16xf32>
        %broadcast_in_dim3A_1094 = vector.shape_cast %sub3A : vector<16xi32> to vector<16x1xi32>
        %gather3A_1095 = vector.shape_cast %broadcast_in_dim3A_1094 : vector<16x1xi32> to vector<16xi32>
        %gather3A_1096 = tpu.dynamic_gather %get3A_1080[%gather3A_1095] in [0] : vector<16xf32>, vector<16xi32> -> vector<16xf32>
        %select_n3A_1097 = arith.select %eq3A_47, %gather3A_1096, %select_n3A_1093 : vector<16xi1>, vector<16xf32>
        %broadcast_in_dim3A_1098 = vector.shape_cast %sub3A : vector<16xi32> to vector<16x1xi32>
        %gather3A_1099 = vector.shape_cast %broadcast_in_dim3A_1098 : vector<16x1xi32> to vector<16xi32>
        %gather3A_1100 = tpu.dynamic_gather %get3A_1086[%gather3A_1099] in [0] : vector<16xf32>, vector<16xi32> -> vector<16xf32>
        %select_n3A_1101 = arith.select %eq3A_50, %gather3A_1100, %select_n3A_1097 : vector<16xi1>, vector<16xf32>
        %max3A_1102 = arith.constant 9.99999996E-13 : f32
        %max3A_1103 = vector.broadcast %max3A_1102 : f32 to vector<16xf32>
        %max3A_1104 = arith.maximumf %select_n3A_1101, %max3A_1103 : vector<16xf32>
        %bitcast_convert_type3A_1105 = tpu.bitcast %max3A_1104 : vector<16xf32> -> vector<16xi32>
        %shift_right_logical3A_1106 = arith.constant 1 : i32
        %shift_right_logical3A_1107 = vector.broadcast %shift_right_logical3A_1106 : i32 to vector<16xi32>
        %shift_right_logical3A_1108 = arith.shrui %bitcast_convert_type3A_1105, %shift_right_logical3A_1107 : vector<16xi32>
        %sub3A_1109 = arith.constant 1597463007 : i32
        %sub3A_1110 = vector.broadcast %sub3A_1109 : i32 to vector<16xi32>
        %sub3A_1111 = arith.subi %sub3A_1110, %shift_right_logical3A_1108 : vector<16xi32>
        %bitcast_convert_type3A_1112 = tpu.bitcast %sub3A_1111 : vector<16xi32> -> vector<16xf32>
        %mul3A_1113 = arith.constant 5.000000e-01 : f32
        %mul3A_1114 = vector.broadcast %mul3A_1113 : f32 to vector<16xf32>
        %mul3A_1115 = arith.mulf %mul3A_1114, %max3A_1104 : vector<16xf32>
        %mul3A_1116 = arith.mulf %mul3A_1115, %bitcast_convert_type3A_1112 : vector<16xf32>
        %mul3A_1117 = arith.mulf %mul3A_1116, %bitcast_convert_type3A_1112 : vector<16xf32>
        %sub3A_1118 = arith.constant 1.500000e+00 : f32
        %sub3A_1119 = vector.broadcast %sub3A_1118 : f32 to vector<16xf32>
        %sub3A_1120 = arith.subf %sub3A_1119, %mul3A_1117 : vector<16xf32>
        %mul3A_1121 = arith.mulf %bitcast_convert_type3A_1112, %sub3A_1120 : vector<16xf32>
        %mul3A_1122 = arith.constant 5.000000e-01 : f32
        %mul3A_1123 = vector.broadcast %mul3A_1122 : f32 to vector<16xf32>
        %mul3A_1124 = arith.mulf %mul3A_1123, %max3A_1104 : vector<16xf32>
        %mul3A_1125 = arith.mulf %mul3A_1124, %mul3A_1121 : vector<16xf32>
        %mul3A_1126 = arith.mulf %mul3A_1125, %mul3A_1121 : vector<16xf32>
        %sub3A_1127 = arith.constant 1.500000e+00 : f32
        %sub3A_1128 = vector.broadcast %sub3A_1127 : f32 to vector<16xf32>
        %sub3A_1129 = arith.subf %sub3A_1128, %mul3A_1126 : vector<16xf32>
        %mul3A_1130 = arith.mulf %mul3A_1121, %sub3A_1129 : vector<16xf32>
        %mul3A_1131 = arith.mulf %select_n3A_1101, %mul3A_1130 : vector<16xf32>
        %broadcast_in_dim3A_1132 = vector.shape_cast %get3A_25 : vector<16xi32> to vector<16x1xi32>
        %gather3A_1133 = vector.shape_cast %broadcast_in_dim3A_1132 : vector<16x1xi32> to vector<16xi32>
        %gather3A_1134 = tpu.dynamic_gather %mul3A_1131[%gather3A_1133] in [0] : vector<16xf32>, vector<16xi32> -> vector<16xf32>
        %mul3A_1135 = arith.mulf %neg3A_8, %gather3A_1134 : vector<16xf32>
        %exp3A_1136 = math.exp %mul3A_1135 : vector<16xf32>
        %swap3A_1137 = arith.constant 1 : i32
        %swap3A_1138 = arith.constant 0 : i32
        %swap3A_1139 = arith.index_cast %swap3A_1137 : i32 to index
        %swap3A_1140 = arith.index_cast %swap3A_1138 : i32 to index
        %swap3A_1141 = arith.index_cast %scan3A_1060 : i32 to index
        %swap3A_1142 = arith.constant 0 : index
        %swap3A_1143 = tpu.vector_load %arg7[%swap3A_1139, %swap3A_1140, %swap3A_1141, %swap3A_1142] {strides = array<i32>} : memref<2x2x128x48xf32, #tpu.memory_space<vmem>>, vector<1x1x1x16xf32>,
        %swap3A_1144 = vector.shape_cast %swap3A_1143 : vector<1x1x1x16xf32> to vector<16xf32>
        %swap3A_1145 = vector.shape_cast %exp3A_1136 : vector<16xf32> to vector<1x1x1x16xf32>
        tpu.vector_store %arg7[%swap3A_1139, %swap3A_1140, %swap3A_1141, %swap3A_1142], %swap3A_1145 {strides = array<i32>} : memref<2x2x128x48xf32, #tpu.memory_space<vmem>>, vector<1x1x1x16xf32>,
        %broadcast_in_dim3A_1146 = vector.shape_cast %get3A_28 : vector<16xi32> to vector<16x1xi32>
        %gather3A_1147 = vector.shape_cast %broadcast_in_dim3A_1146 : vector<16x1xi32> to vector<16xi32>
        %gather3A_1148 = tpu.dynamic_gather %mul3A_1131[%gather3A_1147] in [0] : vector<16xf32>, vector<16xi32> -> vector<16xf32>
        %mul3A_1149 = arith.mulf %neg3A_15, %gather3A_1148 : vector<16xf32>
        %exp3A_1150 = math.exp %mul3A_1149 : vector<16xf32>
        %swap3A_1151 = arith.constant 1 : i32
        %swap3A_1152 = arith.constant 0 : i32
        %swap3A_1153 = arith.index_cast %swap3A_1151 : i32 to index
        %swap3A_1154 = arith.index_cast %swap3A_1152 : i32 to index
        %swap3A_1155 = arith.index_cast %scan3A_1060 : i32 to index
        %swap3A_1156 = arith.constant 16 : index
        %swap3A_1157 = tpu.vector_load %arg7[%swap3A_1153, %swap3A_1154, %swap3A_1155, %swap3A_1156] {strides = array<i32>} : memref<2x2x128x48xf32, #tpu.memory_space<vmem>>, vector<1x1x1x16xf32>,
        %swap3A_1158 = vector.shape_cast %swap3A_1157 : vector<1x1x1x16xf32> to vector<16xf32>
        %swap3A_1159 = vector.shape_cast %exp3A_1150 : vector<16xf32> to vector<1x1x1x16xf32>
        tpu.vector_store %arg7[%swap3A_1153, %swap3A_1154, %swap3A_1155, %swap3A_1156], %swap3A_1159 {strides = array<i32>} : memref<2x2x128x48xf32, #tpu.memory_space<vmem>>, vector<1x1x1x16xf32>,
        %broadcast_in_dim3A_1160 = vector.shape_cast %get3A_31 : vector<16xi32> to vector<16x1xi32>
        %gather3A_1161 = vector.shape_cast %broadcast_in_dim3A_1160 : vector<16x1xi32> to vector<16xi32>
        %gather3A_1162 = tpu.dynamic_gather %mul3A_1131[%gather3A_1161] in [0] : vector<16xf32>, vector<16xi32> -> vector<16xf32>
        %mul3A_1163 = arith.mulf %neg3A_22, %gather3A_1162 : vector<16xf32>
        %exp3A_1164 = math.exp %mul3A_1163 : vector<16xf32>
        %swap3A_1165 = arith.constant 1 : i32
        %swap3A_1166 = arith.constant 0 : i32
        %swap3A_1167 = arith.index_cast %swap3A_1165 : i32 to index
        %swap3A_1168 = arith.index_cast %swap3A_1166 : i32 to index
        %swap3A_1169 = arith.index_cast %scan3A_1060 : i32 to index
        %swap3A_1170 = arith.constant 32 : index
        %swap3A_1171 = tpu.vector_load %arg7[%swap3A_1167, %swap3A_1168, %swap3A_1169, %swap3A_1170] {strides = array<i32>} : memref<2x2x128x48xf32, #tpu.memory_space<vmem>>, vector<1x1x1x16xf32>,
        %swap3A_1172 = vector.shape_cast %swap3A_1171 : vector<1x1x1x16xf32> to vector<16xf32>
        %swap3A_1173 = vector.shape_cast %exp3A_1164 : vector<16xf32> to vector<1x1x1x16xf32>
        tpu.vector_store %arg7[%swap3A_1167, %swap3A_1168, %swap3A_1169, %swap3A_1170], %swap3A_1173 {strides = array<i32>} : memref<2x2x128x48xf32, #tpu.memory_space<vmem>>, vector<1x1x1x16xf32>,
        %scan3A_1174 = arith.constant 0 : i32
        scf.yield %scan3A_1174 : i32
      }
      %scan3A_218 = arith.constant 128 : i32
      %scan3A_219 = arith.constant 0 : i32
      %scan3A_220 = arith.constant 0 : i32
      %scan3A_221 = arith.constant 128 : i32
      %scan3A_222 = arith.addi %scan3A_220, %scan3A_221 : i32
      %scan3A_223 = arith.constant 8 : i32
      %scan3A_224 = scf.for %scan3A_254 = %scan3A_220 to %scan3A_222 step %scan3A_223 iter_args(%scan3A_255 = %scan3A_219) -> (i32)  : i32 {
        %add3A_256 = arith.constant 128 : i32
        %add3A_257 = arith.addi %add3A_256, %scan3A_254 : i32
        %get3A_258 = arith.constant 1 : i32
        %get3A_259 = arith.index_cast %get3A_258 : i32 to index
        %get3A_260 = arith.index_cast %add3A_257 : i32 to index
        %get3A_261 = arith.constant 0 : index
        %get3A_262 = tpu.vector_load %arg6[%get3A_259, %get3A_260, %get3A_261] {strides = array<i32>} : memref<2x256x64xf32, #tpu.memory_space<vmem>>, vector<1x1x16xf32>,
        %get3A_263 = vector.shape_cast %get3A_262 : vector<1x1x16xf32> to vector<16xf32>
        %get3A_264 = arith.constant 1 : i32
        %get3A_265 = arith.index_cast %get3A_264 : i32 to index
        %get3A_266 = arith.index_cast %add3A_257 : i32 to index
        %get3A_267 = arith.constant 16 : index
        %get3A_268 = tpu.vector_load %arg6[%get3A_265, %get3A_266, %get3A_267] {strides = array<i32>} : memref<2x256x64xf32, #tpu.memory_space<vmem>>, vector<1x1x16xf32>,
        %get3A_269 = vector.shape_cast %get3A_268 : vector<1x1x16xf32> to vector<16xf32>
        %get3A_270 = arith.constant 1 : i32
        %get3A_271 = arith.index_cast %get3A_270 : i32 to index
        %get3A_272 = arith.index_cast %add3A_257 : i32 to index
        %get3A_273 = arith.constant 32 : index
        %get3A_274 = tpu.vector_load %arg6[%get3A_271, %get3A_272, %get3A_273] {strides = array<i32>} : memref<2x256x64xf32, #tpu.memory_space<vmem>>, vector<1x1x16xf32>,
        %get3A_275 = vector.shape_cast %get3A_274 : vector<1x1x16xf32> to vector<16xf32>
        %get3A_276 = arith.constant 1 : i32
        %get3A_277 = arith.index_cast %get3A_276 : i32 to index
        %get3A_278 = arith.index_cast %add3A_257 : i32 to index
        %get3A_279 = arith.constant 48 : index
        %get3A_280 = tpu.vector_load %arg6[%get3A_277, %get3A_278, %get3A_279] {strides = array<i32>} : memref<2x256x64xf32, #tpu.memory_space<vmem>>, vector<1x1x16xf32>,
        %get3A_281 = vector.shape_cast %get3A_280 : vector<1x1x16xf32> to vector<16xf32>
        %broadcast_in_dim3A = vector.shape_cast %sub3A : vector<16xi32> to vector<16x1xi32>
        %gather3A = vector.shape_cast %broadcast_in_dim3A : vector<16x1xi32> to vector<16xi32>
        %gather3A_282 = tpu.dynamic_gather %get3A_263[%gather3A] in [0] : vector<16xf32>, vector<16xi32> -> vector<16xf32>
        %broadcast_in_dim3A_283 = vector.shape_cast %sub3A : vector<16xi32> to vector<16x1xi32>
        %gather3A_284 = vector.shape_cast %broadcast_in_dim3A_283 : vector<16x1xi32> to vector<16xi32>
        %gather3A_285 = tpu.dynamic_gather %get3A_269[%gather3A_284] in [0] : vector<16xf32>, vector<16xi32> -> vector<16xf32>
        %select_n3A = arith.select %eq3A_44, %gather3A_285, %gather3A_282 : vector<16xi1>, vector<16xf32>
        %broadcast_in_dim3A_286 = vector.shape_cast %sub3A : vector<16xi32> to vector<16x1xi32>
        %gather3A_287 = vector.shape_cast %broadcast_in_dim3A_286 : vector<16x1xi32> to vector<16xi32>
        %gather3A_288 = tpu.dynamic_gather %get3A_275[%gather3A_287] in [0] : vector<16xf32>, vector<16xi32> -> vector<16xf32>
        %select_n3A_289 = arith.select %eq3A_47, %gather3A_288, %select_n3A : vector<16xi1>, vector<16xf32>
        %broadcast_in_dim3A_290 = vector.shape_cast %sub3A : vector<16xi32> to vector<16x1xi32>
        %gather3A_291 = vector.shape_cast %broadcast_in_dim3A_290 : vector<16x1xi32> to vector<16xi32>
        %gather3A_292 = tpu.dynamic_gather %get3A_281[%gather3A_291] in [0] : vector<16xf32>, vector<16xi32> -> vector<16xf32>
        %select_n3A_293 = arith.select %eq3A_50, %gather3A_292, %select_n3A_289 : vector<16xi1>, vector<16xf32>
        %max3A = arith.constant 9.99999996E-13 : f32
        %max3A_294 = vector.broadcast %max3A : f32 to vector<16xf32>
        %max3A_295 = arith.maximumf %select_n3A_293, %max3A_294 : vector<16xf32>
        %bitcast_convert_type3A = tpu.bitcast %max3A_295 : vector<16xf32> -> vector<16xi32>
        %shift_right_logical3A_296 = arith.constant 1 : i32
        %shift_right_logical3A_297 = vector.broadcast %shift_right_logical3A_296 : i32 to vector<16xi32>
        %shift_right_logical3A_298 = arith.shrui %bitcast_convert_type3A, %shift_right_logical3A_297 : vector<16xi32>
        %sub3A_299 = arith.constant 1597463007 : i32
        %sub3A_300 = vector.broadcast %sub3A_299 : i32 to vector<16xi32>
        %sub3A_301 = arith.subi %sub3A_300, %shift_right_logical3A_298 : vector<16xi32>
        %bitcast_convert_type3A_302 = tpu.bitcast %sub3A_301 : vector<16xi32> -> vector<16xf32>
        %mul3A_303 = arith.constant 5.000000e-01 : f32
        %mul3A_304 = vector.broadcast %mul3A_303 : f32 to vector<16xf32>
        %mul3A_305 = arith.mulf %mul3A_304, %max3A_295 : vector<16xf32>
        %mul3A_306 = arith.mulf %mul3A_305, %bitcast_convert_type3A_302 : vector<16xf32>
        %mul3A_307 = arith.mulf %mul3A_306, %bitcast_convert_type3A_302 : vector<16xf32>
        %sub3A_308 = arith.constant 1.500000e+00 : f32
        %sub3A_309 = vector.broadcast %sub3A_308 : f32 to vector<16xf32>
        %sub3A_310 = arith.subf %sub3A_309, %mul3A_307 : vector<16xf32>
        %mul3A_311 = arith.mulf %bitcast_convert_type3A_302, %sub3A_310 : vector<16xf32>
        %mul3A_312 = arith.constant 5.000000e-01 : f32
        %mul3A_313 = vector.broadcast %mul3A_312 : f32 to vector<16xf32>
        %mul3A_314 = arith.mulf %mul3A_313, %max3A_295 : vector<16xf32>
        %mul3A_315 = arith.mulf %mul3A_314, %mul3A_311 : vector<16xf32>
        %mul3A_316 = arith.mulf %mul3A_315, %mul3A_311 : vector<16xf32>
        %sub3A_317 = arith.constant 1.500000e+00 : f32
        %sub3A_318 = vector.broadcast %sub3A_317 : f32 to vector<16xf32>
        %sub3A_319 = arith.subf %sub3A_318, %mul3A_316 : vector<16xf32>
        %mul3A_320 = arith.mulf %mul3A_311, %sub3A_319 : vector<16xf32>
        %mul3A_321 = arith.mulf %select_n3A_293, %mul3A_320 : vector<16xf32>
        %broadcast_in_dim3A_322 = vector.shape_cast %get3A_25 : vector<16xi32> to vector<16x1xi32>
        %gather3A_323 = vector.shape_cast %broadcast_in_dim3A_322 : vector<16x1xi32> to vector<16xi32>
        %gather3A_324 = tpu.dynamic_gather %mul3A_321[%gather3A_323] in [0] : vector<16xf32>, vector<16xi32> -> vector<16xf32>
        %mul3A_325 = arith.mulf %neg3A_8, %gather3A_324 : vector<16xf32>
        %exp3A = math.exp %mul3A_325 : vector<16xf32>
        %swap3A = arith.constant 1 : i32
        %swap3A_326 = arith.constant 1 : i32
        %swap3A_327 = arith.index_cast %swap3A : i32 to index
        %swap3A_328 = arith.index_cast %swap3A_326 : i32 to index
        %swap3A_329 = arith.index_cast %scan3A_254 : i32 to index
        %swap3A_330 = arith.constant 0 : index
        %swap3A_331 = tpu.vector_load %arg7[%swap3A_327, %swap3A_328, %swap3A_329, %swap3A_330] {strides = array<i32>} : memref<2x2x128x48xf32, #tpu.memory_space<vmem>>, vector<1x1x1x16xf32>,
        %swap3A_332 = vector.shape_cast %swap3A_331 : vector<1x1x1x16xf32> to vector<16xf32>
        %swap3A_333 = vector.shape_cast %exp3A : vector<16xf32> to vector<1x1x1x16xf32>
        tpu.vector_store %arg7[%swap3A_327, %swap3A_328, %swap3A_329, %swap3A_330], %swap3A_333 {strides = array<i32>} : memref<2x2x128x48xf32, #tpu.memory_space<vmem>>, vector<1x1x1x16xf32>,
        %broadcast_in_dim3A_334 = vector.shape_cast %get3A_28 : vector<16xi32> to vector<16x1xi32>
        %gather3A_335 = vector.shape_cast %broadcast_in_dim3A_334 : vector<16x1xi32> to vector<16xi32>
        %gather3A_336 = tpu.dynamic_gather %mul3A_321[%gather3A_335] in [0] : vector<16xf32>, vector<16xi32> -> vector<16xf32>
        %mul3A_337 = arith.mulf %neg3A_15, %gather3A_336 : vector<16xf32>
        %exp3A_338 = math.exp %mul3A_337 : vector<16xf32>
        %swap3A_339 = arith.constant 1 : i32
        %swap3A_340 = arith.constant 1 : i32
        %swap3A_341 = arith.index_cast %swap3A_339 : i32 to index
        %swap3A_342 = arith.index_cast %swap3A_340 : i32 to index
        %swap3A_343 = arith.index_cast %scan3A_254 : i32 to index
        %swap3A_344 = arith.constant 16 : index
        %swap3A_345 = tpu.vector_load %arg7[%swap3A_341, %swap3A_342, %swap3A_343, %swap3A_344] {strides = array<i32>} : memref<2x2x128x48xf32, #tpu.memory_space<vmem>>, vector<1x1x1x16xf32>,
        %swap3A_346 = vector.shape_cast %swap3A_345 : vector<1x1x1x16xf32> to vector<16xf32>
        %swap3A_347 = vector.shape_cast %exp3A_338 : vector<16xf32> to vector<1x1x1x16xf32>
        tpu.vector_store %arg7[%swap3A_341, %swap3A_342, %swap3A_343, %swap3A_344], %swap3A_347 {strides = array<i32>} : memref<2x2x128x48xf32, #tpu.memory_space<vmem>>, vector<1x1x1x16xf32>,
        %broadcast_in_dim3A_348 = vector.shape_cast %get3A_31 : vector<16xi32> to vector<16x1xi32>
        %gather3A_349 = vector.shape_cast %broadcast_in_dim3A_348 : vector<16x1xi32> to vector<16xi32>
        %gather3A_350 = tpu.dynamic_gather %mul3A_321[%gather3A_349] in [0] : vector<16xf32>, vector<16xi32> -> vector<16xf32>
        %mul3A_351 = arith.mulf %neg3A_22, %gather3A_350 : vector<16xf32>
        %exp3A_352 = math.exp %mul3A_351 : vector<16xf32>
        %swap3A_353 = arith.constant 1 : i32
        %swap3A_354 = arith.constant 1 : i32
        %swap3A_355 = arith.index_cast %swap3A_353 : i32 to index
        %swap3A_356 = arith.index_cast %swap3A_354 : i32 to index
        %swap3A_357 = arith.index_cast %scan3A_254 : i32 to index
        %swap3A_358 = arith.constant 32 : index
        %swap3A_359 = tpu.vector_load %arg7[%swap3A_355, %swap3A_356, %swap3A_357, %swap3A_358] {strides = array<i32>} : memref<2x2x128x48xf32, #tpu.memory_space<vmem>>, vector<1x1x1x16xf32>,
        %swap3A_360 = vector.shape_cast %swap3A_359 : vector<1x1x1x16xf32> to vector<16xf32>
        %swap3A_361 = vector.shape_cast %exp3A_352 : vector<16xf32> to vector<1x1x1x16xf32>
        tpu.vector_store %arg7[%swap3A_355, %swap3A_356, %swap3A_357, %swap3A_358], %swap3A_361 {strides = array<i32>} : memref<2x2x128x48xf32, #tpu.memory_space<vmem>>, vector<1x1x1x16xf32>,
        %scan3A_362 = arith.constant 0 : i32
        %scan3A_363 = arith.constant 1 : i32
        %scan3A_364 = arith.addi %scan3A_254, %scan3A_363 : i32
        %add3A_365 = arith.constant 128 : i32
        %add3A_366 = arith.addi %add3A_365, %scan3A_364 : i32
        %get3A_367 = arith.constant 1 : i32
        %get3A_368 = arith.index_cast %get3A_367 : i32 to index
        %get3A_369 = arith.index_cast %add3A_366 : i32 to index
        %get3A_370 = arith.constant 0 : index
        %get3A_371 = tpu.vector_load %arg6[%get3A_368, %get3A_369, %get3A_370] {strides = array<i32>} : memref<2x256x64xf32, #tpu.memory_space<vmem>>, vector<1x1x16xf32>,
        %get3A_372 = vector.shape_cast %get3A_371 : vector<1x1x16xf32> to vector<16xf32>
        %get3A_373 = arith.constant 1 : i32
        %get3A_374 = arith.index_cast %get3A_373 : i32 to index
        %get3A_375 = arith.index_cast %add3A_366 : i32 to index
        %get3A_376 = arith.constant 16 : index
        %get3A_377 = tpu.vector_load %arg6[%get3A_374, %get3A_375, %get3A_376] {strides = array<i32>} : memref<2x256x64xf32, #tpu.memory_space<vmem>>, vector<1x1x16xf32>,
        %get3A_378 = vector.shape_cast %get3A_377 : vector<1x1x16xf32> to vector<16xf32>
        %get3A_379 = arith.constant 1 : i32
        %get3A_380 = arith.index_cast %get3A_379 : i32 to index
        %get3A_381 = arith.index_cast %add3A_366 : i32 to index
        %get3A_382 = arith.constant 32 : index
        %get3A_383 = tpu.vector_load %arg6[%get3A_380, %get3A_381, %get3A_382] {strides = array<i32>} : memref<2x256x64xf32, #tpu.memory_space<vmem>>, vector<1x1x16xf32>,
        %get3A_384 = vector.shape_cast %get3A_383 : vector<1x1x16xf32> to vector<16xf32>
        %get3A_385 = arith.constant 1 : i32
        %get3A_386 = arith.index_cast %get3A_385 : i32 to index
        %get3A_387 = arith.index_cast %add3A_366 : i32 to index
        %get3A_388 = arith.constant 48 : index
        %get3A_389 = tpu.vector_load %arg6[%get3A_386, %get3A_387, %get3A_388] {strides = array<i32>} : memref<2x256x64xf32, #tpu.memory_space<vmem>>, vector<1x1x16xf32>,
        %get3A_390 = vector.shape_cast %get3A_389 : vector<1x1x16xf32> to vector<16xf32>
        %broadcast_in_dim3A_391 = vector.shape_cast %sub3A : vector<16xi32> to vector<16x1xi32>
        %gather3A_392 = vector.shape_cast %broadcast_in_dim3A_391 : vector<16x1xi32> to vector<16xi32>
        %gather3A_393 = tpu.dynamic_gather %get3A_372[%gather3A_392] in [0] : vector<16xf32>, vector<16xi32> -> vector<16xf32>
        %broadcast_in_dim3A_394 = vector.shape_cast %sub3A : vector<16xi32> to vector<16x1xi32>
        %gather3A_395 = vector.shape_cast %broadcast_in_dim3A_394 : vector<16x1xi32> to vector<16xi32>
        %gather3A_396 = tpu.dynamic_gather %get3A_378[%gather3A_395] in [0] : vector<16xf32>, vector<16xi32> -> vector<16xf32>
        %select_n3A_397 = arith.select %eq3A_44, %gather3A_396, %gather3A_393 : vector<16xi1>, vector<16xf32>
        %broadcast_in_dim3A_398 = vector.shape_cast %sub3A : vector<16xi32> to vector<16x1xi32>
        %gather3A_399 = vector.shape_cast %broadcast_in_dim3A_398 : vector<16x1xi32> to vector<16xi32>
        %gather3A_400 = tpu.dynamic_gather %get3A_384[%gather3A_399] in [0] : vector<16xf32>, vector<16xi32> -> vector<16xf32>
        %select_n3A_401 = arith.select %eq3A_47, %gather3A_400, %select_n3A_397 : vector<16xi1>, vector<16xf32>
        %broadcast_in_dim3A_402 = vector.shape_cast %sub3A : vector<16xi32> to vector<16x1xi32>
        %gather3A_403 = vector.shape_cast %broadcast_in_dim3A_402 : vector<16x1xi32> to vector<16xi32>
        %gather3A_404 = tpu.dynamic_gather %get3A_390[%gather3A_403] in [0] : vector<16xf32>, vector<16xi32> -> vector<16xf32>
        %select_n3A_405 = arith.select %eq3A_50, %gather3A_404, %select_n3A_401 : vector<16xi1>, vector<16xf32>
        %max3A_406 = arith.constant 9.99999996E-13 : f32
        %max3A_407 = vector.broadcast %max3A_406 : f32 to vector<16xf32>
        %max3A_408 = arith.maximumf %select_n3A_405, %max3A_407 : vector<16xf32>
        %bitcast_convert_type3A_409 = tpu.bitcast %max3A_408 : vector<16xf32> -> vector<16xi32>
        %shift_right_logical3A_410 = arith.constant 1 : i32
        %shift_right_logical3A_411 = vector.broadcast %shift_right_logical3A_410 : i32 to vector<16xi32>
        %shift_right_logical3A_412 = arith.shrui %bitcast_convert_type3A_409, %shift_right_logical3A_411 : vector<16xi32>
        %sub3A_413 = arith.constant 1597463007 : i32
        %sub3A_414 = vector.broadcast %sub3A_413 : i32 to vector<16xi32>
        %sub3A_415 = arith.subi %sub3A_414, %shift_right_logical3A_412 : vector<16xi32>
        %bitcast_convert_type3A_416 = tpu.bitcast %sub3A_415 : vector<16xi32> -> vector<16xf32>
        %mul3A_417 = arith.constant 5.000000e-01 : f32
        %mul3A_418 = vector.broadcast %mul3A_417 : f32 to vector<16xf32>
        %mul3A_419 = arith.mulf %mul3A_418, %max3A_408 : vector<16xf32>
        %mul3A_420 = arith.mulf %mul3A_419, %bitcast_convert_type3A_416 : vector<16xf32>
        %mul3A_421 = arith.mulf %mul3A_420, %bitcast_convert_type3A_416 : vector<16xf32>
        %sub3A_422 = arith.constant 1.500000e+00 : f32
        %sub3A_423 = vector.broadcast %sub3A_422 : f32 to vector<16xf32>
        %sub3A_424 = arith.subf %sub3A_423, %mul3A_421 : vector<16xf32>
        %mul3A_425 = arith.mulf %bitcast_convert_type3A_416, %sub3A_424 : vector<16xf32>
        %mul3A_426 = arith.constant 5.000000e-01 : f32
        %mul3A_427 = vector.broadcast %mul3A_426 : f32 to vector<16xf32>
        %mul3A_428 = arith.mulf %mul3A_427, %max3A_408 : vector<16xf32>
        %mul3A_429 = arith.mulf %mul3A_428, %mul3A_425 : vector<16xf32>
        %mul3A_430 = arith.mulf %mul3A_429, %mul3A_425 : vector<16xf32>
        %sub3A_431 = arith.constant 1.500000e+00 : f32
        %sub3A_432 = vector.broadcast %sub3A_431 : f32 to vector<16xf32>
        %sub3A_433 = arith.subf %sub3A_432, %mul3A_430 : vector<16xf32>
        %mul3A_434 = arith.mulf %mul3A_425, %sub3A_433 : vector<16xf32>
        %mul3A_435 = arith.mulf %select_n3A_405, %mul3A_434 : vector<16xf32>
        %broadcast_in_dim3A_436 = vector.shape_cast %get3A_25 : vector<16xi32> to vector<16x1xi32>
        %gather3A_437 = vector.shape_cast %broadcast_in_dim3A_436 : vector<16x1xi32> to vector<16xi32>
        %gather3A_438 = tpu.dynamic_gather %mul3A_435[%gather3A_437] in [0] : vector<16xf32>, vector<16xi32> -> vector<16xf32>
        %mul3A_439 = arith.mulf %neg3A_8, %gather3A_438 : vector<16xf32>
        %exp3A_440 = math.exp %mul3A_439 : vector<16xf32>
        %swap3A_441 = arith.constant 1 : i32
        %swap3A_442 = arith.constant 1 : i32
        %swap3A_443 = arith.index_cast %swap3A_441 : i32 to index
        %swap3A_444 = arith.index_cast %swap3A_442 : i32 to index
        %swap3A_445 = arith.index_cast %scan3A_364 : i32 to index
        %swap3A_446 = arith.constant 0 : index
        %swap3A_447 = tpu.vector_load %arg7[%swap3A_443, %swap3A_444, %swap3A_445, %swap3A_446] {strides = array<i32>} : memref<2x2x128x48xf32, #tpu.memory_space<vmem>>, vector<1x1x1x16xf32>,
        %swap3A_448 = vector.shape_cast %swap3A_447 : vector<1x1x1x16xf32> to vector<16xf32>
        %swap3A_449 = vector.shape_cast %exp3A_440 : vector<16xf32> to vector<1x1x1x16xf32>
        tpu.vector_store %arg7[%swap3A_443, %swap3A_444, %swap3A_445, %swap3A_446], %swap3A_449 {strides = array<i32>} : memref<2x2x128x48xf32, #tpu.memory_space<vmem>>, vector<1x1x1x16xf32>,
        %broadcast_in_dim3A_450 = vector.shape_cast %get3A_28 : vector<16xi32> to vector<16x1xi32>
        %gather3A_451 = vector.shape_cast %broadcast_in_dim3A_450 : vector<16x1xi32> to vector<16xi32>
        %gather3A_452 = tpu.dynamic_gather %mul3A_435[%gather3A_451] in [0] : vector<16xf32>, vector<16xi32> -> vector<16xf32>
        %mul3A_453 = arith.mulf %neg3A_15, %gather3A_452 : vector<16xf32>
        %exp3A_454 = math.exp %mul3A_453 : vector<16xf32>
        %swap3A_455 = arith.constant 1 : i32
        %swap3A_456 = arith.constant 1 : i32
        %swap3A_457 = arith.index_cast %swap3A_455 : i32 to index
        %swap3A_458 = arith.index_cast %swap3A_456 : i32 to index
        %swap3A_459 = arith.index_cast %scan3A_364 : i32 to index
        %swap3A_460 = arith.constant 16 : index
        %swap3A_461 = tpu.vector_load %arg7[%swap3A_457, %swap3A_458, %swap3A_459, %swap3A_460] {strides = array<i32>} : memref<2x2x128x48xf32, #tpu.memory_space<vmem>>, vector<1x1x1x16xf32>,
        %swap3A_462 = vector.shape_cast %swap3A_461 : vector<1x1x1x16xf32> to vector<16xf32>
        %swap3A_463 = vector.shape_cast %exp3A_454 : vector<16xf32> to vector<1x1x1x16xf32>
        tpu.vector_store %arg7[%swap3A_457, %swap3A_458, %swap3A_459, %swap3A_460], %swap3A_463 {strides = array<i32>} : memref<2x2x128x48xf32, #tpu.memory_space<vmem>>, vector<1x1x1x16xf32>,
        %broadcast_in_dim3A_464 = vector.shape_cast %get3A_31 : vector<16xi32> to vector<16x1xi32>
        %gather3A_465 = vector.shape_cast %broadcast_in_dim3A_464 : vector<16x1xi32> to vector<16xi32>
        %gather3A_466 = tpu.dynamic_gather %mul3A_435[%gather3A_465] in [0] : vector<16xf32>, vector<16xi32> -> vector<16xf32>
        %mul3A_467 = arith.mulf %neg3A_22, %gather3A_466 : vector<16xf32>
        %exp3A_468 = math.exp %mul3A_467 : vector<16xf32>
        %swap3A_469 = arith.constant 1 : i32
        %swap3A_470 = arith.constant 1 : i32
        %swap3A_471 = arith.index_cast %swap3A_469 : i32 to index
        %swap3A_472 = arith.index_cast %swap3A_470 : i32 to index
        %swap3A_473 = arith.index_cast %scan3A_364 : i32 to index
        %swap3A_474 = arith.constant 32 : index
        %swap3A_475 = tpu.vector_load %arg7[%swap3A_471, %swap3A_472, %swap3A_473, %swap3A_474] {strides = array<i32>} : memref<2x2x128x48xf32, #tpu.memory_space<vmem>>, vector<1x1x1x16xf32>,
        %swap3A_476 = vector.shape_cast %swap3A_475 : vector<1x1x1x16xf32> to vector<16xf32>
        %swap3A_477 = vector.shape_cast %exp3A_468 : vector<16xf32> to vector<1x1x1x16xf32>
        tpu.vector_store %arg7[%swap3A_471, %swap3A_472, %swap3A_473, %swap3A_474], %swap3A_477 {strides = array<i32>} : memref<2x2x128x48xf32, #tpu.memory_space<vmem>>, vector<1x1x1x16xf32>,
        %scan3A_478 = arith.constant 0 : i32
        %scan3A_479 = arith.constant 2 : i32
        %scan3A_480 = arith.addi %scan3A_254, %scan3A_479 : i32
        %add3A_481 = arith.constant 128 : i32
        %add3A_482 = arith.addi %add3A_481, %scan3A_480 : i32
        %get3A_483 = arith.constant 1 : i32
        %get3A_484 = arith.index_cast %get3A_483 : i32 to index
        %get3A_485 = arith.index_cast %add3A_482 : i32 to index
        %get3A_486 = arith.constant 0 : index
        %get3A_487 = tpu.vector_load %arg6[%get3A_484, %get3A_485, %get3A_486] {strides = array<i32>} : memref<2x256x64xf32, #tpu.memory_space<vmem>>, vector<1x1x16xf32>,
        %get3A_488 = vector.shape_cast %get3A_487 : vector<1x1x16xf32> to vector<16xf32>
        %get3A_489 = arith.constant 1 : i32
        %get3A_490 = arith.index_cast %get3A_489 : i32 to index
        %get3A_491 = arith.index_cast %add3A_482 : i32 to index
        %get3A_492 = arith.constant 16 : index
        %get3A_493 = tpu.vector_load %arg6[%get3A_490, %get3A_491, %get3A_492] {strides = array<i32>} : memref<2x256x64xf32, #tpu.memory_space<vmem>>, vector<1x1x16xf32>,
        %get3A_494 = vector.shape_cast %get3A_493 : vector<1x1x16xf32> to vector<16xf32>
        %get3A_495 = arith.constant 1 : i32
        %get3A_496 = arith.index_cast %get3A_495 : i32 to index
        %get3A_497 = arith.index_cast %add3A_482 : i32 to index
        %get3A_498 = arith.constant 32 : index
        %get3A_499 = tpu.vector_load %arg6[%get3A_496, %get3A_497, %get3A_498] {strides = array<i32>} : memref<2x256x64xf32, #tpu.memory_space<vmem>>, vector<1x1x16xf32>,
        %get3A_500 = vector.shape_cast %get3A_499 : vector<1x1x16xf32> to vector<16xf32>
        %get3A_501 = arith.constant 1 : i32
        %get3A_502 = arith.index_cast %get3A_501 : i32 to index
        %get3A_503 = arith.index_cast %add3A_482 : i32 to index
        %get3A_504 = arith.constant 48 : index
        %get3A_505 = tpu.vector_load %arg6[%get3A_502, %get3A_503, %get3A_504] {strides = array<i32>} : memref<2x256x64xf32, #tpu.memory_space<vmem>>, vector<1x1x16xf32>,
        %get3A_506 = vector.shape_cast %get3A_505 : vector<1x1x16xf32> to vector<16xf32>
        %broadcast_in_dim3A_507 = vector.shape_cast %sub3A : vector<16xi32> to vector<16x1xi32>
        %gather3A_508 = vector.shape_cast %broadcast_in_dim3A_507 : vector<16x1xi32> to vector<16xi32>
        %gather3A_509 = tpu.dynamic_gather %get3A_488[%gather3A_508] in [0] : vector<16xf32>, vector<16xi32> -> vector<16xf32>
        %broadcast_in_dim3A_510 = vector.shape_cast %sub3A : vector<16xi32> to vector<16x1xi32>
        %gather3A_511 = vector.shape_cast %broadcast_in_dim3A_510 : vector<16x1xi32> to vector<16xi32>
        %gather3A_512 = tpu.dynamic_gather %get3A_494[%gather3A_511] in [0] : vector<16xf32>, vector<16xi32> -> vector<16xf32>
        %select_n3A_513 = arith.select %eq3A_44, %gather3A_512, %gather3A_509 : vector<16xi1>, vector<16xf32>
        %broadcast_in_dim3A_514 = vector.shape_cast %sub3A : vector<16xi32> to vector<16x1xi32>
        %gather3A_515 = vector.shape_cast %broadcast_in_dim3A_514 : vector<16x1xi32> to vector<16xi32>
        %gather3A_516 = tpu.dynamic_gather %get3A_500[%gather3A_515] in [0] : vector<16xf32>, vector<16xi32> -> vector<16xf32>
        %select_n3A_517 = arith.select %eq3A_47, %gather3A_516, %select_n3A_513 : vector<16xi1>, vector<16xf32>
        %broadcast_in_dim3A_518 = vector.shape_cast %sub3A : vector<16xi32> to vector<16x1xi32>
        %gather3A_519 = vector.shape_cast %broadcast_in_dim3A_518 : vector<16x1xi32> to vector<16xi32>
        %gather3A_520 = tpu.dynamic_gather %get3A_506[%gather3A_519] in [0] : vector<16xf32>, vector<16xi32> -> vector<16xf32>
        %select_n3A_521 = arith.select %eq3A_50, %gather3A_520, %select_n3A_517 : vector<16xi1>, vector<16xf32>
        %max3A_522 = arith.constant 9.99999996E-13 : f32
        %max3A_523 = vector.broadcast %max3A_522 : f32 to vector<16xf32>
        %max3A_524 = arith.maximumf %select_n3A_521, %max3A_523 : vector<16xf32>
        %bitcast_convert_type3A_525 = tpu.bitcast %max3A_524 : vector<16xf32> -> vector<16xi32>
        %shift_right_logical3A_526 = arith.constant 1 : i32
        %shift_right_logical3A_527 = vector.broadcast %shift_right_logical3A_526 : i32 to vector<16xi32>
        %shift_right_logical3A_528 = arith.shrui %bitcast_convert_type3A_525, %shift_right_logical3A_527 : vector<16xi32>
        %sub3A_529 = arith.constant 1597463007 : i32
        %sub3A_530 = vector.broadcast %sub3A_529 : i32 to vector<16xi32>
        %sub3A_531 = arith.subi %sub3A_530, %shift_right_logical3A_528 : vector<16xi32>
        %bitcast_convert_type3A_532 = tpu.bitcast %sub3A_531 : vector<16xi32> -> vector<16xf32>
        %mul3A_533 = arith.constant 5.000000e-01 : f32
        %mul3A_534 = vector.broadcast %mul3A_533 : f32 to vector<16xf32>
        %mul3A_535 = arith.mulf %mul3A_534, %max3A_524 : vector<16xf32>
        %mul3A_536 = arith.mulf %mul3A_535, %bitcast_convert_type3A_532 : vector<16xf32>
        %mul3A_537 = arith.mulf %mul3A_536, %bitcast_convert_type3A_532 : vector<16xf32>
        %sub3A_538 = arith.constant 1.500000e+00 : f32
        %sub3A_539 = vector.broadcast %sub3A_538 : f32 to vector<16xf32>
        %sub3A_540 = arith.subf %sub3A_539, %mul3A_537 : vector<16xf32>
        %mul3A_541 = arith.mulf %bitcast_convert_type3A_532, %sub3A_540 : vector<16xf32>
        %mul3A_542 = arith.constant 5.000000e-01 : f32
        %mul3A_543 = vector.broadcast %mul3A_542 : f32 to vector<16xf32>
        %mul3A_544 = arith.mulf %mul3A_543, %max3A_524 : vector<16xf32>
        %mul3A_545 = arith.mulf %mul3A_544, %mul3A_541 : vector<16xf32>
        %mul3A_546 = arith.mulf %mul3A_545, %mul3A_541 : vector<16xf32>
        %sub3A_547 = arith.constant 1.500000e+00 : f32
        %sub3A_548 = vector.broadcast %sub3A_547 : f32 to vector<16xf32>
        %sub3A_549 = arith.subf %sub3A_548, %mul3A_546 : vector<16xf32>
        %mul3A_550 = arith.mulf %mul3A_541, %sub3A_549 : vector<16xf32>
        %mul3A_551 = arith.mulf %select_n3A_521, %mul3A_550 : vector<16xf32>
        %broadcast_in_dim3A_552 = vector.shape_cast %get3A_25 : vector<16xi32> to vector<16x1xi32>
        %gather3A_553 = vector.shape_cast %broadcast_in_dim3A_552 : vector<16x1xi32> to vector<16xi32>
        %gather3A_554 = tpu.dynamic_gather %mul3A_551[%gather3A_553] in [0] : vector<16xf32>, vector<16xi32> -> vector<16xf32>
        %mul3A_555 = arith.mulf %neg3A_8, %gather3A_554 : vector<16xf32>
        %exp3A_556 = math.exp %mul3A_555 : vector<16xf32>
        %swap3A_557 = arith.constant 1 : i32
        %swap3A_558 = arith.constant 1 : i32
        %swap3A_559 = arith.index_cast %swap3A_557 : i32 to index
        %swap3A_560 = arith.index_cast %swap3A_558 : i32 to index
        %swap3A_561 = arith.index_cast %scan3A_480 : i32 to index
        %swap3A_562 = arith.constant 0 : index
        %swap3A_563 = tpu.vector_load %arg7[%swap3A_559, %swap3A_560, %swap3A_561, %swap3A_562] {strides = array<i32>} : memref<2x2x128x48xf32, #tpu.memory_space<vmem>>, vector<1x1x1x16xf32>,
        %swap3A_564 = vector.shape_cast %swap3A_563 : vector<1x1x1x16xf32> to vector<16xf32>
        %swap3A_565 = vector.shape_cast %exp3A_556 : vector<16xf32> to vector<1x1x1x16xf32>
        tpu.vector_store %arg7[%swap3A_559, %swap3A_560, %swap3A_561, %swap3A_562], %swap3A_565 {strides = array<i32>} : memref<2x2x128x48xf32, #tpu.memory_space<vmem>>, vector<1x1x1x16xf32>,
        %broadcast_in_dim3A_566 = vector.shape_cast %get3A_28 : vector<16xi32> to vector<16x1xi32>
        %gather3A_567 = vector.shape_cast %broadcast_in_dim3A_566 : vector<16x1xi32> to vector<16xi32>
        %gather3A_568 = tpu.dynamic_gather %mul3A_551[%gather3A_567] in [0] : vector<16xf32>, vector<16xi32> -> vector<16xf32>
        %mul3A_569 = arith.mulf %neg3A_15, %gather3A_568 : vector<16xf32>
        %exp3A_570 = math.exp %mul3A_569 : vector<16xf32>
        %swap3A_571 = arith.constant 1 : i32
        %swap3A_572 = arith.constant 1 : i32
        %swap3A_573 = arith.index_cast %swap3A_571 : i32 to index
        %swap3A_574 = arith.index_cast %swap3A_572 : i32 to index
        %swap3A_575 = arith.index_cast %scan3A_480 : i32 to index
        %swap3A_576 = arith.constant 16 : index
        %swap3A_577 = tpu.vector_load %arg7[%swap3A_573, %swap3A_574, %swap3A_575, %swap3A_576] {strides = array<i32>} : memref<2x2x128x48xf32, #tpu.memory_space<vmem>>, vector<1x1x1x16xf32>,
        %swap3A_578 = vector.shape_cast %swap3A_577 : vector<1x1x1x16xf32> to vector<16xf32>
        %swap3A_579 = vector.shape_cast %exp3A_570 : vector<16xf32> to vector<1x1x1x16xf32>
        tpu.vector_store %arg7[%swap3A_573, %swap3A_574, %swap3A_575, %swap3A_576], %swap3A_579 {strides = array<i32>} : memref<2x2x128x48xf32, #tpu.memory_space<vmem>>, vector<1x1x1x16xf32>,
        %broadcast_in_dim3A_580 = vector.shape_cast %get3A_31 : vector<16xi32> to vector<16x1xi32>
        %gather3A_581 = vector.shape_cast %broadcast_in_dim3A_580 : vector<16x1xi32> to vector<16xi32>
        %gather3A_582 = tpu.dynamic_gather %mul3A_551[%gather3A_581] in [0] : vector<16xf32>, vector<16xi32> -> vector<16xf32>
        %mul3A_583 = arith.mulf %neg3A_22, %gather3A_582 : vector<16xf32>
        %exp3A_584 = math.exp %mul3A_583 : vector<16xf32>
        %swap3A_585 = arith.constant 1 : i32
        %swap3A_586 = arith.constant 1 : i32
        %swap3A_587 = arith.index_cast %swap3A_585 : i32 to index
        %swap3A_588 = arith.index_cast %swap3A_586 : i32 to index
        %swap3A_589 = arith.index_cast %scan3A_480 : i32 to index
        %swap3A_590 = arith.constant 32 : index
        %swap3A_591 = tpu.vector_load %arg7[%swap3A_587, %swap3A_588, %swap3A_589, %swap3A_590] {strides = array<i32>} : memref<2x2x128x48xf32, #tpu.memory_space<vmem>>, vector<1x1x1x16xf32>,
        %swap3A_592 = vector.shape_cast %swap3A_591 : vector<1x1x1x16xf32> to vector<16xf32>
        %swap3A_593 = vector.shape_cast %exp3A_584 : vector<16xf32> to vector<1x1x1x16xf32>
        tpu.vector_store %arg7[%swap3A_587, %swap3A_588, %swap3A_589, %swap3A_590], %swap3A_593 {strides = array<i32>} : memref<2x2x128x48xf32, #tpu.memory_space<vmem>>, vector<1x1x1x16xf32>,
        %scan3A_594 = arith.constant 0 : i32
        %scan3A_595 = arith.constant 3 : i32
        %scan3A_596 = arith.addi %scan3A_254, %scan3A_595 : i32
        %add3A_597 = arith.constant 128 : i32
        %add3A_598 = arith.addi %add3A_597, %scan3A_596 : i32
        %get3A_599 = arith.constant 1 : i32
        %get3A_600 = arith.index_cast %get3A_599 : i32 to index
        %get3A_601 = arith.index_cast %add3A_598 : i32 to index
        %get3A_602 = arith.constant 0 : index
        %get3A_603 = tpu.vector_load %arg6[%get3A_600, %get3A_601, %get3A_602] {strides = array<i32>} : memref<2x256x64xf32, #tpu.memory_space<vmem>>, vector<1x1x16xf32>,
        %get3A_604 = vector.shape_cast %get3A_603 : vector<1x1x16xf32> to vector<16xf32>
        %get3A_605 = arith.constant 1 : i32
        %get3A_606 = arith.index_cast %get3A_605 : i32 to index
        %get3A_607 = arith.index_cast %add3A_598 : i32 to index
        %get3A_608 = arith.constant 16 : index
        %get3A_609 = tpu.vector_load %arg6[%get3A_606, %get3A_607, %get3A_608] {strides = array<i32>} : memref<2x256x64xf32, #tpu.memory_space<vmem>>, vector<1x1x16xf32>,
        %get3A_610 = vector.shape_cast %get3A_609 : vector<1x1x16xf32> to vector<16xf32>
        %get3A_611 = arith.constant 1 : i32
        %get3A_612 = arith.index_cast %get3A_611 : i32 to index
        %get3A_613 = arith.index_cast %add3A_598 : i32 to index
        %get3A_614 = arith.constant 32 : index
        %get3A_615 = tpu.vector_load %arg6[%get3A_612, %get3A_613, %get3A_614] {strides = array<i32>} : memref<2x256x64xf32, #tpu.memory_space<vmem>>, vector<1x1x16xf32>,
        %get3A_616 = vector.shape_cast %get3A_615 : vector<1x1x16xf32> to vector<16xf32>
        %get3A_617 = arith.constant 1 : i32
        %get3A_618 = arith.index_cast %get3A_617 : i32 to index
        %get3A_619 = arith.index_cast %add3A_598 : i32 to index
        %get3A_620 = arith.constant 48 : index
        %get3A_621 = tpu.vector_load %arg6[%get3A_618, %get3A_619, %get3A_620] {strides = array<i32>} : memref<2x256x64xf32, #tpu.memory_space<vmem>>, vector<1x1x16xf32>,
        %get3A_622 = vector.shape_cast %get3A_621 : vector<1x1x16xf32> to vector<16xf32>
        %broadcast_in_dim3A_623 = vector.shape_cast %sub3A : vector<16xi32> to vector<16x1xi32>
        %gather3A_624 = vector.shape_cast %broadcast_in_dim3A_623 : vector<16x1xi32> to vector<16xi32>
        %gather3A_625 = tpu.dynamic_gather %get3A_604[%gather3A_624] in [0] : vector<16xf32>, vector<16xi32> -> vector<16xf32>
        %broadcast_in_dim3A_626 = vector.shape_cast %sub3A : vector<16xi32> to vector<16x1xi32>
        %gather3A_627 = vector.shape_cast %broadcast_in_dim3A_626 : vector<16x1xi32> to vector<16xi32>
        %gather3A_628 = tpu.dynamic_gather %get3A_610[%gather3A_627] in [0] : vector<16xf32>, vector<16xi32> -> vector<16xf32>
        %select_n3A_629 = arith.select %eq3A_44, %gather3A_628, %gather3A_625 : vector<16xi1>, vector<16xf32>
        %broadcast_in_dim3A_630 = vector.shape_cast %sub3A : vector<16xi32> to vector<16x1xi32>
        %gather3A_631 = vector.shape_cast %broadcast_in_dim3A_630 : vector<16x1xi32> to vector<16xi32>
        %gather3A_632 = tpu.dynamic_gather %get3A_616[%gather3A_631] in [0] : vector<16xf32>, vector<16xi32> -> vector<16xf32>
        %select_n3A_633 = arith.select %eq3A_47, %gather3A_632, %select_n3A_629 : vector<16xi1>, vector<16xf32>
        %broadcast_in_dim3A_634 = vector.shape_cast %sub3A : vector<16xi32> to vector<16x1xi32>
        %gather3A_635 = vector.shape_cast %broadcast_in_dim3A_634 : vector<16x1xi32> to vector<16xi32>
        %gather3A_636 = tpu.dynamic_gather %get3A_622[%gather3A_635] in [0] : vector<16xf32>, vector<16xi32> -> vector<16xf32>
        %select_n3A_637 = arith.select %eq3A_50, %gather3A_636, %select_n3A_633 : vector<16xi1>, vector<16xf32>
        %max3A_638 = arith.constant 9.99999996E-13 : f32
        %max3A_639 = vector.broadcast %max3A_638 : f32 to vector<16xf32>
        %max3A_640 = arith.maximumf %select_n3A_637, %max3A_639 : vector<16xf32>
        %bitcast_convert_type3A_641 = tpu.bitcast %max3A_640 : vector<16xf32> -> vector<16xi32>
        %shift_right_logical3A_642 = arith.constant 1 : i32
        %shift_right_logical3A_643 = vector.broadcast %shift_right_logical3A_642 : i32 to vector<16xi32>
        %shift_right_logical3A_644 = arith.shrui %bitcast_convert_type3A_641, %shift_right_logical3A_643 : vector<16xi32>
        %sub3A_645 = arith.constant 1597463007 : i32
        %sub3A_646 = vector.broadcast %sub3A_645 : i32 to vector<16xi32>
        %sub3A_647 = arith.subi %sub3A_646, %shift_right_logical3A_644 : vector<16xi32>
        %bitcast_convert_type3A_648 = tpu.bitcast %sub3A_647 : vector<16xi32> -> vector<16xf32>
        %mul3A_649 = arith.constant 5.000000e-01 : f32
        %mul3A_650 = vector.broadcast %mul3A_649 : f32 to vector<16xf32>
        %mul3A_651 = arith.mulf %mul3A_650, %max3A_640 : vector<16xf32>
        %mul3A_652 = arith.mulf %mul3A_651, %bitcast_convert_type3A_648 : vector<16xf32>
        %mul3A_653 = arith.mulf %mul3A_652, %bitcast_convert_type3A_648 : vector<16xf32>
        %sub3A_654 = arith.constant 1.500000e+00 : f32
        %sub3A_655 = vector.broadcast %sub3A_654 : f32 to vector<16xf32>
        %sub3A_656 = arith.subf %sub3A_655, %mul3A_653 : vector<16xf32>
        %mul3A_657 = arith.mulf %bitcast_convert_type3A_648, %sub3A_656 : vector<16xf32>
        %mul3A_658 = arith.constant 5.000000e-01 : f32
        %mul3A_659 = vector.broadcast %mul3A_658 : f32 to vector<16xf32>
        %mul3A_660 = arith.mulf %mul3A_659, %max3A_640 : vector<16xf32>
        %mul3A_661 = arith.mulf %mul3A_660, %mul3A_657 : vector<16xf32>
        %mul3A_662 = arith.mulf %mul3A_661, %mul3A_657 : vector<16xf32>
        %sub3A_663 = arith.constant 1.500000e+00 : f32
        %sub3A_664 = vector.broadcast %sub3A_663 : f32 to vector<16xf32>
        %sub3A_665 = arith.subf %sub3A_664, %mul3A_662 : vector<16xf32>
        %mul3A_666 = arith.mulf %mul3A_657, %sub3A_665 : vector<16xf32>
        %mul3A_667 = arith.mulf %select_n3A_637, %mul3A_666 : vector<16xf32>
        %broadcast_in_dim3A_668 = vector.shape_cast %get3A_25 : vector<16xi32> to vector<16x1xi32>
        %gather3A_669 = vector.shape_cast %broadcast_in_dim3A_668 : vector<16x1xi32> to vector<16xi32>
        %gather3A_670 = tpu.dynamic_gather %mul3A_667[%gather3A_669] in [0] : vector<16xf32>, vector<16xi32> -> vector<16xf32>
        %mul3A_671 = arith.mulf %neg3A_8, %gather3A_670 : vector<16xf32>
        %exp3A_672 = math.exp %mul3A_671 : vector<16xf32>
        %swap3A_673 = arith.constant 1 : i32
        %swap3A_674 = arith.constant 1 : i32
        %swap3A_675 = arith.index_cast %swap3A_673 : i32 to index
        %swap3A_676 = arith.index_cast %swap3A_674 : i32 to index
        %swap3A_677 = arith.index_cast %scan3A_596 : i32 to index
        %swap3A_678 = arith.constant 0 : index
        %swap3A_679 = tpu.vector_load %arg7[%swap3A_675, %swap3A_676, %swap3A_677, %swap3A_678] {strides = array<i32>} : memref<2x2x128x48xf32, #tpu.memory_space<vmem>>, vector<1x1x1x16xf32>,
        %swap3A_680 = vector.shape_cast %swap3A_679 : vector<1x1x1x16xf32> to vector<16xf32>
        %swap3A_681 = vector.shape_cast %exp3A_672 : vector<16xf32> to vector<1x1x1x16xf32>
        tpu.vector_store %arg7[%swap3A_675, %swap3A_676, %swap3A_677, %swap3A_678], %swap3A_681 {strides = array<i32>} : memref<2x2x128x48xf32, #tpu.memory_space<vmem>>, vector<1x1x1x16xf32>,
        %broadcast_in_dim3A_682 = vector.shape_cast %get3A_28 : vector<16xi32> to vector<16x1xi32>
        %gather3A_683 = vector.shape_cast %broadcast_in_dim3A_682 : vector<16x1xi32> to vector<16xi32>
        %gather3A_684 = tpu.dynamic_gather %mul3A_667[%gather3A_683] in [0] : vector<16xf32>, vector<16xi32> -> vector<16xf32>
        %mul3A_685 = arith.mulf %neg3A_15, %gather3A_684 : vector<16xf32>
        %exp3A_686 = math.exp %mul3A_685 : vector<16xf32>
        %swap3A_687 = arith.constant 1 : i32
        %swap3A_688 = arith.constant 1 : i32
        %swap3A_689 = arith.index_cast %swap3A_687 : i32 to index
        %swap3A_690 = arith.index_cast %swap3A_688 : i32 to index
        %swap3A_691 = arith.index_cast %scan3A_596 : i32 to index
        %swap3A_692 = arith.constant 16 : index
        %swap3A_693 = tpu.vector_load %arg7[%swap3A_689, %swap3A_690, %swap3A_691, %swap3A_692] {strides = array<i32>} : memref<2x2x128x48xf32, #tpu.memory_space<vmem>>, vector<1x1x1x16xf32>,
        %swap3A_694 = vector.shape_cast %swap3A_693 : vector<1x1x1x16xf32> to vector<16xf32>
        %swap3A_695 = vector.shape_cast %exp3A_686 : vector<16xf32> to vector<1x1x1x16xf32>
        tpu.vector_store %arg7[%swap3A_689, %swap3A_690, %swap3A_691, %swap3A_692], %swap3A_695 {strides = array<i32>} : memref<2x2x128x48xf32, #tpu.memory_space<vmem>>, vector<1x1x1x16xf32>,
        %broadcast_in_dim3A_696 = vector.shape_cast %get3A_31 : vector<16xi32> to vector<16x1xi32>
        %gather3A_697 = vector.shape_cast %broadcast_in_dim3A_696 : vector<16x1xi32> to vector<16xi32>
        %gather3A_698 = tpu.dynamic_gather %mul3A_667[%gather3A_697] in [0] : vector<16xf32>, vector<16xi32> -> vector<16xf32>
        %mul3A_699 = arith.mulf %neg3A_22, %gather3A_698 : vector<16xf32>
        %exp3A_700 = math.exp %mul3A_699 : vector<16xf32>
        %swap3A_701 = arith.constant 1 : i32
        %swap3A_702 = arith.constant 1 : i32
        %swap3A_703 = arith.index_cast %swap3A_701 : i32 to index
        %swap3A_704 = arith.index_cast %swap3A_702 : i32 to index
        %swap3A_705 = arith.index_cast %scan3A_596 : i32 to index
        %swap3A_706 = arith.constant 32 : index
        %swap3A_707 = tpu.vector_load %arg7[%swap3A_703, %swap3A_704, %swap3A_705, %swap3A_706] {strides = array<i32>} : memref<2x2x128x48xf32, #tpu.memory_space<vmem>>, vector<1x1x1x16xf32>,
        %swap3A_708 = vector.shape_cast %swap3A_707 : vector<1x1x1x16xf32> to vector<16xf32>
        %swap3A_709 = vector.shape_cast %exp3A_700 : vector<16xf32> to vector<1x1x1x16xf32>
        tpu.vector_store %arg7[%swap3A_703, %swap3A_704, %swap3A_705, %swap3A_706], %swap3A_709 {strides = array<i32>} : memref<2x2x128x48xf32, #tpu.memory_space<vmem>>, vector<1x1x1x16xf32>,
        %scan3A_710 = arith.constant 0 : i32
        %scan3A_711 = arith.constant 4 : i32
        %scan3A_712 = arith.addi %scan3A_254, %scan3A_711 : i32
        %add3A_713 = arith.constant 128 : i32
        %add3A_714 = arith.addi %add3A_713, %scan3A_712 : i32
        %get3A_715 = arith.constant 1 : i32
        %get3A_716 = arith.index_cast %get3A_715 : i32 to index
        %get3A_717 = arith.index_cast %add3A_714 : i32 to index
        %get3A_718 = arith.constant 0 : index
        %get3A_719 = tpu.vector_load %arg6[%get3A_716, %get3A_717, %get3A_718] {strides = array<i32>} : memref<2x256x64xf32, #tpu.memory_space<vmem>>, vector<1x1x16xf32>,
        %get3A_720 = vector.shape_cast %get3A_719 : vector<1x1x16xf32> to vector<16xf32>
        %get3A_721 = arith.constant 1 : i32
        %get3A_722 = arith.index_cast %get3A_721 : i32 to index
        %get3A_723 = arith.index_cast %add3A_714 : i32 to index
        %get3A_724 = arith.constant 16 : index
        %get3A_725 = tpu.vector_load %arg6[%get3A_722, %get3A_723, %get3A_724] {strides = array<i32>} : memref<2x256x64xf32, #tpu.memory_space<vmem>>, vector<1x1x16xf32>,
        %get3A_726 = vector.shape_cast %get3A_725 : vector<1x1x16xf32> to vector<16xf32>
        %get3A_727 = arith.constant 1 : i32
        %get3A_728 = arith.index_cast %get3A_727 : i32 to index
        %get3A_729 = arith.index_cast %add3A_714 : i32 to index
        %get3A_730 = arith.constant 32 : index
        %get3A_731 = tpu.vector_load %arg6[%get3A_728, %get3A_729, %get3A_730] {strides = array<i32>} : memref<2x256x64xf32, #tpu.memory_space<vmem>>, vector<1x1x16xf32>,
        %get3A_732 = vector.shape_cast %get3A_731 : vector<1x1x16xf32> to vector<16xf32>
        %get3A_733 = arith.constant 1 : i32
        %get3A_734 = arith.index_cast %get3A_733 : i32 to index
        %get3A_735 = arith.index_cast %add3A_714 : i32 to index
        %get3A_736 = arith.constant 48 : index
        %get3A_737 = tpu.vector_load %arg6[%get3A_734, %get3A_735, %get3A_736] {strides = array<i32>} : memref<2x256x64xf32, #tpu.memory_space<vmem>>, vector<1x1x16xf32>,
        %get3A_738 = vector.shape_cast %get3A_737 : vector<1x1x16xf32> to vector<16xf32>
        %broadcast_in_dim3A_739 = vector.shape_cast %sub3A : vector<16xi32> to vector<16x1xi32>
        %gather3A_740 = vector.shape_cast %broadcast_in_dim3A_739 : vector<16x1xi32> to vector<16xi32>
        %gather3A_741 = tpu.dynamic_gather %get3A_720[%gather3A_740] in [0] : vector<16xf32>, vector<16xi32> -> vector<16xf32>
        %broadcast_in_dim3A_742 = vector.shape_cast %sub3A : vector<16xi32> to vector<16x1xi32>
        %gather3A_743 = vector.shape_cast %broadcast_in_dim3A_742 : vector<16x1xi32> to vector<16xi32>
        %gather3A_744 = tpu.dynamic_gather %get3A_726[%gather3A_743] in [0] : vector<16xf32>, vector<16xi32> -> vector<16xf32>
        %select_n3A_745 = arith.select %eq3A_44, %gather3A_744, %gather3A_741 : vector<16xi1>, vector<16xf32>
        %broadcast_in_dim3A_746 = vector.shape_cast %sub3A : vector<16xi32> to vector<16x1xi32>
        %gather3A_747 = vector.shape_cast %broadcast_in_dim3A_746 : vector<16x1xi32> to vector<16xi32>
        %gather3A_748 = tpu.dynamic_gather %get3A_732[%gather3A_747] in [0] : vector<16xf32>, vector<16xi32> -> vector<16xf32>
        %select_n3A_749 = arith.select %eq3A_47, %gather3A_748, %select_n3A_745 : vector<16xi1>, vector<16xf32>
        %broadcast_in_dim3A_750 = vector.shape_cast %sub3A : vector<16xi32> to vector<16x1xi32>
        %gather3A_751 = vector.shape_cast %broadcast_in_dim3A_750 : vector<16x1xi32> to vector<16xi32>
        %gather3A_752 = tpu.dynamic_gather %get3A_738[%gather3A_751] in [0] : vector<16xf32>, vector<16xi32> -> vector<16xf32>
        %select_n3A_753 = arith.select %eq3A_50, %gather3A_752, %select_n3A_749 : vector<16xi1>, vector<16xf32>
        %max3A_754 = arith.constant 9.99999996E-13 : f32
        %max3A_755 = vector.broadcast %max3A_754 : f32 to vector<16xf32>
        %max3A_756 = arith.maximumf %select_n3A_753, %max3A_755 : vector<16xf32>
        %bitcast_convert_type3A_757 = tpu.bitcast %max3A_756 : vector<16xf32> -> vector<16xi32>
        %shift_right_logical3A_758 = arith.constant 1 : i32
        %shift_right_logical3A_759 = vector.broadcast %shift_right_logical3A_758 : i32 to vector<16xi32>
        %shift_right_logical3A_760 = arith.shrui %bitcast_convert_type3A_757, %shift_right_logical3A_759 : vector<16xi32>
        %sub3A_761 = arith.constant 1597463007 : i32
        %sub3A_762 = vector.broadcast %sub3A_761 : i32 to vector<16xi32>
        %sub3A_763 = arith.subi %sub3A_762, %shift_right_logical3A_760 : vector<16xi32>
        %bitcast_convert_type3A_764 = tpu.bitcast %sub3A_763 : vector<16xi32> -> vector<16xf32>
        %mul3A_765 = arith.constant 5.000000e-01 : f32
        %mul3A_766 = vector.broadcast %mul3A_765 : f32 to vector<16xf32>
        %mul3A_767 = arith.mulf %mul3A_766, %max3A_756 : vector<16xf32>
        %mul3A_768 = arith.mulf %mul3A_767, %bitcast_convert_type3A_764 : vector<16xf32>
        %mul3A_769 = arith.mulf %mul3A_768, %bitcast_convert_type3A_764 : vector<16xf32>
        %sub3A_770 = arith.constant 1.500000e+00 : f32
        %sub3A_771 = vector.broadcast %sub3A_770 : f32 to vector<16xf32>
        %sub3A_772 = arith.subf %sub3A_771, %mul3A_769 : vector<16xf32>
        %mul3A_773 = arith.mulf %bitcast_convert_type3A_764, %sub3A_772 : vector<16xf32>
        %mul3A_774 = arith.constant 5.000000e-01 : f32
        %mul3A_775 = vector.broadcast %mul3A_774 : f32 to vector<16xf32>
        %mul3A_776 = arith.mulf %mul3A_775, %max3A_756 : vector<16xf32>
        %mul3A_777 = arith.mulf %mul3A_776, %mul3A_773 : vector<16xf32>
        %mul3A_778 = arith.mulf %mul3A_777, %mul3A_773 : vector<16xf32>
        %sub3A_779 = arith.constant 1.500000e+00 : f32
        %sub3A_780 = vector.broadcast %sub3A_779 : f32 to vector<16xf32>
        %sub3A_781 = arith.subf %sub3A_780, %mul3A_778 : vector<16xf32>
        %mul3A_782 = arith.mulf %mul3A_773, %sub3A_781 : vector<16xf32>
        %mul3A_783 = arith.mulf %select_n3A_753, %mul3A_782 : vector<16xf32>
        %broadcast_in_dim3A_784 = vector.shape_cast %get3A_25 : vector<16xi32> to vector<16x1xi32>
        %gather3A_785 = vector.shape_cast %broadcast_in_dim3A_784 : vector<16x1xi32> to vector<16xi32>
        %gather3A_786 = tpu.dynamic_gather %mul3A_783[%gather3A_785] in [0] : vector<16xf32>, vector<16xi32> -> vector<16xf32>
        %mul3A_787 = arith.mulf %neg3A_8, %gather3A_786 : vector<16xf32>
        %exp3A_788 = math.exp %mul3A_787 : vector<16xf32>
        %swap3A_789 = arith.constant 1 : i32
        %swap3A_790 = arith.constant 1 : i32
        %swap3A_791 = arith.index_cast %swap3A_789 : i32 to index
        %swap3A_792 = arith.index_cast %swap3A_790 : i32 to index
        %swap3A_793 = arith.index_cast %scan3A_712 : i32 to index
        %swap3A_794 = arith.constant 0 : index
        %swap3A_795 = tpu.vector_load %arg7[%swap3A_791, %swap3A_792, %swap3A_793, %swap3A_794] {strides = array<i32>} : memref<2x2x128x48xf32, #tpu.memory_space<vmem>>, vector<1x1x1x16xf32>,
        %swap3A_796 = vector.shape_cast %swap3A_795 : vector<1x1x1x16xf32> to vector<16xf32>
        %swap3A_797 = vector.shape_cast %exp3A_788 : vector<16xf32> to vector<1x1x1x16xf32>
        tpu.vector_store %arg7[%swap3A_791, %swap3A_792, %swap3A_793, %swap3A_794], %swap3A_797 {strides = array<i32>} : memref<2x2x128x48xf32, #tpu.memory_space<vmem>>, vector<1x1x1x16xf32>,
        %broadcast_in_dim3A_798 = vector.shape_cast %get3A_28 : vector<16xi32> to vector<16x1xi32>
        %gather3A_799 = vector.shape_cast %broadcast_in_dim3A_798 : vector<16x1xi32> to vector<16xi32>
        %gather3A_800 = tpu.dynamic_gather %mul3A_783[%gather3A_799] in [0] : vector<16xf32>, vector<16xi32> -> vector<16xf32>
        %mul3A_801 = arith.mulf %neg3A_15, %gather3A_800 : vector<16xf32>
        %exp3A_802 = math.exp %mul3A_801 : vector<16xf32>
        %swap3A_803 = arith.constant 1 : i32
        %swap3A_804 = arith.constant 1 : i32
        %swap3A_805 = arith.index_cast %swap3A_803 : i32 to index
        %swap3A_806 = arith.index_cast %swap3A_804 : i32 to index
        %swap3A_807 = arith.index_cast %scan3A_712 : i32 to index
        %swap3A_808 = arith.constant 16 : index
        %swap3A_809 = tpu.vector_load %arg7[%swap3A_805, %swap3A_806, %swap3A_807, %swap3A_808] {strides = array<i32>} : memref<2x2x128x48xf32, #tpu.memory_space<vmem>>, vector<1x1x1x16xf32>,
        %swap3A_810 = vector.shape_cast %swap3A_809 : vector<1x1x1x16xf32> to vector<16xf32>
        %swap3A_811 = vector.shape_cast %exp3A_802 : vector<16xf32> to vector<1x1x1x16xf32>
        tpu.vector_store %arg7[%swap3A_805, %swap3A_806, %swap3A_807, %swap3A_808], %swap3A_811 {strides = array<i32>} : memref<2x2x128x48xf32, #tpu.memory_space<vmem>>, vector<1x1x1x16xf32>,
        %broadcast_in_dim3A_812 = vector.shape_cast %get3A_31 : vector<16xi32> to vector<16x1xi32>
        %gather3A_813 = vector.shape_cast %broadcast_in_dim3A_812 : vector<16x1xi32> to vector<16xi32>
        %gather3A_814 = tpu.dynamic_gather %mul3A_783[%gather3A_813] in [0] : vector<16xf32>, vector<16xi32> -> vector<16xf32>
        %mul3A_815 = arith.mulf %neg3A_22, %gather3A_814 : vector<16xf32>
        %exp3A_816 = math.exp %mul3A_815 : vector<16xf32>
        %swap3A_817 = arith.constant 1 : i32
        %swap3A_818 = arith.constant 1 : i32
        %swap3A_819 = arith.index_cast %swap3A_817 : i32 to index
        %swap3A_820 = arith.index_cast %swap3A_818 : i32 to index
        %swap3A_821 = arith.index_cast %scan3A_712 : i32 to index
        %swap3A_822 = arith.constant 32 : index
        %swap3A_823 = tpu.vector_load %arg7[%swap3A_819, %swap3A_820, %swap3A_821, %swap3A_822] {strides = array<i32>} : memref<2x2x128x48xf32, #tpu.memory_space<vmem>>, vector<1x1x1x16xf32>,
        %swap3A_824 = vector.shape_cast %swap3A_823 : vector<1x1x1x16xf32> to vector<16xf32>
        %swap3A_825 = vector.shape_cast %exp3A_816 : vector<16xf32> to vector<1x1x1x16xf32>
        tpu.vector_store %arg7[%swap3A_819, %swap3A_820, %swap3A_821, %swap3A_822], %swap3A_825 {strides = array<i32>} : memref<2x2x128x48xf32, #tpu.memory_space<vmem>>, vector<1x1x1x16xf32>,
        %scan3A_826 = arith.constant 0 : i32
        %scan3A_827 = arith.constant 5 : i32
        %scan3A_828 = arith.addi %scan3A_254, %scan3A_827 : i32
        %add3A_829 = arith.constant 128 : i32
        %add3A_830 = arith.addi %add3A_829, %scan3A_828 : i32
        %get3A_831 = arith.constant 1 : i32
        %get3A_832 = arith.index_cast %get3A_831 : i32 to index
        %get3A_833 = arith.index_cast %add3A_830 : i32 to index
        %get3A_834 = arith.constant 0 : index
        %get3A_835 = tpu.vector_load %arg6[%get3A_832, %get3A_833, %get3A_834] {strides = array<i32>} : memref<2x256x64xf32, #tpu.memory_space<vmem>>, vector<1x1x16xf32>,
        %get3A_836 = vector.shape_cast %get3A_835 : vector<1x1x16xf32> to vector<16xf32>
        %get3A_837 = arith.constant 1 : i32
        %get3A_838 = arith.index_cast %get3A_837 : i32 to index
        %get3A_839 = arith.index_cast %add3A_830 : i32 to index
        %get3A_840 = arith.constant 16 : index
        %get3A_841 = tpu.vector_load %arg6[%get3A_838, %get3A_839, %get3A_840] {strides = array<i32>} : memref<2x256x64xf32, #tpu.memory_space<vmem>>, vector<1x1x16xf32>,
        %get3A_842 = vector.shape_cast %get3A_841 : vector<1x1x16xf32> to vector<16xf32>
        %get3A_843 = arith.constant 1 : i32
        %get3A_844 = arith.index_cast %get3A_843 : i32 to index
        %get3A_845 = arith.index_cast %add3A_830 : i32 to index
        %get3A_846 = arith.constant 32 : index
        %get3A_847 = tpu.vector_load %arg6[%get3A_844, %get3A_845, %get3A_846] {strides = array<i32>} : memref<2x256x64xf32, #tpu.memory_space<vmem>>, vector<1x1x16xf32>,
        %get3A_848 = vector.shape_cast %get3A_847 : vector<1x1x16xf32> to vector<16xf32>
        %get3A_849 = arith.constant 1 : i32
        %get3A_850 = arith.index_cast %get3A_849 : i32 to index
        %get3A_851 = arith.index_cast %add3A_830 : i32 to index
        %get3A_852 = arith.constant 48 : index
        %get3A_853 = tpu.vector_load %arg6[%get3A_850, %get3A_851, %get3A_852] {strides = array<i32>} : memref<2x256x64xf32, #tpu.memory_space<vmem>>, vector<1x1x16xf32>,
        %get3A_854 = vector.shape_cast %get3A_853 : vector<1x1x16xf32> to vector<16xf32>
        %broadcast_in_dim3A_855 = vector.shape_cast %sub3A : vector<16xi32> to vector<16x1xi32>
        %gather3A_856 = vector.shape_cast %broadcast_in_dim3A_855 : vector<16x1xi32> to vector<16xi32>
        %gather3A_857 = tpu.dynamic_gather %get3A_836[%gather3A_856] in [0] : vector<16xf32>, vector<16xi32> -> vector<16xf32>
        %broadcast_in_dim3A_858 = vector.shape_cast %sub3A : vector<16xi32> to vector<16x1xi32>
        %gather3A_859 = vector.shape_cast %broadcast_in_dim3A_858 : vector<16x1xi32> to vector<16xi32>
        %gather3A_860 = tpu.dynamic_gather %get3A_842[%gather3A_859] in [0] : vector<16xf32>, vector<16xi32> -> vector<16xf32>
        %select_n3A_861 = arith.select %eq3A_44, %gather3A_860, %gather3A_857 : vector<16xi1>, vector<16xf32>
        %broadcast_in_dim3A_862 = vector.shape_cast %sub3A : vector<16xi32> to vector<16x1xi32>
        %gather3A_863 = vector.shape_cast %broadcast_in_dim3A_862 : vector<16x1xi32> to vector<16xi32>
        %gather3A_864 = tpu.dynamic_gather %get3A_848[%gather3A_863] in [0] : vector<16xf32>, vector<16xi32> -> vector<16xf32>
        %select_n3A_865 = arith.select %eq3A_47, %gather3A_864, %select_n3A_861 : vector<16xi1>, vector<16xf32>
        %broadcast_in_dim3A_866 = vector.shape_cast %sub3A : vector<16xi32> to vector<16x1xi32>
        %gather3A_867 = vector.shape_cast %broadcast_in_dim3A_866 : vector<16x1xi32> to vector<16xi32>
        %gather3A_868 = tpu.dynamic_gather %get3A_854[%gather3A_867] in [0] : vector<16xf32>, vector<16xi32> -> vector<16xf32>
        %select_n3A_869 = arith.select %eq3A_50, %gather3A_868, %select_n3A_865 : vector<16xi1>, vector<16xf32>
        %max3A_870 = arith.constant 9.99999996E-13 : f32
        %max3A_871 = vector.broadcast %max3A_870 : f32 to vector<16xf32>
        %max3A_872 = arith.maximumf %select_n3A_869, %max3A_871 : vector<16xf32>
        %bitcast_convert_type3A_873 = tpu.bitcast %max3A_872 : vector<16xf32> -> vector<16xi32>
        %shift_right_logical3A_874 = arith.constant 1 : i32
        %shift_right_logical3A_875 = vector.broadcast %shift_right_logical3A_874 : i32 to vector<16xi32>
        %shift_right_logical3A_876 = arith.shrui %bitcast_convert_type3A_873, %shift_right_logical3A_875 : vector<16xi32>
        %sub3A_877 = arith.constant 1597463007 : i32
        %sub3A_878 = vector.broadcast %sub3A_877 : i32 to vector<16xi32>
        %sub3A_879 = arith.subi %sub3A_878, %shift_right_logical3A_876 : vector<16xi32>
        %bitcast_convert_type3A_880 = tpu.bitcast %sub3A_879 : vector<16xi32> -> vector<16xf32>
        %mul3A_881 = arith.constant 5.000000e-01 : f32
        %mul3A_882 = vector.broadcast %mul3A_881 : f32 to vector<16xf32>
        %mul3A_883 = arith.mulf %mul3A_882, %max3A_872 : vector<16xf32>
        %mul3A_884 = arith.mulf %mul3A_883, %bitcast_convert_type3A_880 : vector<16xf32>
        %mul3A_885 = arith.mulf %mul3A_884, %bitcast_convert_type3A_880 : vector<16xf32>
        %sub3A_886 = arith.constant 1.500000e+00 : f32
        %sub3A_887 = vector.broadcast %sub3A_886 : f32 to vector<16xf32>
        %sub3A_888 = arith.subf %sub3A_887, %mul3A_885 : vector<16xf32>
        %mul3A_889 = arith.mulf %bitcast_convert_type3A_880, %sub3A_888 : vector<16xf32>
        %mul3A_890 = arith.constant 5.000000e-01 : f32
        %mul3A_891 = vector.broadcast %mul3A_890 : f32 to vector<16xf32>
        %mul3A_892 = arith.mulf %mul3A_891, %max3A_872 : vector<16xf32>
        %mul3A_893 = arith.mulf %mul3A_892, %mul3A_889 : vector<16xf32>
        %mul3A_894 = arith.mulf %mul3A_893, %mul3A_889 : vector<16xf32>
        %sub3A_895 = arith.constant 1.500000e+00 : f32
        %sub3A_896 = vector.broadcast %sub3A_895 : f32 to vector<16xf32>
        %sub3A_897 = arith.subf %sub3A_896, %mul3A_894 : vector<16xf32>
        %mul3A_898 = arith.mulf %mul3A_889, %sub3A_897 : vector<16xf32>
        %mul3A_899 = arith.mulf %select_n3A_869, %mul3A_898 : vector<16xf32>
        %broadcast_in_dim3A_900 = vector.shape_cast %get3A_25 : vector<16xi32> to vector<16x1xi32>
        %gather3A_901 = vector.shape_cast %broadcast_in_dim3A_900 : vector<16x1xi32> to vector<16xi32>
        %gather3A_902 = tpu.dynamic_gather %mul3A_899[%gather3A_901] in [0] : vector<16xf32>, vector<16xi32> -> vector<16xf32>
        %mul3A_903 = arith.mulf %neg3A_8, %gather3A_902 : vector<16xf32>
        %exp3A_904 = math.exp %mul3A_903 : vector<16xf32>
        %swap3A_905 = arith.constant 1 : i32
        %swap3A_906 = arith.constant 1 : i32
        %swap3A_907 = arith.index_cast %swap3A_905 : i32 to index
        %swap3A_908 = arith.index_cast %swap3A_906 : i32 to index
        %swap3A_909 = arith.index_cast %scan3A_828 : i32 to index
        %swap3A_910 = arith.constant 0 : index
        %swap3A_911 = tpu.vector_load %arg7[%swap3A_907, %swap3A_908, %swap3A_909, %swap3A_910] {strides = array<i32>} : memref<2x2x128x48xf32, #tpu.memory_space<vmem>>, vector<1x1x1x16xf32>,
        %swap3A_912 = vector.shape_cast %swap3A_911 : vector<1x1x1x16xf32> to vector<16xf32>
        %swap3A_913 = vector.shape_cast %exp3A_904 : vector<16xf32> to vector<1x1x1x16xf32>
        tpu.vector_store %arg7[%swap3A_907, %swap3A_908, %swap3A_909, %swap3A_910], %swap3A_913 {strides = array<i32>} : memref<2x2x128x48xf32, #tpu.memory_space<vmem>>, vector<1x1x1x16xf32>,
        %broadcast_in_dim3A_914 = vector.shape_cast %get3A_28 : vector<16xi32> to vector<16x1xi32>
        %gather3A_915 = vector.shape_cast %broadcast_in_dim3A_914 : vector<16x1xi32> to vector<16xi32>
        %gather3A_916 = tpu.dynamic_gather %mul3A_899[%gather3A_915] in [0] : vector<16xf32>, vector<16xi32> -> vector<16xf32>
        %mul3A_917 = arith.mulf %neg3A_15, %gather3A_916 : vector<16xf32>
        %exp3A_918 = math.exp %mul3A_917 : vector<16xf32>
        %swap3A_919 = arith.constant 1 : i32
        %swap3A_920 = arith.constant 1 : i32
        %swap3A_921 = arith.index_cast %swap3A_919 : i32 to index
        %swap3A_922 = arith.index_cast %swap3A_920 : i32 to index
        %swap3A_923 = arith.index_cast %scan3A_828 : i32 to index
        %swap3A_924 = arith.constant 16 : index
        %swap3A_925 = tpu.vector_load %arg7[%swap3A_921, %swap3A_922, %swap3A_923, %swap3A_924] {strides = array<i32>} : memref<2x2x128x48xf32, #tpu.memory_space<vmem>>, vector<1x1x1x16xf32>,
        %swap3A_926 = vector.shape_cast %swap3A_925 : vector<1x1x1x16xf32> to vector<16xf32>
        %swap3A_927 = vector.shape_cast %exp3A_918 : vector<16xf32> to vector<1x1x1x16xf32>
        tpu.vector_store %arg7[%swap3A_921, %swap3A_922, %swap3A_923, %swap3A_924], %swap3A_927 {strides = array<i32>} : memref<2x2x128x48xf32, #tpu.memory_space<vmem>>, vector<1x1x1x16xf32>,
        %broadcast_in_dim3A_928 = vector.shape_cast %get3A_31 : vector<16xi32> to vector<16x1xi32>
        %gather3A_929 = vector.shape_cast %broadcast_in_dim3A_928 : vector<16x1xi32> to vector<16xi32>
        %gather3A_930 = tpu.dynamic_gather %mul3A_899[%gather3A_929] in [0] : vector<16xf32>, vector<16xi32> -> vector<16xf32>
        %mul3A_931 = arith.mulf %neg3A_22, %gather3A_930 : vector<16xf32>
        %exp3A_932 = math.exp %mul3A_931 : vector<16xf32>
        %swap3A_933 = arith.constant 1 : i32
        %swap3A_934 = arith.constant 1 : i32
        %swap3A_935 = arith.index_cast %swap3A_933 : i32 to index
        %swap3A_936 = arith.index_cast %swap3A_934 : i32 to index
        %swap3A_937 = arith.index_cast %scan3A_828 : i32 to index
        %swap3A_938 = arith.constant 32 : index
        %swap3A_939 = tpu.vector_load %arg7[%swap3A_935, %swap3A_936, %swap3A_937, %swap3A_938] {strides = array<i32>} : memref<2x2x128x48xf32, #tpu.memory_space<vmem>>, vector<1x1x1x16xf32>,
        %swap3A_940 = vector.shape_cast %swap3A_939 : vector<1x1x1x16xf32> to vector<16xf32>
        %swap3A_941 = vector.shape_cast %exp3A_932 : vector<16xf32> to vector<1x1x1x16xf32>
        tpu.vector_store %arg7[%swap3A_935, %swap3A_936, %swap3A_937, %swap3A_938], %swap3A_941 {strides = array<i32>} : memref<2x2x128x48xf32, #tpu.memory_space<vmem>>, vector<1x1x1x16xf32>,
        %scan3A_942 = arith.constant 0 : i32
        %scan3A_943 = arith.constant 6 : i32
        %scan3A_944 = arith.addi %scan3A_254, %scan3A_943 : i32
        %add3A_945 = arith.constant 128 : i32
        %add3A_946 = arith.addi %add3A_945, %scan3A_944 : i32
        %get3A_947 = arith.constant 1 : i32
        %get3A_948 = arith.index_cast %get3A_947 : i32 to index
        %get3A_949 = arith.index_cast %add3A_946 : i32 to index
        %get3A_950 = arith.constant 0 : index
        %get3A_951 = tpu.vector_load %arg6[%get3A_948, %get3A_949, %get3A_950] {strides = array<i32>} : memref<2x256x64xf32, #tpu.memory_space<vmem>>, vector<1x1x16xf32>,
        %get3A_952 = vector.shape_cast %get3A_951 : vector<1x1x16xf32> to vector<16xf32>
        %get3A_953 = arith.constant 1 : i32
        %get3A_954 = arith.index_cast %get3A_953 : i32 to index
        %get3A_955 = arith.index_cast %add3A_946 : i32 to index
        %get3A_956 = arith.constant 16 : index
        %get3A_957 = tpu.vector_load %arg6[%get3A_954, %get3A_955, %get3A_956] {strides = array<i32>} : memref<2x256x64xf32, #tpu.memory_space<vmem>>, vector<1x1x16xf32>,
        %get3A_958 = vector.shape_cast %get3A_957 : vector<1x1x16xf32> to vector<16xf32>
        %get3A_959 = arith.constant 1 : i32
        %get3A_960 = arith.index_cast %get3A_959 : i32 to index
        %get3A_961 = arith.index_cast %add3A_946 : i32 to index
        %get3A_962 = arith.constant 32 : index
        %get3A_963 = tpu.vector_load %arg6[%get3A_960, %get3A_961, %get3A_962] {strides = array<i32>} : memref<2x256x64xf32, #tpu.memory_space<vmem>>, vector<1x1x16xf32>,
        %get3A_964 = vector.shape_cast %get3A_963 : vector<1x1x16xf32> to vector<16xf32>
        %get3A_965 = arith.constant 1 : i32
        %get3A_966 = arith.index_cast %get3A_965 : i32 to index
        %get3A_967 = arith.index_cast %add3A_946 : i32 to index
        %get3A_968 = arith.constant 48 : index
        %get3A_969 = tpu.vector_load %arg6[%get3A_966, %get3A_967, %get3A_968] {strides = array<i32>} : memref<2x256x64xf32, #tpu.memory_space<vmem>>, vector<1x1x16xf32>,
        %get3A_970 = vector.shape_cast %get3A_969 : vector<1x1x16xf32> to vector<16xf32>
        %broadcast_in_dim3A_971 = vector.shape_cast %sub3A : vector<16xi32> to vector<16x1xi32>
        %gather3A_972 = vector.shape_cast %broadcast_in_dim3A_971 : vector<16x1xi32> to vector<16xi32>
        %gather3A_973 = tpu.dynamic_gather %get3A_952[%gather3A_972] in [0] : vector<16xf32>, vector<16xi32> -> vector<16xf32>
        %broadcast_in_dim3A_974 = vector.shape_cast %sub3A : vector<16xi32> to vector<16x1xi32>
        %gather3A_975 = vector.shape_cast %broadcast_in_dim3A_974 : vector<16x1xi32> to vector<16xi32>
        %gather3A_976 = tpu.dynamic_gather %get3A_958[%gather3A_975] in [0] : vector<16xf32>, vector<16xi32> -> vector<16xf32>
        %select_n3A_977 = arith.select %eq3A_44, %gather3A_976, %gather3A_973 : vector<16xi1>, vector<16xf32>
        %broadcast_in_dim3A_978 = vector.shape_cast %sub3A : vector<16xi32> to vector<16x1xi32>
        %gather3A_979 = vector.shape_cast %broadcast_in_dim3A_978 : vector<16x1xi32> to vector<16xi32>
        %gather3A_980 = tpu.dynamic_gather %get3A_964[%gather3A_979] in [0] : vector<16xf32>, vector<16xi32> -> vector<16xf32>
        %select_n3A_981 = arith.select %eq3A_47, %gather3A_980, %select_n3A_977 : vector<16xi1>, vector<16xf32>
        %broadcast_in_dim3A_982 = vector.shape_cast %sub3A : vector<16xi32> to vector<16x1xi32>
        %gather3A_983 = vector.shape_cast %broadcast_in_dim3A_982 : vector<16x1xi32> to vector<16xi32>
        %gather3A_984 = tpu.dynamic_gather %get3A_970[%gather3A_983] in [0] : vector<16xf32>, vector<16xi32> -> vector<16xf32>
        %select_n3A_985 = arith.select %eq3A_50, %gather3A_984, %select_n3A_981 : vector<16xi1>, vector<16xf32>
        %max3A_986 = arith.constant 9.99999996E-13 : f32
        %max3A_987 = vector.broadcast %max3A_986 : f32 to vector<16xf32>
        %max3A_988 = arith.maximumf %select_n3A_985, %max3A_987 : vector<16xf32>
        %bitcast_convert_type3A_989 = tpu.bitcast %max3A_988 : vector<16xf32> -> vector<16xi32>
        %shift_right_logical3A_990 = arith.constant 1 : i32
        %shift_right_logical3A_991 = vector.broadcast %shift_right_logical3A_990 : i32 to vector<16xi32>
        %shift_right_logical3A_992 = arith.shrui %bitcast_convert_type3A_989, %shift_right_logical3A_991 : vector<16xi32>
        %sub3A_993 = arith.constant 1597463007 : i32
        %sub3A_994 = vector.broadcast %sub3A_993 : i32 to vector<16xi32>
        %sub3A_995 = arith.subi %sub3A_994, %shift_right_logical3A_992 : vector<16xi32>
        %bitcast_convert_type3A_996 = tpu.bitcast %sub3A_995 : vector<16xi32> -> vector<16xf32>
        %mul3A_997 = arith.constant 5.000000e-01 : f32
        %mul3A_998 = vector.broadcast %mul3A_997 : f32 to vector<16xf32>
        %mul3A_999 = arith.mulf %mul3A_998, %max3A_988 : vector<16xf32>
        %mul3A_1000 = arith.mulf %mul3A_999, %bitcast_convert_type3A_996 : vector<16xf32>
        %mul3A_1001 = arith.mulf %mul3A_1000, %bitcast_convert_type3A_996 : vector<16xf32>
        %sub3A_1002 = arith.constant 1.500000e+00 : f32
        %sub3A_1003 = vector.broadcast %sub3A_1002 : f32 to vector<16xf32>
        %sub3A_1004 = arith.subf %sub3A_1003, %mul3A_1001 : vector<16xf32>
        %mul3A_1005 = arith.mulf %bitcast_convert_type3A_996, %sub3A_1004 : vector<16xf32>
        %mul3A_1006 = arith.constant 5.000000e-01 : f32
        %mul3A_1007 = vector.broadcast %mul3A_1006 : f32 to vector<16xf32>
        %mul3A_1008 = arith.mulf %mul3A_1007, %max3A_988 : vector<16xf32>
        %mul3A_1009 = arith.mulf %mul3A_1008, %mul3A_1005 : vector<16xf32>
        %mul3A_1010 = arith.mulf %mul3A_1009, %mul3A_1005 : vector<16xf32>
        %sub3A_1011 = arith.constant 1.500000e+00 : f32
        %sub3A_1012 = vector.broadcast %sub3A_1011 : f32 to vector<16xf32>
        %sub3A_1013 = arith.subf %sub3A_1012, %mul3A_1010 : vector<16xf32>
        %mul3A_1014 = arith.mulf %mul3A_1005, %sub3A_1013 : vector<16xf32>
        %mul3A_1015 = arith.mulf %select_n3A_985, %mul3A_1014 : vector<16xf32>
        %broadcast_in_dim3A_1016 = vector.shape_cast %get3A_25 : vector<16xi32> to vector<16x1xi32>
        %gather3A_1017 = vector.shape_cast %broadcast_in_dim3A_1016 : vector<16x1xi32> to vector<16xi32>
        %gather3A_1018 = tpu.dynamic_gather %mul3A_1015[%gather3A_1017] in [0] : vector<16xf32>, vector<16xi32> -> vector<16xf32>
        %mul3A_1019 = arith.mulf %neg3A_8, %gather3A_1018 : vector<16xf32>
        %exp3A_1020 = math.exp %mul3A_1019 : vector<16xf32>
        %swap3A_1021 = arith.constant 1 : i32
        %swap3A_1022 = arith.constant 1 : i32
        %swap3A_1023 = arith.index_cast %swap3A_1021 : i32 to index
        %swap3A_1024 = arith.index_cast %swap3A_1022 : i32 to index
        %swap3A_1025 = arith.index_cast %scan3A_944 : i32 to index
        %swap3A_1026 = arith.constant 0 : index
        %swap3A_1027 = tpu.vector_load %arg7[%swap3A_1023, %swap3A_1024, %swap3A_1025, %swap3A_1026] {strides = array<i32>} : memref<2x2x128x48xf32, #tpu.memory_space<vmem>>, vector<1x1x1x16xf32>,
        %swap3A_1028 = vector.shape_cast %swap3A_1027 : vector<1x1x1x16xf32> to vector<16xf32>
        %swap3A_1029 = vector.shape_cast %exp3A_1020 : vector<16xf32> to vector<1x1x1x16xf32>
        tpu.vector_store %arg7[%swap3A_1023, %swap3A_1024, %swap3A_1025, %swap3A_1026], %swap3A_1029 {strides = array<i32>} : memref<2x2x128x48xf32, #tpu.memory_space<vmem>>, vector<1x1x1x16xf32>,
        %broadcast_in_dim3A_1030 = vector.shape_cast %get3A_28 : vector<16xi32> to vector<16x1xi32>
        %gather3A_1031 = vector.shape_cast %broadcast_in_dim3A_1030 : vector<16x1xi32> to vector<16xi32>
        %gather3A_1032 = tpu.dynamic_gather %mul3A_1015[%gather3A_1031] in [0] : vector<16xf32>, vector<16xi32> -> vector<16xf32>
        %mul3A_1033 = arith.mulf %neg3A_15, %gather3A_1032 : vector<16xf32>
        %exp3A_1034 = math.exp %mul3A_1033 : vector<16xf32>
        %swap3A_1035 = arith.constant 1 : i32
        %swap3A_1036 = arith.constant 1 : i32
        %swap3A_1037 = arith.index_cast %swap3A_1035 : i32 to index
        %swap3A_1038 = arith.index_cast %swap3A_1036 : i32 to index
        %swap3A_1039 = arith.index_cast %scan3A_944 : i32 to index
        %swap3A_1040 = arith.constant 16 : index
        %swap3A_1041 = tpu.vector_load %arg7[%swap3A_1037, %swap3A_1038, %swap3A_1039, %swap3A_1040] {strides = array<i32>} : memref<2x2x128x48xf32, #tpu.memory_space<vmem>>, vector<1x1x1x16xf32>,
        %swap3A_1042 = vector.shape_cast %swap3A_1041 : vector<1x1x1x16xf32> to vector<16xf32>
        %swap3A_1043 = vector.shape_cast %exp3A_1034 : vector<16xf32> to vector<1x1x1x16xf32>
        tpu.vector_store %arg7[%swap3A_1037, %swap3A_1038, %swap3A_1039, %swap3A_1040], %swap3A_1043 {strides = array<i32>} : memref<2x2x128x48xf32, #tpu.memory_space<vmem>>, vector<1x1x1x16xf32>,
        %broadcast_in_dim3A_1044 = vector.shape_cast %get3A_31 : vector<16xi32> to vector<16x1xi32>
        %gather3A_1045 = vector.shape_cast %broadcast_in_dim3A_1044 : vector<16x1xi32> to vector<16xi32>
        %gather3A_1046 = tpu.dynamic_gather %mul3A_1015[%gather3A_1045] in [0] : vector<16xf32>, vector<16xi32> -> vector<16xf32>
        %mul3A_1047 = arith.mulf %neg3A_22, %gather3A_1046 : vector<16xf32>
        %exp3A_1048 = math.exp %mul3A_1047 : vector<16xf32>
        %swap3A_1049 = arith.constant 1 : i32
        %swap3A_1050 = arith.constant 1 : i32
        %swap3A_1051 = arith.index_cast %swap3A_1049 : i32 to index
        %swap3A_1052 = arith.index_cast %swap3A_1050 : i32 to index
        %swap3A_1053 = arith.index_cast %scan3A_944 : i32 to index
        %swap3A_1054 = arith.constant 32 : index
        %swap3A_1055 = tpu.vector_load %arg7[%swap3A_1051, %swap3A_1052, %swap3A_1053, %swap3A_1054] {strides = array<i32>} : memref<2x2x128x48xf32, #tpu.memory_space<vmem>>, vector<1x1x1x16xf32>,
        %swap3A_1056 = vector.shape_cast %swap3A_1055 : vector<1x1x1x16xf32> to vector<16xf32>
        %swap3A_1057 = vector.shape_cast %exp3A_1048 : vector<16xf32> to vector<1x1x1x16xf32>
        tpu.vector_store %arg7[%swap3A_1051, %swap3A_1052, %swap3A_1053, %swap3A_1054], %swap3A_1057 {strides = array<i32>} : memref<2x2x128x48xf32, #tpu.memory_space<vmem>>, vector<1x1x1x16xf32>,
        %scan3A_1058 = arith.constant 0 : i32
        %scan3A_1059 = arith.constant 7 : i32
        %scan3A_1060 = arith.addi %scan3A_254, %scan3A_1059 : i32
        %add3A_1061 = arith.constant 128 : i32
        %add3A_1062 = arith.addi %add3A_1061, %scan3A_1060 : i32
        %get3A_1063 = arith.constant 1 : i32
        %get3A_1064 = arith.index_cast %get3A_1063 : i32 to index
        %get3A_1065 = arith.index_cast %add3A_1062 : i32 to index
        %get3A_1066 = arith.constant 0 : index
        %get3A_1067 = tpu.vector_load %arg6[%get3A_1064, %get3A_1065, %get3A_1066] {strides = array<i32>} : memref<2x256x64xf32, #tpu.memory_space<vmem>>, vector<1x1x16xf32>,
        %get3A_1068 = vector.shape_cast %get3A_1067 : vector<1x1x16xf32> to vector<16xf32>
        %get3A_1069 = arith.constant 1 : i32
        %get3A_1070 = arith.index_cast %get3A_1069 : i32 to index
        %get3A_1071 = arith.index_cast %add3A_1062 : i32 to index
        %get3A_1072 = arith.constant 16 : index
        %get3A_1073 = tpu.vector_load %arg6[%get3A_1070, %get3A_1071, %get3A_1072] {strides = array<i32>} : memref<2x256x64xf32, #tpu.memory_space<vmem>>, vector<1x1x16xf32>,
        %get3A_1074 = vector.shape_cast %get3A_1073 : vector<1x1x16xf32> to vector<16xf32>
        %get3A_1075 = arith.constant 1 : i32
        %get3A_1076 = arith.index_cast %get3A_1075 : i32 to index
        %get3A_1077 = arith.index_cast %add3A_1062 : i32 to index
        %get3A_1078 = arith.constant 32 : index
        %get3A_1079 = tpu.vector_load %arg6[%get3A_1076, %get3A_1077, %get3A_1078] {strides = array<i32>} : memref<2x256x64xf32, #tpu.memory_space<vmem>>, vector<1x1x16xf32>,
        %get3A_1080 = vector.shape_cast %get3A_1079 : vector<1x1x16xf32> to vector<16xf32>
        %get3A_1081 = arith.constant 1 : i32
        %get3A_1082 = arith.index_cast %get3A_1081 : i32 to index
        %get3A_1083 = arith.index_cast %add3A_1062 : i32 to index
        %get3A_1084 = arith.constant 48 : index
        %get3A_1085 = tpu.vector_load %arg6[%get3A_1082, %get3A_1083, %get3A_1084] {strides = array<i32>} : memref<2x256x64xf32, #tpu.memory_space<vmem>>, vector<1x1x16xf32>,
        %get3A_1086 = vector.shape_cast %get3A_1085 : vector<1x1x16xf32> to vector<16xf32>
        %broadcast_in_dim3A_1087 = vector.shape_cast %sub3A : vector<16xi32> to vector<16x1xi32>
        %gather3A_1088 = vector.shape_cast %broadcast_in_dim3A_1087 : vector<16x1xi32> to vector<16xi32>
        %gather3A_1089 = tpu.dynamic_gather %get3A_1068[%gather3A_1088] in [0] : vector<16xf32>, vector<16xi32> -> vector<16xf32>
        %broadcast_in_dim3A_1090 = vector.shape_cast %sub3A : vector<16xi32> to vector<16x1xi32>
        %gather3A_1091 = vector.shape_cast %broadcast_in_dim3A_1090 : vector<16x1xi32> to vector<16xi32>
        %gather3A_1092 = tpu.dynamic_gather %get3A_1074[%gather3A_1091] in [0] : vector<16xf32>, vector<16xi32> -> vector<16xf32>
        %select_n3A_1093 = arith.select %eq3A_44, %gather3A_1092, %gather3A_1089 : vector<16xi1>, vector<16xf32>
        %broadcast_in_dim3A_1094 = vector.shape_cast %sub3A : vector<16xi32> to vector<16x1xi32>
        %gather3A_1095 = vector.shape_cast %broadcast_in_dim3A_1094 : vector<16x1xi32> to vector<16xi32>
        %gather3A_1096 = tpu.dynamic_gather %get3A_1080[%gather3A_1095] in [0] : vector<16xf32>, vector<16xi32> -> vector<16xf32>
        %select_n3A_1097 = arith.select %eq3A_47, %gather3A_1096, %select_n3A_1093 : vector<16xi1>, vector<16xf32>
        %broadcast_in_dim3A_1098 = vector.shape_cast %sub3A : vector<16xi32> to vector<16x1xi32>
        %gather3A_1099 = vector.shape_cast %broadcast_in_dim3A_1098 : vector<16x1xi32> to vector<16xi32>
        %gather3A_1100 = tpu.dynamic_gather %get3A_1086[%gather3A_1099] in [0] : vector<16xf32>, vector<16xi32> -> vector<16xf32>
        %select_n3A_1101 = arith.select %eq3A_50, %gather3A_1100, %select_n3A_1097 : vector<16xi1>, vector<16xf32>
        %max3A_1102 = arith.constant 9.99999996E-13 : f32
        %max3A_1103 = vector.broadcast %max3A_1102 : f32 to vector<16xf32>
        %max3A_1104 = arith.maximumf %select_n3A_1101, %max3A_1103 : vector<16xf32>
        %bitcast_convert_type3A_1105 = tpu.bitcast %max3A_1104 : vector<16xf32> -> vector<16xi32>
        %shift_right_logical3A_1106 = arith.constant 1 : i32
        %shift_right_logical3A_1107 = vector.broadcast %shift_right_logical3A_1106 : i32 to vector<16xi32>
        %shift_right_logical3A_1108 = arith.shrui %bitcast_convert_type3A_1105, %shift_right_logical3A_1107 : vector<16xi32>
        %sub3A_1109 = arith.constant 1597463007 : i32
        %sub3A_1110 = vector.broadcast %sub3A_1109 : i32 to vector<16xi32>
        %sub3A_1111 = arith.subi %sub3A_1110, %shift_right_logical3A_1108 : vector<16xi32>
        %bitcast_convert_type3A_1112 = tpu.bitcast %sub3A_1111 : vector<16xi32> -> vector<16xf32>
        %mul3A_1113 = arith.constant 5.000000e-01 : f32
        %mul3A_1114 = vector.broadcast %mul3A_1113 : f32 to vector<16xf32>
        %mul3A_1115 = arith.mulf %mul3A_1114, %max3A_1104 : vector<16xf32>
        %mul3A_1116 = arith.mulf %mul3A_1115, %bitcast_convert_type3A_1112 : vector<16xf32>
        %mul3A_1117 = arith.mulf %mul3A_1116, %bitcast_convert_type3A_1112 : vector<16xf32>
        %sub3A_1118 = arith.constant 1.500000e+00 : f32
        %sub3A_1119 = vector.broadcast %sub3A_1118 : f32 to vector<16xf32>
        %sub3A_1120 = arith.subf %sub3A_1119, %mul3A_1117 : vector<16xf32>
        %mul3A_1121 = arith.mulf %bitcast_convert_type3A_1112, %sub3A_1120 : vector<16xf32>
        %mul3A_1122 = arith.constant 5.000000e-01 : f32
        %mul3A_1123 = vector.broadcast %mul3A_1122 : f32 to vector<16xf32>
        %mul3A_1124 = arith.mulf %mul3A_1123, %max3A_1104 : vector<16xf32>
        %mul3A_1125 = arith.mulf %mul3A_1124, %mul3A_1121 : vector<16xf32>
        %mul3A_1126 = arith.mulf %mul3A_1125, %mul3A_1121 : vector<16xf32>
        %sub3A_1127 = arith.constant 1.500000e+00 : f32
        %sub3A_1128 = vector.broadcast %sub3A_1127 : f32 to vector<16xf32>
        %sub3A_1129 = arith.subf %sub3A_1128, %mul3A_1126 : vector<16xf32>
        %mul3A_1130 = arith.mulf %mul3A_1121, %sub3A_1129 : vector<16xf32>
        %mul3A_1131 = arith.mulf %select_n3A_1101, %mul3A_1130 : vector<16xf32>
        %broadcast_in_dim3A_1132 = vector.shape_cast %get3A_25 : vector<16xi32> to vector<16x1xi32>
        %gather3A_1133 = vector.shape_cast %broadcast_in_dim3A_1132 : vector<16x1xi32> to vector<16xi32>
        %gather3A_1134 = tpu.dynamic_gather %mul3A_1131[%gather3A_1133] in [0] : vector<16xf32>, vector<16xi32> -> vector<16xf32>
        %mul3A_1135 = arith.mulf %neg3A_8, %gather3A_1134 : vector<16xf32>
        %exp3A_1136 = math.exp %mul3A_1135 : vector<16xf32>
        %swap3A_1137 = arith.constant 1 : i32
        %swap3A_1138 = arith.constant 1 : i32
        %swap3A_1139 = arith.index_cast %swap3A_1137 : i32 to index
        %swap3A_1140 = arith.index_cast %swap3A_1138 : i32 to index
        %swap3A_1141 = arith.index_cast %scan3A_1060 : i32 to index
        %swap3A_1142 = arith.constant 0 : index
        %swap3A_1143 = tpu.vector_load %arg7[%swap3A_1139, %swap3A_1140, %swap3A_1141, %swap3A_1142] {strides = array<i32>} : memref<2x2x128x48xf32, #tpu.memory_space<vmem>>, vector<1x1x1x16xf32>,
        %swap3A_1144 = vector.shape_cast %swap3A_1143 : vector<1x1x1x16xf32> to vector<16xf32>
        %swap3A_1145 = vector.shape_cast %exp3A_1136 : vector<16xf32> to vector<1x1x1x16xf32>
        tpu.vector_store %arg7[%swap3A_1139, %swap3A_1140, %swap3A_1141, %swap3A_1142], %swap3A_1145 {strides = array<i32>} : memref<2x2x128x48xf32, #tpu.memory_space<vmem>>, vector<1x1x1x16xf32>,
        %broadcast_in_dim3A_1146 = vector.shape_cast %get3A_28 : vector<16xi32> to vector<16x1xi32>
        %gather3A_1147 = vector.shape_cast %broadcast_in_dim3A_1146 : vector<16x1xi32> to vector<16xi32>
        %gather3A_1148 = tpu.dynamic_gather %mul3A_1131[%gather3A_1147] in [0] : vector<16xf32>, vector<16xi32> -> vector<16xf32>
        %mul3A_1149 = arith.mulf %neg3A_15, %gather3A_1148 : vector<16xf32>
        %exp3A_1150 = math.exp %mul3A_1149 : vector<16xf32>
        %swap3A_1151 = arith.constant 1 : i32
        %swap3A_1152 = arith.constant 1 : i32
        %swap3A_1153 = arith.index_cast %swap3A_1151 : i32 to index
        %swap3A_1154 = arith.index_cast %swap3A_1152 : i32 to index
        %swap3A_1155 = arith.index_cast %scan3A_1060 : i32 to index
        %swap3A_1156 = arith.constant 16 : index
        %swap3A_1157 = tpu.vector_load %arg7[%swap3A_1153, %swap3A_1154, %swap3A_1155, %swap3A_1156] {strides = array<i32>} : memref<2x2x128x48xf32, #tpu.memory_space<vmem>>, vector<1x1x1x16xf32>,
        %swap3A_1158 = vector.shape_cast %swap3A_1157 : vector<1x1x1x16xf32> to vector<16xf32>
        %swap3A_1159 = vector.shape_cast %exp3A_1150 : vector<16xf32> to vector<1x1x1x16xf32>
        tpu.vector_store %arg7[%swap3A_1153, %swap3A_1154, %swap3A_1155, %swap3A_1156], %swap3A_1159 {strides = array<i32>} : memref<2x2x128x48xf32, #tpu.memory_space<vmem>>, vector<1x1x1x16xf32>,
        %broadcast_in_dim3A_1160 = vector.shape_cast %get3A_31 : vector<16xi32> to vector<16x1xi32>
        %gather3A_1161 = vector.shape_cast %broadcast_in_dim3A_1160 : vector<16x1xi32> to vector<16xi32>
        %gather3A_1162 = tpu.dynamic_gather %mul3A_1131[%gather3A_1161] in [0] : vector<16xf32>, vector<16xi32> -> vector<16xf32>
        %mul3A_1163 = arith.mulf %neg3A_22, %gather3A_1162 : vector<16xf32>
        %exp3A_1164 = math.exp %mul3A_1163 : vector<16xf32>
        %swap3A_1165 = arith.constant 1 : i32
        %swap3A_1166 = arith.constant 1 : i32
        %swap3A_1167 = arith.index_cast %swap3A_1165 : i32 to index
        %swap3A_1168 = arith.index_cast %swap3A_1166 : i32 to index
        %swap3A_1169 = arith.index_cast %scan3A_1060 : i32 to index
        %swap3A_1170 = arith.constant 32 : index
        %swap3A_1171 = tpu.vector_load %arg7[%swap3A_1167, %swap3A_1168, %swap3A_1169, %swap3A_1170] {strides = array<i32>} : memref<2x2x128x48xf32, #tpu.memory_space<vmem>>, vector<1x1x1x16xf32>,
        %swap3A_1172 = vector.shape_cast %swap3A_1171 : vector<1x1x1x16xf32> to vector<16xf32>
        %swap3A_1173 = vector.shape_cast %exp3A_1164 : vector<16xf32> to vector<1x1x1x16xf32>
        tpu.vector_store %arg7[%swap3A_1167, %swap3A_1168, %swap3A_1169, %swap3A_1170], %swap3A_1173 {strides = array<i32>} : memref<2x2x128x48xf32, #tpu.memory_space<vmem>>, vector<1x1x1x16xf32>,
        %scan3A_1174 = arith.constant 0 : i32
        scf.yield %scan3A_1174 : i32
      }
      %scan3A_225 = arith.constant 128 : i32
      %mul3A_226 = arith.constant 2 : i32
      %mul3A_227 = arith.muli %add3A_190, %mul3A_226 : i32
      %add3A_228 = arith.addi %mul3A_4, %mul3A_227 : i32
      %dma_start3A_229 = arith.constant 1 : i32
      %dma_start3A_230 = arith.constant 0 : i32
      %dma_start3A_231 = arith.constant 0 : i32
      %dma_start3A_232 = arith.constant 0 : i32
      %dma_start3A_233 = tpu.memref_slice %arg7[%dma_start3A_229, %dma_start3A_230, %dma_start3A_231, %dma_start3A_232] : memref<2x2x128x48xf32, #tpu.memory_space<vmem>> -> memref<1x2x128x48xf32, #tpu.memory_space<vmem>>
      %dma_start3A_234 = tpu.memref_squeeze %dma_start3A_233 : memref<1x2x128x48xf32, #tpu.memory_space<vmem>> -> memref<2x128x48xf32, #tpu.memory_space<vmem>>
      %dma_start3A_235 = arith.constant 0 : i32
      %dma_start3A_236 = arith.constant 0 : i32
      %dma_start3A_237 = tpu.memref_slice %arg5[%add3A_228, %dma_start3A_235, %dma_start3A_236] : memref<4096x128x48xf32, #tpu.memory_space<hbm>> -> memref<2x128x48xf32, #tpu.memory_space<hbm>>
      %dma_start3A_238 = arith.constant 0 : i32
      %dma_start3A_239 = arith.constant 0 : i32
      %dma_start3A_240 = tpu.memref_slice %arg5[%add3A_228, %dma_start3A_238, %dma_start3A_239] : memref<4096x128x48xf32, #tpu.memory_space<hbm>> -> memref<2x128x48xf32, #tpu.memory_space<hbm>>
      %dma_start3A_241 = arith.constant 0 : i32
      %dma_start3A_242 = arith.constant 0 : i32
      %dma_start3A_243 = arith.constant 0 : i32
      %dma_start3A_244 = tpu.memref_slice %arg7[%dma_start3A_229, %dma_start3A_241, %dma_start3A_242, %dma_start3A_243] : memref<2x2x128x48xf32, #tpu.memory_space<vmem>> -> memref<1x2x128x48xf32, #tpu.memory_space<vmem>>
      %dma_start3A_245 = tpu.memref_squeeze %dma_start3A_244 : memref<1x2x128x48xf32, #tpu.memory_space<vmem>> -> memref<2x128x48xf32, #tpu.memory_space<vmem>>
      tpu.enqueue_dma source(%dma_start3A_245 : memref<2x128x48xf32, #tpu.memory_space<vmem>>) target(%dma_start3A_240 : memref<2x128x48xf32, #tpu.memory_space<hbm>>) target_semaphore(%arg13 : memref<!tpu.dma_semaphore, #tpu.memory_space<semaphore_mem>>)
      %add3A_246 = arith.constant 2 : i32
      %add3A_247 = arith.addi %add3A_190, %add3A_246 : i32
      %lt3A_248 = arith.constant 64 : i32
      %lt3A_249 = arith.cmpi slt, %add3A_247, %lt3A_248 : i32
      %convert_element_type3A_250 = arith.extui %lt3A_249 : i1 to i32
      %cond3A_251 = arith.constant 0 : i32
      %cond3A_252 = arith.cmpi ne, %convert_element_type3A_250, %cond3A_251 : i32
      scf.if %cond3A_252 {
        %add3A_254 = arith.constant 2 : i32
        %add3A_255 = arith.addi %add3A_190, %add3A_254 : i32
        %mul3A_256 = arith.constant 256 : i32
        %mul3A_257 = arith.muli %add3A_255, %mul3A_256 : i32
        %add3A_258 = arith.addi %mul3A_2, %mul3A_257 : i32
        %dma_start3A_259 = arith.constant 1 : i32
        %dma_start3A_260 = arith.constant 0 : i32
        %dma_start3A_261 = arith.constant 0 : i32
        %dma_start3A_262 = tpu.memref_slice %arg6[%dma_start3A_259, %dma_start3A_260, %dma_start3A_261] : memref<2x256x64xf32, #tpu.memory_space<vmem>> -> memref<1x256x64xf32, #tpu.memory_space<vmem>>
        %dma_start3A_263 = tpu.memref_squeeze %dma_start3A_262 : memref<1x256x64xf32, #tpu.memory_space<vmem>> -> memref<256x64xf32, #tpu.memory_space<vmem>>
        %dma_start3A_264 = arith.constant 0 : i32
        %dma_start3A_265 = tpu.memref_slice %arg2[%add3A_258, %dma_start3A_264] : memref<524288x64xf32, #tpu.memory_space<hbm>> -> memref<256x64xf32, #tpu.memory_space<hbm>>
        %dma_start3A_266 = arith.constant 0 : i32
        %dma_start3A_267 = arith.constant 0 : i32
        %dma_start3A_268 = tpu.memref_slice %arg6[%dma_start3A_259, %dma_start3A_266, %dma_start3A_267] : memref<2x256x64xf32, #tpu.memory_space<vmem>> -> memref<1x256x64xf32, #tpu.memory_space<vmem>>
        %dma_start3A_269 = tpu.memref_squeeze %dma_start3A_268 : memref<1x256x64xf32, #tpu.memory_space<vmem>> -> memref<256x64xf32, #tpu.memory_space<vmem>>
        %dma_start3A_270 = arith.constant 0 : i32
        %dma_start3A_271 = tpu.memref_slice %arg2[%add3A_258, %dma_start3A_270] : memref<524288x64xf32, #tpu.memory_space<hbm>> -> memref<256x64xf32, #tpu.memory_space<hbm>>
        tpu.enqueue_dma source(%dma_start3A_271 : memref<256x64xf32, #tpu.memory_space<hbm>>) target(%dma_start3A_269 : memref<256x64xf32, #tpu.memory_space<vmem>>) target_semaphore(%arg11 : memref<!tpu.dma_semaphore, #tpu.memory_space<semaphore_mem>>)
      } else {
      }
      %scan3A_253 = arith.constant 0 : i32
      scf.yield %scan3A_253 : i32
    }
    %scan3A_85 = arith.constant 32 : i32
    %add3A_86 = arith.constant 124 : i32
    %add3A_87 = arith.addi %mul3A_4, %add3A_86 : i32
    %dma_wait3A = arith.constant 0 : i32
    %dma_wait3A_88 = arith.constant 0 : i32
    %dma_wait3A_89 = arith.constant 0 : i32
    %dma_wait3A_90 = arith.constant 0 : i32
    %dma_wait3A_91 = tpu.memref_slice %arg7[%dma_wait3A, %dma_wait3A_88, %dma_wait3A_89, %dma_wait3A_90] : memref<2x2x128x48xf32, #tpu.memory_space<vmem>> -> memref<1x2x128x48xf32, #tpu.memory_space<vmem>>
    %dma_wait3A_92 = tpu.memref_squeeze %dma_wait3A_91 : memref<1x2x128x48xf32, #tpu.memory_space<vmem>> -> memref<2x128x48xf32, #tpu.memory_space<vmem>>
    %dma_wait3A_93 = arith.constant 0 : i32
    %dma_wait3A_94 = arith.constant 0 : i32
    %dma_wait3A_95 = tpu.memref_slice %arg5[%add3A_87, %dma_wait3A_93, %dma_wait3A_94] : memref<4096x128x48xf32, #tpu.memory_space<hbm>> -> memref<2x128x48xf32, #tpu.memory_space<hbm>>
    %dma_wait3A_96 = arith.constant 0 : i32
    %dma_wait3A_97 = arith.constant 0 : i32
    %dma_wait3A_98 = tpu.memref_slice %arg5[%add3A_87, %dma_wait3A_96, %dma_wait3A_97] : memref<4096x128x48xf32, #tpu.memory_space<hbm>> -> memref<2x128x48xf32, #tpu.memory_space<hbm>>
    %dma_wait3A_99 = arith.constant 0 : i32
    %dma_wait3A_100 = arith.constant 0 : i32
    %dma_wait3A_101 = arith.constant 0 : i32
    %dma_wait3A_102 = tpu.memref_slice %arg7[%dma_wait3A, %dma_wait3A_99, %dma_wait3A_100, %dma_wait3A_101] : memref<2x2x128x48xf32, #tpu.memory_space<vmem>> -> memref<1x2x128x48xf32, #tpu.memory_space<vmem>>
    %dma_wait3A_103 = tpu.memref_squeeze %dma_wait3A_102 : memref<1x2x128x48xf32, #tpu.memory_space<vmem>> -> memref<2x128x48xf32, #tpu.memory_space<vmem>>
    tpu.wait_dma2 semaphore(%arg12 : memref<!tpu.dma_semaphore, #tpu.memory_space<semaphore_mem>>) src(%dma_wait3A_103 : memref<2x128x48xf32, #tpu.memory_space<vmem>>) dst(%dma_wait3A_98 : memref<2x128x48xf32, #tpu.memory_space<hbm>>)
    %add3A_104 = arith.constant 126 : i32
    %add3A_105 = arith.addi %mul3A_4, %add3A_104 : i32
    %dma_wait3A_106 = arith.constant 1 : i32
    %dma_wait3A_107 = arith.constant 0 : i32
    %dma_wait3A_108 = arith.constant 0 : i32
    %dma_wait3A_109 = arith.constant 0 : i32
    %dma_wait3A_110 = tpu.memref_slice %arg7[%dma_wait3A_106, %dma_wait3A_107, %dma_wait3A_108, %dma_wait3A_109] : memref<2x2x128x48xf32, #tpu.memory_space<vmem>> -> memref<1x2x128x48xf32, #tpu.memory_space<vmem>>
    %dma_wait3A_111 = tpu.memref_squeeze %dma_wait3A_110 : memref<1x2x128x48xf32, #tpu.memory_space<vmem>> -> memref<2x128x48xf32, #tpu.memory_space<vmem>>
    %dma_wait3A_112 = arith.constant 0 : i32
    %dma_wait3A_113 = arith.constant 0 : i32
    %dma_wait3A_114 = tpu.memref_slice %arg5[%add3A_105, %dma_wait3A_112, %dma_wait3A_113] : memref<4096x128x48xf32, #tpu.memory_space<hbm>> -> memref<2x128x48xf32, #tpu.memory_space<hbm>>
    %dma_wait3A_115 = arith.constant 0 : i32
    %dma_wait3A_116 = arith.constant 0 : i32
    %dma_wait3A_117 = tpu.memref_slice %arg5[%add3A_105, %dma_wait3A_115, %dma_wait3A_116] : memref<4096x128x48xf32, #tpu.memory_space<hbm>> -> memref<2x128x48xf32, #tpu.memory_space<hbm>>
    %dma_wait3A_118 = arith.constant 0 : i32
    %dma_wait3A_119 = arith.constant 0 : i32
    %dma_wait3A_120 = arith.constant 0 : i32
    %dma_wait3A_121 = tpu.memref_slice %arg7[%dma_wait3A_106, %dma_wait3A_118, %dma_wait3A_119, %dma_wait3A_120] : memref<2x2x128x48xf32, #tpu.memory_space<vmem>> -> memref<1x2x128x48xf32, #tpu.memory_space<vmem>>
    %dma_wait3A_122 = tpu.memref_squeeze %dma_wait3A_121 : memref<1x2x128x48xf32, #tpu.memory_space<vmem>> -> memref<2x128x48xf32, #tpu.memory_space<vmem>>
    tpu.wait_dma2 semaphore(%arg13 : memref<!tpu.dma_semaphore, #tpu.memory_space<semaphore_mem>>) src(%dma_wait3A_122 : memref<2x128x48xf32, #tpu.memory_space<vmem>>) dst(%dma_wait3A_117 : memref<2x128x48xf32, #tpu.memory_space<hbm>>)
    return
  }
}

</mosaic_0001>

<sc_bundles>
// kernel: kernel.3.cloned.1.call-start
scs
__scs_entry_jumppad:
0x0: {  	(pc) =	sbr.rel $0x88, $3  }
0x1: {  	(tag) =	ssettag $0x0;
	lr =	simm.s32 $0x1  }
0x2: {  	[smem:$0x3F9E] =	sst lr;
	_ =	strace $0xD0000000  }
0x3: {  	_ = 	snop  }
0x4: {  	_ = 	snop  }
0x5: {  	_ = 	snop  }
0x6: {  	_ = 	snop  }
0x7: {  	_ = 	snop  }
__scs_overlays_trampoline_lowered:
0x8: {  	[smem:$0x3FAD] =	sst s0  }
0x9: {  	[smem:$0x3FAE] =	sst s1  }
0xa: {  	[smem:$0x3FAF] =	sst s2  }
0xb: {  	[smem:$0x3FB0] =	sst s3  }
0xc: {  	[smem:$0x3FB1] =	sst s4  }
0xd: {  	[smem:$0x3FB2] =	sst s5  }
0xe: {  	[smem:$0x3FB3] =	sst s6  }
0xf: {  	[smem:$0x3FB4] =	sst s7  }
0x10: {  	[smem:$0x3FB5] =	sst s8  }
0x11: {  	[smem:$0x3FB6] =	sst s9;
	s0 =	simm.s32 @!p0 $0x0  }
0x12: {  	s1 =	sld [smem:$0x3F9C];
	s0 =	simm.s32 @p0 $0x1  }
0x13: {  	[smem:$0x3FB7] =	sst s0;
	s0 =	simm.s32 @!p1 $0x0  }
0x14: {  	s2 =	sld [smem:$0x3F9B];
	s0 =	simm.s32 @p1 $0x1  }
0x15: {  	[smem:$0x3FB8] =	sst s0;
	s0 =	simm.s32 @!p2 $0x0  }
0x16: {  	s3 =	sld [smem:$0x3FDB];
	s0 =	simm.s32 @p2 $0x1  }
0x17: {  	s4 =	simm.s32 $0x1BF5;
	[smem:$0x3FBA] =	sst s0  }
0x18: {  	s0 =	sld [smem:$0x3F9D];
	_ =	swait.ge [sflag:s4], $0x0  }
0x19: {  	s7 =	sld [smem:$0x3F9E]  }
0x1a: {  	s8 =	sadd.s32 $0xFFFFE003, lr  }
0x1b: {  	s9 =	sadd.s32 $0xFFFFFEF7, lr;
	s5 =	simm.s32 $0xFFFFFFFF;
	p2 =	slt.u32 s8, $0xFFFFF086  }
0x1c: {  	p1 =	slt.u32 s9, $0xF7A;
	s5 =	simm.s32 @!p2 $0x0  }
0x1d: {  	s5 =	simm.s32 @p1 $0x1;
	p0 =	seq.s32 s7, s2  }
0x1e: {  	s7 =	smul.u32 @!p0 $0xF7A, s2;
	p2 =	seq.s32 @!p0 s5, $0x0  }
0x1f: {  	s9 =	smul.u32 $0xF7A, s1;
	s8 =	simm.s32 @!p0 $0x1BF5;
	p2 =	por !p2, p0  }
0x20: {  	[sflag:s8] =	ssyncset.s32 @!p0 $0xFFFFF086;
	s6 =	sadd.s32 @!p0 s3, s7;
	s7 =	simm.s32 @!p0 $0x108  }
0x21: {  	s3 =	sadd.s32 s3, s9;
	s6 =	sadd.s32 @!p0 $0x88, s6;
	s7 =	simm.s32 @p2 $0x1082  }
0x22: {  	[simem:s7], [sflag:s8] =	dma.local @!p0 [hbm:s6], $0xF7A  }
0x23: {  	s9 =	sor.u32 $0xD0000000, s2;
	s6 =	simm.s32 $0x108;
	_ =	swait.ge @!p0 [sflag:s8], $0x0  }
0x24: {  	s3 =	sadd.s32 $0x88, s3;
	s6 =	simm.s32 @!p1 $0x1082;
	[sflag:s4] =	ssyncset.s32 $0xFFFFF086  }
0x25: {  	[simem:s6], [sflag:s4] =	dma.local [hbm:s3], $0xF7A  }
0x26: {  	[smem:$0x3F9E] =	sst s1;
	(tag) =	ssettag s2;
	_ =	strace s9  }
0x27: {  	s1 =	sld [smem:$0x3FAE]  }
0x28: {  	s2 =	sld [smem:$0x3FAF]  }
0x29: {  	s4 =	sld [smem:$0x3FB1]  }
0x2a: {  	p0 =	seq.s32 s5, $0x0;
	s5 =	sld [smem:$0x3FB2]  }
0x2b: {  	s6 =	sld [smem:$0x3FB3]  }
0x2c: {  	s7 =	sld [smem:$0x3FB4]  }
0x2d: {  	s3 =	simm.s32 $0x108;
	s8 =	sld [smem:$0x3FB5]  }
0x2e: {  	s3 =	simm.s32 @!p0 $0x1082;
	s9 =	sld [smem:$0x3FB6]  }
0x2f: {  	lr =	sadd.s32 s0, s3;
	s0 =	sld [smem:$0x3FAD]  }
0x30: {  	s3 =	sld [smem:$0x3FB0]  }
0x31: {  	[smem:$0x3FB9] =	sst s10  }
0x32: {  	s10 =	sld [smem:$0x3FB7];
	_ =	sdelay $0x3  }
0x33: {  	p0 =	seq.s32 s10, $0x1;
	s10 =	sld [smem:$0x3FB9];
	_ =	sdelay $0x3  }
0x34: {  	[smem:$0x3FB9] =	sst s10  }
0x35: {  	s10 =	sld [smem:$0x3FB8];
	_ =	sdelay $0x3  }
0x36: {  	p1 =	seq.s32 s10, $0x1;
	s10 =	sld [smem:$0x3FB9];
	_ =	sdelay $0x3  }
0x37: {  	[smem:$0x3FB9] =	sst s10  }
0x38: {  	s10 =	sld [smem:$0x3FBA]  }
0x39: {  	_ = 	snop;
	(pc) =	sbr.ind lr, $3  }
0x3a: {  	_ = 	snop  }
0x3b: {  	_ = 	snop  }
0x3c: {  	p2 =	seq.s32 s10, $0x1;
	s10 =	sld [smem:$0x3FB9]  }
0x3d: {  	_ =	shalt  }
0x3e: {  	_ =	shalt  }
0x3f: {  	_ =	shalt  }
0x40: {  	_ =	shalt  }
0x41: {  	_ =	shalt  }
0x42: {  	_ =	shalt  }
0x43: {  	_ =	shalt  }
0x44: {  	_ =	shalt  }
0x45: {  	_ =	shalt  }
0x46: {  	_ =	shalt  }
0x47: {  	_ =	shalt  }
0x48: {  	_ =	shalt  }
0x49: {  	_ =	shalt  }
0x4a: {  	_ =	shalt  }
0x4b: {  	_ =	shalt  }
0x4c: {  	_ =	shalt  }
0x4d: {  	_ =	shalt  }
0x4e: {  	_ =	shalt  }
0x4f: {  	_ =	shalt  }
0x50: {  	_ =	shalt  }
0x51: {  	_ =	shalt  }
0x52: {  	_ =	shalt  }
0x53: {  	_ =	shalt  }
0x54: {  	_ =	shalt  }
0x55: {  	_ =	shalt  }
0x56: {  	_ =	shalt  }
0x57: {  	_ =	shalt  }
0x58: {  	_ =	shalt  }
0x59: {  	_ =	shalt  }
0x5a: {  	_ =	shalt  }
0x5b: {  	_ =	shalt  }
0x5c: {  	_ =	shalt  }
0x5d: {  	_ =	shalt  }
0x5e: {  	_ =	shalt  }
0x5f: {  	_ =	shalt  }
0x60: {  	_ =	shalt  }
0x61: {  	_ =	shalt  }
0x62: {  	_ =	shalt  }
0x63: {  	_ =	shalt  }
0x64: {  	_ =	shalt  }
0x65: {  	_ =	shalt  }
0x66: {  	_ =	shalt  }
0x67: {  	_ =	shalt  }
0x68: {  	_ =	shalt  }
0x69: {  	_ =	shalt  }
0x6a: {  	_ =	shalt  }
0x6b: {  	_ =	shalt  }
0x6c: {  	_ =	shalt  }
0x6d: {  	_ =	shalt  }
0x6e: {  	_ =	shalt  }
0x6f: {  	_ =	shalt  }
0x70: {  	_ =	shalt  }
0x71: {  	_ =	shalt  }
0x72: {  	_ =	shalt  }
0x73: {  	_ =	shalt  }
0x74: {  	_ =	shalt  }
0x75: {  	_ =	shalt  }
0x76: {  	_ =	shalt  }
0x77: {  	_ =	shalt  }
0x78: {  	_ =	shalt  }
0x79: {  	_ =	shalt  }
0x7a: {  	_ =	shalt  }
0x7b: {  	_ =	shalt  }
0x7c: {  	_ =	shalt  }
0x7d: {  	_ =	shalt  }
0x7e: {  	_ =	shalt  }
0x7f: {  	_ =	shalt  }
0x80: {  	_ =	shalt  }
0x81: {  	_ =	shalt  }
0x82: {  	_ =	shalt  }
0x83: {  	_ =	shalt  }
0x84: {  	_ =	shalt  }
0x85: {  	_ =	shalt  }
0x86: {  	_ =	shalt  }
0x87: {  	_ =	shalt  }
.Lfunc_end0:
.L_simem_size_0:
called_computation.3_lowered:
.L_overlay_start_0:
0x88: {  	s2 =	sld [smem:$0x3FD9]  }
0x89: {  	s3 =	sld [smem:$0x3FFE];
	_ =	sdelay $0x1  }
0x8a: {  	s1 =	srdreg.scid  }
0x8b: {  	s0 =	sand.u32 $0x1, s1  }
0x8c: {  	s17 =	sshll.u32 s0, $0xA;
	s2 =	sadd.s32 s3, s2  }
0x8d: {  	s2 =	sadd.s32 s2, s17  }
0x8e: {  	[smem:$0x3FC5] =	sst s2  }
0x8f: {  	_ = 	snop  }
0x90: {  	s2 =	sld [smem:$0x3FC8]  }
0x91: {  	s18 =	sld [smem:$0x3FC7]  }
0x92: {  	s4 =	sld [smem:$0x3FD0];
	(tm) =	ssettm $0x1  }
0x93: {  	s5 =	sld [smem:$0x3FFB];
	_ =	sdelay $0x3  }
0x94: {  	_ =	strace s5  }
0x95: {  	s5 =	sld [smem:$0x3FFC];
	_ =	sdelay $0x3  }
0x96: {  	_ =	strace s5  }
0x97: {  	s5 =	sld [smem:$0x3FFD];
	_ =	sdelay $0x3  }
0x98: {  	_ =	strace s5  }
0x99: {  	_ =	strace $0x8FFFFFFF  }
0x9a: {  	s19 =	sld [smem:$0x3FDB];
	_ =	sdelay $0x1  }
0x9b: {  	s6 =	simm.s32 $_scs_section_size  }
0x9c: {  	s7 =	simm.s32 $_size__tile_overlayer_lowered;
	s8 =	simm.s32 $_tile_overlayer_lowered  }
0x9d: {  	s22 =	simm.s32 $0x1BFF;
	s21 =	sshll.u32 s8, $0x1;
	s5 =	sadd.s32 s6, s19  }
0x9e: {  	s9 =	simm.s32 $0x0;
	s20 =	sshll.u32 s7, $0x1;
	s7 =	sadd.s32 s21, s5  }
0x9f: {  	[timem:s9], [sflag:s22] =	dma.local [hbm:s7], s20  }
0xa0: {  	_ =	swait.ge [sflag:s22], s20  }
0xa1: {  	s6 =	ssub.s32 $0x0, s20;
	[sflag:s22] =	ssyncset.done $0x0  }
0xa2: {  	[sflag:s22] =	ssyncadd.s32 s6;
	_ =	sdelay $0x1  }
0xa3: {  	s23 =	simm.s32 $0x1B8B  }
0xa4: {  	_ =	swait.ge [sflag:s23], $0x1  }
0xa5: {  	[sflag:s23] =	ssyncset.done $0x0  }
0xa6: {  	s25 =	simm.s32 $0x1B8E;
	s24 =	sld [smem:$0x3FFE];
	[sflag:s23] =	ssyncadd.s32 $0xFFFFFFFF  }
0xa7: {  	s26 =	simm.s32 $execute0_lowered;
	[smem:$0x3FD2] =	sst s25  }
0xa8: {  	s7 =	sshll.u32 s26, $0x1;
	_ =	strace $0x8000004C;
	[dreg:$0x1] =	wrdreg $0xFFFFFFFF  }
0xa9: {  	s28 =	simm.s32 $_size_execute0_lowered;
	s5 =	sadd.s32 s5, s7;
	[dreg:$0x0] =	wrdreg $0x0  }
0xaa: {  	s7 =	sshll.u32 s28, $0x1;
	[dreg:$0x2] =	wrdreg s5  }
0xab: {  	[dreg:$0x3] =	wrdreg s7  }
0xac: {  	[dreg:$0x4] =	wrdreg $0xC0  }
0xad: {  	_ =	task [dreg:s9], $0x5FFFF  }
0xae: {  	[dreg:$0x1] =	wrdreg $0xFFFFFFFF  }
0xaf: {  	[dreg:$0x0] =	wrdreg $0x60  }
0xb0: {  	[dreg:$0x2] =	wrdreg s24  }
0xb1: {  	[dreg:$0x3] =	wrdreg s2  }
0xb2: {  	[dreg:$0x4] =	wrdreg s18  }
0xb3: {  	[dreg:$0x5] =	wrdreg s4  }
0xb4: {  	[dreg:$0x6] =	wrdreg $0x9  }
0xb5: {  	_ =	task.clear_ibuf [dreg:s9], $0x7FFFF;
	_ =	strace $0x9000004C  }
0xb6: {  	s29 =	simm.s32 $0x9;
	_ =	strace $0x8000004E  }
0xb7: {  	_ =	swait.ge [sflag:s29], $0x1  }
0xb8: {  	[sflag:s29] =	ssyncadd.s32 $0xFFFFFFFF  }
0xb9: {  	_ =	strace $0x9000004E  }
0xba: {  	_ =	sfence  }
0xbb: {  	s30 =	sld [smem:$0x0];
	_ =	sdelay $0x2  }
0xbc: {  	s31 =	sshll.u32 s1, $0xD;
	s1 =	sshrl.u32 s1, $0x2  }
0xbd: {  	s3 =	sand.u32 $0x4000, s31;
	s1 =	sadd.s32 s1, s30  }
0xbe: {  	s0 =	sor.u32 s3, s0;
	s1 =	sshll.u32 s1, $0x11  }
0xbf: {  	s0 =	sor.u32 s1, s0  }
0xc0: {  	s0 =	sadd.s32 $0x8F2B, s0  }
0xc1: {  	[sflag:s0] =	ssyncadd.remote.s32 $0x1  }
0xc2: {  	_ =	sfence.sel $0xFFFF  }
0xc3: {  	[dreg:$0x0] =	wrdreg $0xFFFFFFFF;
	(pc) =	sbr.abs _section_cstart, $3  }
0xc4: {  	[dreg:$0x1] =	wrdreg $0xFFFFFFFF  }
0xc5: {  	_ =	task.clear_ibuf [dreg:s9], $0x2FFFF;
	_ =	strace $0x9FFFFFFF  }
0xc6: {  	(tm) =	ssettm $0x7FFFFFFF  }
0xc7: {  	_ =	shalt  }
tec
execute0_lowered:
.L_overlay_start_1:
0x0: {  	(tag) =	ssettag $0x1  }
0x1: {  	s2 =	rddreg [dreg:$0x0]  }
0x2: {  	s1 =	rddreg [dreg:$0x1]  }
0x3: {  	s3 =	rddreg [dreg:$0x2]  }
0x4: {  	s5 =	srdreg.scid;
	s0 =	stileid.u32  }
0x5: {  	s4 =	rddreg [dreg:$0x3];
	s12 =	simm.s32 $0xE000;
	s13 =	simm.s32 $0x5  }
0x6: {  	s14 =	simm.s32 $0xE030;
	s15 =	simm.s32 $0x4000;
	s16 =	simm.s32 $0x1  }
0x7: {  	s17 =	simm.s32 $0x8000;
	s18 =	simm.s32 $0x2;
	s19 =	simm.s32 $0x4  }
0x8: {  	s20 =	simm.s32 $0xB000;
	s21 =	simm.s32 $0x3;
	s22 =	simm.s32 $0x0  }
0x9: {  	s6 =	sand.u32 $0x1, s5;
	s7 =	sshll.u32 s0, $0x1;
	s5 =	simm.s32 $0x0  }
.Ltmp0:
0xa: {  	v0 =	vlaneseq.u32;
	s7 =	sor.u32 s6, s7;
	s6 =	ssub.s32 $0x2, s6;
	(pc) =	sbr.rel .LBB2_1-.Ltmp0, $4  }
0xb: {  	v0 =	vand.u32 $0x3, v0;
	[smem:$0x7FF] =	sst s5;
	s8 =	sshll.u32 s7, $0x11;
	s31 =	sshrl.u32 s6, $0x1  }
0xc: {  	v0 =	vmul.u32 $0x4, v0;
	_ =	strace $0x8000004D;
	s2 =	sadd.s32 s8, s2;
	s11 =	ssub.s32 s6, s31  }
0xd: {  	vm0 =	vmmov $0xf;
	s6 =	sshll.u32 s7, $0x7;
	s7 =	sadd.s32 $0x1000, s2;
	s8 =	sadd.s32 $0x1800, s2  }
0xe: {  	vm1 =	vmmov $0xff;
	vm2 =	vmmov $0xfff;
	v0 =	vor.u32 $0x3, v0;
	s9 =	sadd.s32 $0x2000, s2;
	s10 =	sadd.s32 $0x2800, s2;
	s11 =	smax.u32 s11, $0x1  }
.LBB2_14:
0xf: {  	s22 =	sadd.s32 $0x1, s22  }
0x10: {  	_ =	swait.ge [sflag:s21], $0x3000;
	p0 =	sne.s32 s22, s11  }
.Ltmp1:
0x11: {  	[sflag:s21] =	ssyncset.done $0x0;
	(pc) =	sbr.rel @!p0 .LBB2_15-.Ltmp1, $4  }
0x12: {  	[sflag:s21] =	ssyncadd.s32 $0xFFFFD000  }
0x13: {  	_ =	swait.ge [sflag:s19], $0x3000  }
0x14: {  	[sflag:s19] =	ssyncset.done $0x0  }
0x15: {  	[sflag:s19] =	ssyncadd.s32 $0xFFFFD000  }
.LBB2_1:
0x16: {  	[tilespmem:s12], [sflag:$0x5] =	stream.linear.gather [hbm4b:s1+s5], $0x30, $0x38;
	[tilespmem:$0xE060] =	vst v63  }
0x17: {  	_ =	swait.ge [sflag:s13], $0x30  }
0x18: {  	[sflag:s13] =	ssyncset.done $0x0  }
0x19: {  	[sflag:s13] =	ssyncadd.s32 $0xFFFFFFD0  }
0x1a: {  	[tilespmem:s14], [sflag:$0x5] =	stream.linear.gather [hbm4b:s3+s5], $0x30, $0x38;
	[tilespmem:$0xE060] =	vst v63  }
0x1b: {  	_ =	swait.ge [sflag:s13], $0x30  }
0x1c: {  	[sflag:s13] =	ssyncset.done $0x0  }
0x1d: {  	[sflag:s13] =	ssyncadd.s32 $0xFFFFFFD0  }
0x1e: {  	v1 =	vld [tilespmem:$0xE000]  }
0x1f: {  	v2 =	vld [tilespmem:$0xE010]  }
0x20: {  	v3 =	vld [tilespmem:$0xE020]  }
0x21: {  	v4 =	vld [tilespmem:$0xE030]  }
0x22: {  	v5 =	vld [tilespmem:$0xE040]  }
0x23: {  	v6 =	vld [tilespmem:$0xE050];
	_ =	sdelay $0x2  }
0x24: {  	[tilespmem:s5], [sflag:$0x1] =	stream.linear.gather [hbm4b:s7+s5], $0x4000, $0x38;
	v1 =	vand.u32 $0x7FFFFFFF, v1;
	v2 =	vand.u32 $0x7FFFFFFF, v2;
	v3 =	vand.u32 $0x7FFFFFFF, v3;
	[tilespmem:$0xE060] =	vst v63  }
0x25: {  	s23 =	simm.s32 $0x0;
	v4 =	vand.u32 $0xF, v4;
	v5 =	vand.u32 $0xF, v5;
	v1 =	vsub.f32 $0.0e+00, v1  }
0x26: {  	[tilespmem:s15], [sflag:$0x2] =	stream.linear.gather [hbm4b:s8+s5], $0x4000, $0x38;
	v6 =	vand.u32 $0xF, v6;
	v2 =	vsub.f32 $0.0e+00, v2;
	v3 =	vsub.f32 $0.0e+00, v3;
	[tilespmem:$0xE060] =	vst v63  }
.LBB2_2:
0x27: {  	_ =	swait.ge [sflag:s16], $0x4000  }
0x28: {  	p0 =	seq.s32 s23, $0x0;
	[sflag:s16] =	ssyncset.done $0x0  }
0x29: {  	s2 =	simm.s32 @!p0 $0x3;
	[sflag:s16] =	ssyncadd.s32 $0xFFFFC000  }
0x2a: {  	s24 =	sshll.u32 s23, $0xC;
	_ =	swait.ge @!p0 [sflag:s2], $0x3000  }
0x2b: {  	s25 =	simm.s32 $0xFFFFFFF8;
	s26 =	simm.s32 $0x100;
	[sflag:s2] =	ssyncset.done @!p0 $0x0  }
0x2c: {  	s29 =	simm.s32 $0x80C0;
	s31 =	simm.s32 $0xFFFFFFF8;
	[sflag:s2] =	ssyncadd.s32 @!p0 $0xFFFFD000  }
.LBB2_3:
0x2d: {  	v7 =	vld [tilespmem:s26+$0xFFFFFF00]  }
0x2e: {  	v8 =	vld [tilespmem:s26+$0xFFFFFF10]  }
0x2f: {  	v9 =	vld [tilespmem:s26+$0xFFFFFF20]  }
0x30: {  	v10 =	vld [tilespmem:s26+$0xFFFFFF30];
	_ =	sdelay $0x2  }
0x31: {  	v7 =	vperm.xlane v7, v0;
	v8 =	vperm.xlane v8, v0  }
0x32: {  	v9 =	vperm.xlane v9, v0  }
0x33: {  	v7 =	vsel vm0, v7, v8;
	v8 =	vperm.xlane v10, v0  }
0x34: {  	v7 =	vsel vm1, v7, v9  }
0x35: {  	v7 =	vsel vm2, v7, v8  }
0x36: {  	v8 =	vmax.f32 v7, $9.999999960e-13  }
0x37: {  	v26 =	vshrl.u32 v8, $0x1;
	v8 =	vmul.f32 $5.000000000e-01, v8  }
0x38: {  	v9 =	vsub.s32 $0x5F3759DF, v26  }
0x39: {  	v27 =	vmul.f32 v9, v8;
	_ =	sdelay $0x1  }
0x3a: {  	v10 =	vmul.f32 v9, v27;
	_ =	sdelay $0x1  }
0x3b: {  	v10 =	vsub.f32 $1.500000000e+00, v10;
	_ =	sdelay $0x1  }
0x3c: {  	v9 =	vmul.f32 v9, v10;
	_ =	sdelay $0x1  }
0x3d: {  	v8 =	vmul.f32 v9, v8;
	_ =	sdelay $0x1  }
0x3e: {  	v8 =	vmul.f32 v8, v9;
	_ =	sdelay $0x1  }
0x3f: {  	v8 =	vsub.f32 $1.500000000e+00, v8;
	_ =	sdelay $0x1  }
0x40: {  	v8 =	vmul.f32 v8, v9;
	_ =	sdelay $0x1  }
0x41: {  	v7 =	vmul.f32 v8, v7;
	_ =	sdelay $0x1  }
0x42: {  	v8 =	vperm.xlane v7, v4  }
0x43: {  	v28 =	vperm.xlane v7, v5  }
0x44: {  	v7 =	vperm.xlane v7, v6;
	v8 =	vmul.f32 v8, v1  }
0x45: {  	v9 =	vmul.f32 v28, v2  }
0x46: {  	v7 =	vmul.f32 v7, v3;
	v8 =	vmul.f32 $1.442695020e+00, v8  }
0x47: {  	v9 =	vmul.f32 $1.442695020e+00, v9  }
0x48: {  	v7 =	vmul.f32 $1.442695020e+00, v7;
	(erf) = vpow2.f32 v8  }
0x49: {  	(erf) = vpow2.f32 v9  }
0x4a: {  	(erf) = vpow2.f32 v7;
	_ =	sdelay $0x6  }
0x4b: {  	v7 =	vpop (erf)  }
0x4c: {  	[tilespmem:s29+$0xFFFFFF40] =	vst v7;
	v7 =	vpop (erf)  }
0x4d: {  	[tilespmem:s29+$0xFFFFFF50] =	vst v7;
	v7 =	vpop (erf)  }
0x4e: {  	[tilespmem:s29+$0xFFFFFF60] =	vst v7  }
0x4f: {  	v7 =	vld [tilespmem:s26+$0xFFFFFF40]  }
0x50: {  	v8 =	vld [tilespmem:s26+$0xFFFFFF50]  }
0x51: {  	v29 =	vld [tilespmem:s26+$0xFFFFFF60]  }
0x52: {  	v30 =	vld [tilespmem:s26+$0xFFFFFF70];
	_ =	sdelay $0x2  }
0x53: {  	v7 =	vperm.xlane v7, v0;
	v8 =	vperm.xlane v8, v0  }
0x54: {  	v9 =	vperm.xlane v29, v0  }
0x55: {  	v7 =	vsel vm0, v7, v8;
	v8 =	vperm.xlane v30, v0  }
0x56: {  	v7 =	vsel vm1, v7, v9  }
0x57: {  	v7 =	vsel vm2, v7, v8  }
0x58: {  	v8 =	vmax.f32 v7, $9.999999960e-13  }
0x59: {  	v31 =	vshrl.u32 v8, $0x1;
	v8 =	vmul.f32 $5.000000000e-01, v8  }
0x5a: {  	v9 =	vsub.s32 $0x5F3759DF, v31  }
0x5b: {  	v32 =	vmul.f32 v9, v8;
	_ =	sdelay $0x1  }
0x5c: {  	v10 =	vmul.f32 v9, v32;
	_ =	sdelay $0x1  }
0x5d: {  	v10 =	vsub.f32 $1.500000000e+00, v10;
	_ =	sdelay $0x1  }
0x5e: {  	v9 =	vmul.f32 v9, v10;
	_ =	sdelay $0x1  }
0x5f: {  	v8 =	vmul.f32 v9, v8;
	_ =	sdelay $0x1  }
0x60: {  	v8 =	vmul.f32 v8, v9;
	_ =	sdelay $0x1  }
0x61: {  	v8 =	vsub.f32 $1.500000000e+00, v8;
	_ =	sdelay $0x1  }
0x62: {  	v8 =	vmul.f32 v8, v9;
	_ =	sdelay $0x1  }
0x63: {  	v7 =	vmul.f32 v8, v7;
	_ =	sdelay $0x1  }
0x64: {  	v8 =	vperm.xlane v7, v4  }
0x65: {  	v33 =	vperm.xlane v7, v5  }
0x66: {  	v7 =	vperm.xlane v7, v6;
	v8 =	vmul.f32 v8, v1  }
0x67: {  	v9 =	vmul.f32 v33, v2  }
0x68: {  	v7 =	vmul.f32 v7, v3;
	v8 =	vmul.f32 $1.442695020e+00, v8  }
0x69: {  	v9 =	vmul.f32 $1.442695020e+00, v9  }
0x6a: {  	v7 =	vmul.f32 $1.442695020e+00, v7;
	(erf) = vpow2.f32 v8  }
0x6b: {  	(erf) = vpow2.f32 v9  }
0x6c: {  	(erf) = vpow2.f32 v7;
	_ =	sdelay $0x6  }
0x6d: {  	v7 =	vpop (erf)  }
0x6e: {  	[tilespmem:s29+$0xFFFFFF70] =	vst v7;
	v7 =	vpop (erf)  }
0x6f: {  	[tilespmem:s29+$0xFFFFFF80] =	vst v7;
	v7 =	vpop (erf)  }
0x70: {  	[tilespmem:s29+$0xFFFFFF90] =	vst v7  }
0x71: {  	v7 =	vld [tilespmem:s26+$0xFFFFFF80]  }
0x72: {  	v8 =	vld [tilespmem:s26+$0xFFFFFF90]  }
0x73: {  	v34 =	vld [tilespmem:s26+$0xFFFFFFA0]  }
0x74: {  	v35 =	vld [tilespmem:s26+$0xFFFFFFB0];
	_ =	sdelay $0x2  }
0x75: {  	v7 =	vperm.xlane v7, v0;
	v8 =	vperm.xlane v8, v0  }
0x76: {  	v9 =	vperm.xlane v34, v0  }
0x77: {  	v7 =	vsel vm0, v7, v8;
	v8 =	vperm.xlane v35, v0  }
0x78: {  	v7 =	vsel vm1, v7, v9  }
0x79: {  	v7 =	vsel vm2, v7, v8  }
0x7a: {  	v8 =	vmax.f32 v7, $9.999999960e-13  }
0x7b: {  	v36 =	vshrl.u32 v8, $0x1;
	v8 =	vmul.f32 $5.000000000e-01, v8  }
0x7c: {  	v9 =	vsub.s32 $0x5F3759DF, v36  }
0x7d: {  	v37 =	vmul.f32 v9, v8;
	_ =	sdelay $0x1  }
0x7e: {  	v10 =	vmul.f32 v9, v37;
	_ =	sdelay $0x1  }
0x7f: {  	v10 =	vsub.f32 $1.500000000e+00, v10;
	_ =	sdelay $0x1  }
0x80: {  	v9 =	vmul.f32 v9, v10;
	_ =	sdelay $0x1  }
0x81: {  	v8 =	vmul.f32 v9, v8;
	_ =	sdelay $0x1  }
0x82: {  	v8 =	vmul.f32 v8, v9;
	_ =	sdelay $0x1  }
0x83: {  	v8 =	vsub.f32 $1.500000000e+00, v8;
	_ =	sdelay $0x1  }
0x84: {  	v8 =	vmul.f32 v8, v9;
	_ =	sdelay $0x1  }
0x85: {  	v7 =	vmul.f32 v8, v7;
	_ =	sdelay $0x1  }
0x86: {  	v8 =	vperm.xlane v7, v4  }
0x87: {  	v38 =	vperm.xlane v7, v5  }
0x88: {  	v7 =	vperm.xlane v7, v6;
	v8 =	vmul.f32 v8, v1  }
0x89: {  	v9 =	vmul.f32 v38, v2  }
0x8a: {  	v7 =	vmul.f32 v7, v3;
	v8 =	vmul.f32 $1.442695020e+00, v8  }
0x8b: {  	v9 =	vmul.f32 $1.442695020e+00, v9  }
0x8c: {  	v7 =	vmul.f32 $1.442695020e+00, v7;
	(erf) = vpow2.f32 v8  }
0x8d: {  	(erf) = vpow2.f32 v9  }
0x8e: {  	(erf) = vpow2.f32 v7;
	_ =	sdelay $0x6  }
0x8f: {  	v7 =	vpop (erf)  }
0x90: {  	[tilespmem:s29+$0xFFFFFFA0] =	vst v7;
	v7 =	vpop (erf)  }
0x91: {  	[tilespmem:s29+$0xFFFFFFB0] =	vst v7;
	v7 =	vpop (erf)  }
0x92: {  	[tilespmem:s29+$0xFFFFFFC0] =	vst v7  }
0x93: {  	v7 =	vld [tilespmem:s26+$0xFFFFFFC0]  }
0x94: {  	v8 =	vld [tilespmem:s26+$0xFFFFFFD0]  }
0x95: {  	v39 =	vld [tilespmem:s26+$0xFFFFFFE0]  }
0x96: {  	v40 =	vld [tilespmem:s26+$0xFFFFFFF0];
	_ =	sdelay $0x2  }
0x97: {  	v7 =	vperm.xlane v7, v0;
	v8 =	vperm.xlane v8, v0  }
0x98: {  	v9 =	vperm.xlane v39, v0  }
0x99: {  	v7 =	vsel vm0, v7, v8;
	v8 =	vperm.xlane v40, v0  }
0x9a: {  	v7 =	vsel vm1, v7, v9  }
0x9b: {  	v7 =	vsel vm2, v7, v8  }
0x9c: {  	v8 =	vmax.f32 v7, $9.999999960e-13  }
0x9d: {  	v41 =	vshrl.u32 v8, $0x1;
	v8 =	vmul.f32 $5.000000000e-01, v8  }
0x9e: {  	v9 =	vsub.s32 $0x5F3759DF, v41  }
0x9f: {  	v42 =	vmul.f32 v9, v8;
	_ =	sdelay $0x1  }
0xa0: {  	v10 =	vmul.f32 v9, v42;
	_ =	sdelay $0x1  }
0xa1: {  	v10 =	vsub.f32 $1.500000000e+00, v10;
	_ =	sdelay $0x1  }
0xa2: {  	v9 =	vmul.f32 v9, v10;
	_ =	sdelay $0x1  }
0xa3: {  	v8 =	vmul.f32 v9, v8;
	_ =	sdelay $0x1  }
0xa4: {  	v8 =	vmul.f32 v8, v9;
	_ =	sdelay $0x1  }
0xa5: {  	v8 =	vsub.f32 $1.500000000e+00, v8;
	_ =	sdelay $0x1  }
0xa6: {  	v8 =	vmul.f32 v8, v9;
	_ =	sdelay $0x1  }
0xa7: {  	v7 =	vmul.f32 v8, v7;
	_ =	sdelay $0x1  }
0xa8: {  	v8 =	vperm.xlane v7, v4  }
0xa9: {  	v43 =	vperm.xlane v7, v5  }
0xaa: {  	v7 =	vperm.xlane v7, v6;
	v8 =	vmul.f32 v8, v1  }
0xab: {  	v9 =	vmul.f32 v43, v2  }
0xac: {  	v7 =	vmul.f32 v7, v3;
	v8 =	vmul.f32 $1.442695020e+00, v8  }
0xad: {  	v9 =	vmul.f32 $1.442695020e+00, v9  }
0xae: {  	v7 =	vmul.f32 $1.442695020e+00, v7;
	(erf) = vpow2.f32 v8  }
0xaf: {  	(erf) = vpow2.f32 v9  }
0xb0: {  	(erf) = vpow2.f32 v7;
	_ =	sdelay $0x6  }
0xb1: {  	v7 =	vpop (erf)  }
0xb2: {  	[tilespmem:s29+$0xFFFFFFD0] =	vst v7;
	v7 =	vpop (erf)  }
0xb3: {  	[tilespmem:s29+$0xFFFFFFE0] =	vst v7;
	v7 =	vpop (erf)  }
0xb4: {  	[tilespmem:s29+$0xFFFFFFF0] =	vst v7  }
0xb5: {  	v7 =	vld [tilespmem:s26+$0x0]  }
0xb6: {  	v8 =	vld [tilespmem:s26+$0x10]  }
0xb7: {  	v44 =	vld [tilespmem:s26+$0x20]  }
0xb8: {  	v45 =	vld [tilespmem:s26+$0x30];
	_ =	sdelay $0x2  }
0xb9: {  	v7 =	vperm.xlane v7, v0;
	v8 =	vperm.xlane v8, v0  }
0xba: {  	v9 =	vperm.xlane v44, v0  }
0xbb: {  	v7 =	vsel vm0, v7, v8;
	v8 =	vperm.xlane v45, v0  }
0xbc: {  	v7 =	vsel vm1, v7, v9  }
0xbd: {  	v7 =	vsel vm2, v7, v8  }
0xbe: {  	v8 =	vmax.f32 v7, $9.999999960e-13  }
0xbf: {  	v46 =	vshrl.u32 v8, $0x1;
	v8 =	vmul.f32 $5.000000000e-01, v8  }
0xc0: {  	v9 =	vsub.s32 $0x5F3759DF, v46  }
0xc1: {  	v47 =	vmul.f32 v9, v8;
	_ =	sdelay $0x1  }
0xc2: {  	v10 =	vmul.f32 v9, v47;
	_ =	sdelay $0x1  }
0xc3: {  	v10 =	vsub.f32 $1.500000000e+00, v10;
	_ =	sdelay $0x1  }
0xc4: {  	v9 =	vmul.f32 v9, v10;
	_ =	sdelay $0x1  }
0xc5: {  	v8 =	vmul.f32 v9, v8;
	_ =	sdelay $0x1  }
0xc6: {  	v8 =	vmul.f32 v8, v9;
	_ =	sdelay $0x1  }
0xc7: {  	v8 =	vsub.f32 $1.500000000e+00, v8;
	_ =	sdelay $0x1  }
0xc8: {  	v8 =	vmul.f32 v8, v9;
	_ =	sdelay $0x1  }
0xc9: {  	v7 =	vmul.f32 v8, v7;
	_ =	sdelay $0x1  }
0xca: {  	v8 =	vperm.xlane v7, v4  }
0xcb: {  	v48 =	vperm.xlane v7, v5  }
0xcc: {  	v7 =	vperm.xlane v7, v6;
	v8 =	vmul.f32 v8, v1  }
0xcd: {  	v9 =	vmul.f32 v48, v2  }
0xce: {  	v7 =	vmul.f32 v7, v3;
	v8 =	vmul.f32 $1.442695020e+00, v8  }
0xcf: {  	v9 =	vmul.f32 $1.442695020e+00, v9  }
0xd0: {  	v7 =	vmul.f32 $1.442695020e+00, v7;
	(erf) = vpow2.f32 v8  }
0xd1: {  	(erf) = vpow2.f32 v9  }
0xd2: {  	(erf) = vpow2.f32 v7;
	_ =	sdelay $0x6  }
0xd3: {  	v7 =	vpop (erf)  }
0xd4: {  	[tilespmem:s29+$0x0] =	vst v7;
	v7 =	vpop (erf)  }
0xd5: {  	[tilespmem:s29+$0x10] =	vst v7;
	v7 =	vpop (erf)  }
0xd6: {  	[tilespmem:s29+$0x20] =	vst v7  }
0xd7: {  	v7 =	vld [tilespmem:s26+$0x40]  }
0xd8: {  	v8 =	vld [tilespmem:s26+$0x50]  }
0xd9: {  	v49 =	vld [tilespmem:s26+$0x60]  }
0xda: {  	v50 =	vld [tilespmem:s26+$0x70];
	_ =	sdelay $0x2  }
0xdb: {  	v7 =	vperm.xlane v7, v0;
	v8 =	vperm.xlane v8, v0  }
0xdc: {  	v9 =	vperm.xlane v49, v0  }
0xdd: {  	v7 =	vsel vm0, v7, v8;
	v8 =	vperm.xlane v50, v0  }
0xde: {  	v7 =	vsel vm1, v7, v9  }
0xdf: {  	v7 =	vsel vm2, v7, v8  }
0xe0: {  	v8 =	vmax.f32 v7, $9.999999960e-13  }
0xe1: {  	v51 =	vshrl.u32 v8, $0x1;
	v8 =	vmul.f32 $5.000000000e-01, v8  }
0xe2: {  	v9 =	vsub.s32 $0x5F3759DF, v51  }
0xe3: {  	v52 =	vmul.f32 v9, v8;
	_ =	sdelay $0x1  }
0xe4: {  	v10 =	vmul.f32 v9, v52;
	_ =	sdelay $0x1  }
0xe5: {  	v10 =	vsub.f32 $1.500000000e+00, v10;
	_ =	sdelay $0x1  }
0xe6: {  	v9 =	vmul.f32 v9, v10;
	_ =	sdelay $0x1  }
0xe7: {  	v8 =	vmul.f32 v9, v8;
	_ =	sdelay $0x1  }
0xe8: {  	v8 =	vmul.f32 v8, v9;
	_ =	sdelay $0x1  }
0xe9: {  	v8 =	vsub.f32 $1.500000000e+00, v8;
	_ =	sdelay $0x1  }
0xea: {  	v8 =	vmul.f32 v8, v9;
	_ =	sdelay $0x1  }
0xeb: {  	v7 =	vmul.f32 v8, v7;
	_ =	sdelay $0x1  }
0xec: {  	v8 =	vperm.xlane v7, v4  }
0xed: {  	v53 =	vperm.xlane v7, v5  }
0xee: {  	v7 =	vperm.xlane v7, v6;
	v8 =	vmul.f32 v8, v1  }
0xef: {  	v9 =	vmul.f32 v53, v2  }
0xf0: {  	v7 =	vmul.f32 v7, v3;
	v8 =	vmul.f32 $1.442695020e+00, v8  }
0xf1: {  	v9 =	vmul.f32 $1.442695020e+00, v9  }
0xf2: {  	v7 =	vmul.f32 $1.442695020e+00, v7;
	(erf) = vpow2.f32 v8  }
0xf3: {  	(erf) = vpow2.f32 v9  }
0xf4: {  	(erf) = vpow2.f32 v7;
	_ =	sdelay $0x6  }
0xf5: {  	v7 =	vpop (erf)  }
0xf6: {  	[tilespmem:s29+$0x30] =	vst v7;
	v7 =	vpop (erf)  }
0xf7: {  	[tilespmem:s29+$0x40] =	vst v7;
	v7 =	vpop (erf)  }
0xf8: {  	[tilespmem:s29+$0x50] =	vst v7  }
0xf9: {  	v7 =	vld [tilespmem:s26+$0x80]  }
0xfa: {  	v8 =	vld [tilespmem:s26+$0x90]  }
0xfb: {  	v54 =	vld [tilespmem:s26+$0xA0]  }
0xfc: {  	v55 =	vld [tilespmem:s26+$0xB0];
	_ =	sdelay $0x2  }
0xfd: {  	v7 =	vperm.xlane v7, v0;
	v8 =	vperm.xlane v8, v0  }
0xfe: {  	v9 =	vperm.xlane v54, v0  }
0xff: {  	v7 =	vsel vm0, v7, v8;
	v8 =	vperm.xlane v55, v0  }
0x100: {  	v7 =	vsel vm1, v7, v9  }
0x101: {  	v7 =	vsel vm2, v7, v8  }
0x102: {  	v8 =	vmax.f32 v7, $9.999999960e-13  }
0x103: {  	v56 =	vshrl.u32 v8, $0x1;
	v8 =	vmul.f32 $5.000000000e-01, v8  }
0x104: {  	v9 =	vsub.s32 $0x5F3759DF, v56  }
0x105: {  	v57 =	vmul.f32 v9, v8;
	_ =	sdelay $0x1  }
0x106: {  	v10 =	vmul.f32 v9, v57;
	_ =	sdelay $0x1  }
0x107: {  	v10 =	vsub.f32 $1.500000000e+00, v10;
	_ =	sdelay $0x1  }
0x108: {  	v9 =	vmul.f32 v9, v10;
	_ =	sdelay $0x1  }
0x109: {  	v8 =	vmul.f32 v9, v8;
	_ =	sdelay $0x1  }
0x10a: {  	v8 =	vmul.f32 v8, v9;
	_ =	sdelay $0x1  }
0x10b: {  	v8 =	vsub.f32 $1.500000000e+00, v8;
	_ =	sdelay $0x1  }
0x10c: {  	v8 =	vmul.f32 v8, v9;
	_ =	sdelay $0x1  }
0x10d: {  	v7 =	vmul.f32 v8, v7;
	_ =	sdelay $0x1  }
0x10e: {  	v8 =	vperm.xlane v7, v4  }
0x10f: {  	v58 =	vperm.xlane v7, v5  }
0x110: {  	v7 =	vperm.xlane v7, v6;
	v8 =	vmul.f32 v8, v1  }
0x111: {  	v9 =	vmul.f32 v58, v2  }
0x112: {  	v7 =	vmul.f32 v7, v3;
	v8 =	vmul.f32 $1.442695020e+00, v8  }
0x113: {  	v9 =	vmul.f32 $1.442695020e+00, v9  }
0x114: {  	v7 =	vmul.f32 $1.442695020e+00, v7;
	(erf) = vpow2.f32 v8  }
0x115: {  	(erf) = vpow2.f32 v9  }
0x116: {  	(erf) = vpow2.f32 v7;
	_ =	sdelay $0x6  }
0x117: {  	v7 =	vpop (erf)  }
0x118: {  	[tilespmem:s29+$0x60] =	vst v7;
	v7 =	vpop (erf)  }
0x119: {  	[tilespmem:s29+$0x70] =	vst v7;
	v7 =	vpop (erf)  }
0x11a: {  	[tilespmem:s29+$0x80] =	vst v7  }
0x11b: {  	v7 =	vld [tilespmem:s26+$0xC0]  }
0x11c: {  	v8 =	vld [tilespmem:s26+$0xD0]  }
0x11d: {  	v59 =	vld [tilespmem:s26+$0xE0]  }
0x11e: {  	v60 =	vld [tilespmem:s26+$0xF0];
	_ =	sdelay $0x2  }
0x11f: {  	v7 =	vperm.xlane v7, v0;
	v8 =	vperm.xlane v8, v0  }
0x120: {  	v9 =	vperm.xlane v59, v0  }
0x121: {  	v7 =	vsel vm0, v7, v8;
	v8 =	vperm.xlane v60, v0  }
0x122: {  	v7 =	vsel vm1, v7, v9  }
0x123: {  	v7 =	vsel vm2, v7, v8  }
0x124: {  	v8 =	vmax.f32 v7, $9.999999960e-13  }
0x125: {  	v61 =	vshrl.u32 v8, $0x1;
	v8 =	vmul.f32 $5.000000000e-01, v8  }
0x126: {  	v9 =	vsub.s32 $0x5F3759DF, v61  }
0x127: {  	v62 =	vmul.f32 v9, v8;
	_ =	sdelay $0x1  }
0x128: {  	v10 =	vmul.f32 v9, v62;
	_ =	sdelay $0x1  }
0x129: {  	v10 =	vsub.f32 $1.500000000e+00, v10;
	_ =	sdelay $0x1  }
0x12a: {  	v9 =	vmul.f32 v9, v10;
	_ =	sdelay $0x1  }
0x12b: {  	v8 =	vmul.f32 v9, v8;
	_ =	sdelay $0x1  }
0x12c: {  	v8 =	vmul.f32 v8, v9;
	_ =	sdelay $0x1  }
0x12d: {  	v8 =	vsub.f32 $1.500000000e+00, v8;
	_ =	sdelay $0x1  }
0x12e: {  	v8 =	vmul.f32 v8, v9;
	_ =	sdelay $0x1  }
0x12f: {  	v7 =	vmul.f32 v8, v7;
	_ =	sdelay $0x1  }
0x130: {  	v8 =	vperm.xlane v7, v4  }
0x131: {  	v63 =	vperm.xlane v7, v5  }
0x132: {  	v7 =	vperm.xlane v7, v6;
	v8 =	vmul.f32 v8, v1  }
0x133: {  	v9 =	vmul.f32 v63, v2  }
0x134: {  	v7 =	vmul.f32 v7, v3;
	v8 =	vmul.f32 $1.442695020e+00, v8  }
0x135: {  	v9 =	vmul.f32 $1.442695020e+00, v9  }
0x136: {  	v7 =	vmul.f32 $1.442695020e+00, v7;
	(erf) = vpow2.f32 v8  }
0x137: {  	(erf) = vpow2.f32 v9  }
0x138: {  	(erf) = vpow2.f32 v7;
	_ =	sdelay $0x3  }
0x139: {  	s31 =	sadd.s32 $0x8, s31  }
0x13a: {  	p1 =	slt.u32 s31, $0x78  }
.Ltmp2:
0x13b: {  	_ = 	snop;
	(pc) =	sbr.rel @p1 .LBB2_3-.Ltmp2, $4  }
0x13c: {  	v7 =	vpop (erf)  }
0x13d: {  	v8 =	vpop (erf);
	[tilespmem:s29+$0x90] =	vst v7  }
0x13e: {  	s28 =	simm.s32 $0x9970;
	[tilespmem:s29+$0xA0] =	vst v8;
	v7 =	vpop (erf)  }
0x13f: {  	s30 =	simm.s32 $0x21F0;
	s26 =	sadd.s32 $0x200, s26;
	[tilespmem:s29+$0xB0] =	vst v7;
	s29 =	sadd.s32 $0x180, s29  }
.LBB2_4:
0x140: {  	v7 =	vld [tilespmem:s30+$0xFFFFFE10]  }
0x141: {  	v8 =	vld [tilespmem:s30+$0xFFFFFE20]  }
0x142: {  	v9 =	vld [tilespmem:s30+$0xFFFFFE30]  }
0x143: {  	v10 =	vld [tilespmem:s30+$0xFFFFFE40];
	_ =	sdelay $0x2  }
0x144: {  	v7 =	vperm.xlane v7, v0;
	v8 =	vperm.xlane v8, v0  }
0x145: {  	v9 =	vperm.xlane v9, v0  }
0x146: {  	v7 =	vsel vm0, v7, v8;
	v8 =	vperm.xlane v10, v0  }
0x147: {  	v7 =	vsel vm1, v7, v9  }
0x148: {  	v7 =	vsel vm2, v7, v8  }
0x149: {  	v8 =	vmax.f32 v7, $9.999999960e-13  }
0x14a: {  	v26 =	vshrl.u32 v8, $0x1;
	v8 =	vmul.f32 $5.000000000e-01, v8  }
0x14b: {  	v9 =	vsub.s32 $0x5F3759DF, v26  }
0x14c: {  	v27 =	vmul.f32 v9, v8;
	_ =	sdelay $0x1  }
0x14d: {  	v10 =	vmul.f32 v9, v27;
	_ =	sdelay $0x1  }
0x14e: {  	v10 =	vsub.f32 $1.500000000e+00, v10;
	_ =	sdelay $0x1  }
0x14f: {  	v9 =	vmul.f32 v9, v10;
	_ =	sdelay $0x1  }
0x150: {  	v8 =	vmul.f32 v9, v8;
	_ =	sdelay $0x1  }
0x151: {  	v8 =	vmul.f32 v8, v9;
	_ =	sdelay $0x1  }
0x152: {  	v8 =	vsub.f32 $1.500000000e+00, v8;
	_ =	sdelay $0x1  }
0x153: {  	v8 =	vmul.f32 v8, v9;
	_ =	sdelay $0x1  }
0x154: {  	v7 =	vmul.f32 v8, v7;
	_ =	sdelay $0x1  }
0x155: {  	v8 =	vperm.xlane v7, v4  }
0x156: {  	v28 =	vperm.xlane v7, v5  }
0x157: {  	v7 =	vperm.xlane v7, v6;
	v8 =	vmul.f32 v8, v1  }
0x158: {  	v9 =	vmul.f32 v28, v2  }
0x159: {  	v7 =	vmul.f32 v7, v3;
	v8 =	vmul.f32 $1.442695020e+00, v8  }
0x15a: {  	v9 =	vmul.f32 $1.442695020e+00, v9  }
0x15b: {  	v7 =	vmul.f32 $1.442695020e+00, v7;
	(erf) = vpow2.f32 v8  }
0x15c: {  	(erf) = vpow2.f32 v9  }
0x15d: {  	(erf) = vpow2.f32 v7;
	_ =	sdelay $0x6  }
0x15e: {  	v7 =	vpop (erf)  }
0x15f: {  	[tilespmem:s28+$0xFFFFFE90] =	vst v7;
	v7 =	vpop (erf)  }
0x160: {  	[tilespmem:s28+$0xFFFFFEA0] =	vst v7;
	v7 =	vpop (erf)  }
0x161: {  	[tilespmem:s28+$0xFFFFFEB0] =	vst v7  }
0x162: {  	v7 =	vld [tilespmem:s30+$0xFFFFFE50]  }
0x163: {  	v8 =	vld [tilespmem:s30+$0xFFFFFE60]  }
0x164: {  	v29 =	vld [tilespmem:s30+$0xFFFFFE70]  }
0x165: {  	v30 =	vld [tilespmem:s30+$0xFFFFFE80];
	_ =	sdelay $0x2  }
0x166: {  	v7 =	vperm.xlane v7, v0;
	v8 =	vperm.xlane v8, v0  }
0x167: {  	v9 =	vperm.xlane v29, v0  }
0x168: {  	v7 =	vsel vm0, v7, v8;
	v8 =	vperm.xlane v30, v0  }
0x169: {  	v7 =	vsel vm1, v7, v9  }
0x16a: {  	v7 =	vsel vm2, v7, v8  }
0x16b: {  	v8 =	vmax.f32 v7, $9.999999960e-13  }
0x16c: {  	v31 =	vshrl.u32 v8, $0x1;
	v8 =	vmul.f32 $5.000000000e-01, v8  }
0x16d: {  	v9 =	vsub.s32 $0x5F3759DF, v31  }
0x16e: {  	v32 =	vmul.f32 v9, v8;
	_ =	sdelay $0x1  }
0x16f: {  	v10 =	vmul.f32 v9, v32;
	_ =	sdelay $0x1  }
0x170: {  	v10 =	vsub.f32 $1.500000000e+00, v10;
	_ =	sdelay $0x1  }
0x171: {  	v9 =	vmul.f32 v9, v10;
	_ =	sdelay $0x1  }
0x172: {  	v8 =	vmul.f32 v9, v8;
	_ =	sdelay $0x1  }
0x173: {  	v8 =	vmul.f32 v8, v9;
	_ =	sdelay $0x1  }
0x174: {  	v8 =	vsub.f32 $1.500000000e+00, v8;
	_ =	sdelay $0x1  }
0x175: {  	v8 =	vmul.f32 v8, v9;
	_ =	sdelay $0x1  }
0x176: {  	v7 =	vmul.f32 v8, v7;
	_ =	sdelay $0x1  }
0x177: {  	v8 =	vperm.xlane v7, v4  }
0x178: {  	v33 =	vperm.xlane v7, v5  }
0x179: {  	v7 =	vperm.xlane v7, v6;
	v8 =	vmul.f32 v8, v1  }
0x17a: {  	v9 =	vmul.f32 v33, v2  }
0x17b: {  	v7 =	vmul.f32 v7, v3;
	v8 =	vmul.f32 $1.442695020e+00, v8  }
0x17c: {  	v9 =	vmul.f32 $1.442695020e+00, v9  }
0x17d: {  	v7 =	vmul.f32 $1.442695020e+00, v7;
	(erf) = vpow2.f32 v8  }
0x17e: {  	(erf) = vpow2.f32 v9  }
0x17f: {  	(erf) = vpow2.f32 v7;
	_ =	sdelay $0x6  }
0x180: {  	v7 =	vpop (erf)  }
0x181: {  	[tilespmem:s28+$0xFFFFFEC0] =	vst v7;
	v7 =	vpop (erf)  }
0x182: {  	[tilespmem:s28+$0xFFFFFED0] =	vst v7;
	v7 =	vpop (erf)  }
0x183: {  	[tilespmem:s28+$0xFFFFFEE0] =	vst v7  }
0x184: {  	v7 =	vld [tilespmem:s30+$0xFFFFFE90]  }
0x185: {  	v8 =	vld [tilespmem:s30+$0xFFFFFEA0]  }
0x186: {  	v34 =	vld [tilespmem:s30+$0xFFFFFEB0]  }
0x187: {  	v35 =	vld [tilespmem:s30+$0xFFFFFEC0];
	_ =	sdelay $0x2  }
0x188: {  	v7 =	vperm.xlane v7, v0;
	v8 =	vperm.xlane v8, v0  }
0x189: {  	v9 =	vperm.xlane v34, v0  }
0x18a: {  	v7 =	vsel vm0, v7, v8;
	v8 =	vperm.xlane v35, v0  }
0x18b: {  	v7 =	vsel vm1, v7, v9  }
0x18c: {  	v7 =	vsel vm2, v7, v8  }
0x18d: {  	v8 =	vmax.f32 v7, $9.999999960e-13  }
0x18e: {  	v36 =	vshrl.u32 v8, $0x1;
	v8 =	vmul.f32 $5.000000000e-01, v8  }
0x18f: {  	v9 =	vsub.s32 $0x5F3759DF, v36  }
0x190: {  	v37 =	vmul.f32 v9, v8;
	_ =	sdelay $0x1  }
0x191: {  	v10 =	vmul.f32 v9, v37;
	_ =	sdelay $0x1  }
0x192: {  	v10 =	vsub.f32 $1.500000000e+00, v10;
	_ =	sdelay $0x1  }
0x193: {  	v9 =	vmul.f32 v9, v10;
	_ =	sdelay $0x1  }
0x194: {  	v8 =	vmul.f32 v9, v8;
	_ =	sdelay $0x1  }
0x195: {  	v8 =	vmul.f32 v8, v9;
	_ =	sdelay $0x1  }
0x196: {  	v8 =	vsub.f32 $1.500000000e+00, v8;
	_ =	sdelay $0x1  }
0x197: {  	v8 =	vmul.f32 v8, v9;
	_ =	sdelay $0x1  }
0x198: {  	v7 =	vmul.f32 v8, v7;
	_ =	sdelay $0x1  }
0x199: {  	v8 =	vperm.xlane v7, v4  }
0x19a: {  	v38 =	vperm.xlane v7, v5  }
0x19b: {  	v7 =	vperm.xlane v7, v6;
	v8 =	vmul.f32 v8, v1  }
0x19c: {  	v9 =	vmul.f32 v38, v2  }
0x19d: {  	v7 =	vmul.f32 v7, v3;
	v8 =	vmul.f32 $1.442695020e+00, v8  }
0x19e: {  	v9 =	vmul.f32 $1.442695020e+00, v9  }
0x19f: {  	v7 =	vmul.f32 $1.442695020e+00, v7;
	(erf) = vpow2.f32 v8  }
0x1a0: {  	(erf) = vpow2.f32 v9  }
0x1a1: {  	(erf) = vpow2.f32 v7;
	_ =	sdelay $0x6  }
0x1a2: {  	v7 =	vpop (erf)  }
0x1a3: {  	[tilespmem:s28+$0xFFFFFEF0] =	vst v7;
	v7 =	vpop (erf)  }
0x1a4: {  	[tilespmem:s28+$0xFFFFFF00] =	vst v7;
	v7 =	vpop (erf)  }
0x1a5: {  	[tilespmem:s28+$0xFFFFFF10] =	vst v7  }
0x1a6: {  	v7 =	vld [tilespmem:s30+$0xFFFFFED0]  }
0x1a7: {  	v8 =	vld [tilespmem:s30+$0xFFFFFEE0]  }
0x1a8: {  	v39 =	vld [tilespmem:s30+$0xFFFFFEF0]  }
0x1a9: {  	v40 =	vld [tilespmem:s30+$0xFFFFFF00];
	_ =	sdelay $0x2  }
0x1aa: {  	v7 =	vperm.xlane v7, v0;
	v8 =	vperm.xlane v8, v0  }
0x1ab: {  	v9 =	vperm.xlane v39, v0  }
0x1ac: {  	v7 =	vsel vm0, v7, v8;
	v8 =	vperm.xlane v40, v0  }
0x1ad: {  	v7 =	vsel vm1, v7, v9  }
0x1ae: {  	v7 =	vsel vm2, v7, v8  }
0x1af: {  	v8 =	vmax.f32 v7, $9.999999960e-13  }
0x1b0: {  	v41 =	vshrl.u32 v8, $0x1;
	v8 =	vmul.f32 $5.000000000e-01, v8  }
0x1b1: {  	v9 =	vsub.s32 $0x5F3759DF, v41  }
0x1b2: {  	v42 =	vmul.f32 v9, v8;
	_ =	sdelay $0x1  }
0x1b3: {  	v10 =	vmul.f32 v9, v42;
	_ =	sdelay $0x1  }
0x1b4: {  	v10 =	vsub.f32 $1.500000000e+00, v10;
	_ =	sdelay $0x1  }
0x1b5: {  	v9 =	vmul.f32 v9, v10;
	_ =	sdelay $0x1  }
0x1b6: {  	v8 =	vmul.f32 v9, v8;
	_ =	sdelay $0x1  }
0x1b7: {  	v8 =	vmul.f32 v8, v9;
	_ =	sdelay $0x1  }
0x1b8: {  	v8 =	vsub.f32 $1.500000000e+00, v8;
	_ =	sdelay $0x1  }
0x1b9: {  	v8 =	vmul.f32 v8, v9;
	_ =	sdelay $0x1  }
0x1ba: {  	v7 =	vmul.f32 v8, v7;
	_ =	sdelay $0x1  }
0x1bb: {  	v8 =	vperm.xlane v7, v4  }
0x1bc: {  	v43 =	vperm.xlane v7, v5  }
0x1bd: {  	v7 =	vperm.xlane v7, v6;
	v8 =	vmul.f32 v8, v1  }
0x1be: {  	v9 =	vmul.f32 v43, v2  }
0x1bf: {  	v7 =	vmul.f32 v7, v3;
	v8 =	vmul.f32 $1.442695020e+00, v8  }
0x1c0: {  	v9 =	vmul.f32 $1.442695020e+00, v9  }
0x1c1: {  	v7 =	vmul.f32 $1.442695020e+00, v7;
	(erf) = vpow2.f32 v8  }
0x1c2: {  	(erf) = vpow2.f32 v9  }
0x1c3: {  	(erf) = vpow2.f32 v7;
	_ =	sdelay $0x6  }
0x1c4: {  	v7 =	vpop (erf)  }
0x1c5: {  	[tilespmem:s28+$0xFFFFFF20] =	vst v7;
	v7 =	vpop (erf)  }
0x1c6: {  	[tilespmem:s28+$0xFFFFFF30] =	vst v7;
	v7 =	vpop (erf)  }
0x1c7: {  	[tilespmem:s28+$0xFFFFFF40] =	vst v7  }
0x1c8: {  	v7 =	vld [tilespmem:s30+$0xFFFFFF10]  }
0x1c9: {  	v8 =	vld [tilespmem:s30+$0xFFFFFF20]  }
0x1ca: {  	v44 =	vld [tilespmem:s30+$0xFFFFFF30]  }
0x1cb: {  	v45 =	vld [tilespmem:s30+$0xFFFFFF40];
	_ =	sdelay $0x2  }
0x1cc: {  	v7 =	vperm.xlane v7, v0;
	v8 =	vperm.xlane v8, v0  }
0x1cd: {  	v9 =	vperm.xlane v44, v0  }
0x1ce: {  	v7 =	vsel vm0, v7, v8;
	v8 =	vperm.xlane v45, v0  }
0x1cf: {  	v7 =	vsel vm1, v7, v9  }
0x1d0: {  	v7 =	vsel vm2, v7, v8  }
0x1d1: {  	v8 =	vmax.f32 v7, $9.999999960e-13  }
0x1d2: {  	v46 =	vshrl.u32 v8, $0x1;
	v8 =	vmul.f32 $5.000000000e-01, v8  }
0x1d3: {  	v9 =	vsub.s32 $0x5F3759DF, v46  }
0x1d4: {  	v47 =	vmul.f32 v9, v8;
	_ =	sdelay $0x1  }
0x1d5: {  	v10 =	vmul.f32 v9, v47;
	_ =	sdelay $0x1  }
0x1d6: {  	v10 =	vsub.f32 $1.500000000e+00, v10;
	_ =	sdelay $0x1  }
0x1d7: {  	v9 =	vmul.f32 v9, v10;
	_ =	sdelay $0x1  }
0x1d8: {  	v8 =	vmul.f32 v9, v8;
	_ =	sdelay $0x1  }
0x1d9: {  	v8 =	vmul.f32 v8, v9;
	_ =	sdelay $0x1  }
0x1da: {  	v8 =	vsub.f32 $1.500000000e+00, v8;
	_ =	sdelay $0x1  }
0x1db: {  	v8 =	vmul.f32 v8, v9;
	_ =	sdelay $0x1  }
0x1dc: {  	v7 =	vmul.f32 v8, v7;
	_ =	sdelay $0x1  }
0x1dd: {  	v8 =	vperm.xlane v7, v4  }
0x1de: {  	v48 =	vperm.xlane v7, v5  }
0x1df: {  	v7 =	vperm.xlane v7, v6;
	v8 =	vmul.f32 v8, v1  }
0x1e0: {  	v9 =	vmul.f32 v48, v2  }
0x1e1: {  	v7 =	vmul.f32 v7, v3;
	v8 =	vmul.f32 $1.442695020e+00, v8  }
0x1e2: {  	v9 =	vmul.f32 $1.442695020e+00, v9  }
0x1e3: {  	v7 =	vmul.f32 $1.442695020e+00, v7;
	(erf) = vpow2.f32 v8  }
0x1e4: {  	(erf) = vpow2.f32 v9  }
0x1e5: {  	(erf) = vpow2.f32 v7;
	_ =	sdelay $0x6  }
0x1e6: {  	v7 =	vpop (erf)  }
0x1e7: {  	[tilespmem:s28+$0xFFFFFF50] =	vst v7;
	v7 =	vpop (erf)  }
0x1e8: {  	[tilespmem:s28+$0xFFFFFF60] =	vst v7;
	v7 =	vpop (erf)  }
0x1e9: {  	[tilespmem:s28+$0xFFFFFF70] =	vst v7  }
0x1ea: {  	v7 =	vld [tilespmem:s30+$0xFFFFFF50]  }
0x1eb: {  	v8 =	vld [tilespmem:s30+$0xFFFFFF60]  }
0x1ec: {  	v49 =	vld [tilespmem:s30+$0xFFFFFF70]  }
0x1ed: {  	v50 =	vld [tilespmem:s30+$0xFFFFFF80];
	_ =	sdelay $0x2  }
0x1ee: {  	v7 =	vperm.xlane v7, v0;
	v8 =	vperm.xlane v8, v0  }
0x1ef: {  	v9 =	vperm.xlane v49, v0  }
0x1f0: {  	v7 =	vsel vm0, v7, v8;
	v8 =	vperm.xlane v50, v0  }
0x1f1: {  	v7 =	vsel vm1, v7, v9  }
0x1f2: {  	v7 =	vsel vm2, v7, v8  }
0x1f3: {  	v8 =	vmax.f32 v7, $9.999999960e-13  }
0x1f4: {  	v51 =	vshrl.u32 v8, $0x1;
	v8 =	vmul.f32 $5.000000000e-01, v8  }
0x1f5: {  	v9 =	vsub.s32 $0x5F3759DF, v51  }
0x1f6: {  	v52 =	vmul.f32 v9, v8;
	_ =	sdelay $0x1  }
0x1f7: {  	v10 =	vmul.f32 v9, v52;
	_ =	sdelay $0x1  }
0x1f8: {  	v10 =	vsub.f32 $1.500000000e+00, v10;
	_ =	sdelay $0x1  }
0x1f9: {  	v9 =	vmul.f32 v9, v10;
	_ =	sdelay $0x1  }
0x1fa: {  	v8 =	vmul.f32 v9, v8;
	_ =	sdelay $0x1  }
0x1fb: {  	v8 =	vmul.f32 v8, v9;
	_ =	sdelay $0x1  }
0x1fc: {  	v8 =	vsub.f32 $1.500000000e+00, v8;
	_ =	sdelay $0x1  }
0x1fd: {  	v8 =	vmul.f32 v8, v9;
	_ =	sdelay $0x1  }
0x1fe: {  	v7 =	vmul.f32 v8, v7;
	_ =	sdelay $0x1  }
0x1ff: {  	v8 =	vperm.xlane v7, v4  }
0x200: {  	v53 =	vperm.xlane v7, v5  }
0x201: {  	v7 =	vperm.xlane v7, v6;
	v8 =	vmul.f32 v8, v1  }
0x202: {  	v9 =	vmul.f32 v53, v2  }
0x203: {  	v7 =	vmul.f32 v7, v3;
	v8 =	vmul.f32 $1.442695020e+00, v8  }
0x204: {  	v9 =	vmul.f32 $1.442695020e+00, v9  }
0x205: {  	v7 =	vmul.f32 $1.442695020e+00, v7;
	(erf) = vpow2.f32 v8  }
0x206: {  	(erf) = vpow2.f32 v9  }
0x207: {  	(erf) = vpow2.f32 v7;
	_ =	sdelay $0x6  }
0x208: {  	v7 =	vpop (erf)  }
0x209: {  	[tilespmem:s28+$0xFFFFFF80] =	vst v7;
	v7 =	vpop (erf)  }
0x20a: {  	[tilespmem:s28+$0xFFFFFF90] =	vst v7;
	v7 =	vpop (erf)  }
0x20b: {  	[tilespmem:s28+$0xFFFFFFA0] =	vst v7  }
0x20c: {  	v7 =	vld [tilespmem:s30+$0xFFFFFF90]  }
0x20d: {  	v8 =	vld [tilespmem:s30+$0xFFFFFFA0]  }
0x20e: {  	v54 =	vld [tilespmem:s30+$0xFFFFFFB0]  }
0x20f: {  	v55 =	vld [tilespmem:s30+$0xFFFFFFC0];
	_ =	sdelay $0x2  }
0x210: {  	v7 =	vperm.xlane v7, v0;
	v8 =	vperm.xlane v8, v0  }
0x211: {  	v9 =	vperm.xlane v54, v0  }
0x212: {  	v7 =	vsel vm0, v7, v8;
	v8 =	vperm.xlane v55, v0  }
0x213: {  	v7 =	vsel vm1, v7, v9  }
0x214: {  	v7 =	vsel vm2, v7, v8  }
0x215: {  	v8 =	vmax.f32 v7, $9.999999960e-13  }
0x216: {  	v56 =	vshrl.u32 v8, $0x1;
	v8 =	vmul.f32 $5.000000000e-01, v8  }
0x217: {  	v9 =	vsub.s32 $0x5F3759DF, v56  }
0x218: {  	v57 =	vmul.f32 v9, v8;
	_ =	sdelay $0x1  }
0x219: {  	v10 =	vmul.f32 v9, v57;
	_ =	sdelay $0x1  }
0x21a: {  	v10 =	vsub.f32 $1.500000000e+00, v10;
	_ =	sdelay $0x1  }
0x21b: {  	v9 =	vmul.f32 v9, v10;
	_ =	sdelay $0x1  }
0x21c: {  	v8 =	vmul.f32 v9, v8;
	_ =	sdelay $0x1  }
0x21d: {  	v8 =	vmul.f32 v8, v9;
	_ =	sdelay $0x1  }
0x21e: {  	v8 =	vsub.f32 $1.500000000e+00, v8;
	_ =	sdelay $0x1  }
0x21f: {  	v8 =	vmul.f32 v8, v9;
	_ =	sdelay $0x1  }
0x220: {  	v7 =	vmul.f32 v8, v7;
	_ =	sdelay $0x1  }
0x221: {  	v8 =	vperm.xlane v7, v4  }
0x222: {  	v58 =	vperm.xlane v7, v5  }
0x223: {  	v7 =	vperm.xlane v7, v6;
	v8 =	vmul.f32 v8, v1  }
0x224: {  	v9 =	vmul.f32 v58, v2  }
0x225: {  	v7 =	vmul.f32 v7, v3;
	v8 =	vmul.f32 $1.442695020e+00, v8  }
0x226: {  	v9 =	vmul.f32 $1.442695020e+00, v9  }
0x227: {  	v7 =	vmul.f32 $1.442695020e+00, v7;
	(erf) = vpow2.f32 v8  }
0x228: {  	(erf) = vpow2.f32 v9  }
0x229: {  	(erf) = vpow2.f32 v7;
	_ =	sdelay $0x6  }
0x22a: {  	v7 =	vpop (erf)  }
0x22b: {  	[tilespmem:s28+$0xFFFFFFB0] =	vst v7;
	v7 =	vpop (erf)  }
0x22c: {  	[tilespmem:s28+$0xFFFFFFC0] =	vst v7;
	v7 =	vpop (erf)  }
0x22d: {  	[tilespmem:s28+$0xFFFFFFD0] =	vst v7  }
0x22e: {  	v7 =	vld [tilespmem:s30+$0xFFFFFFD0]  }
0x22f: {  	v8 =	vld [tilespmem:s30+$0xFFFFFFE0]  }
0x230: {  	v59 =	vld [tilespmem:s30+$0xFFFFFFF0]  }
0x231: {  	v60 =	vld [tilespmem:s30+$0x0];
	_ =	sdelay $0x2  }
0x232: {  	v7 =	vperm.xlane v7, v0;
	v8 =	vperm.xlane v8, v0  }
0x233: {  	v9 =	vperm.xlane v59, v0  }
0x234: {  	v7 =	vsel vm0, v7, v8;
	v8 =	vperm.xlane v60, v0  }
0x235: {  	v7 =	vsel vm1, v7, v9  }
0x236: {  	v7 =	vsel vm2, v7, v8  }
0x237: {  	v8 =	vmax.f32 v7, $9.999999960e-13  }
0x238: {  	v61 =	vshrl.u32 v8, $0x1;
	v8 =	vmul.f32 $5.000000000e-01, v8  }
0x239: {  	v9 =	vsub.s32 $0x5F3759DF, v61  }
0x23a: {  	v62 =	vmul.f32 v9, v8;
	_ =	sdelay $0x1  }
0x23b: {  	v10 =	vmul.f32 v9, v62;
	_ =	sdelay $0x1  }
0x23c: {  	v10 =	vsub.f32 $1.500000000e+00, v10;
	_ =	sdelay $0x1  }
0x23d: {  	v9 =	vmul.f32 v9, v10;
	_ =	sdelay $0x1  }
0x23e: {  	v8 =	vmul.f32 v9, v8;
	_ =	sdelay $0x1  }
0x23f: {  	v8 =	vmul.f32 v8, v9;
	_ =	sdelay $0x1  }
0x240: {  	v8 =	vsub.f32 $1.500000000e+00, v8;
	_ =	sdelay $0x1  }
0x241: {  	v8 =	vmul.f32 v8, v9;
	_ =	sdelay $0x1  }
0x242: {  	v7 =	vmul.f32 v8, v7;
	_ =	sdelay $0x1  }
0x243: {  	v8 =	vperm.xlane v7, v4  }
0x244: {  	v63 =	vperm.xlane v7, v5  }
0x245: {  	v7 =	vperm.xlane v7, v6;
	v8 =	vmul.f32 v8, v1  }
0x246: {  	v9 =	vmul.f32 v63, v2  }
0x247: {  	v7 =	vmul.f32 v7, v3;
	v8 =	vmul.f32 $1.442695020e+00, v8  }
0x248: {  	v9 =	vmul.f32 $1.442695020e+00, v9  }
0x249: {  	v7 =	vmul.f32 $1.442695020e+00, v7;
	(erf) = vpow2.f32 v8  }
0x24a: {  	(erf) = vpow2.f32 v9  }
0x24b: {  	(erf) = vpow2.f32 v7;
	_ =	sdelay $0x3  }
0x24c: {  	s25 =	sadd.s32 $0x8, s25  }
0x24d: {  	p1 =	slt.u32 s25, $0x78  }
.Ltmp3:
0x24e: {  	_ = 	snop;
	(pc) =	sbr.rel @p1 .LBB2_4-.Ltmp3, $4  }
0x24f: {  	v7 =	vpop (erf)  }
0x250: {  	v8 =	vpop (erf);
	[tilespmem:s28+$0xFFFFFFE0] =	vst v7  }
0x251: {  	[tilespmem:s28+$0xFFFFFFF0] =	vst v8;
	v7 =	vpop (erf)  }
0x252: {  	s30 =	sadd.s32 $0x200, s30;
	[tilespmem:s28+$0x0] =	vst v7;
	s28 =	sadd.s32 $0x180, s28  }
0x253: {  	s25 =	sshll.u32 s23, $0x2;
	p1 =	sne.s32 s23, $0x1F  }
.Ltmp4:
0x254: {  	s2 =	sadd.s32 s6, s25;
	(pc) =	sbr.rel @p1 .LBB2_7-.Ltmp4, $3  }
0x255: {  	s2 =	smul.u32 $0x300, s2;
	_ =	sdelay $0x1  }
0x256: {  	s2 =	sadd.s32 s4, s2  }
0x257: {  	[hbm4b:s2+s5] =	stream.linear.scatter [tilespmem:s17], [sflag:$0x3], $0x3000, $0x38;
	[tilespmem:$0xE060] =	vst v63  }
.Ltmp5:
0x258: {  	(pc) =	sbr.rel .LBB2_8-.Ltmp5, $4  }
0x259: {  	_ = 	snop  }
0x25a: {  	_ =	swait.ge [sflag:s18], $0x4000  }
0x25b: {  	[sflag:s18] =	ssyncset.done $0x0  }
0x25c: {  	[sflag:s18] =	ssyncadd.s32 $0xFFFFC000  }
.LBB2_7:
.Ltmp6:
0x25d: {  	s2 =	sadd.s32 s24, s9;
	(pc) =	sbr.rel @p0 .LBB2_9-.Ltmp6, $4  }
0x25e: {  	[tilespmem:s5], [sflag:$0x1] =	stream.linear.gather [hbm4b:s2+s5], $0x4000, $0x38;
	[tilespmem:$0xE060] =	vst v63  }
0x25f: {  	_ =	swait.ge [sflag:s18], $0x4000  }
0x260: {  	[sflag:s18] =	ssyncset.done $0x0  }
0x261: {  	[sflag:s18] =	ssyncadd.s32 $0xFFFFC000  }
.LBB2_8:
0x262: {  	_ =	swait.ge [sflag:s19], $0x3000  }
0x263: {  	[sflag:s19] =	ssyncset.done $0x0  }
0x264: {  	[sflag:s19] =	ssyncadd.s32 $0xFFFFD000  }
.LBB2_9:
0x265: {  	s26 =	simm.s32 $0xFFFFFFF8  }
0x266: {  	s28 =	simm.s32 $0x41F0;
	s30 =	simm.s32 $0xB170;
	s2 =	simm.s32 $0xFFFFFFF8  }
.LBB2_10:
0x267: {  	v7 =	vld [tilespmem:s28+$0xFFFFFE10]  }
0x268: {  	v8 =	vld [tilespmem:s28+$0xFFFFFE20]  }
0x269: {  	v9 =	vld [tilespmem:s28+$0xFFFFFE30]  }
0x26a: {  	v10 =	vld [tilespmem:s28+$0xFFFFFE40];
	_ =	sdelay $0x2  }
0x26b: {  	v7 =	vperm.xlane v7, v0;
	v8 =	vperm.xlane v8, v0  }
0x26c: {  	v9 =	vperm.xlane v9, v0  }
0x26d: {  	v7 =	vsel vm0, v7, v8;
	v8 =	vperm.xlane v10, v0  }
0x26e: {  	v7 =	vsel vm1, v7, v9  }
0x26f: {  	v7 =	vsel vm2, v7, v8  }
0x270: {  	v8 =	vmax.f32 v7, $9.999999960e-13  }
0x271: {  	v26 =	vshrl.u32 v8, $0x1;
	v8 =	vmul.f32 $5.000000000e-01, v8  }
0x272: {  	v9 =	vsub.s32 $0x5F3759DF, v26  }
0x273: {  	v27 =	vmul.f32 v9, v8;
	_ =	sdelay $0x1  }
0x274: {  	v10 =	vmul.f32 v9, v27;
	_ =	sdelay $0x1  }
0x275: {  	v10 =	vsub.f32 $1.500000000e+00, v10;
	_ =	sdelay $0x1  }
0x276: {  	v9 =	vmul.f32 v9, v10;
	_ =	sdelay $0x1  }
0x277: {  	v8 =	vmul.f32 v9, v8;
	_ =	sdelay $0x1  }
0x278: {  	v8 =	vmul.f32 v8, v9;
	_ =	sdelay $0x1  }
0x279: {  	v8 =	vsub.f32 $1.500000000e+00, v8;
	_ =	sdelay $0x1  }
0x27a: {  	v8 =	vmul.f32 v8, v9;
	_ =	sdelay $0x1  }
0x27b: {  	v7 =	vmul.f32 v8, v7;
	_ =	sdelay $0x1  }
0x27c: {  	v8 =	vperm.xlane v7, v4  }
0x27d: {  	v28 =	vperm.xlane v7, v5  }
0x27e: {  	v7 =	vperm.xlane v7, v6;
	v8 =	vmul.f32 v8, v1  }
0x27f: {  	v9 =	vmul.f32 v28, v2  }
0x280: {  	v7 =	vmul.f32 v7, v3;
	v8 =	vmul.f32 $1.442695020e+00, v8  }
0x281: {  	v9 =	vmul.f32 $1.442695020e+00, v9  }
0x282: {  	v7 =	vmul.f32 $1.442695020e+00, v7;
	(erf) = vpow2.f32 v8  }
0x283: {  	(erf) = vpow2.f32 v9  }
0x284: {  	(erf) = vpow2.f32 v7;
	_ =	sdelay $0x6  }
0x285: {  	v7 =	vpop (erf)  }
0x286: {  	[tilespmem:s30+$0xFFFFFE90] =	vst v7;
	v7 =	vpop (erf)  }
0x287: {  	[tilespmem:s30+$0xFFFFFEA0] =	vst v7;
	v7 =	vpop (erf)  }
0x288: {  	[tilespmem:s30+$0xFFFFFEB0] =	vst v7  }
0x289: {  	v7 =	vld [tilespmem:s28+$0xFFFFFE50]  }
0x28a: {  	v8 =	vld [tilespmem:s28+$0xFFFFFE60]  }
0x28b: {  	v29 =	vld [tilespmem:s28+$0xFFFFFE70]  }
0x28c: {  	v30 =	vld [tilespmem:s28+$0xFFFFFE80];
	_ =	sdelay $0x2  }
0x28d: {  	v7 =	vperm.xlane v7, v0;
	v8 =	vperm.xlane v8, v0  }
0x28e: {  	v9 =	vperm.xlane v29, v0  }
0x28f: {  	v7 =	vsel vm0, v7, v8;
	v8 =	vperm.xlane v30, v0  }
0x290: {  	v7 =	vsel vm1, v7, v9  }
0x291: {  	v7 =	vsel vm2, v7, v8  }
0x292: {  	v8 =	vmax.f32 v7, $9.999999960e-13  }
0x293: {  	v31 =	vshrl.u32 v8, $0x1;
	v8 =	vmul.f32 $5.000000000e-01, v8  }
0x294: {  	v9 =	vsub.s32 $0x5F3759DF, v31  }
0x295: {  	v32 =	vmul.f32 v9, v8;
	_ =	sdelay $0x1  }
0x296: {  	v10 =	vmul.f32 v9, v32;
	_ =	sdelay $0x1  }
0x297: {  	v10 =	vsub.f32 $1.500000000e+00, v10;
	_ =	sdelay $0x1  }
0x298: {  	v9 =	vmul.f32 v9, v10;
	_ =	sdelay $0x1  }
0x299: {  	v8 =	vmul.f32 v9, v8;
	_ =	sdelay $0x1  }
0x29a: {  	v8 =	vmul.f32 v8, v9;
	_ =	sdelay $0x1  }
0x29b: {  	v8 =	vsub.f32 $1.500000000e+00, v8;
	_ =	sdelay $0x1  }
0x29c: {  	v8 =	vmul.f32 v8, v9;
	_ =	sdelay $0x1  }
0x29d: {  	v7 =	vmul.f32 v8, v7;
	_ =	sdelay $0x1  }
0x29e: {  	v8 =	vperm.xlane v7, v4  }
0x29f: {  	v33 =	vperm.xlane v7, v5  }
0x2a0: {  	v7 =	vperm.xlane v7, v6;
	v8 =	vmul.f32 v8, v1  }
0x2a1: {  	v9 =	vmul.f32 v33, v2  }
0x2a2: {  	v7 =	vmul.f32 v7, v3;
	v8 =	vmul.f32 $1.442695020e+00, v8  }
0x2a3: {  	v9 =	vmul.f32 $1.442695020e+00, v9  }
0x2a4: {  	v7 =	vmul.f32 $1.442695020e+00, v7;
	(erf) = vpow2.f32 v8  }
0x2a5: {  	(erf) = vpow2.f32 v9  }
0x2a6: {  	(erf) = vpow2.f32 v7;
	_ =	sdelay $0x6  }
0x2a7: {  	v7 =	vpop (erf)  }
0x2a8: {  	[tilespmem:s30+$0xFFFFFEC0] =	vst v7;
	v7 =	vpop (erf)  }
0x2a9: {  	[tilespmem:s30+$0xFFFFFED0] =	vst v7;
	v7 =	vpop (erf)  }
0x2aa: {  	[tilespmem:s30+$0xFFFFFEE0] =	vst v7  }
0x2ab: {  	v7 =	vld [tilespmem:s28+$0xFFFFFE90]  }
0x2ac: {  	v8 =	vld [tilespmem:s28+$0xFFFFFEA0]  }
0x2ad: {  	v34 =	vld [tilespmem:s28+$0xFFFFFEB0]  }
0x2ae: {  	v35 =	vld [tilespmem:s28+$0xFFFFFEC0];
	_ =	sdelay $0x2  }
0x2af: {  	v7 =	vperm.xlane v7, v0;
	v8 =	vperm.xlane v8, v0  }
0x2b0: {  	v9 =	vperm.xlane v34, v0  }
0x2b1: {  	v7 =	vsel vm0, v7, v8;
	v8 =	vperm.xlane v35, v0  }
0x2b2: {  	v7 =	vsel vm1, v7, v9  }
0x2b3: {  	v7 =	vsel vm2, v7, v8  }
0x2b4: {  	v8 =	vmax.f32 v7, $9.999999960e-13  }
0x2b5: {  	v36 =	vshrl.u32 v8, $0x1;
	v8 =	vmul.f32 $5.000000000e-01, v8  }
0x2b6: {  	v9 =	vsub.s32 $0x5F3759DF, v36  }
0x2b7: {  	v37 =	vmul.f32 v9, v8;
	_ =	sdelay $0x1  }
0x2b8: {  	v10 =	vmul.f32 v9, v37;
	_ =	sdelay $0x1  }
0x2b9: {  	v10 =	vsub.f32 $1.500000000e+00, v10;
	_ =	sdelay $0x1  }
0x2ba: {  	v9 =	vmul.f32 v9, v10;
	_ =	sdelay $0x1  }
0x2bb: {  	v8 =	vmul.f32 v9, v8;
	_ =	sdelay $0x1  }
0x2bc: {  	v8 =	vmul.f32 v8, v9;
	_ =	sdelay $0x1  }
0x2bd: {  	v8 =	vsub.f32 $1.500000000e+00, v8;
	_ =	sdelay $0x1  }
0x2be: {  	v8 =	vmul.f32 v8, v9;
	_ =	sdelay $0x1  }
0x2bf: {  	v7 =	vmul.f32 v8, v7;
	_ =	sdelay $0x1  }
0x2c0: {  	v8 =	vperm.xlane v7, v4  }
0x2c1: {  	v38 =	vperm.xlane v7, v5  }
0x2c2: {  	v7 =	vperm.xlane v7, v6;
	v8 =	vmul.f32 v8, v1  }
0x2c3: {  	v9 =	vmul.f32 v38, v2  }
0x2c4: {  	v7 =	vmul.f32 v7, v3;
	v8 =	vmul.f32 $1.442695020e+00, v8  }
0x2c5: {  	v9 =	vmul.f32 $1.442695020e+00, v9  }
0x2c6: {  	v7 =	vmul.f32 $1.442695020e+00, v7;
	(erf) = vpow2.f32 v8  }
0x2c7: {  	(erf) = vpow2.f32 v9  }
0x2c8: {  	(erf) = vpow2.f32 v7;
	_ =	sdelay $0x6  }
0x2c9: {  	v7 =	vpop (erf)  }
0x2ca: {  	[tilespmem:s30+$0xFFFFFEF0] =	vst v7;
	v7 =	vpop (erf)  }
0x2cb: {  	[tilespmem:s30+$0xFFFFFF00] =	vst v7;
	v7 =	vpop (erf)  }
0x2cc: {  	[tilespmem:s30+$0xFFFFFF10] =	vst v7  }
0x2cd: {  	v7 =	vld [tilespmem:s28+$0xFFFFFED0]  }
0x2ce: {  	v8 =	vld [tilespmem:s28+$0xFFFFFEE0]  }
0x2cf: {  	v39 =	vld [tilespmem:s28+$0xFFFFFEF0]  }
0x2d0: {  	v40 =	vld [tilespmem:s28+$0xFFFFFF00];
	_ =	sdelay $0x2  }
0x2d1: {  	v7 =	vperm.xlane v7, v0;
	v8 =	vperm.xlane v8, v0  }
0x2d2: {  	v9 =	vperm.xlane v39, v0  }
0x2d3: {  	v7 =	vsel vm0, v7, v8;
	v8 =	vperm.xlane v40, v0  }
0x2d4: {  	v7 =	vsel vm1, v7, v9  }
0x2d5: {  	v7 =	vsel vm2, v7, v8  }
0x2d6: {  	v8 =	vmax.f32 v7, $9.999999960e-13  }
0x2d7: {  	v41 =	vshrl.u32 v8, $0x1;
	v8 =	vmul.f32 $5.000000000e-01, v8  }
0x2d8: {  	v9 =	vsub.s32 $0x5F3759DF, v41  }
0x2d9: {  	v42 =	vmul.f32 v9, v8;
	_ =	sdelay $0x1  }
0x2da: {  	v10 =	vmul.f32 v9, v42;
	_ =	sdelay $0x1  }
0x2db: {  	v10 =	vsub.f32 $1.500000000e+00, v10;
	_ =	sdelay $0x1  }
0x2dc: {  	v9 =	vmul.f32 v9, v10;
	_ =	sdelay $0x1  }
0x2dd: {  	v8 =	vmul.f32 v9, v8;
	_ =	sdelay $0x1  }
0x2de: {  	v8 =	vmul.f32 v8, v9;
	_ =	sdelay $0x1  }
0x2df: {  	v8 =	vsub.f32 $1.500000000e+00, v8;
	_ =	sdelay $0x1  }
0x2e0: {  	v8 =	vmul.f32 v8, v9;
	_ =	sdelay $0x1  }
0x2e1: {  	v7 =	vmul.f32 v8, v7;
	_ =	sdelay $0x1  }
0x2e2: {  	v8 =	vperm.xlane v7, v4  }
0x2e3: {  	v43 =	vperm.xlane v7, v5  }
0x2e4: {  	v7 =	vperm.xlane v7, v6;
	v8 =	vmul.f32 v8, v1  }
0x2e5: {  	v9 =	vmul.f32 v43, v2  }
0x2e6: {  	v7 =	vmul.f32 v7, v3;
	v8 =	vmul.f32 $1.442695020e+00, v8  }
0x2e7: {  	v9 =	vmul.f32 $1.442695020e+00, v9  }
0x2e8: {  	v7 =	vmul.f32 $1.442695020e+00, v7;
	(erf) = vpow2.f32 v8  }
0x2e9: {  	(erf) = vpow2.f32 v9  }
0x2ea: {  	(erf) = vpow2.f32 v7;
	_ =	sdelay $0x6  }
0x2eb: {  	v7 =	vpop (erf)  }
0x2ec: {  	[tilespmem:s30+$0xFFFFFF20] =	vst v7;
	v7 =	vpop (erf)  }
0x2ed: {  	[tilespmem:s30+$0xFFFFFF30] =	vst v7;
	v7 =	vpop (erf)  }
0x2ee: {  	[tilespmem:s30+$0xFFFFFF40] =	vst v7  }
0x2ef: {  	v7 =	vld [tilespmem:s28+$0xFFFFFF10]  }
0x2f0: {  	v8 =	vld [tilespmem:s28+$0xFFFFFF20]  }
0x2f1: {  	v44 =	vld [tilespmem:s28+$0xFFFFFF30]  }
0x2f2: {  	v45 =	vld [tilespmem:s28+$0xFFFFFF40];
	_ =	sdelay $0x2  }
0x2f3: {  	v7 =	vperm.xlane v7, v0;
	v8 =	vperm.xlane v8, v0  }
0x2f4: {  	v9 =	vperm.xlane v44, v0  }
0x2f5: {  	v7 =	vsel vm0, v7, v8;
	v8 =	vperm.xlane v45, v0  }
0x2f6: {  	v7 =	vsel vm1, v7, v9  }
0x2f7: {  	v7 =	vsel vm2, v7, v8  }
0x2f8: {  	v8 =	vmax.f32 v7, $9.999999960e-13  }
0x2f9: {  	v46 =	vshrl.u32 v8, $0x1;
	v8 =	vmul.f32 $5.000000000e-01, v8  }
0x2fa: {  	v9 =	vsub.s32 $0x5F3759DF, v46  }
0x2fb: {  	v47 =	vmul.f32 v9, v8;
	_ =	sdelay $0x1  }
0x2fc: {  	v10 =	vmul.f32 v9, v47;
	_ =	sdelay $0x1  }
0x2fd: {  	v10 =	vsub.f32 $1.500000000e+00, v10;
	_ =	sdelay $0x1  }
0x2fe: {  	v9 =	vmul.f32 v9, v10;
	_ =	sdelay $0x1  }
0x2ff: {  	v8 =	vmul.f32 v9, v8;
	_ =	sdelay $0x1  }
0x300: {  	v8 =	vmul.f32 v8, v9;
	_ =	sdelay $0x1  }
0x301: {  	v8 =	vsub.f32 $1.500000000e+00, v8;
	_ =	sdelay $0x1  }
0x302: {  	v8 =	vmul.f32 v8, v9;
	_ =	sdelay $0x1  }
0x303: {  	v7 =	vmul.f32 v8, v7;
	_ =	sdelay $0x1  }
0x304: {  	v8 =	vperm.xlane v7, v4  }
0x305: {  	v48 =	vperm.xlane v7, v5  }
0x306: {  	v7 =	vperm.xlane v7, v6;
	v8 =	vmul.f32 v8, v1  }
0x307: {  	v9 =	vmul.f32 v48, v2  }
0x308: {  	v7 =	vmul.f32 v7, v3;
	v8 =	vmul.f32 $1.442695020e+00, v8  }
0x309: {  	v9 =	vmul.f32 $1.442695020e+00, v9  }
0x30a: {  	v7 =	vmul.f32 $1.442695020e+00, v7;
	(erf) = vpow2.f32 v8  }
0x30b: {  	(erf) = vpow2.f32 v9  }
0x30c: {  	(erf) = vpow2.f32 v7;
	_ =	sdelay $0x6  }
0x30d: {  	v7 =	vpop (erf)  }
0x30e: {  	[tilespmem:s30+$0xFFFFFF50] =	vst v7;
	v7 =	vpop (erf)  }
0x30f: {  	[tilespmem:s30+$0xFFFFFF60] =	vst v7;
	v7 =	vpop (erf)  }
0x310: {  	[tilespmem:s30+$0xFFFFFF70] =	vst v7  }
0x311: {  	v7 =	vld [tilespmem:s28+$0xFFFFFF50]  }
0x312: {  	v8 =	vld [tilespmem:s28+$0xFFFFFF60]  }
0x313: {  	v49 =	vld [tilespmem:s28+$0xFFFFFF70]  }
0x314: {  	v50 =	vld [tilespmem:s28+$0xFFFFFF80];
	_ =	sdelay $0x2  }
0x315: {  	v7 =	vperm.xlane v7, v0;
	v8 =	vperm.xlane v8, v0  }
0x316: {  	v9 =	vperm.xlane v49, v0  }
0x317: {  	v7 =	vsel vm0, v7, v8;
	v8 =	vperm.xlane v50, v0  }
0x318: {  	v7 =	vsel vm1, v7, v9  }
0x319: {  	v7 =	vsel vm2, v7, v8  }
0x31a: {  	v8 =	vmax.f32 v7, $9.999999960e-13  }
0x31b: {  	v51 =	vshrl.u32 v8, $0x1;
	v8 =	vmul.f32 $5.000000000e-01, v8  }
0x31c: {  	v9 =	vsub.s32 $0x5F3759DF, v51  }
0x31d: {  	v52 =	vmul.f32 v9, v8;
	_ =	sdelay $0x1  }
0x31e: {  	v10 =	vmul.f32 v9, v52;
	_ =	sdelay $0x1  }
0x31f: {  	v10 =	vsub.f32 $1.500000000e+00, v10;
	_ =	sdelay $0x1  }
0x320: {  	v9 =	vmul.f32 v9, v10;
	_ =	sdelay $0x1  }
0x321: {  	v8 =	vmul.f32 v9, v8;
	_ =	sdelay $0x1  }
0x322: {  	v8 =	vmul.f32 v8, v9;
	_ =	sdelay $0x1  }
0x323: {  	v8 =	vsub.f32 $1.500000000e+00, v8;
	_ =	sdelay $0x1  }
0x324: {  	v8 =	vmul.f32 v8, v9;
	_ =	sdelay $0x1  }
0x325: {  	v7 =	vmul.f32 v8, v7;
	_ =	sdelay $0x1  }
0x326: {  	v8 =	vperm.xlane v7, v4  }
0x327: {  	v53 =	vperm.xlane v7, v5  }
0x328: {  	v7 =	vperm.xlane v7, v6;
	v8 =	vmul.f32 v8, v1  }
0x329: {  	v9 =	vmul.f32 v53, v2  }
0x32a: {  	v7 =	vmul.f32 v7, v3;
	v8 =	vmul.f32 $1.442695020e+00, v8  }
0x32b: {  	v9 =	vmul.f32 $1.442695020e+00, v9  }
0x32c: {  	v7 =	vmul.f32 $1.442695020e+00, v7;
	(erf) = vpow2.f32 v8  }
0x32d: {  	(erf) = vpow2.f32 v9  }
0x32e: {  	(erf) = vpow2.f32 v7;
	_ =	sdelay $0x6  }
0x32f: {  	v7 =	vpop (erf)  }
0x330: {  	[tilespmem:s30+$0xFFFFFF80] =	vst v7;
	v7 =	vpop (erf)  }
0x331: {  	[tilespmem:s30+$0xFFFFFF90] =	vst v7;
	v7 =	vpop (erf)  }
0x332: {  	[tilespmem:s30+$0xFFFFFFA0] =	vst v7  }
0x333: {  	v7 =	vld [tilespmem:s28+$0xFFFFFF90]  }
0x334: {  	v8 =	vld [tilespmem:s28+$0xFFFFFFA0]  }
0x335: {  	v54 =	vld [tilespmem:s28+$0xFFFFFFB0]  }
0x336: {  	v55 =	vld [tilespmem:s28+$0xFFFFFFC0];
	_ =	sdelay $0x2  }
0x337: {  	v7 =	vperm.xlane v7, v0;
	v8 =	vperm.xlane v8, v0  }
0x338: {  	v9 =	vperm.xlane v54, v0  }
0x339: {  	v7 =	vsel vm0, v7, v8;
	v8 =	vperm.xlane v55, v0  }
0x33a: {  	v7 =	vsel vm1, v7, v9  }
0x33b: {  	v7 =	vsel vm2, v7, v8  }
0x33c: {  	v8 =	vmax.f32 v7, $9.999999960e-13  }
0x33d: {  	v56 =	vshrl.u32 v8, $0x1;
	v8 =	vmul.f32 $5.000000000e-01, v8  }
0x33e: {  	v9 =	vsub.s32 $0x5F3759DF, v56  }
0x33f: {  	v57 =	vmul.f32 v9, v8;
	_ =	sdelay $0x1  }
0x340: {  	v10 =	vmul.f32 v9, v57;
	_ =	sdelay $0x1  }
0x341: {  	v10 =	vsub.f32 $1.500000000e+00, v10;
	_ =	sdelay $0x1  }
0x342: {  	v9 =	vmul.f32 v9, v10;
	_ =	sdelay $0x1  }
0x343: {  	v8 =	vmul.f32 v9, v8;
	_ =	sdelay $0x1  }
0x344: {  	v8 =	vmul.f32 v8, v9;
	_ =	sdelay $0x1  }
0x345: {  	v8 =	vsub.f32 $1.500000000e+00, v8;
	_ =	sdelay $0x1  }
0x346: {  	v8 =	vmul.f32 v8, v9;
	_ =	sdelay $0x1  }
0x347: {  	v7 =	vmul.f32 v8, v7;
	_ =	sdelay $0x1  }
0x348: {  	v8 =	vperm.xlane v7, v4  }
0x349: {  	v58 =	vperm.xlane v7, v5  }
0x34a: {  	v7 =	vperm.xlane v7, v6;
	v8 =	vmul.f32 v8, v1  }
0x34b: {  	v9 =	vmul.f32 v58, v2  }
0x34c: {  	v7 =	vmul.f32 v7, v3;
	v8 =	vmul.f32 $1.442695020e+00, v8  }
0x34d: {  	v9 =	vmul.f32 $1.442695020e+00, v9  }
0x34e: {  	v7 =	vmul.f32 $1.442695020e+00, v7;
	(erf) = vpow2.f32 v8  }
0x34f: {  	(erf) = vpow2.f32 v9  }
0x350: {  	(erf) = vpow2.f32 v7;
	_ =	sdelay $0x6  }
0x351: {  	v7 =	vpop (erf)  }
0x352: {  	[tilespmem:s30+$0xFFFFFFB0] =	vst v7;
	v7 =	vpop (erf)  }
0x353: {  	[tilespmem:s30+$0xFFFFFFC0] =	vst v7;
	v7 =	vpop (erf)  }
0x354: {  	[tilespmem:s30+$0xFFFFFFD0] =	vst v7  }
0x355: {  	v7 =	vld [tilespmem:s28+$0xFFFFFFD0]  }
0x356: {  	v8 =	vld [tilespmem:s28+$0xFFFFFFE0]  }
0x357: {  	v59 =	vld [tilespmem:s28+$0xFFFFFFF0]  }
0x358: {  	v60 =	vld [tilespmem:s28+$0x0];
	_ =	sdelay $0x2  }
0x359: {  	v7 =	vperm.xlane v7, v0;
	v8 =	vperm.xlane v8, v0  }
0x35a: {  	v9 =	vperm.xlane v59, v0  }
0x35b: {  	v7 =	vsel vm0, v7, v8;
	v8 =	vperm.xlane v60, v0  }
0x35c: {  	v7 =	vsel vm1, v7, v9  }
0x35d: {  	v7 =	vsel vm2, v7, v8  }
0x35e: {  	v8 =	vmax.f32 v7, $9.999999960e-13  }
0x35f: {  	v61 =	vshrl.u32 v8, $0x1;
	v8 =	vmul.f32 $5.000000000e-01, v8  }
0x360: {  	v9 =	vsub.s32 $0x5F3759DF, v61  }
0x361: {  	v62 =	vmul.f32 v9, v8;
	_ =	sdelay $0x1  }
0x362: {  	v10 =	vmul.f32 v9, v62;
	_ =	sdelay $0x1  }
0x363: {  	v10 =	vsub.f32 $1.500000000e+00, v10;
	_ =	sdelay $0x1  }
0x364: {  	v9 =	vmul.f32 v9, v10;
	_ =	sdelay $0x1  }
0x365: {  	v8 =	vmul.f32 v9, v8;
	_ =	sdelay $0x1  }
0x366: {  	v8 =	vmul.f32 v8, v9;
	_ =	sdelay $0x1  }
0x367: {  	v8 =	vsub.f32 $1.500000000e+00, v8;
	_ =	sdelay $0x1  }
0x368: {  	v8 =	vmul.f32 v8, v9;
	_ =	sdelay $0x1  }
0x369: {  	v7 =	vmul.f32 v8, v7;
	_ =	sdelay $0x1  }
0x36a: {  	v8 =	vperm.xlane v7, v4  }
0x36b: {  	v63 =	vperm.xlane v7, v5  }
0x36c: {  	v7 =	vperm.xlane v7, v6;
	v8 =	vmul.f32 v8, v1  }
0x36d: {  	v9 =	vmul.f32 v63, v2  }
0x36e: {  	v7 =	vmul.f32 v7, v3;
	v8 =	vmul.f32 $1.442695020e+00, v8  }
0x36f: {  	v9 =	vmul.f32 $1.442695020e+00, v9  }
0x370: {  	v7 =	vmul.f32 $1.442695020e+00, v7;
	(erf) = vpow2.f32 v8  }
0x371: {  	(erf) = vpow2.f32 v9  }
0x372: {  	(erf) = vpow2.f32 v7;
	_ =	sdelay $0x3  }
0x373: {  	s2 =	sadd.s32 $0x8, s2  }
0x374: {  	p0 =	slt.u32 s2, $0x78  }
.Ltmp7:
0x375: {  	_ = 	snop;
	(pc) =	sbr.rel @p0 .LBB2_10-.Ltmp7, $4  }
0x376: {  	v7 =	vpop (erf)  }
0x377: {  	v8 =	vpop (erf);
	[tilespmem:s30+$0xFFFFFFE0] =	vst v7  }
0x378: {  	s29 =	simm.s32 $0x6000;
	[tilespmem:s30+$0xFFFFFFF0] =	vst v8;
	v7 =	vpop (erf)  }
0x379: {  	s31 =	simm.s32 $0xC800;
	s28 =	sadd.s32 $0x200, s28;
	[tilespmem:s30+$0x0] =	vst v7;
	s30 =	sadd.s32 $0x180, s30  }
.LBB2_11:
0x37a: {  	v7 =	vld [tilespmem:s29+$0x0]  }
0x37b: {  	v8 =	vld [tilespmem:s29+$0x10]  }
0x37c: {  	v9 =	vld [tilespmem:s29+$0x20]  }
0x37d: {  	v10 =	vld [tilespmem:s29+$0x30];
	_ =	sdelay $0x2  }
0x37e: {  	v7 =	vperm.xlane v7, v0;
	v8 =	vperm.xlane v8, v0  }
0x37f: {  	v9 =	vperm.xlane v9, v0  }
0x380: {  	v7 =	vsel vm0, v7, v8;
	v8 =	vperm.xlane v10, v0  }
0x381: {  	v7 =	vsel vm1, v7, v9  }
0x382: {  	v7 =	vsel vm2, v7, v8  }
0x383: {  	v8 =	vmax.f32 v7, $9.999999960e-13  }
0x384: {  	v26 =	vshrl.u32 v8, $0x1;
	v8 =	vmul.f32 $5.000000000e-01, v8  }
0x385: {  	v9 =	vsub.s32 $0x5F3759DF, v26  }
0x386: {  	v27 =	vmul.f32 v9, v8;
	_ =	sdelay $0x1  }
0x387: {  	v10 =	vmul.f32 v9, v27;
	_ =	sdelay $0x1  }
0x388: {  	v10 =	vsub.f32 $1.500000000e+00, v10;
	_ =	sdelay $0x1  }
0x389: {  	v9 =	vmul.f32 v9, v10;
	_ =	sdelay $0x1  }
0x38a: {  	v8 =	vmul.f32 v9, v8;
	_ =	sdelay $0x1  }
0x38b: {  	v8 =	vmul.f32 v8, v9;
	_ =	sdelay $0x1  }
0x38c: {  	v8 =	vsub.f32 $1.500000000e+00, v8;
	_ =	sdelay $0x1  }
0x38d: {  	v8 =	vmul.f32 v8, v9;
	_ =	sdelay $0x1  }
0x38e: {  	v7 =	vmul.f32 v8, v7;
	_ =	sdelay $0x1  }
0x38f: {  	v8 =	vperm.xlane v7, v4  }
0x390: {  	v28 =	vperm.xlane v7, v5  }
0x391: {  	v7 =	vperm.xlane v7, v6;
	v8 =	vmul.f32 v8, v1  }
0x392: {  	v9 =	vmul.f32 v28, v2  }
0x393: {  	v7 =	vmul.f32 v7, v3;
	v8 =	vmul.f32 $1.442695020e+00, v8  }
0x394: {  	v9 =	vmul.f32 $1.442695020e+00, v9  }
0x395: {  	v7 =	vmul.f32 $1.442695020e+00, v7;
	(erf) = vpow2.f32 v8  }
0x396: {  	(erf) = vpow2.f32 v9  }
0x397: {  	(erf) = vpow2.f32 v7;
	_ =	sdelay $0x6  }
0x398: {  	v7 =	vpop (erf)  }
0x399: {  	[tilespmem:s31+$0x0] =	vst v7;
	v7 =	vpop (erf)  }
0x39a: {  	[tilespmem:s31+$0x10] =	vst v7;
	v7 =	vpop (erf)  }
0x39b: {  	[tilespmem:s31+$0x20] =	vst v7  }
0x39c: {  	v7 =	vld [tilespmem:s29+$0x40]  }
0x39d: {  	v8 =	vld [tilespmem:s29+$0x50]  }
0x39e: {  	v29 =	vld [tilespmem:s29+$0x60]  }
0x39f: {  	v30 =	vld [tilespmem:s29+$0x70];
	_ =	sdelay $0x2  }
0x3a0: {  	v7 =	vperm.xlane v7, v0;
	v8 =	vperm.xlane v8, v0  }
0x3a1: {  	v9 =	vperm.xlane v29, v0  }
0x3a2: {  	v7 =	vsel vm0, v7, v8;
	v8 =	vperm.xlane v30, v0  }
0x3a3: {  	v7 =	vsel vm1, v7, v9  }
0x3a4: {  	v7 =	vsel vm2, v7, v8  }
0x3a5: {  	v8 =	vmax.f32 v7, $9.999999960e-13  }
0x3a6: {  	v31 =	vshrl.u32 v8, $0x1;
	v8 =	vmul.f32 $5.000000000e-01, v8  }
0x3a7: {  	v9 =	vsub.s32 $0x5F3759DF, v31  }
0x3a8: {  	v32 =	vmul.f32 v9, v8;
	_ =	sdelay $0x1  }
0x3a9: {  	v10 =	vmul.f32 v9, v32;
	_ =	sdelay $0x1  }
0x3aa: {  	v10 =	vsub.f32 $1.500000000e+00, v10;
	_ =	sdelay $0x1  }
0x3ab: {  	v9 =	vmul.f32 v9, v10;
	_ =	sdelay $0x1  }
0x3ac: {  	v8 =	vmul.f32 v9, v8;
	_ =	sdelay $0x1  }
0x3ad: {  	v8 =	vmul.f32 v8, v9;
	_ =	sdelay $0x1  }
0x3ae: {  	v8 =	vsub.f32 $1.500000000e+00, v8;
	_ =	sdelay $0x1  }
0x3af: {  	v8 =	vmul.f32 v8, v9;
	_ =	sdelay $0x1  }
0x3b0: {  	v7 =	vmul.f32 v8, v7;
	_ =	sdelay $0x1  }
0x3b1: {  	v8 =	vperm.xlane v7, v4  }
0x3b2: {  	v33 =	vperm.xlane v7, v5  }
0x3b3: {  	v7 =	vperm.xlane v7, v6;
	v8 =	vmul.f32 v8, v1  }
0x3b4: {  	v9 =	vmul.f32 v33, v2  }
0x3b5: {  	v7 =	vmul.f32 v7, v3;
	v8 =	vmul.f32 $1.442695020e+00, v8  }
0x3b6: {  	v9 =	vmul.f32 $1.442695020e+00, v9  }
0x3b7: {  	v7 =	vmul.f32 $1.442695020e+00, v7;
	(erf) = vpow2.f32 v8  }
0x3b8: {  	(erf) = vpow2.f32 v9  }
0x3b9: {  	(erf) = vpow2.f32 v7;
	_ =	sdelay $0x6  }
0x3ba: {  	v7 =	vpop (erf)  }
0x3bb: {  	[tilespmem:s31+$0x30] =	vst v7;
	v7 =	vpop (erf)  }
0x3bc: {  	[tilespmem:s31+$0x40] =	vst v7;
	v7 =	vpop (erf)  }
0x3bd: {  	[tilespmem:s31+$0x50] =	vst v7  }
0x3be: {  	v7 =	vld [tilespmem:s29+$0x80]  }
0x3bf: {  	v8 =	vld [tilespmem:s29+$0x90]  }
0x3c0: {  	v34 =	vld [tilespmem:s29+$0xA0]  }
0x3c1: {  	v35 =	vld [tilespmem:s29+$0xB0];
	_ =	sdelay $0x2  }
0x3c2: {  	v7 =	vperm.xlane v7, v0;
	v8 =	vperm.xlane v8, v0  }
0x3c3: {  	v9 =	vperm.xlane v34, v0  }
0x3c4: {  	v7 =	vsel vm0, v7, v8;
	v8 =	vperm.xlane v35, v0  }
0x3c5: {  	v7 =	vsel vm1, v7, v9  }
0x3c6: {  	v7 =	vsel vm2, v7, v8  }
0x3c7: {  	v8 =	vmax.f32 v7, $9.999999960e-13  }
0x3c8: {  	v36 =	vshrl.u32 v8, $0x1;
	v8 =	vmul.f32 $5.000000000e-01, v8  }
0x3c9: {  	v9 =	vsub.s32 $0x5F3759DF, v36  }
0x3ca: {  	v37 =	vmul.f32 v9, v8;
	_ =	sdelay $0x1  }
0x3cb: {  	v10 =	vmul.f32 v9, v37;
	_ =	sdelay $0x1  }
0x3cc: {  	v10 =	vsub.f32 $1.500000000e+00, v10;
	_ =	sdelay $0x1  }
0x3cd: {  	v9 =	vmul.f32 v9, v10;
	_ =	sdelay $0x1  }
0x3ce: {  	v8 =	vmul.f32 v9, v8;
	_ =	sdelay $0x1  }
0x3cf: {  	v8 =	vmul.f32 v8, v9;
	_ =	sdelay $0x1  }
0x3d0: {  	v8 =	vsub.f32 $1.500000000e+00, v8;
	_ =	sdelay $0x1  }
0x3d1: {  	v8 =	vmul.f32 v8, v9;
	_ =	sdelay $0x1  }
0x3d2: {  	v7 =	vmul.f32 v8, v7;
	_ =	sdelay $0x1  }
0x3d3: {  	v8 =	vperm.xlane v7, v4  }
0x3d4: {  	v38 =	vperm.xlane v7, v5  }
0x3d5: {  	v7 =	vperm.xlane v7, v6;
	v8 =	vmul.f32 v8, v1  }
0x3d6: {  	v9 =	vmul.f32 v38, v2  }
0x3d7: {  	v7 =	vmul.f32 v7, v3;
	v8 =	vmul.f32 $1.442695020e+00, v8  }
0x3d8: {  	v9 =	vmul.f32 $1.442695020e+00, v9  }
0x3d9: {  	v7 =	vmul.f32 $1.442695020e+00, v7;
	(erf) = vpow2.f32 v8  }
0x3da: {  	(erf) = vpow2.f32 v9  }
0x3db: {  	(erf) = vpow2.f32 v7;
	_ =	sdelay $0x6  }
0x3dc: {  	v7 =	vpop (erf)  }
0x3dd: {  	[tilespmem:s31+$0x60] =	vst v7;
	v7 =	vpop (erf)  }
0x3de: {  	[tilespmem:s31+$0x70] =	vst v7;
	v7 =	vpop (erf)  }
0x3df: {  	[tilespmem:s31+$0x80] =	vst v7  }
0x3e0: {  	v7 =	vld [tilespmem:s29+$0xC0]  }
0x3e1: {  	v8 =	vld [tilespmem:s29+$0xD0]  }
0x3e2: {  	v39 =	vld [tilespmem:s29+$0xE0]  }
0x3e3: {  	v40 =	vld [tilespmem:s29+$0xF0];
	_ =	sdelay $0x2  }
0x3e4: {  	v7 =	vperm.xlane v7, v0;
	v8 =	vperm.xlane v8, v0  }
0x3e5: {  	v9 =	vperm.xlane v39, v0  }
0x3e6: {  	v7 =	vsel vm0, v7, v8;
	v8 =	vperm.xlane v40, v0  }
0x3e7: {  	v7 =	vsel vm1, v7, v9  }
0x3e8: {  	v7 =	vsel vm2, v7, v8  }
0x3e9: {  	v8 =	vmax.f32 v7, $9.999999960e-13  }
0x3ea: {  	v41 =	vshrl.u32 v8, $0x1;
	v8 =	vmul.f32 $5.000000000e-01, v8  }
0x3eb: {  	v9 =	vsub.s32 $0x5F3759DF, v41  }
0x3ec: {  	v42 =	vmul.f32 v9, v8;
	_ =	sdelay $0x1  }
0x3ed: {  	v10 =	vmul.f32 v9, v42;
	_ =	sdelay $0x1  }
0x3ee: {  	v10 =	vsub.f32 $1.500000000e+00, v10;
	_ =	sdelay $0x1  }
0x3ef: {  	v9 =	vmul.f32 v9, v10;
	_ =	sdelay $0x1  }
0x3f0: {  	v8 =	vmul.f32 v9, v8;
	_ =	sdelay $0x1  }
0x3f1: {  	v8 =	vmul.f32 v8, v9;
	_ =	sdelay $0x1  }
0x3f2: {  	v8 =	vsub.f32 $1.500000000e+00, v8;
	_ =	sdelay $0x1  }
0x3f3: {  	v8 =	vmul.f32 v8, v9;
	_ =	sdelay $0x1  }
0x3f4: {  	v7 =	vmul.f32 v8, v7;
	_ =	sdelay $0x1  }
0x3f5: {  	v8 =	vperm.xlane v7, v4  }
0x3f6: {  	v43 =	vperm.xlane v7, v5  }
0x3f7: {  	v7 =	vperm.xlane v7, v6;
	v8 =	vmul.f32 v8, v1  }
0x3f8: {  	v9 =	vmul.f32 v43, v2  }
0x3f9: {  	v7 =	vmul.f32 v7, v3;
	v8 =	vmul.f32 $1.442695020e+00, v8  }
0x3fa: {  	v9 =	vmul.f32 $1.442695020e+00, v9  }
0x3fb: {  	v7 =	vmul.f32 $1.442695020e+00, v7;
	(erf) = vpow2.f32 v8  }
0x3fc: {  	(erf) = vpow2.f32 v9  }
0x3fd: {  	(erf) = vpow2.f32 v7;
	_ =	sdelay $0x6  }
0x3fe: {  	v7 =	vpop (erf)  }
0x3ff: {  	[tilespmem:s31+$0x90] =	vst v7;
	v7 =	vpop (erf)  }
0x400: {  	[tilespmem:s31+$0xA0] =	vst v7;
	v7 =	vpop (erf)  }
0x401: {  	[tilespmem:s31+$0xB0] =	vst v7  }
0x402: {  	v7 =	vld [tilespmem:s29+$0x100]  }
0x403: {  	v8 =	vld [tilespmem:s29+$0x110]  }
0x404: {  	v44 =	vld [tilespmem:s29+$0x120]  }
0x405: {  	v45 =	vld [tilespmem:s29+$0x130];
	_ =	sdelay $0x2  }
0x406: {  	v7 =	vperm.xlane v7, v0;
	v8 =	vperm.xlane v8, v0  }
0x407: {  	v9 =	vperm.xlane v44, v0  }
0x408: {  	v7 =	vsel vm0, v7, v8;
	v8 =	vperm.xlane v45, v0  }
0x409: {  	v7 =	vsel vm1, v7, v9  }
0x40a: {  	v7 =	vsel vm2, v7, v8  }
0x40b: {  	v8 =	vmax.f32 v7, $9.999999960e-13  }
0x40c: {  	v46 =	vshrl.u32 v8, $0x1;
	v8 =	vmul.f32 $5.000000000e-01, v8  }
0x40d: {  	v9 =	vsub.s32 $0x5F3759DF, v46  }
0x40e: {  	v47 =	vmul.f32 v9, v8;
	_ =	sdelay $0x1  }
0x40f: {  	v10 =	vmul.f32 v9, v47;
	_ =	sdelay $0x1  }
0x410: {  	v10 =	vsub.f32 $1.500000000e+00, v10;
	_ =	sdelay $0x1  }
0x411: {  	v9 =	vmul.f32 v9, v10;
	_ =	sdelay $0x1  }
0x412: {  	v8 =	vmul.f32 v9, v8;
	_ =	sdelay $0x1  }
0x413: {  	v8 =	vmul.f32 v8, v9;
	_ =	sdelay $0x1  }
0x414: {  	v8 =	vsub.f32 $1.500000000e+00, v8;
	_ =	sdelay $0x1  }
0x415: {  	v8 =	vmul.f32 v8, v9;
	_ =	sdelay $0x1  }
0x416: {  	v7 =	vmul.f32 v8, v7;
	_ =	sdelay $0x1  }
0x417: {  	v8 =	vperm.xlane v7, v4  }
0x418: {  	v48 =	vperm.xlane v7, v5  }
0x419: {  	v7 =	vperm.xlane v7, v6;
	v8 =	vmul.f32 v8, v1  }
0x41a: {  	v9 =	vmul.f32 v48, v2  }
0x41b: {  	v7 =	vmul.f32 v7, v3;
	v8 =	vmul.f32 $1.442695020e+00, v8  }
0x41c: {  	v9 =	vmul.f32 $1.442695020e+00, v9  }
0x41d: {  	v7 =	vmul.f32 $1.442695020e+00, v7;
	(erf) = vpow2.f32 v8  }
0x41e: {  	(erf) = vpow2.f32 v9  }
0x41f: {  	(erf) = vpow2.f32 v7;
	_ =	sdelay $0x6  }
0x420: {  	v7 =	vpop (erf)  }
0x421: {  	[tilespmem:s31+$0xC0] =	vst v7;
	v7 =	vpop (erf)  }
0x422: {  	[tilespmem:s31+$0xD0] =	vst v7;
	v7 =	vpop (erf)  }
0x423: {  	[tilespmem:s31+$0xE0] =	vst v7  }
0x424: {  	v7 =	vld [tilespmem:s29+$0x140]  }
0x425: {  	v8 =	vld [tilespmem:s29+$0x150]  }
0x426: {  	v49 =	vld [tilespmem:s29+$0x160]  }
0x427: {  	v50 =	vld [tilespmem:s29+$0x170];
	_ =	sdelay $0x2  }
0x428: {  	v7 =	vperm.xlane v7, v0;
	v8 =	vperm.xlane v8, v0  }
0x429: {  	v9 =	vperm.xlane v49, v0  }
0x42a: {  	v7 =	vsel vm0, v7, v8;
	v8 =	vperm.xlane v50, v0  }
0x42b: {  	v7 =	vsel vm1, v7, v9  }
0x42c: {  	v7 =	vsel vm2, v7, v8  }
0x42d: {  	v8 =	vmax.f32 v7, $9.999999960e-13  }
0x42e: {  	v51 =	vshrl.u32 v8, $0x1;
	v8 =	vmul.f32 $5.000000000e-01, v8  }
0x42f: {  	v9 =	vsub.s32 $0x5F3759DF, v51  }
0x430: {  	v52 =	vmul.f32 v9, v8;
	_ =	sdelay $0x1  }
0x431: {  	v10 =	vmul.f32 v9, v52;
	_ =	sdelay $0x1  }
0x432: {  	v10 =	vsub.f32 $1.500000000e+00, v10;
	_ =	sdelay $0x1  }
0x433: {  	v9 =	vmul.f32 v9, v10;
	_ =	sdelay $0x1  }
0x434: {  	v8 =	vmul.f32 v9, v8;
	_ =	sdelay $0x1  }
0x435: {  	v8 =	vmul.f32 v8, v9;
	_ =	sdelay $0x1  }
0x436: {  	v8 =	vsub.f32 $1.500000000e+00, v8;
	_ =	sdelay $0x1  }
0x437: {  	v8 =	vmul.f32 v8, v9;
	_ =	sdelay $0x1  }
0x438: {  	v7 =	vmul.f32 v8, v7;
	_ =	sdelay $0x1  }
0x439: {  	v8 =	vperm.xlane v7, v4  }
0x43a: {  	v53 =	vperm.xlane v7, v5  }
0x43b: {  	v7 =	vperm.xlane v7, v6;
	v8 =	vmul.f32 v8, v1  }
0x43c: {  	v9 =	vmul.f32 v53, v2  }
0x43d: {  	v7 =	vmul.f32 v7, v3;
	v8 =	vmul.f32 $1.442695020e+00, v8  }
0x43e: {  	v9 =	vmul.f32 $1.442695020e+00, v9  }
0x43f: {  	v7 =	vmul.f32 $1.442695020e+00, v7;
	(erf) = vpow2.f32 v8  }
0x440: {  	(erf) = vpow2.f32 v9  }
0x441: {  	(erf) = vpow2.f32 v7;
	_ =	sdelay $0x6  }
0x442: {  	v7 =	vpop (erf)  }
0x443: {  	[tilespmem:s31+$0xF0] =	vst v7;
	v7 =	vpop (erf)  }
0x444: {  	[tilespmem:s31+$0x100] =	vst v7;
	v7 =	vpop (erf)  }
0x445: {  	[tilespmem:s31+$0x110] =	vst v7  }
0x446: {  	v7 =	vld [tilespmem:s29+$0x180]  }
0x447: {  	v8 =	vld [tilespmem:s29+$0x190]  }
0x448: {  	v54 =	vld [tilespmem:s29+$0x1A0]  }
0x449: {  	v55 =	vld [tilespmem:s29+$0x1B0];
	_ =	sdelay $0x2  }
0x44a: {  	v7 =	vperm.xlane v7, v0;
	v8 =	vperm.xlane v8, v0  }
0x44b: {  	v9 =	vperm.xlane v54, v0  }
0x44c: {  	v7 =	vsel vm0, v7, v8;
	v8 =	vperm.xlane v55, v0  }
0x44d: {  	v7 =	vsel vm1, v7, v9  }
0x44e: {  	v7 =	vsel vm2, v7, v8  }
0x44f: {  	v8 =	vmax.f32 v7, $9.999999960e-13  }
0x450: {  	v56 =	vshrl.u32 v8, $0x1;
	v8 =	vmul.f32 $5.000000000e-01, v8  }
0x451: {  	v9 =	vsub.s32 $0x5F3759DF, v56  }
0x452: {  	v57 =	vmul.f32 v9, v8;
	_ =	sdelay $0x1  }
0x453: {  	v10 =	vmul.f32 v9, v57;
	_ =	sdelay $0x1  }
0x454: {  	v10 =	vsub.f32 $1.500000000e+00, v10;
	_ =	sdelay $0x1  }
0x455: {  	v9 =	vmul.f32 v9, v10;
	_ =	sdelay $0x1  }
0x456: {  	v8 =	vmul.f32 v9, v8;
	_ =	sdelay $0x1  }
0x457: {  	v8 =	vmul.f32 v8, v9;
	_ =	sdelay $0x1  }
0x458: {  	v8 =	vsub.f32 $1.500000000e+00, v8;
	_ =	sdelay $0x1  }
0x459: {  	v8 =	vmul.f32 v8, v9;
	_ =	sdelay $0x1  }
0x45a: {  	v7 =	vmul.f32 v8, v7;
	_ =	sdelay $0x1  }
0x45b: {  	v8 =	vperm.xlane v7, v4  }
0x45c: {  	v58 =	vperm.xlane v7, v5  }
0x45d: {  	v7 =	vperm.xlane v7, v6;
	v8 =	vmul.f32 v8, v1  }
0x45e: {  	v9 =	vmul.f32 v58, v2  }
0x45f: {  	v7 =	vmul.f32 v7, v3;
	v8 =	vmul.f32 $1.442695020e+00, v8  }
0x460: {  	v9 =	vmul.f32 $1.442695020e+00, v9  }
0x461: {  	v7 =	vmul.f32 $1.442695020e+00, v7;
	(erf) = vpow2.f32 v8  }
0x462: {  	(erf) = vpow2.f32 v9  }
0x463: {  	(erf) = vpow2.f32 v7;
	_ =	sdelay $0x6  }
0x464: {  	v7 =	vpop (erf)  }
0x465: {  	[tilespmem:s31+$0x120] =	vst v7;
	v7 =	vpop (erf)  }
0x466: {  	[tilespmem:s31+$0x130] =	vst v7;
	v7 =	vpop (erf)  }
0x467: {  	[tilespmem:s31+$0x140] =	vst v7  }
0x468: {  	v7 =	vld [tilespmem:s29+$0x1C0]  }
0x469: {  	v8 =	vld [tilespmem:s29+$0x1D0]  }
0x46a: {  	v59 =	vld [tilespmem:s29+$0x1E0]  }
0x46b: {  	v60 =	vld [tilespmem:s29+$0x1F0];
	_ =	sdelay $0x2  }
0x46c: {  	v7 =	vperm.xlane v7, v0;
	v8 =	vperm.xlane v8, v0  }
0x46d: {  	v9 =	vperm.xlane v59, v0  }
0x46e: {  	v7 =	vsel vm0, v7, v8;
	v8 =	vperm.xlane v60, v0  }
0x46f: {  	v7 =	vsel vm1, v7, v9  }
0x470: {  	v7 =	vsel vm2, v7, v8  }
0x471: {  	v8 =	vmax.f32 v7, $9.999999960e-13  }
0x472: {  	v61 =	vshrl.u32 v8, $0x1;
	v8 =	vmul.f32 $5.000000000e-01, v8  }
0x473: {  	v9 =	vsub.s32 $0x5F3759DF, v61  }
0x474: {  	v62 =	vmul.f32 v9, v8;
	_ =	sdelay $0x1  }
0x475: {  	v10 =	vmul.f32 v9, v62;
	_ =	sdelay $0x1  }
0x476: {  	v10 =	vsub.f32 $1.500000000e+00, v10;
	_ =	sdelay $0x1  }
0x477: {  	v9 =	vmul.f32 v9, v10;
	_ =	sdelay $0x1  }
0x478: {  	v8 =	vmul.f32 v9, v8;
	_ =	sdelay $0x1  }
0x479: {  	v8 =	vmul.f32 v8, v9;
	_ =	sdelay $0x1  }
0x47a: {  	v8 =	vsub.f32 $1.500000000e+00, v8;
	_ =	sdelay $0x1  }
0x47b: {  	v8 =	vmul.f32 v8, v9;
	_ =	sdelay $0x1  }
0x47c: {  	v7 =	vmul.f32 v8, v7;
	_ =	sdelay $0x1  }
0x47d: {  	v8 =	vperm.xlane v7, v4  }
0x47e: {  	v63 =	vperm.xlane v7, v5  }
0x47f: {  	v7 =	vperm.xlane v7, v6;
	v8 =	vmul.f32 v8, v1  }
0x480: {  	v9 =	vmul.f32 v63, v2  }
0x481: {  	v7 =	vmul.f32 v7, v3;
	v8 =	vmul.f32 $1.442695020e+00, v8  }
0x482: {  	v9 =	vmul.f32 $1.442695020e+00, v9  }
0x483: {  	v7 =	vmul.f32 $1.442695020e+00, v7;
	(erf) = vpow2.f32 v8  }
0x484: {  	(erf) = vpow2.f32 v9  }
0x485: {  	(erf) = vpow2.f32 v7;
	_ =	sdelay $0x3  }
0x486: {  	s26 =	sadd.s32 $0x8, s26  }
0x487: {  	p0 =	slt.u32 s26, $0x78  }
.Ltmp8:
0x488: {  	_ = 	snop;
	(pc) =	sbr.rel @p0 .LBB2_11-.Ltmp8, $4  }
0x489: {  	v7 =	vpop (erf)  }
0x48a: {  	v8 =	vpop (erf);
	[tilespmem:s31+$0x150] =	vst v7  }
0x48b: {  	[tilespmem:s31+$0x160] =	vst v8;
	v7 =	vpop (erf)  }
0x48c: {  	s29 =	sadd.s32 $0x200, s29;
	[tilespmem:s31+$0x170] =	vst v7;
	s31 =	sadd.s32 $0x180, s31  }
0x48d: {  	s2 =	sadd.s32 s25, s6  }
0x48e: {  	p0 =	seq.s32 s23, $0x1F;
	s2 =	smul.u32 $0x300, s2  }
.Ltmp9:
0x48f: {  	_ = 	snop;
	(pc) =	sbr.rel @p0 .LBB2_14-.Ltmp9, $4  }
0x490: {  	_ = 	snop  }
0x491: {  	s2 =	sadd.s32 s4, s2  }
0x492: {  	s2 =	sadd.s32 $0x600, s2  }
0x493: {  	[hbm4b:s2+s5] =	stream.linear.scatter [tilespmem:s20], [sflag:$0x4], $0x3000, $0x38;
	[tilespmem:$0xE060] =	vst v63  }
.Ltmp10:
0x494: {  	(pc) =	sbr.rel .LBB2_2-.Ltmp10, $3  }
0x495: {  	_ =	sdelay $0x1  }
0x496: {  	s2 =	sadd.s32 s24, s10;
	s23 =	sadd.s32 $0x1, s23  }
0x497: {  	[tilespmem:s15], [sflag:$0x2] =	stream.linear.gather [hbm4b:s2+s5], $0x4000, $0x38;
	[tilespmem:$0xE060] =	vst v63  }
.LBB2_15:
0x498: {  	_ =	sfence.sel $0x180000  }
0x499: {  	[bflag:$0x0] =	sbarrier.arrive $0xFFFF  }
0x49a: {  	_ =	strace $0x9000004D  }
0x49b: {  	[bflag:$0x2] =	sbarrier.arrive $0xFFFF  }
0x49c: {  	p0 =	sne.s32 s0, $0x0;
	s0 =	rddreg [dreg:$0x4]  }
0x49d: {  	s0 =	sadd.s32 @!p0 $0x100000, s0  }
0x49e: {  	[sflag:s0] =	ssyncadd.tile.s32 @!p0 $0x1;
	_ =	shalt  }
.Lfunc_end2:
_tile_overlayer_lowered:
.L_overlay_start_2:
0x49f: {  	(tag) =	ssettag $0x2  }
0x4a0: {  	s0 =	rddreg [dreg:$0x0];
	s2 =	stileid.u32  }
0x4a1: {  	s1 =	rddreg [dreg:$0x1];
	p0 =	sne.s32 s2, $0x0  }
0x4a2: {  	s3 =	rddreg [dreg:$0x2];
	[bflag:$0x3] =	sbarrier.arrive $0xFFFF;
	s2 =	simm.s32 @!p0 $0x1C05  }
0x4a3: {  	[timem:s3], [sflag:s2] =	dma.local @!p0 [hbm:s0], s1  }
0x4a4: {  	s0 =	simm.s32 @!p0 $0x5  }
0x4a5: {  	_ =	swait.ge @!p0 [sflag:s0], s1  }
0x4a6: {  	s1 =	ssub.s32 @!p0 $0x0, s1;
	[sflag:s0] =	ssyncset.done @!p0 $0x0  }
0x4a7: {  	[sflag:s0] =	ssyncadd.s32 @!p0 s1  }
0x4a8: {  	[bflag:$0x3] =	sbarrier.arrive $0xFFFF  }
0x4a9: {  	_ =	shalt  }

// kernel: sparse-core-data-format-call.1.cloned.1.call-start
scs
called_computation.1_lowered:
.L_overlay_start_0:
0x0: {  	s1 =	sld [smem:$0x3FD9]  }
0x1: {  	s2 =	sld [smem:$0x3FFE];
	_ =	sdelay $0x1  }
0x2: {  	s3 =	srdreg.scid  }
0x3: {  	s0 =	sand.u32 $0x1, s3  }
0x4: {  	s17 =	sshll.u32 s0, $0xA;
	s1 =	sadd.s32 s2, s1  }
0x5: {  	s1 =	sadd.s32 s1, s17  }
0x6: {  	[smem:$0x3FC5] =	sst s1  }
0x7: {  	_ = 	snop  }
0x8: {  	(tm) =	ssettm $0x1  }
0x9: {  	s18 =	sld [smem:$0x3FFB];
	_ =	sdelay $0x3  }
0xa: {  	_ =	strace s18  }
0xb: {  	s1 =	sld [smem:$0x3FFC];
	_ =	sdelay $0x3  }
0xc: {  	_ =	strace s1  }
0xd: {  	s1 =	sld [smem:$0x3FFD];
	_ =	sdelay $0x3  }
0xe: {  	_ =	strace s1  }
0xf: {  	_ =	strace $0x8FFFFFFF  }
0x10: {  	s19 =	sld [smem:$0x3FDB];
	_ =	sdelay $0x1  }
0x11: {  	s20 =	simm.s32 $_scs_section_size  }
0x12: {  	s4 =	simm.s32 $_size__tile_overlayer_lowered;
	s5 =	simm.s32 $_tile_overlayer_lowered  }
0x13: {  	s23 =	simm.s32 $0x1BFF;
	s22 =	sshll.u32 s5, $0x1;
	s1 =	sadd.s32 s20, s19  }
0x14: {  	s6 =	simm.s32 $0x0;
	s21 =	sshll.u32 s4, $0x1;
	s4 =	sadd.s32 s22, s1  }
0x15: {  	[timem:s6], [sflag:s23] =	dma.local [hbm:s4], s21  }
0x16: {  	_ =	swait.ge [sflag:s23], s21  }
0x17: {  	s2 =	ssub.s32 $0x0, s21;
	[sflag:s23] =	ssyncset.done $0x0  }
0x18: {  	[sflag:s23] =	ssyncadd.s32 s2;
	_ =	sdelay $0x1  }
0x19: {  	s24 =	simm.s32 $0x1B8B  }
0x1a: {  	_ =	swait.ge [sflag:s24], $0x1  }
0x1b: {  	[sflag:s24] =	ssyncset.done $0x0  }
0x1c: {  	s26 =	simm.s32 $0x1B8E;
	s25 =	sld [smem:$0x3FFE];
	[sflag:s24] =	ssyncadd.s32 $0xFFFFFFFF  }
0x1d: {  	s27 =	simm.s32 $execute0_lowered;
	[smem:$0x3FD2] =	sst s26  }
0x1e: {  	s4 =	sshll.u32 s27, $0x1;
	_ =	strace $0x80000049;
	[dreg:$0x1] =	wrdreg $0xFFFFFFFF  }
0x1f: {  	s28 =	simm.s32 $_size_execute0_lowered;
	s1 =	sadd.s32 s1, s4;
	[dreg:$0x0] =	wrdreg $0x0  }
0x20: {  	s4 =	sshll.u32 s28, $0x1;
	[dreg:$0x2] =	wrdreg s1  }
0x21: {  	[dreg:$0x3] =	wrdreg s4  }
0x22: {  	[dreg:$0x4] =	wrdreg $0xC0  }
0x23: {  	_ =	task [dreg:s6], $0x5FFFF  }
0x24: {  	[dreg:$0x1] =	wrdreg $0xFFFFFFFF  }
0x25: {  	[dreg:$0x0] =	wrdreg $0x60  }
0x26: {  	[dreg:$0x2] =	wrdreg s25  }
0x27: {  	[dreg:$0x3] =	wrdreg $0x9  }
0x28: {  	_ =	task.clear_ibuf [dreg:s6], $0x4FFFF;
	_ =	strace $0x90000049  }
0x29: {  	s29 =	simm.s32 $0x9;
	_ =	strace $0x8000004B  }
0x2a: {  	_ =	swait.ge [sflag:s29], $0x1  }
0x2b: {  	[sflag:s29] =	ssyncadd.s32 $0xFFFFFFFF  }
0x2c: {  	_ =	strace $0x9000004B  }
0x2d: {  	_ =	sfence  }
0x2e: {  	s30 =	sld [smem:$0x0];
	_ =	sdelay $0x2  }
0x2f: {  	s31 =	sshll.u32 s3, $0xD;
	s3 =	sshrl.u32 s3, $0x2  }
0x30: {  	s2 =	sand.u32 $0x4000, s31;
	s1 =	sadd.s32 s3, s30  }
0x31: {  	s0 =	sor.u32 s2, s0;
	s1 =	sshll.u32 s1, $0x11  }
0x32: {  	s0 =	sor.u32 s1, s0  }
0x33: {  	s0 =	sadd.s32 $0x8F2B, s0  }
0x34: {  	[sflag:s0] =	ssyncadd.remote.s32 $0x1  }
0x35: {  	_ =	sfence.sel $0xFFFF  }
0x36: {  	[dreg:$0x0] =	wrdreg $0xFFFFFFFF;
	(pc) =	sbr.abs _section_cstart, $3  }
0x37: {  	[dreg:$0x1] =	wrdreg $0xFFFFFFFF  }
0x38: {  	_ =	task.clear_ibuf [dreg:s6], $0x2FFFF;
	_ =	strace $0x9FFFFFFF  }
0x39: {  	(tm) =	ssettm $0x7FFFFFFF  }
tec
execute0_lowered:
.L_overlay_start_1:
0x0: {  	(tag) =	ssettag $0x1  }
0x1: {  	s0 =	srdreg.scid  }
0x2: {  	s6 =	rddreg [dreg:$0x0];
	s7 =	simm.s32 $0x1;
	s1 =	sshll.u32 s0, $0x4  }
0x3: {  	s8 =	simm.s32 $0x2;
	s0 =	stileid.u32;
	s1 =	sand.u32 $0x10, s1  }
0x4: {  	s13 =	simm.s32 $0x0;
	s12 =	simm.s32 $0x0;
	s1 =	sor.u32 s0, s1  }
0x5: {  	s10 =	simm.s32 $0x0;
	s11 =	simm.s32 $0x0;
	s2 =	sshll.u32 s1, $0x8  }
0x6: {  	s3 =	sadd.s32 $0x401000, s6;
	s6 =	sadd.s32 $0x801000, s6;
	s5 =	ssub.s32 $0x80000, s2  }
.Ltmp0:
0x7: {  	s1 =	rddreg [dreg:$0x1];
	s4 =	sand.u32 $0x1F00, s5;
	(pc) =	sbr.rel .LBB1_1-.Ltmp0, $4  }
0x8: {  	_ =	strace $0x8000004A;
	s9 =	smov.u32 s2;
	p0 =	sne.s32 s4, $0x0  }
0x9: {  	s5 =	sshrl.u32 s5, $0xD;
	s4 =	simm.s32 $0x1;
	s7 =	simm.s32 @!p0 $0x0  }
0xa: {  	[sflag:s4] =	ssyncpa.u1 $0x0;
	p0 =	por $0x0, $0x0;
	s5 =	sadd.s32 s7, s5  }
0xb: {  	[sflag:s8] =	ssyncpa.u1 $0x0;
	s8 =	simm.s32 $0x80;
	s7 =	sadd.s32 $0x1, s5  }
.LBB1_4:
0xc: {  	_ = 	snop  }
0xd: {  	[tilespmem:s18+$0x1860 ss:$0x41] =	vst.msk $0xffff, v8  }
0xe: {  	[tilespmem:s18+$0x1C70 ss:$0x41] =	vst.msk $0xffff, v7  }
0xf: {  	[tilespmem:s18+$0x2490 ss:$0x41] =	vst.msk $0xffff, v1  }
0x10: {  	s21 =	sor.u32 s24, s23;
	v47 =	vld.idx.msk [tilespmem:v0+s16+$0x470 ss:$0x1], $0xffff;
	[tilespmem:s18+$0x28A0 ss:$0x41] =	vst.msk $0xffff, v2  }
0x11: {  	[tilespmem:s18+$0x2CB0 ss:$0x41] =	vst.msk $0xffff, v3;
	v57 =	vld.idx.msk [tilespmem:v0+s21+$0x410 ss:$0x1], $0xffff  }
0x12: {  	[tilespmem:s18+$0x30C0 ss:$0x41] =	vst.msk $0xffff, v4;
	v58 =	vld.idx.msk [tilespmem:v0+s21+$0x420 ss:$0x1], $0xffff  }
0x13: {  	[tilespmem:s18+$0x34D0 ss:$0x41] =	vst.msk $0xffff, v5;
	v59 =	vld.idx.msk [tilespmem:v0+s21+$0x430 ss:$0x1], $0xffff  }
0x14: {  	s27 =	sshra.s32 s19, $0x2;
	[tilespmem:s18+$0x38E0 ss:$0x41] =	vst.msk $0xffff, v6;
	v60 =	vld.idx.msk [tilespmem:v0+s21+$0x440 ss:$0x1], $0xffff  }
0x15: {  	s22 =	sand.u32 $0x3B00, s21;
	s16 =	sadd.s32 s27, s17;
	v61 =	vld.idx.msk [tilespmem:v0+s21+$0x450 ss:$0x1], $0xffff;
	[tilespmem:s18+$0x3CF0 ss:$0x41] =	vst.msk $0xffff, v47  }
0x16: {  	s20 =	sand.u32 $0x80, s20;
	v62 =	vld.idx.msk [tilespmem:v0+s21+$0x460 ss:$0x1], $0xffff;
	s15 =	sadd.s32 s22, s15;
	[tilespmem:s16+$0x2490 ss:$0x41] =	vst.msk $0xffff, v57  }
0x17: {  	v63 =	vld.idx.msk [tilespmem:v0+s21+$0x470 ss:$0x1], $0xffff;
	s15 =	sadd.s32 s20, s15;
	[tilespmem:s16+$0x28A0 ss:$0x41] =	vst.msk $0xffff, v58  }
0x18: {  	v48 =	vld [tilespmem:s15+$0x400];
	[tilespmem:s16+$0x2CB0 ss:$0x41] =	vst.msk $0xffff, v59  }
0x19: {  	v49 =	vld [tilespmem:s15+$0x0];
	[tilespmem:s16+$0x30C0 ss:$0x41] =	vst.msk $0xffff, v60  }
0x1a: {  	v50 =	vld [tilespmem:s15+$0x10];
	[tilespmem:s16+$0x34D0 ss:$0x41] =	vst.msk $0xffff, v61  }
0x1b: {  	v51 =	vld [tilespmem:s15+$0x20];
	[tilespmem:s16+$0x38E0 ss:$0x41] =	vst.msk $0xffff, v62  }
0x1c: {  	v52 =	vld [tilespmem:s15+$0x30];
	[tilespmem:s16+$0x3CF0 ss:$0x41] =	vst.msk $0xffff, v63  }
0x1d: {  	v53 =	vld [tilespmem:s15+$0x40];
	[tilespmem:s16+$0x2080 ss:$0x41] =	vst.msk $0xffff, v48  }
0x1e: {  	v54 =	vld [tilespmem:s15+$0x50];
	[tilespmem:s16+$0x0 ss:$0x41] =	vst.msk $0xffff, v49  }
0x1f: {  	s13 =	sshll.u32 s13, $0x7;
	s28 =	sshll.u32 s12, $0x3;
	v55 =	vld [tilespmem:s15+$0x60];
	[tilespmem:s16+$0x410 ss:$0x41] =	vst.msk $0xffff, v50  }
0x20: {  	s29 =	sand.u32 $0x3FFFC00, s13;
	v56 =	vld [tilespmem:s15+$0x70];
	s15 =	sand.u32 $0x3FFFC00, s28;
	[tilespmem:s16+$0x820 ss:$0x41] =	vst.msk $0xffff, v51  }
0x21: {  	s13 =	sand.u32 $0x380, s13;
	s15 =	sadd.s32 s15, s29;
	[tilespmem:s16+$0xC30 ss:$0x41] =	vst.msk $0xffff, v52  }
0x22: {  	s30 =	sshrl.u32 s12, $0x3;
	s13 =	sor.u32 s13, s15;
	[tilespmem:s16+$0x1040 ss:$0x41] =	vst.msk $0xffff, v53  }
0x23: {  	s31 =	sand.u32 $0x7, s12;
	s15 =	sand.u32 $0xF, s30;
	s13 =	sshrl.u32 s13, $0x3;
	[tilespmem:s16+$0x1450 ss:$0x41] =	vst.msk $0xffff, v54  }
0x24: {  	s12 =	sshll.u32 s31, $0x12;
	s15 =	sadd.s32 s6, s15;
	s13 =	sand.u32 $0x7FFFF0, s13;
	[tilespmem:s16+$0x1860 ss:$0x41] =	vst.msk $0xffff, v55  }
0x25: {  	s12 =	sor.u32 $0x40, s12;
	[tilespmem:s16+$0x1C70 ss:$0x41] =	vst.msk $0xffff, v56;
	s13 =	sadd.s32 s13, s15  }
0x26: {  	[hbm4b:s13+s12] =	stream.strided.scatter [tilespmem:s14], [sflag:$0x2], $0x4000, s8, s12, $0x18;
	[tilespmem:$0x10200] =	vst v63  }
.LBB1_5:
0x27: {  	s14 =	sadd.s32 $0x2000, s9  }
0x28: {  	s12 =	sadd.s32 $0x40, s10;
	s16 =	smov.u32 s10;
	p2 =	sgt.s32 s14, $0x7FFFF  }
0x29: {  	s16 =	smov.u32 @p2 s12  }
0x2a: {  	s14 =	smov.u32 @p2 s2;
	p2 =	sgt.s32 s16, $0x3F  }
0x2b: {  	s16 =	simm.s32 @p2 $0x0;
	p2 =	sne.s32 s11, s7  }
.Ltmp1:
0x2c: {  	p1 =	slt.u32 s11, $0x2;
	(pc) =	sbr.rel @!p2 .LBB1_6-.Ltmp1, $4  }
0x2d: {  	s15 =	simm.s32 @!p1 $0x2  }
0x2e: {  	s13 =	smov.u32 s9;
	p0 =	por !p0, !p0;
	_ =	swait.ge @!p1 [sflag:s15], $0x4000  }
0x2f: {  	s12 =	smov.u32 s10;
	[sflag:s15] =	ssyncset.done @!p1 $0x0;
	s9 =	smov.u32 s14  }
0x30: {  	s11 =	sadd.s32 $0x1, s11;
	[sflag:s15] =	ssyncadd.s32 @!p1 $0xFFFFC000;
	s10 =	smov.u32 s16  }
.LBB1_1:
0x31: {  	p1 =	sge.u32 s11, s5;
	s31 =	sadd.s32 $0xFFFFFFFF, s11  }
0x32: {  	s14 =	sand.u32 @!p1 $0x78, s9;
	s15 =	sshll.u32 @!p1 s10, $0x13;
	s16 =	sshll.u32 @!p1 s10, $0x7  }
0x33: {  	s17 =	sshll.u32 @!p1 s9, $0x3;
	s15 =	sand.u32 @!p1 $0x1C00000, s15;
	s16 =	sand.u32 @!p1 $0x380, s16  }
0x34: {  	s15 =	sadd.s32 @!p1 s15, s17;
	s17 =	sand.u32 @!p1 $0x7FC00, s17;
	s14 =	sor.u32 @!p1 s16, s14  }
0x35: {  	s16 =	sxor.u32 @!p1 $0xFFFFFFFF, s11;
	s15 =	sand.u32 @!p1 $0x1F80000, s15;
	s14 =	sor.u32 @!p1 s17, s14  }
0x36: {  	s16 =	sshll.u32 @!p1 s16, $0xE;
	s14 =	sor.u32 @!p1 s15, s14;
	s15 =	sand.u32 @!p1 $0x7, s9  }
0x37: {  	s17 =	simm.s32 @!p1 $0x400000;
	s14 =	sshrl.u32 @!p1 s14, $0x3;
	s15 =	sshll.u32 @!p1 s15, $0x12  }
0x38: {  	s16 =	sand.u32 @!p1 $0x4000, s16;
	s14 =	sadd.s32 @!p1 s3, s14;
	s15 =	sor.u32 @!p1 $0x800, s15  }
0x39: {  	[tilespmem:s16], [sflag:$0x1] =	stream.strided.gather @!p1 [hbm4b:s14+s15], $0x4000, s17, s15, $0x38;
	[tilespmem:$0x10200] =	vst v63  }
0x3a: {  	p1 =	sge.u32 s31, s5  }
.Ltmp2:
0x3b: {  	_ = 	snop;
	(pc) =	sbr.rel @p1 .LBB1_5-.Ltmp2, $1  }
0x3c: {  	_ =	sdelay $0x3  }
0x3d: {  	s17 =	simm.s32 $0x0  }
0x3e: {  	s16 =	sand.u32 $0x3800, s17;
	s18 =	sand.u32 $0x380, s17  }
0x3f: {  	s14 =	sand.u32 $0x1, s11;
	s16 =	sor.u32 s18, s16  }
0x40: {  	_ =	swait.ge [sflag:s4], $0x4000;
	s15 =	sshll.u32 s14, $0xE;
	s18 =	sand.u32 $0x3B00, s16  }
0x41: {  	[sflag:s4] =	ssyncset.done $0x0;
	s17 =	sand.u32 $0x80, s17;
	s18 =	sadd.s32 s18, s15  }
0x42: {  	[sflag:s4] =	ssyncadd.s32 $0xFFFFC000;
	s20 =	sadd.s32 s17, s18  }
0x43: {  	v4 =	vld [tilespmem:s20+$0x400]  }
0x44: {  	s19 =	simm.s32 $0x1;
	v5 =	vld [tilespmem:s20+$0x0]  }
0x45: {  	s19 =	simm.s32 @!p0 $0x0;
	v6 =	vld [tilespmem:s20+$0x10]  }
0x46: {  	v0 =	vmov s15;
	s31 =	smul.u32 $0x10400, s19;
	v7 =	vld [tilespmem:s20+$0x20]  }
0x47: {  	v9 =	vld [tilespmem:s20+$0x30]  }
0x48: {  	s17 =	sshrl.u32 s31, $0x2;
	v10 =	vld [tilespmem:s20+$0x40]  }
0x49: {  	s17 =	sor.u32 $0x8000, s17;
	v11 =	vld [tilespmem:s20+$0x50]  }
0x4a: {  	v8 =	vld [tilespmem:s20+$0x60];
	s18 =	sadd.s32 $0x0, s17  }
0x4b: {  	v1 =	vld.idx.msk [tilespmem:v0+s16+$0x410 ss:$0x1], $0xffff;
	[tilespmem:s18+$0x2080 ss:$0x41] =	vst.msk $0xffff, v4  }
0x4c: {  	v2 =	vld.idx.msk [tilespmem:v0+s16+$0x420 ss:$0x1], $0xffff;
	[tilespmem:s18+$0x0 ss:$0x41] =	vst.msk $0xffff, v5  }
0x4d: {  	v3 =	vld.idx.msk [tilespmem:v0+s16+$0x430 ss:$0x1], $0xffff;
	[tilespmem:s18+$0x410 ss:$0x41] =	vst.msk $0xffff, v6  }
0x4e: {  	s14 =	smul.u32 $0x10400, s14;
	[tilespmem:s18+$0x820 ss:$0x41] =	vst.msk $0xffff, v7;
	v7 =	vld [tilespmem:s20+$0x70]  }
0x4f: {  	s21 =	simm.s32 $0x100;
	s22 =	simm.s32 $0x8;
	[tilespmem:s18+$0xC30 ss:$0x41] =	vst.msk $0xffff, v9;
	v4 =	vld.idx.msk [tilespmem:v0+s16+$0x440 ss:$0x1], $0xffff  }
0x50: {  	s23 =	sand.u32 $0x3800, s21;
	s14 =	sshrl.u32 s14, $0x2;
	[tilespmem:s18+$0x1040 ss:$0x41] =	vst.msk $0xffff, v10;
	v5 =	vld.idx.msk [tilespmem:v0+s16+$0x450 ss:$0x1], $0xffff;
	s20 =	simm.s32 $0x80  }
0x51: {  	s19 =	simm.s32 $0x4;
	s14 =	sor.u32 $0x8000, s14;
	[tilespmem:s18+$0x1450 ss:$0x41] =	vst.msk $0xffff, v11;
	v6 =	vld.idx.msk [tilespmem:v0+s16+$0x460 ss:$0x1], $0xffff;
	s24 =	sand.u32 $0x380, s20  }
.LBB1_3:
0x52: {  	p1 =	sne.s32 s22, $0xFC;
	[tilespmem:s18+$0x1860 ss:$0x41] =	vst.msk $0xffff, v8;
	v8 =	vld.idx.msk [tilespmem:v0+s16+$0x470 ss:$0x1], $0xffff;
	s16 =	sor.u32 s24, s23  }
0x53: {  	s23 =	sand.u32 $0x3B00, s16;
	v9 =	vld.idx.msk [tilespmem:v0+s16+$0x410 ss:$0x1], $0xffff;
	[tilespmem:s18+$0x1C70 ss:$0x41] =	vst.msk $0xffff, v7  }
0x54: {  	s24 =	sand.u32 $0x80, s20;
	s23 =	sadd.s32 s23, s15;
	v7 =	vld.idx.msk [tilespmem:v0+s16+$0x420 ss:$0x1], $0xffff;
	[tilespmem:s18+$0x2490 ss:$0x41] =	vst.msk $0xffff, v1  }
0x55: {  	s23 =	sadd.s32 s24, s23;
	v10 =	vld.idx.msk [tilespmem:v0+s16+$0x430 ss:$0x1], $0xffff;
	[tilespmem:s18+$0x28A0 ss:$0x41] =	vst.msk $0xffff, v2  }
0x56: {  	v11 =	vld [tilespmem:s23+$0x400];
	[tilespmem:s18+$0x2CB0 ss:$0x41] =	vst.msk $0xffff, v3  }
0x57: {  	v12 =	vld [tilespmem:s23+$0x0];
	[tilespmem:s18+$0x30C0 ss:$0x41] =	vst.msk $0xffff, v4  }
0x58: {  	v4 =	vld [tilespmem:s23+$0x10];
	[tilespmem:s18+$0x34D0 ss:$0x41] =	vst.msk $0xffff, v5  }
0x59: {  	s24 =	sshra.s32 s19, $0x2;
	s19 =	smov.u32 s22;
	v1 =	vmov v9;
	v5 =	vld [tilespmem:s23+$0x20];
	[tilespmem:s18+$0x38E0 ss:$0x41] =	vst.msk $0xffff, v6  }
0x5a: {  	v2 =	vmov v7;
	v6 =	vld [tilespmem:s23+$0x30];
	[tilespmem:s18+$0x3CF0 ss:$0x41] =	vst.msk $0xffff, v8;
	s18 =	sadd.s32 s24, s17  }
0x5b: {  	v3 =	vmov v10;
	v9 =	vld [tilespmem:s23+$0x40];
	[tilespmem:s18+$0x2080 ss:$0x41] =	vst.msk $0xffff, v11  }
0x5c: {  	[tilespmem:s18+$0x0 ss:$0x41] =	vst.msk $0xffff, v12;
	v10 =	vld [tilespmem:s23+$0x50]  }
.Ltmp3:
0x5d: {  	[tilespmem:s18+$0x410 ss:$0x41] =	vst.msk $0xffff, v4;
	v8 =	vld [tilespmem:s23+$0x60];
	(pc) =	sbr.rel @p1 .LBB1_3-.Ltmp3, $4  }
0x5e: {  	[tilespmem:s18+$0x820 ss:$0x41] =	vst.msk $0xffff, v5;
	v7 =	vld [tilespmem:s23+$0x70]  }
0x5f: {  	[tilespmem:s18+$0xC30 ss:$0x41] =	vst.msk $0xffff, v6;
	v4 =	vld.idx.msk [tilespmem:v0+s16+$0x440 ss:$0x1], $0xffff  }
0x60: {  	s20 =	sadd.s32 $0x80, s20;
	s21 =	sadd.s32 $0x100, s21;
	[tilespmem:s18+$0x1040 ss:$0x41] =	vst.msk $0xffff, v9;
	v5 =	vld.idx.msk [tilespmem:v0+s16+$0x450 ss:$0x1], $0xffff  }
0x61: {  	s22 =	sadd.s32 $0x4, s22;
	s24 =	sand.u32 $0x380, s20;
	s23 =	sand.u32 $0x3800, s21;
	[tilespmem:s18+$0x1450 ss:$0x41] =	vst.msk $0xffff, v10;
	v6 =	vld.idx.msk [tilespmem:v0+s16+$0x460 ss:$0x1], $0xffff  }
.Ltmp4:
0x62: {  	_ = 	snop;
	(pc) =	sbr.rel .LBB1_4-.Ltmp4, $1  }
0x63: {  	_ =	sdelay $0x3  }
.LBB1_6:
0x64: {  	_ =	sfence.sel $0x180000  }
0x65: {  	s2 =	simm.s32 $0x1;
	[bflag:$0x0] =	sbarrier.arrive $0xFFFF  }
0x66: {  	s31 =	simm.s32 $0x2;
	[sflag:s2] =	ssyncpa.u1 $0x1  }
0x67: {  	[sflag:s31] =	ssyncpa.u1 $0x1  }
0x68: {  	p0 =	sne.s32 s0, $0x0;
	_ =	strace $0x9000004A  }
0x69: {  	s0 =	sadd.s32 @!p0 $0x100000, s1;
	[bflag:$0x2] =	sbarrier.arrive $0xFFFF  }
0x6a: {  	[sflag:s0] =	ssyncadd.tile.s32 @!p0 $0x1;
	_ =	shalt  }
.Lfunc_end1:
_tile_overlayer_lowered:
.L_overlay_start_2:
0x6b: {  	(tag) =	ssettag $0x2  }
0x6c: {  	s0 =	rddreg [dreg:$0x0];
	s2 =	stileid.u32  }
0x6d: {  	s1 =	rddreg [dreg:$0x1];
	p0 =	sne.s32 s2, $0x0  }
0x6e: {  	s3 =	rddreg [dreg:$0x2];
	[bflag:$0x3] =	sbarrier.arrive $0xFFFF;
	s2 =	simm.s32 @!p0 $0x1C01  }
0x6f: {  	[timem:s3], [sflag:s2] =	dma.local @!p0 [hbm:s0], s1  }
0x70: {  	s0 =	simm.s32 @!p0 $0x1  }
0x71: {  	_ =	swait.ge @!p0 [sflag:s0], s1  }
0x72: {  	s1 =	ssub.s32 @!p0 $0x0, s1;
	[sflag:s0] =	ssyncset.done @!p0 $0x0  }
0x73: {  	[sflag:s0] =	ssyncadd.s32 @!p0 s1  }
0x74: {  	[bflag:$0x3] =	sbarrier.arrive $0xFFFF  }
0x75: {  	_ =	shalt  }

// kernel: sparse-core-data-format-call.2.cloned.1.call-start
scs
called_computation.2_lowered:
.L_overlay_start_0:
0x0: {  	s1 =	sld [smem:$0x3FD9]  }
0x1: {  	s2 =	sld [smem:$0x3FFE];
	_ =	sdelay $0x1  }
0x2: {  	s3 =	srdreg.scid  }
0x3: {  	s0 =	sand.u32 $0x1, s3  }
0x4: {  	s17 =	sshll.u32 s0, $0xA;
	s1 =	sadd.s32 s2, s1  }
0x5: {  	s1 =	sadd.s32 s1, s17  }
0x6: {  	[smem:$0x3FC5] =	sst s1  }
0x7: {  	_ = 	snop  }
0x8: {  	(tm) =	ssettm $0x1  }
0x9: {  	s18 =	sld [smem:$0x3FFB];
	_ =	sdelay $0x3  }
0xa: {  	_ =	strace s18  }
0xb: {  	s1 =	sld [smem:$0x3FFC];
	_ =	sdelay $0x3  }
0xc: {  	_ =	strace s1  }
0xd: {  	s1 =	sld [smem:$0x3FFD];
	_ =	sdelay $0x3  }
0xe: {  	_ =	strace s1  }
0xf: {  	_ =	strace $0x8FFFFFFF  }
0x10: {  	s19 =	sld [smem:$0x3FDB];
	_ =	sdelay $0x1  }
0x11: {  	s20 =	simm.s32 $_scs_section_size  }
0x12: {  	s4 =	simm.s32 $_size__tile_overlayer_lowered;
	s5 =	simm.s32 $_tile_overlayer_lowered  }
0x13: {  	s23 =	simm.s32 $0x1BFF;
	s22 =	sshll.u32 s5, $0x1;
	s1 =	sadd.s32 s20, s19  }
0x14: {  	s6 =	simm.s32 $0x0;
	s21 =	sshll.u32 s4, $0x1;
	s4 =	sadd.s32 s22, s1  }
0x15: {  	[timem:s6], [sflag:s23] =	dma.local [hbm:s4], s21  }
0x16: {  	_ =	swait.ge [sflag:s23], s21  }
0x17: {  	s2 =	ssub.s32 $0x0, s21;
	[sflag:s23] =	ssyncset.done $0x0  }
0x18: {  	[sflag:s23] =	ssyncadd.s32 s2;
	_ =	sdelay $0x1  }
0x19: {  	s24 =	simm.s32 $0x1B8B  }
0x1a: {  	_ =	swait.ge [sflag:s24], $0x1  }
0x1b: {  	[sflag:s24] =	ssyncset.done $0x0  }
0x1c: {  	s26 =	simm.s32 $0x1B8E;
	s25 =	sld [smem:$0x3FFE];
	[sflag:s24] =	ssyncadd.s32 $0xFFFFFFFF  }
0x1d: {  	s27 =	simm.s32 $execute0_lowered;
	[smem:$0x3FD2] =	sst s26  }
0x1e: {  	s4 =	sshll.u32 s27, $0x1;
	_ =	strace $0x80000046;
	[dreg:$0x1] =	wrdreg $0xFFFFFFFF  }
0x1f: {  	s28 =	simm.s32 $_size_execute0_lowered;
	s1 =	sadd.s32 s1, s4;
	[dreg:$0x0] =	wrdreg $0x0  }
0x20: {  	s4 =	sshll.u32 s28, $0x1;
	[dreg:$0x2] =	wrdreg s1  }
0x21: {  	[dreg:$0x3] =	wrdreg s4  }
0x22: {  	[dreg:$0x4] =	wrdreg $0xC0  }
0x23: {  	_ =	task [dreg:s6], $0x5FFFF  }
0x24: {  	[dreg:$0x1] =	wrdreg $0xFFFFFFFF  }
0x25: {  	[dreg:$0x0] =	wrdreg $0x60  }
0x26: {  	[dreg:$0x2] =	wrdreg s25  }
0x27: {  	[dreg:$0x3] =	wrdreg $0x9  }
0x28: {  	_ =	task.clear_ibuf [dreg:s6], $0x4FFFF;
	_ =	strace $0x90000046  }
0x29: {  	s29 =	simm.s32 $0x9;
	_ =	strace $0x80000048  }
0x2a: {  	_ =	swait.ge [sflag:s29], $0x1  }
0x2b: {  	[sflag:s29] =	ssyncadd.s32 $0xFFFFFFFF  }
0x2c: {  	_ =	strace $0x90000048  }
0x2d: {  	_ =	sfence  }
0x2e: {  	s30 =	sld [smem:$0x0];
	_ =	sdelay $0x2  }
0x2f: {  	s31 =	sshll.u32 s3, $0xD;
	s3 =	sshrl.u32 s3, $0x2  }
0x30: {  	s2 =	sand.u32 $0x4000, s31;
	s1 =	sadd.s32 s3, s30  }
0x31: {  	s0 =	sor.u32 s2, s0;
	s1 =	sshll.u32 s1, $0x11  }
0x32: {  	s0 =	sor.u32 s1, s0  }
0x33: {  	s0 =	sadd.s32 $0x8F2B, s0  }
0x34: {  	[sflag:s0] =	ssyncadd.remote.s32 $0x1  }
0x35: {  	_ =	sfence.sel $0xFFFF  }
0x36: {  	[dreg:$0x0] =	wrdreg $0xFFFFFFFF;
	(pc) =	sbr.abs _section_cstart, $3  }
0x37: {  	[dreg:$0x1] =	wrdreg $0xFFFFFFFF  }
0x38: {  	_ =	task.clear_ibuf [dreg:s6], $0x2FFFF;
	_ =	strace $0x9FFFFFFF  }
0x39: {  	(tm) =	ssettm $0x7FFFFFFF  }
tec
execute0_lowered:
.L_overlay_start_1:
0x0: {  	(tag) =	ssettag $0x1  }
0x1: {  	s1 =	rddreg [dreg:$0x0]  }
0x2: {  	s0 =	rddreg [dreg:$0x1];
	s3 =	srdreg.scid  }
0x3: {  	_ =	strace $0x80000047;
	s5 =	simm.s32 $0x1;
	s7 =	simm.s32 $0x2  }
0x4: {  	s13 =	simm.s32 $0x0;
	p0 =	por $0x0, $0x0;
	s8 =	simm.s32 $0x400  }
0x5: {  	s14 =	simm.s32 $0x0;
	s15 =	simm.s32 $0x0;
	s10 =	simm.s32 $0x0  }
.Ltmp0:
0x6: {  	s2 =	sadd.s32 $0x1000, s1;
	s4 =	sshll.u32 s3, $0x4;
	(pc) =	sbr.rel .LBB1_1-.Ltmp0, $4  }
0x7: {  	s3 =	sadd.s32 $0x401000, s1;
	s1 =	stileid.u32;
	s4 =	sand.u32 $0x10, s4  }
0x8: {  	s9 =	simm.s32 $0x0;
	[sflag:s5] =	ssyncpa.u1 $0x0;
	s6 =	sor.u32 s1, s4  }
0x9: {  	[sflag:s7] =	ssyncpa.u1 $0x0;
	s4 =	sand.u32 $0x7, s1;
	s6 =	sshrl.u32 s6, $0x3  }
0xa: {  	s7 =	simm.s32 $0x80;
	s12 =	smov.u32 s4;
	s11 =	smov.u32 s6  }
.LBB1_5:
0xb: {  	s16 =	sadd.s32 $0x80, s10  }
0xc: {  	s13 =	sadd.s32 $0x4, s11;
	s17 =	smov.u32 s11;
	p2 =	sgt.s32 s16, $0xFFF  }
0xd: {  	s17 =	smov.u32 @p2 s13  }
0xe: {  	s19 =	smov.u32 s12;
	s13 =	sadd.s32 $0x8, s12;
	p3 =	sgt.s32 s17, $0x7  }
0xf: {  	p1 =	slt.u32 s9, $0x2;
	s19 =	smov.u32 @p3 s13  }
0x10: {  	s9 =	sadd.s32 $0x1, s9;
	s16 =	simm.s32 @p2 $0x0;
	p2 =	sgt.s32 s19, $0x7  }
0x11: {  	s19 =	smov.u32 @p2 s4;
	p2 =	sne.s32 s9, $0x42  }
.Ltmp1:
0x12: {  	s18 =	simm.s32 @!p1 $0x2;
	(pc) =	sbr.rel @!p2 .LBB1_6-.Ltmp1, $4  }
0x13: {  	s14 =	smov.u32 s11;
	_ =	swait.ge @!p1 [sflag:s18], $0x4000  }
0x14: {  	s15 =	smov.u32 s12;
	p0 =	por !p0, !p0;
	[sflag:s18] =	ssyncset.done @!p1 $0x0  }
0x15: {  	s17 =	smov.u32 @p3 s6;
	s13 =	smov.u32 s10;
	[sflag:s18] =	ssyncadd.s32 @!p1 $0xFFFFC000  }
0x16: {  	s10 =	smov.u32 s16;
	s11 =	smov.u32 s17;
	s12 =	smov.u32 s19  }
.LBB1_1:
0x17: {  	p1 =	sgt.u32 s9, $0x3F  }
0x18: {  	s16 =	sxor.u32 @!p1 $0xFFFFFFFF, s9;
	s17 =	sshll.u32 @!p1 s12, $0x13  }
0x19: {  	s18 =	sshll.u32 @!p1 s11, $0x10;
	s19 =	sshll.u32 @!p1 s10, $0x4;
	s17 =	sadd.s32 @!p1 s2, s17  }
0x1a: {  	s16 =	sshll.u32 @!p1 s16, $0xE;
	s19 =	sand.u32 @!p1 $0xFFF0, s19;
	s17 =	sadd.s32 @!p1 s18, s17  }
0x1b: {  	s16 =	sand.u32 @!p1 $0x4000, s16;
	s18 =	simm.s32 @!p1 $0x0;
	s17 =	sadd.s32 @!p1 s19, s17  }
0x1c: {  	[tilespmem:s16], [sflag:$0x1] =	stream.linear.gather @!p1 [hbm4b:s17+s18], $0x4000, $0x38;
	[tilespmem:$0x10000] =	vst v63  }
0x1d: {  	p1 =	seq.s32 s9, $0x0  }
0x1e: {  	p2 =	seq.s32 @!p1 s9, $0x41  }
0x1f: {  	p1 =	por p1, p2  }
.Ltmp2:
0x20: {  	_ = 	snop;
	(pc) =	sbr.rel @p1 .LBB1_5-.Ltmp2, $1  }
0x21: {  	_ =	sdelay $0x3  }
0x22: {  	s16 =	simm.s32 $0x1  }
0x23: {  	s16 =	simm.s32 @!p0 $0x0  }
0x24: {  	s16 =	sshll.u32 s16, $0xE  }
0x25: {  	s17 =	sor.u32 $0x40, s16  }
0x26: {  	v1 =	vmov s17;
	_ =	sdelay $0x1  }
0x27: {  	_ =	swait.ge [sflag:s5], $0x4000  }
0x28: {  	[sflag:s5] =	ssyncset.done $0x0  }
0x29: {  	[sflag:s5] =	ssyncadd.s32 $0xFFFFC000;
	s17 =	simm.s32 $0x0  }
0x2a: {  	s16 =	sor.u32 $0x8070, s16;
	v7 =	vld.idx.msk [tilespmem:v1+s17+$0x30 ss:$0x1], $0xffff  }
0x2b: {  	v0 =	vmov s16;
	v8 =	vld.idx.msk [tilespmem:v1+s17+$0xFFFFFFC0 ss:$0x1], $0xffff  }
0x2c: {  	v6 =	vld.idx.msk [tilespmem:v1+s17+$0xFFFFFFD0 ss:$0x1], $0xffff  }
0x2d: {  	v4 =	vld.idx.msk [tilespmem:v1+s17+$0xFFFFFFE0 ss:$0x1], $0xffff  }
0x2e: {  	v2 =	vld.idx.msk [tilespmem:v1+s17+$0xFFFFFFF0 ss:$0x1], $0xffff  }
0x2f: {  	s31 =	sshll.u32 s9, $0xE;
	v3 =	vld.idx.msk [tilespmem:v1+s17+$0x0 ss:$0x1], $0xffff  }
0x30: {  	s16 =	sand.u32 $0x4000, s31;
	v5 =	vld.idx.msk [tilespmem:v1+s17+$0x10 ss:$0x1], $0xffff;
	[tilespmem:v0+s17+$0x0 ss:$0x1] =	vst.idx.msk $0xffff, v7  }
0x31: {  	s18 =	simm.s32 $0x80;
	s19 =	simm.s32 $0x400;
	s16 =	sor.u32 $0x8000, s16;
	[tilespmem:v0+s17+$0xFFFFFF90 ss:$0x1] =	vst.idx.msk $0xffff, v8;
	v7 =	vld.idx.msk [tilespmem:v1+s17+$0x20 ss:$0x1], $0xffff  }
.LBB1_3:
0x32: {  	p1 =	sne.s32 s19, $0xFE00;
	v8 =	vld.idx.msk [tilespmem:v1+s18+$0x30 ss:$0x1], $0xffff;
	[tilespmem:v0+s17+$0xFFFFFFA0 ss:$0x1] =	vst.idx.msk $0xffff, v6  }
0x33: {  	v9 =	vld.idx.msk [tilespmem:v1+s18+$0xFFFFFFC0 ss:$0x1], $0xffff;
	[tilespmem:v0+s17+$0xFFFFFFB0 ss:$0x1] =	vst.idx.msk $0xffff, v4  }
0x34: {  	v6 =	vld.idx.msk [tilespmem:v1+s18+$0xFFFFFFD0 ss:$0x1], $0xffff;
	[tilespmem:v0+s17+$0xFFFFFFC0 ss:$0x1] =	vst.idx.msk $0xffff, v2  }
.Ltmp3:
0x35: {  	v4 =	vld.idx.msk [tilespmem:v1+s18+$0xFFFFFFE0 ss:$0x1], $0xffff;
	[tilespmem:v0+s17+$0xFFFFFFD0 ss:$0x1] =	vst.idx.msk $0xffff, v3;
	(pc) =	sbr.rel @p1 .LBB1_3-.Ltmp3, $4  }
0x36: {  	v2 =	vld.idx.msk [tilespmem:v1+s18+$0xFFFFFFF0 ss:$0x1], $0xffff;
	[tilespmem:v0+s17+$0xFFFFFFE0 ss:$0x1] =	vst.idx.msk $0xffff, v5  }
0x37: {  	v3 =	vld.idx.msk [tilespmem:v1+s18+$0x0 ss:$0x1], $0xffff;
	[tilespmem:v0+s17+$0xFFFFFFF0 ss:$0x1] =	vst.idx.msk $0xffff, v7;
	s17 =	smov.u32 s18  }
0x38: {  	v5 =	vld.idx.msk [tilespmem:v1+s17+$0x10 ss:$0x1], $0xffff;
	[tilespmem:v0+s17+$0x0 ss:$0x1] =	vst.idx.msk $0xffff, v8  }
0x39: {  	s18 =	sshra.s32 s19, $0x2;
	s19 =	sadd.s32 $0x200, s19;
	[tilespmem:v0+s17+$0xFFFFFF90 ss:$0x1] =	vst.idx.msk $0xffff, v9;
	v7 =	vld.idx.msk [tilespmem:v1+s17+$0x20 ss:$0x1], $0xffff  }
0x3a: {  	_ =	sdelay $0x3  }
0x3b: {  	[tilespmem:v0+s17+$0xFFFFFFA0 ss:$0x1] =	vst.idx.msk $0xffff, v6  }
0x3c: {  	v56 =	vld.idx.msk [tilespmem:v1+s18+$0x30 ss:$0x1], $0xffff;
	[tilespmem:v0+s17+$0xFFFFFFB0 ss:$0x1] =	vst.idx.msk $0xffff, v4  }
0x3d: {  	v57 =	vld.idx.msk [tilespmem:v1+s18+$0xFFFFFFC0 ss:$0x1], $0xffff;
	[tilespmem:v0+s17+$0xFFFFFFC0 ss:$0x1] =	vst.idx.msk $0xffff, v2  }
0x3e: {  	v58 =	vld.idx.msk [tilespmem:v1+s18+$0xFFFFFFD0 ss:$0x1], $0xffff;
	[tilespmem:v0+s17+$0xFFFFFFD0 ss:$0x1] =	vst.idx.msk $0xffff, v3  }
0x3f: {  	v59 =	vld.idx.msk [tilespmem:v1+s18+$0xFFFFFFE0 ss:$0x1], $0xffff;
	[tilespmem:v0+s17+$0xFFFFFFE0 ss:$0x1] =	vst.idx.msk $0xffff, v5  }
0x40: {  	v60 =	vld.idx.msk [tilespmem:v1+s18+$0xFFFFFFF0 ss:$0x1], $0xffff;
	[tilespmem:v0+s17+$0xFFFFFFF0 ss:$0x1] =	vst.idx.msk $0xffff, v7  }
0x41: {  	v61 =	vld.idx.msk [tilespmem:v1+s18+$0x0 ss:$0x1], $0xffff;
	[tilespmem:v0+s18+$0x0 ss:$0x1] =	vst.idx.msk $0xffff, v56  }
0x42: {  	v62 =	vld.idx.msk [tilespmem:v1+s18+$0x10 ss:$0x1], $0xffff;
	[tilespmem:v0+s18+$0xFFFFFF90 ss:$0x1] =	vst.idx.msk $0xffff, v57  }
0x43: {  	v63 =	vld.idx.msk [tilespmem:v1+s18+$0x20 ss:$0x1], $0xffff;
	[tilespmem:v0+s18+$0xFFFFFFA0 ss:$0x1] =	vst.idx.msk $0xffff, v58  }
0x44: {  	[tilespmem:v0+s18+$0xFFFFFFB0 ss:$0x1] =	vst.idx.msk $0xffff, v59  }
.Ltmp4:
0x45: {  	s15 =	sshll.u32 s15, $0x13;
	[tilespmem:v0+s18+$0xFFFFFFC0 ss:$0x1] =	vst.idx.msk $0xffff, v60;
	(pc) =	sbr.rel .LBB1_5-.Ltmp4, $4  }
0x46: {  	s13 =	sshll.u32 s13, $0x7;
	s14 =	sshll.u32 s14, $0x4;
	s15 =	sadd.s32 s3, s15;
	[tilespmem:v0+s18+$0xFFFFFFD0 ss:$0x1] =	vst.idx.msk $0xffff, v61  }
0x47: {  	s14 =	sand.u32 $0x70, s14;
	s13 =	sadd.s32 s13, s15;
	[tilespmem:v0+s18+$0xFFFFFFE0 ss:$0x1] =	vst.idx.msk $0xffff, v62  }
0x48: {  	s13 =	sadd.s32 s14, s13;
	[tilespmem:v0+s18+$0xFFFFFFF0 ss:$0x1] =	vst.idx.msk $0xffff, v63  }
0x49: {  	[hbm4b:s13+s7] =	stream.strided.scatter [tilespmem:s16], [sflag:$0x2], $0x4000, s8, s7, $0x38;
	[tilespmem:$0x10000] =	vst v63  }
.LBB1_6:
0x4a: {  	_ =	sfence.sel $0x180000  }
0x4b: {  	s2 =	simm.s32 $0x1;
	[bflag:$0x0] =	sbarrier.arrive $0xFFFF  }
0x4c: {  	s31 =	simm.s32 $0x2;
	[sflag:s2] =	ssyncpa.u1 $0x1  }
0x4d: {  	[sflag:s31] =	ssyncpa.u1 $0x1  }
0x4e: {  	p0 =	sne.s32 s1, $0x0;
	_ =	strace $0x90000047  }
0x4f: {  	s0 =	sadd.s32 @!p0 $0x100000, s0;
	[bflag:$0x2] =	sbarrier.arrive $0xFFFF  }
0x50: {  	[sflag:s0] =	ssyncadd.tile.s32 @!p0 $0x1;
	_ =	shalt  }
.Lfunc_end1:
_tile_overlayer_lowered:
.L_overlay_start_2:
0x51: {  	(tag) =	ssettag $0x2  }
0x52: {  	s0 =	rddreg [dreg:$0x0];
	s2 =	stileid.u32  }
0x53: {  	s1 =	rddreg [dreg:$0x1];
	p0 =	sne.s32 s2, $0x0  }
0x54: {  	s3 =	rddreg [dreg:$0x2];
	[bflag:$0x3] =	sbarrier.arrive $0xFFFF;
	s2 =	simm.s32 @!p0 $0x1C01  }
0x55: {  	[timem:s3], [sflag:s2] =	dma.local @!p0 [hbm:s0], s1  }
0x56: {  	s0 =	simm.s32 @!p0 $0x1  }
0x57: {  	_ =	swait.ge @!p0 [sflag:s0], s1  }
0x58: {  	s1 =	ssub.s32 @!p0 $0x0, s1;
	[sflag:s0] =	ssyncset.done @!p0 $0x0  }
0x59: {  	[sflag:s0] =	ssyncadd.s32 @!p0 s1  }
0x5a: {  	[bflag:$0x3] =	sbarrier.arrive $0xFFFF  }
0x5b: {  	_ =	shalt  }

// kernel: sparse-core-data-format-call.cloned.1.call-start
scs
called_computation_lowered:
.L_overlay_start_0:
0x0: {  	s2 =	sld [smem:$0x3FD9]  }
0x1: {  	s3 =	sld [smem:$0x3FFE];
	_ =	sdelay $0x1  }
0x2: {  	s1 =	srdreg.scid  }
0x3: {  	s0 =	sand.u32 $0x1, s1  }
0x4: {  	s18 =	sshll.u32 s0, $0xA;
	s2 =	sadd.s32 s3, s2  }
0x5: {  	s2 =	sadd.s32 s2, s18  }
0x6: {  	[smem:$0x3FC5] =	sst s2  }
0x7: {  	_ = 	snop  }
0x8: {  	s2 =	sld [smem:$0x3FD0];
	(tm) =	ssettm $0x1  }
0x9: {  	s19 =	sld [smem:$0x3FFB];
	_ =	sdelay $0x3  }
0xa: {  	_ =	strace s19  }
0xb: {  	s3 =	sld [smem:$0x3FFC];
	_ =	sdelay $0x3  }
0xc: {  	_ =	strace s3  }
0xd: {  	s3 =	sld [smem:$0x3FFD];
	_ =	sdelay $0x3  }
0xe: {  	_ =	strace s3  }
0xf: {  	_ =	strace $0x8FFFFFFF  }
0x10: {  	s20 =	sld [smem:$0x3FDB];
	_ =	sdelay $0x1  }
0x11: {  	s4 =	simm.s32 $_scs_section_size  }
0x12: {  	s5 =	simm.s32 $_size__tile_overlayer_lowered;
	s6 =	simm.s32 $_tile_overlayer_lowered  }
0x13: {  	s23 =	simm.s32 $0x1BFF;
	s22 =	sshll.u32 s6, $0x1;
	s3 =	sadd.s32 s4, s20  }
0x14: {  	s7 =	simm.s32 $0x0;
	s21 =	sshll.u32 s5, $0x1;
	s5 =	sadd.s32 s22, s3  }
0x15: {  	[timem:s7], [sflag:s23] =	dma.local [hbm:s5], s21  }
0x16: {  	_ =	swait.ge [sflag:s23], s21  }
0x17: {  	s4 =	ssub.s32 $0x0, s21;
	[sflag:s23] =	ssyncset.done $0x0  }
0x18: {  	[sflag:s23] =	ssyncadd.s32 s4;
	_ =	sdelay $0x1  }
0x19: {  	s24 =	simm.s32 $0x1B8B  }
0x1a: {  	_ =	swait.ge [sflag:s24], $0x1  }
0x1b: {  	[sflag:s24] =	ssyncset.done $0x0  }
0x1c: {  	s26 =	simm.s32 $0x1B8E;
	s25 =	sld [smem:$0x3FFE];
	[sflag:s24] =	ssyncadd.s32 $0xFFFFFFFF  }
0x1d: {  	s27 =	simm.s32 $execute0_lowered;
	[smem:$0x3FD2] =	sst s26  }
0x1e: {  	s5 =	sshll.u32 s27, $0x1;
	_ =	strace $0x8000004F;
	[dreg:$0x1] =	wrdreg $0xFFFFFFFF  }
0x1f: {  	s28 =	simm.s32 $_size_execute0_lowered;
	s3 =	sadd.s32 s3, s5;
	[dreg:$0x0] =	wrdreg $0x0  }
0x20: {  	s5 =	sshll.u32 s28, $0x1;
	[dreg:$0x2] =	wrdreg s3  }
0x21: {  	[dreg:$0x3] =	wrdreg s5  }
0x22: {  	[dreg:$0x4] =	wrdreg $0xC0  }
0x23: {  	_ =	task [dreg:s7], $0x5FFFF  }
0x24: {  	[dreg:$0x1] =	wrdreg $0xFFFFFFFF  }
0x25: {  	[dreg:$0x0] =	wrdreg $0x60  }
0x26: {  	[dreg:$0x2] =	wrdreg s25  }
0x27: {  	[dreg:$0x3] =	wrdreg s2  }
0x28: {  	[dreg:$0x4] =	wrdreg $0x9  }
0x29: {  	_ =	task.clear_ibuf [dreg:s7], $0x5FFFF;
	_ =	strace $0x9000004F  }
0x2a: {  	s29 =	simm.s32 $0x9;
	_ =	strace $0x80000051  }
0x2b: {  	_ =	swait.ge [sflag:s29], $0x1  }
0x2c: {  	[sflag:s29] =	ssyncadd.s32 $0xFFFFFFFF  }
0x2d: {  	_ =	strace $0x90000051  }
0x2e: {  	_ =	sfence  }
0x2f: {  	s30 =	sld [smem:$0x0];
	_ =	sdelay $0x2  }
0x30: {  	s31 =	sshll.u32 s1, $0xD;
	s1 =	sshrl.u32 s1, $0x2  }
0x31: {  	s3 =	sand.u32 $0x4000, s31;
	s1 =	sadd.s32 s1, s30  }
0x32: {  	s0 =	sor.u32 s3, s0;
	s1 =	sshll.u32 s1, $0x11  }
0x33: {  	s0 =	sor.u32 s1, s0  }
0x34: {  	s0 =	sadd.s32 $0x8F2B, s0  }
0x35: {  	[sflag:s0] =	ssyncadd.remote.s32 $0x1  }
0x36: {  	_ =	sfence.sel $0xFFFF  }
0x37: {  	[dreg:$0x0] =	wrdreg $0xFFFFFFFF;
	(pc) =	sbr.abs _section_cstart, $3  }
0x38: {  	[dreg:$0x1] =	wrdreg $0xFFFFFFFF  }
0x39: {  	_ =	task.clear_ibuf [dreg:s7], $0x2FFFF;
	_ =	strace $0x9FFFFFFF  }
0x3a: {  	(tm) =	ssettm $0x7FFFFFFF  }
0x3b: {  	_ =	shalt  }
tec
execute0_lowered:
.L_overlay_start_1:
0x0: {  	(tag) =	ssettag $0x1  }
0x1: {  	s0 =	srdreg.scid  }
0x2: {  	s1 =	sshll.u32 s0, $0x4  }
0x3: {  	s6 =	rddreg [dreg:$0x0];
	s0 =	stileid.u32;
	s1 =	sand.u32 $0x10, s1  }
0x4: {  	s3 =	rddreg [dreg:$0x1];
	s1 =	sor.u32 s0, s1  }
0x5: {  	s5 =	simm.s32 $0x1;
	s31 =	simm.s32 $0x2;
	s2 =	sshll.u32 s1, $0x3  }
0x6: {  	s15 =	simm.s32 $0x0;
	s8 =	simm.s32 $0x1800;
	s4 =	ssub.s32 $0x1000, s2  }
0x7: {  	s13 =	simm.s32 $0x0;
	s14 =	simm.s32 $0x0;
	s30 =	sand.u32 $0xF8, s4  }
0x8: {  	s9 =	simm.s32 $0x0;
	s10 =	simm.s32 $0x0;
	p0 =	sne.s32 s30, $0x0  }
.Ltmp0:
0x9: {  	s7 =	sshrl.u32 s4, $0x8;
	s5 =	simm.s32 @!p0 $0x0;
	(pc) =	sbr.rel .LBB1_1-.Ltmp0, $4  }
0xa: {  	s12 =	simm.s32 $0x0;
	s1 =	rddreg [dreg:$0x2];
	s5 =	sadd.s32 s5, s7  }
0xb: {  	_ =	strace $0x80000050;
	s4 =	simm.s32 $0x1;
	s5 =	smul.u32 $0x3, s5  }
0xc: {  	s6 =	sadd.s32 $0x1000, s6;
	s11 =	smov.u32 s2;
	[sflag:s4] =	ssyncpa.u1 $0x0  }
0xd: {  	[sflag:s31] =	ssyncpa.u1 $0x0;
	p0 =	por $0x0, $0x0;
	s7 =	sadd.s32 $0x1, s5  }
.LBB1_7:
0xe: {  	s16 =	sadd.s32 $0x10, s9  }
0xf: {  	s13 =	sadd.s32 $0x80, s10;
	s17 =	smov.u32 s10;
	p2 =	sgt.s32 s16, $0x2F  }
0x10: {  	s17 =	smov.u32 @p2 s13  }
0x11: {  	s19 =	smov.u32 s11;
	s13 =	sadd.s32 $0x100, s11;
	p3 =	sgt.s32 s17, $0x7F  }
0x12: {  	s19 =	smov.u32 @p3 s13  }
0x13: {  	s16 =	simm.s32 @p2 $0x0;
	p2 =	sgt.s32 s19, $0xFFF  }
0x14: {  	p1 =	slt.u32 s12, $0x2;
	s19 =	smov.u32 @p2 s2;
	p2 =	sne.s32 s12, s7  }
.Ltmp1:
0x15: {  	s18 =	simm.s32 @!p1 $0x2;
	(pc) =	sbr.rel @!p2 .LBB1_8-.Ltmp1, $4  }
0x16: {  	s15 =	smov.u32 s9;
	s14 =	smov.u32 s11;
	_ =	swait.ge @!p1 [sflag:s18], $0x4000  }
0x17: {  	p0 =	por !p0, !p0;
	[sflag:s18] =	ssyncset.done @!p1 $0x0;
	s9 =	smov.u32 s16  }
0x18: {  	s17 =	simm.s32 @p3 $0x0;
	s13 =	smov.u32 s10;
	[sflag:s18] =	ssyncadd.s32 @!p1 $0xFFFFC000  }
0x19: {  	s10 =	smov.u32 s17;
	s12 =	sadd.s32 $0x1, s12;
	s11 =	smov.u32 s19  }
.LBB1_1:
0x1a: {  	p1 =	sge.u32 s12, s5  }
0x1b: {  	s16 =	sshll.u32 @!p1 s10, $0x7;
	s17 =	sshll.u32 @!p1 s9, $0x3  }
0x1c: {  	s31 =	sadd.s32 $0xFFFFFFFF, s12;
	s18 =	sand.u32 @!p1 $0x3C00, s16;
	s17 =	sand.u32 @!p1 $0x3C00, s17  }
0x1d: {  	s19 =	sxor.u32 @!p1 $0xFFFFFFFF, s12;
	s16 =	sand.u32 @!p1 $0x380, s16;
	s17 =	sadd.s32 @!p1 s18, s17  }
0x1e: {  	s18 =	sshrl.u32 @!p1 s9, $0x3;
	s16 =	sor.u32 @!p1 s16, s17;
	s17 =	sshll.u32 @!p1 s11, $0xB  }
0x1f: {  	s19 =	sshll.u32 @!p1 s19, $0xE;
	s18 =	sand.u32 @!p1 $0xF, s18;
	s17 =	sadd.s32 @!p1 s6, s17  }
0x20: {  	s16 =	sshrl.u32 @!p1 s16, $0x3;
	s17 =	sadd.s32 @!p1 s18, s17;
	s18 =	sand.u32 @!p1 $0x7, s9  }
0x21: {  	s19 =	sand.u32 @!p1 $0x4000, s19;
	s16 =	sand.u32 @!p1 $0x7F0, s16;
	s18 =	sshll.u32 @!p1 s18, $0x12  }
0x22: {  	s16 =	sadd.s32 @!p1 s16, s17;
	s17 =	sor.u32 @!p1 $0x10, s18;
	s18 =	simm.s32 @!p1 $0x80  }
0x23: {  	[tilespmem:s19], [sflag:$0x1] =	stream.strided.gather @!p1 [hbm4b:s16+s17], $0x4000, s18, s17, $0x38;
	[tilespmem:$0x10100] =	vst v63  }
0x24: {  	p1 =	sge.u32 s31, s5  }
.Ltmp2:
0x25: {  	_ = 	snop;
	(pc) =	sbr.rel @p1 .LBB1_7-.Ltmp2, $1  }
0x26: {  	_ =	sdelay $0x3  }
0x27: {  	s16 =	simm.s32 $0x1;
	s18 =	sand.u32 $0x1, s12  }
0x28: {  	_ =	swait.ge [sflag:s4], $0x4000;
	s16 =	simm.s32 @!p0 $0x0;
	s19 =	smul.u32 $0x10200, s18  }
0x29: {  	[sflag:s4] =	ssyncset.done $0x0;
	s17 =	smul.u32 $0x10200, s16  }
0x2a: {  	s16 =	sshll.u32 s16, $0xE;
	[sflag:s4] =	ssyncadd.s32 $0xFFFFC000  }
0x2b: {  	s18 =	sor.u32 $0x40, s16;
	s31 =	sshrl.u32 s19, $0x2;
	s17 =	sshrl.u32 s17, $0x2  }
0x2c: {  	s19 =	simm.s32 $0x0;
	s16 =	sor.u32 $0x8000, s31;
	s17 =	sor.u32 $0x8007, s17  }
.LBB1_3:
0x2d: {  	v3 =	vld [tilespmem:s18+$0x30]  }
0x2e: {  	v4 =	vld [tilespmem:s18+$0xFFFFFFD0]  }
0x2f: {  	v5 =	vld [tilespmem:s18+$0xFFFFFFE0]  }
0x30: {  	v1 =	vld [tilespmem:s18+$0xFFFFFFF0]  }
0x31: {  	v0 =	vld [tilespmem:s18+$0x0]  }
0x32: {  	v2 =	vld [tilespmem:s18+$0x10];
	[tilespmem:s17+$0x0 ss:$0x81] =	vst.msk $0xffff, v3  }
0x33: {  	[tilespmem:s17+$0xFFFFFFFA ss:$0x81] =	vst.msk $0xffff, v4;
	v4 =	vld [tilespmem:s18+$0x20]  }
0x34: {  	s21 =	simm.s32 $0x0;
	s22 =	sadd.s32 $0x80, s18;
	s20 =	smov.u32 s17;
	v3 =	vld [tilespmem:s18+$0xFFFFFFC0];
	[tilespmem:s17+$0xFFFFFFFB ss:$0x81] =	vst.msk $0xffff, v5  }
.LBB1_4:
0x35: {  	v5 =	vld [tilespmem:s22+$0x30];
	s21 =	sadd.s32 $0x8, s21;
	[tilespmem:s20+$0xFFFFFFFC ss:$0x81] =	vst.msk $0xffff, v1  }
0x36: {  	v6 =	vld [tilespmem:s22+$0xFFFFFFD0];
	p1 =	slt.u32 s21, $0x78;
	[tilespmem:s20+$0xFFFFFFFD ss:$0x81] =	vst.msk $0xffff, v0  }
0x37: {  	v7 =	vld [tilespmem:s22+$0xFFFFFFE0];
	[tilespmem:s20+$0xFFFFFFFE ss:$0x81] =	vst.msk $0xffff, v2  }
.Ltmp3:
0x38: {  	v1 =	vld [tilespmem:s22+$0xFFFFFFF0];
	[tilespmem:s20+$0xFFFFFFFF ss:$0x81] =	vst.msk $0xffff, v4;
	(pc) =	sbr.rel @p1 .LBB1_4-.Ltmp3, $4  }
0x39: {  	v0 =	vld [tilespmem:s22+$0x0];
	[tilespmem:s20+$0xFFFFFFF9 ss:$0x81] =	vst.msk $0xffff, v3;
	s20 =	sadd.s32 $0x8, s20  }
0x3a: {  	v2 =	vld [tilespmem:s22+$0x10];
	[tilespmem:s20+$0x0 ss:$0x81] =	vst.msk $0xffff, v5  }
0x3b: {  	[tilespmem:s20+$0xFFFFFFFA ss:$0x81] =	vst.msk $0xffff, v6;
	v4 =	vld [tilespmem:s22+$0x20]  }
0x3c: {  	v3 =	vld [tilespmem:s22+$0xFFFFFFC0];
	[tilespmem:s20+$0xFFFFFFFB ss:$0x81] =	vst.msk $0xffff, v7;
	s22 =	sadd.s32 $0x80, s22  }
0x3d: {  	s19 =	sadd.s32 $0x1, s19  }
0x3e: {  	p1 =	sne.s32 s19, $0x8  }
.Ltmp4:
0x3f: {  	[tilespmem:s20+$0xFFFFFFFC ss:$0x81] =	vst.msk $0xffff, v1;
	(pc) =	sbr.rel @p1 .LBB1_3-.Ltmp4, $4  }
0x40: {  	[tilespmem:s20+$0xFFFFFFFD ss:$0x81] =	vst.msk $0xffff, v0  }
0x41: {  	[tilespmem:s20+$0xFFFFFFFE ss:$0x81] =	vst.msk $0xffff, v2  }
0x42: {  	[tilespmem:s20+$0xFFFFFFFF ss:$0x81] =	vst.msk $0xffff, v4  }
0x43: {  	s17 =	sadd.s32 $0x810, s17;
	s18 =	sadd.s32 $0x800, s18;
	[tilespmem:s20+$0xFFFFFFF9 ss:$0x81] =	vst.msk $0xffff, v3  }
0x44: {  	s15 =	sshll.u32 s15, $0x7;
	s17 =	sshll.u32 s13, $0x3  }
0x45: {  	s18 =	sand.u32 $0xFFFFFC00, s15;
	s17 =	sand.u32 $0xFFFFFC00, s17  }
0x46: {  	s15 =	sand.u32 $0x380, s15;
	s17 =	sadd.s32 s17, s18  }
0x47: {  	s15 =	sor.u32 s15, s17  }
0x48: {  	s15 =	sshrl.u32 s15, $0x7  }
0x49: {  	s29 =	smulhi.u32 $0x5555556, s15  }
0x4a: {  	s14 =	smul.u32 $0x300, s14  }
0x4b: {  	s17 =	smul.u32 $0x30, s29  }
.Ltmp5:
0x4c: {  	s30 =	sshrl.u32 s13, $0x3;
	s31 =	sand.u32 $0x7, s13;
	(pc) =	sbr.rel .LBB1_7-.Ltmp5, $4  }
0x4d: {  	s14 =	sadd.s32 s3, s14;
	s15 =	ssub.s32 s15, s17;
	s17 =	sand.u32 $0xF, s30  }
0x4e: {  	s13 =	sshll.u32 s31, $0x12;
	s15 =	sshll.u32 s15, $0x4;
	s14 =	sadd.s32 s17, s14  }
0x4f: {  	s13 =	sor.u32 $0x800, s13;
	s14 =	sadd.s32 s15, s14  }
0x50: {  	[hbm4b:s14+s13] =	stream.strided.scatter [tilespmem:s16], [sflag:$0x2], $0x4000, s8, s13, $0x20;
	[tilespmem:$0x10100] =	vst v63  }
.LBB1_8:
0x51: {  	_ =	sfence.sel $0x180000  }
0x52: {  	s2 =	simm.s32 $0x1;
	[bflag:$0x0] =	sbarrier.arrive $0xFFFF  }
0x53: {  	s31 =	simm.s32 $0x2;
	[sflag:s2] =	ssyncpa.u1 $0x1  }
0x54: {  	[sflag:s31] =	ssyncpa.u1 $0x1  }
0x55: {  	p0 =	sne.s32 s0, $0x0;
	_ =	strace $0x90000050  }
0x56: {  	s0 =	sadd.s32 @!p0 $0x100000, s1;
	[bflag:$0x2] =	sbarrier.arrive $0xFFFF  }
0x57: {  	[sflag:s0] =	ssyncadd.tile.s32 @!p0 $0x1;
	_ =	shalt  }
.Lfunc_end1:
_tile_overlayer_lowered:
.L_overlay_start_2:
0x58: {  	(tag) =	ssettag $0x2  }
0x59: {  	s0 =	rddreg [dreg:$0x0];
	s2 =	stileid.u32  }
0x5a: {  	s1 =	rddreg [dreg:$0x1];
	p0 =	sne.s32 s2, $0x0  }
0x5b: {  	s3 =	rddreg [dreg:$0x2];
	[bflag:$0x3] =	sbarrier.arrive $0xFFFF;
	s2 =	simm.s32 @!p0 $0x1C01  }
0x5c: {  	[timem:s3], [sflag:s2] =	dma.local @!p0 [hbm:s0], s1  }
0x5d: {  	s0 =	simm.s32 @!p0 $0x1  }
0x5e: {  	_ =	swait.ge @!p0 [sflag:s0], s1  }
0x5f: {  	s1 =	ssub.s32 @!p0 $0x0, s1;
	[sflag:s0] =	ssyncset.done @!p0 $0x0  }
0x60: {  	[sflag:s0] =	ssyncadd.s32 @!p0 s1  }
0x61: {  	[bflag:$0x3] =	sbarrier.arrive $0xFFFF  }
0x62: {  	_ =	shalt  }

</sc_bundles>
